<compile_context>
chip_gen: v7x
topology: tpu7x:2x2x1
jax: 0.10.2.dev20260603
libtpu: 0.0.44.dev20260713+nightly
codegen_flags: <defaults>
</compile_context>

<pallas_src>
import functools

import jax
import jax.numpy as jnp
from jax import lax
from jax.experimental import pallas as pl
from jax.experimental.pallas import tpu as pltpu
from jax.experimental.pallas import tpu_sc as plsc

_NUM_EMB = 1024
_EMB_DIM = 256
_COMMIT = 0.25
_TS = 512
_NC = 256
_NCHUNK = _NUM_EMB // _NC

_SW = 1024
_CC = 32


def _vq_tile(z_ref, cb2_ref, idx_ref, loss_ref, csq_ref):
    first = (pl.program_id(0) == 0) & (pl.program_id(1) == 0)

    @pl.when(first)
    def _():
        cb2 = cb2_ref[...]
        csq = 0.25 * jnp.sum(cb2 * cb2, axis=1, keepdims=True)
        csq_ref[...] = jnp.broadcast_to(csq, (_NUM_EMB, _TS))
        loss_ref[...] = jnp.zeros_like(loss_ref)

    zb = z_ref[0]
    z_sq = jnp.sum(zb * zb, axis=0, keepdims=True)

    minv = None
    idx = None
    for k in range(_NCHUNK):
        sl = pl.ds(k * _NC, _NC)
        d2 = jax.lax.dot_general(
            cb2_ref[sl, :], zb, (((1,), (0,)), ((), ())),
            preferred_element_type=jnp.float32)
        s = (csq_ref[sl, :] + z_sq) + d2
        mk = jnp.min(s, axis=0, keepdims=True)
        row = jax.lax.broadcasted_iota(jnp.int32, s.shape, 0) + k * _NC
        ik = jnp.min(jnp.where(s == mk, row, _NUM_EMB),
                     axis=0, keepdims=True)
        if k == 0:
            minv, idx = mk, ik
        else:
            take = mk < minv
            idx = jnp.where(take, ik, idx)
            minv = jnp.minimum(minv, mk)

    idx_ref[0] = idx
    loss_ref[...] += jnp.sum(minv, axis=1, keepdims=True)


def _tc_argmin(z, cb2):
    B, C, S = z.shape
    return pl.pallas_call(
        _vq_tile,
        grid=(B, S // _TS),
        in_specs=[
            pl.BlockSpec((1, C, _TS), lambda b, t: (b, 0, t)),
            pl.BlockSpec((_NUM_EMB, _EMB_DIM), lambda b, t: (0, 0)),
        ],
        out_specs=[
            pl.BlockSpec((1, 1, _TS), lambda b, t: (b, 0, t)),
            pl.BlockSpec((1, 1), lambda b, t: (0, 0)),
        ],
        out_shape=[
            jax.ShapeDtypeStruct((B, 1, S), jnp.int32),
            jax.ShapeDtypeStruct((1, 1), jnp.float32),
        ],
        scratch_shapes=[pltpu.VMEM((_NUM_EMB, _TS), jnp.float32)],
    )(z, cb2)


def _sc_gather(cbt, idx_flat, B, C, S):
    n_tok = B * S
    mesh = plsc.VectorSubcoreMesh(core_axis_name="c", subcore_axis_name="s")
    n_workers = n_tok // _SW
    workers_per_batch = S // _SW

    @functools.partial(
        pl.kernel, mesh=mesh,
        compiler_params=pltpu.CompilerParams(
            use_tc_tiling_on_sc=False, needs_layout_passes=False),
        out_type=jax.ShapeDtypeStruct((B * C, S), jnp.float32),
        scratch_types=[
            pltpu.VMEM((_SW,), jnp.int32),
            pltpu.VMEM((_CC * _NUM_EMB,), jnp.float32),
            pltpu.VMEM((_CC, _SW), jnp.float32),
        ],
    )
    def k(cbt_hbm, idx_hbm, out_hbm, idx_v, tab_v, out_v):
        wid = lax.axis_index("s") * 2 + lax.axis_index("c")
        base = wid * _SW
        b = wid // workers_per_batch
        so = (wid % workers_per_batch) * _SW
        pltpu.sync_copy(idx_hbm.at[pl.ds(base, _SW)], idx_v)
        for cc in range(C // _CC):
            pltpu.sync_copy(
                cbt_hbm.at[pl.ds(cc * _CC * _NUM_EMB, _CC * _NUM_EMB)], tab_v)

            def body(t, carry):
                idx16 = idx_v[pl.ds(t * 16, 16)]
                for c in range(_CC):
                    out_v[c, pl.ds(t * 16, 16)] = plsc.load_gather(
                        tab_v, [idx16 + (c * _NUM_EMB)])
                return carry

            lax.fori_loop(0, _SW // 16, body, 0)
            pltpu.sync_copy(
                out_v,
                out_hbm.at[pl.ds(b * C + cc * _CC, _CC), pl.ds(so, _SW)])

    return k(cbt.reshape(C * _NUM_EMB), idx_flat)


def kernel(z_e, codebook):
    B, C, D, H, W = z_e.shape
    S = D * H * W
    z = z_e.reshape(B, C, S)

    cb2 = -2.0 * codebook
    cbt = codebook.T

    idx, loss = _tc_argmin(z, cb2)
    zq = _sc_gather(cbt, idx.reshape(B * S), B, C, S)

    m = loss[0, 0] / jnp.float32(B * S * C)
    vq_loss = m + jnp.float32(_COMMIT) * m
    return (zq.reshape(B, C, D, H, W), vq_loss,
            idx.reshape(B, D, H, W))

# --- scband reference (transcript-rebuilt; emitter-appended) ---
"""Pipeline reference for scband-vector-quantizer-37555194036436 (READ-ONLY COPY).

The authoritative reference and input builder live on the scoring server;
editing this copy changes nothing except your own understanding.
"""

import jax, jax.numpy as jnp
import numpy as np

NUM_EMBEDDINGS = 1024
EMBEDDING_DIM = 256
COMMITMENT_COST = 0.25


def setup_inputs(seed: int = 0) -> dict:
    key = jax.random.key(seed)
    k1, k2 = jax.random.split(key)
    z_e = jax.random.normal(k1, (4, EMBEDDING_DIM, 8, 32, 32), dtype=jnp.float32)
    codebook = jax.random.uniform(
        k2, (NUM_EMBEDDINGS, EMBEDDING_DIM), dtype=jnp.float32,
        minval=-1.0 / NUM_EMBEDDINGS, maxval=1.0 / NUM_EMBEDDINGS)
    return {"z_e": z_e, "codebook": codebook}


def reference(z_e, codebook):
    B, C, D, H, W = z_e.shape
    z_p = jnp.transpose(z_e, (0, 2, 3, 4, 1))
    flat = z_p.reshape(-1, C)
    z_e_sq = jnp.sum(flat ** 2, axis=1, keepdims=True)
    cb_sq = jnp.sum(codebook ** 2, axis=1)[None, :]
    dot = flat @ codebook.T
    distances = z_e_sq + cb_sq - 2.0 * dot
    encoding_indices = jnp.argmin(distances, axis=1)
    z_q_flat = jnp.take(codebook, encoding_indices, axis=0)
    z_q_p = z_q_flat.reshape(z_p.shape)
    codebook_loss = jnp.mean((z_q_p - jax.lax.stop_gradient(z_p)) ** 2)
    commitment_loss = jnp.mean((z_p - jax.lax.stop_gradient(z_q_p)) ** 2)
    vq_loss = codebook_loss + COMMITMENT_COST * commitment_loss
    z_q_st = z_p + jax.lax.stop_gradient(z_q_p - z_p)
    z_q = jnp.transpose(z_q_st, (0, 4, 1, 2, 3))
    encoding_indices = encoding_indices.reshape(z_p.shape[:-1])
    return (z_q, vq_loss, encoding_indices)

if __name__ == "__main__":
    import jax
    _d = setup_inputs()
    print(jax.jit(kernel)(*tuple(_d.values())))

</pallas_src>

<mosaic_0001>
#map = affine_map<(d0, d1) -> (0)>
#map1 = affine_map<(d0, d1) -> (0, 0)>
module attributes {stable_mosaic.version = 14 : i64} {
  func.func @k(%arg0: i32, %arg1: i32, %arg2: memref<262144xf32, #tpu.memory_space<hbm>>, %arg3: memref<32768xi32, #tpu.memory_space<hbm>>, %arg4: memref<1024x8192xf32, #tpu.memory_space<hbm>>, %arg5: memref<1024xi32, #tpu.memory_space<vmem>>, %arg6: memref<32768xf32, #tpu.memory_space<vmem>>, %arg7: memref<32x1024xf32, #tpu.memory_space<vmem>>) attributes {dimension_semantics = [#tpu.dimension_semantics<core_parallel>, #tpu.dimension_semantics<subcore_parallel>], iteration_bounds = array<i64: 2, 16>, scalar_prefetch = 0 : i64, scratch_operands = 3 : i64, tpu.core_type = #tpu.core_type<sc_vector_subcore>, window_params = [{transform_indices = #map}, {transform_indices = #map}, {transform_indices = #map1}]} {
    %mul3A = arith.constant 2 : i32
    %mul3A_0 = arith.muli %arg1, %mul3A : i32
    %add3A = arith.addi %mul3A_0, %arg0 : i32
    %mul3A_1 = arith.constant 1024 : i32
    %mul3A_2 = arith.muli %add3A, %mul3A_1 : i32
    %jit3A = arith.constant 8 : i32
    %div3A = arith.divsi %add3A, %jit3A : i32
    %sign3A = arith.constant 0 : i32
    %sign3A_3 = arith.cmpi sgt, %add3A, %sign3A : i32
    %sign3A_4 = arith.extui %sign3A_3 : i1 to i32
    %sign3A_5 = arith.constant 0 : i32
    %sign3A_6 = arith.cmpi slt, %add3A, %sign3A_5 : i32
    %sign3A_7 = arith.extui %sign3A_6 : i1 to i32
    %sign3A_8 = arith.subi %sign3A_4, %sign3A_7 : i32
    %sign3A_9 = arith.constant 0 : i32
    %sign3A_10 = arith.cmpi sgt, %jit3A, %sign3A_9 : i32
    %sign3A_11 = arith.extui %sign3A_10 : i1 to i32
    %sign3A_12 = arith.constant 0 : i32
    %sign3A_13 = arith.cmpi slt, %jit3A, %sign3A_12 : i32
    %sign3A_14 = arith.extui %sign3A_13 : i1 to i32
    %sign3A_15 = arith.subi %sign3A_11, %sign3A_14 : i32
    %ne3A = arith.cmpi ne, %sign3A_8, %sign3A_15 : i32
    %rem3A = arith.remsi %add3A, %jit3A : i32
    %ne3A_16 = arith.constant 0 : i32
    %ne3A_17 = arith.cmpi ne, %rem3A, %ne3A_16 : i32
    %and3A = arith.andi %ne3A, %ne3A_17 : i1
    %sub3A = arith.constant 1 : i32
    %sub3A_18 = arith.subi %div3A, %sub3A : i32
    %select_n3A = arith.select %and3A, %sub3A_18, %div3A : i32
    %jit3A_19 = arith.constant 8 : i32
    %eq3A = arith.constant 0 : i32
    %eq3A_20 = arith.cmpi eq, %jit3A_19, %eq3A : i32
    %jit3A_21 = arith.constant 1 : i32
    %select_n3A_22 = arith.select %eq3A_20, %jit3A_21, %jit3A_19 : i32
    %rem3A_23 = arith.remsi %add3A, %select_n3A_22 : i32
    %ne3A_24 = arith.constant 0 : i32
    %ne3A_25 = arith.cmpi ne, %rem3A_23, %ne3A_24 : i32
    %lt3A = arith.constant 0 : i32
    %lt3A_26 = arith.cmpi slt, %rem3A_23, %lt3A : i32
    %lt3A_27 = arith.constant 0 : i32
    %lt3A_28 = arith.cmpi slt, %select_n3A_22, %lt3A_27 : i32
    %ne3A_29 = arith.xori %lt3A_26, %lt3A_28 : i1
    %and3A_30 = arith.andi %ne3A_29, %ne3A_25 : i1
    %add3A_31 = arith.addi %rem3A_23, %select_n3A_22 : i32
    %select_n3A_32 = arith.select %and3A_30, %add3A_31, %rem3A_23 : i32
    %mul3A_33 = arith.constant 1024 : i32
    %mul3A_34 = arith.muli %select_n3A_32, %mul3A_33 : i32
    "tpu.region"() ({
      %run_scoped3A = tpu.sem_alloc : memref<!tpu.dma_semaphore, #tpu.memory_space<semaphore_mem>>
      %dma_start3A = tpu.memref_slice %arg3[%mul3A_2] : memref<32768xi32, #tpu.memory_space<hbm>> -> memref<1024xi32, #tpu.memory_space<hbm>>
      %dma_start3A_114 = tpu.memref_slice %arg3[%mul3A_2] : memref<32768xi32, #tpu.memory_space<hbm>> -> memref<1024xi32, #tpu.memory_space<hbm>>
      tpu.enqueue_dma source(%dma_start3A_114 : memref<1024xi32, #tpu.memory_space<hbm>>) target(%arg5 : memref<1024xi32, #tpu.memory_space<vmem>>) target_semaphore(%run_scoped3A : memref<!tpu.dma_semaphore, #tpu.memory_space<semaphore_mem>>)
      %dma_wait3A = tpu.memref_slice %arg3[%mul3A_2] : memref<32768xi32, #tpu.memory_space<hbm>> -> memref<1024xi32, #tpu.memory_space<hbm>>
      %dma_wait3A_115 = tpu.memref_slice %arg3[%mul3A_2] : memref<32768xi32, #tpu.memory_space<hbm>> -> memref<1024xi32, #tpu.memory_space<hbm>>
      tpu.wait_dma2 semaphore(%run_scoped3A : memref<!tpu.dma_semaphore, #tpu.memory_space<semaphore_mem>>) src(%dma_wait3A_115 : memref<1024xi32, #tpu.memory_space<hbm>>) dst(%arg5 : memref<1024xi32, #tpu.memory_space<vmem>>)
      tpu.yield
    }) : () -> ()
    "tpu.region"() ({
      %run_scoped3A = tpu.sem_alloc : memref<!tpu.dma_semaphore, #tpu.memory_space<semaphore_mem>>
      %dma_start3A = arith.constant 0 : i32
      %dma_start3A_114 = tpu.memref_slice %arg2[%dma_start3A] : memref<262144xf32, #tpu.memory_space<hbm>> -> memref<32768xf32, #tpu.memory_space<hbm>>
      %dma_start3A_115 = arith.constant 0 : i32
      %dma_start3A_116 = tpu.memref_slice %arg2[%dma_start3A_115] : memref<262144xf32, #tpu.memory_space<hbm>> -> memref<32768xf32, #tpu.memory_space<hbm>>
      tpu.enqueue_dma source(%dma_start3A_116 : memref<32768xf32, #tpu.memory_space<hbm>>) target(%arg6 : memref<32768xf32, #tpu.memory_space<vmem>>) target_semaphore(%run_scoped3A : memref<!tpu.dma_semaphore, #tpu.memory_space<semaphore_mem>>)
      %dma_wait3A = arith.constant 0 : i32
      %dma_wait3A_117 = tpu.memref_slice %arg2[%dma_wait3A] : memref<262144xf32, #tpu.memory_space<hbm>> -> memref<32768xf32, #tpu.memory_space<hbm>>
      %dma_wait3A_118 = arith.constant 0 : i32
      %dma_wait3A_119 = tpu.memref_slice %arg2[%dma_wait3A_118] : memref<262144xf32, #tpu.memory_space<hbm>> -> memref<32768xf32, #tpu.memory_space<hbm>>
      tpu.wait_dma2 semaphore(%run_scoped3A : memref<!tpu.dma_semaphore, #tpu.memory_space<semaphore_mem>>) src(%dma_wait3A_119 : memref<32768xf32, #tpu.memory_space<hbm>>) dst(%arg6 : memref<32768xf32, #tpu.memory_space<vmem>>)
      tpu.yield
    }) : () -> ()
    %scan3A = arith.constant 0 : i32
    %scan3A_35 = arith.constant 0 : i32
    %scan3A_36 = arith.constant 64 : i32
    %scan3A_37 = arith.addi %scan3A_35, %scan3A_36 : i32
    %scan3A_38 = arith.constant 1 : i32
    scf.for %scan3A_114 = %scan3A_35 to %scan3A_37 step %scan3A_38  : i32 {
      %mul3A_115 = arith.constant 16 : i32
      %mul3A_116 = arith.muli %scan3A_114, %mul3A_115 : i32
      %get3A = arith.index_cast %mul3A_116 : i32 to index
      %get3A_117 = tpu.vector_load %arg5[%get3A] {strides = array<i32>} : memref<1024xi32, #tpu.memory_space<vmem>>, vector<16xi32>,
      %add3A_118 = arith.constant 0 : i32
      %add3A_119 = vector.broadcast %add3A_118 : i32 to vector<16xi32>
      %add3A_120 = arith.addi %get3A_117, %add3A_119 : vector<16xi32>
      %gather3A = tpu.vector_load_idx %arg6[%add3A_120] : memref<32768xf32, #tpu.memory_space<vmem>>[vector<16xi32>], vector<16xf32>,
      %mul3A_121 = arith.constant 16 : i32
      %mul3A_122 = arith.muli %scan3A_114, %mul3A_121 : i32
      %swap3A = arith.constant 0 : i32
      %swap3A_123 = arith.index_cast %swap3A : i32 to index
      %swap3A_124 = arith.index_cast %mul3A_122 : i32 to index
      %swap3A_125 = tpu.vector_load %arg7[%swap3A_123, %swap3A_124] {strides = array<i32>} : memref<32x1024xf32, #tpu.memory_space<vmem>>, vector<16xf32>,
      tpu.vector_store %arg7[%swap3A_123, %swap3A_124], %gather3A {strides = array<i32>} : memref<32x1024xf32, #tpu.memory_space<vmem>>, vector<16xf32>,
      %add3A_126 = arith.constant 1024 : i32
      %add3A_127 = vector.broadcast %add3A_126 : i32 to vector<16xi32>
      %add3A_128 = arith.addi %get3A_117, %add3A_127 : vector<16xi32>
      %gather3A_129 = tpu.vector_load_idx %arg6[%add3A_128] : memref<32768xf32, #tpu.memory_space<vmem>>[vector<16xi32>], vector<16xf32>,
      %mul3A_130 = arith.constant 16 : i32
      %mul3A_131 = arith.muli %scan3A_114, %mul3A_130 : i32
      %swap3A_132 = arith.constant 1 : i32
      %swap3A_133 = arith.index_cast %swap3A_132 : i32 to index
      %swap3A_134 = arith.index_cast %mul3A_131 : i32 to index
      %swap3A_135 = tpu.vector_load %arg7[%swap3A_133, %swap3A_134] {strides = array<i32>} : memref<32x1024xf32, #tpu.memory_space<vmem>>, vector<16xf32>,
      tpu.vector_store %arg7[%swap3A_133, %swap3A_134], %gather3A_129 {strides = array<i32>} : memref<32x1024xf32, #tpu.memory_space<vmem>>, vector<16xf32>,
      %add3A_136 = arith.constant 2048 : i32
      %add3A_137 = vector.broadcast %add3A_136 : i32 to vector<16xi32>
      %add3A_138 = arith.addi %get3A_117, %add3A_137 : vector<16xi32>
      %gather3A_139 = tpu.vector_load_idx %arg6[%add3A_138] : memref<32768xf32, #tpu.memory_space<vmem>>[vector<16xi32>], vector<16xf32>,
      %mul3A_140 = arith.constant 16 : i32
      %mul3A_141 = arith.muli %scan3A_114, %mul3A_140 : i32
      %swap3A_142 = arith.constant 2 : i32
      %swap3A_143 = arith.index_cast %swap3A_142 : i32 to index
      %swap3A_144 = arith.index_cast %mul3A_141 : i32 to index
      %swap3A_145 = tpu.vector_load %arg7[%swap3A_143, %swap3A_144] {strides = array<i32>} : memref<32x1024xf32, #tpu.memory_space<vmem>>, vector<16xf32>,
      tpu.vector_store %arg7[%swap3A_143, %swap3A_144], %gather3A_139 {strides = array<i32>} : memref<32x1024xf32, #tpu.memory_space<vmem>>, vector<16xf32>,
      %add3A_146 = arith.constant 3072 : i32
      %add3A_147 = vector.broadcast %add3A_146 : i32 to vector<16xi32>
      %add3A_148 = arith.addi %get3A_117, %add3A_147 : vector<16xi32>
      %gather3A_149 = tpu.vector_load_idx %arg6[%add3A_148] : memref<32768xf32, #tpu.memory_space<vmem>>[vector<16xi32>], vector<16xf32>,
      %mul3A_150 = arith.constant 16 : i32
      %mul3A_151 = arith.muli %scan3A_114, %mul3A_150 : i32
      %swap3A_152 = arith.constant 3 : i32
      %swap3A_153 = arith.index_cast %swap3A_152 : i32 to index
      %swap3A_154 = arith.index_cast %mul3A_151 : i32 to index
      %swap3A_155 = tpu.vector_load %arg7[%swap3A_153, %swap3A_154] {strides = array<i32>} : memref<32x1024xf32, #tpu.memory_space<vmem>>, vector<16xf32>,
      tpu.vector_store %arg7[%swap3A_153, %swap3A_154], %gather3A_149 {strides = array<i32>} : memref<32x1024xf32, #tpu.memory_space<vmem>>, vector<16xf32>,
      %add3A_156 = arith.constant 4096 : i32
      %add3A_157 = vector.broadcast %add3A_156 : i32 to vector<16xi32>
      %add3A_158 = arith.addi %get3A_117, %add3A_157 : vector<16xi32>
      %gather3A_159 = tpu.vector_load_idx %arg6[%add3A_158] : memref<32768xf32, #tpu.memory_space<vmem>>[vector<16xi32>], vector<16xf32>,
      %mul3A_160 = arith.constant 16 : i32
      %mul3A_161 = arith.muli %scan3A_114, %mul3A_160 : i32
      %swap3A_162 = arith.constant 4 : i32
      %swap3A_163 = arith.index_cast %swap3A_162 : i32 to index
      %swap3A_164 = arith.index_cast %mul3A_161 : i32 to index
      %swap3A_165 = tpu.vector_load %arg7[%swap3A_163, %swap3A_164] {strides = array<i32>} : memref<32x1024xf32, #tpu.memory_space<vmem>>, vector<16xf32>,
      tpu.vector_store %arg7[%swap3A_163, %swap3A_164], %gather3A_159 {strides = array<i32>} : memref<32x1024xf32, #tpu.memory_space<vmem>>, vector<16xf32>,
      %add3A_166 = arith.constant 5120 : i32
      %add3A_167 = vector.broadcast %add3A_166 : i32 to vector<16xi32>
      %add3A_168 = arith.addi %get3A_117, %add3A_167 : vector<16xi32>
      %gather3A_169 = tpu.vector_load_idx %arg6[%add3A_168] : memref<32768xf32, #tpu.memory_space<vmem>>[vector<16xi32>], vector<16xf32>,
      %mul3A_170 = arith.constant 16 : i32
      %mul3A_171 = arith.muli %scan3A_114, %mul3A_170 : i32
      %swap3A_172 = arith.constant 5 : i32
      %swap3A_173 = arith.index_cast %swap3A_172 : i32 to index
      %swap3A_174 = arith.index_cast %mul3A_171 : i32 to index
      %swap3A_175 = tpu.vector_load %arg7[%swap3A_173, %swap3A_174] {strides = array<i32>} : memref<32x1024xf32, #tpu.memory_space<vmem>>, vector<16xf32>,
      tpu.vector_store %arg7[%swap3A_173, %swap3A_174], %gather3A_169 {strides = array<i32>} : memref<32x1024xf32, #tpu.memory_space<vmem>>, vector<16xf32>,
      %add3A_176 = arith.constant 6144 : i32
      %add3A_177 = vector.broadcast %add3A_176 : i32 to vector<16xi32>
      %add3A_178 = arith.addi %get3A_117, %add3A_177 : vector<16xi32>
      %gather3A_179 = tpu.vector_load_idx %arg6[%add3A_178] : memref<32768xf32, #tpu.memory_space<vmem>>[vector<16xi32>], vector<16xf32>,
      %mul3A_180 = arith.constant 16 : i32
      %mul3A_181 = arith.muli %scan3A_114, %mul3A_180 : i32
      %swap3A_182 = arith.constant 6 : i32
      %swap3A_183 = arith.index_cast %swap3A_182 : i32 to index
      %swap3A_184 = arith.index_cast %mul3A_181 : i32 to index
      %swap3A_185 = tpu.vector_load %arg7[%swap3A_183, %swap3A_184] {strides = array<i32>} : memref<32x1024xf32, #tpu.memory_space<vmem>>, vector<16xf32>,
      tpu.vector_store %arg7[%swap3A_183, %swap3A_184], %gather3A_179 {strides = array<i32>} : memref<32x1024xf32, #tpu.memory_space<vmem>>, vector<16xf32>,
      %add3A_186 = arith.constant 7168 : i32
      %add3A_187 = vector.broadcast %add3A_186 : i32 to vector<16xi32>
      %add3A_188 = arith.addi %get3A_117, %add3A_187 : vector<16xi32>
      %gather3A_189 = tpu.vector_load_idx %arg6[%add3A_188] : memref<32768xf32, #tpu.memory_space<vmem>>[vector<16xi32>], vector<16xf32>,
      %mul3A_190 = arith.constant 16 : i32
      %mul3A_191 = arith.muli %scan3A_114, %mul3A_190 : i32
      %swap3A_192 = arith.constant 7 : i32
      %swap3A_193 = arith.index_cast %swap3A_192 : i32 to index
      %swap3A_194 = arith.index_cast %mul3A_191 : i32 to index
      %swap3A_195 = tpu.vector_load %arg7[%swap3A_193, %swap3A_194] {strides = array<i32>} : memref<32x1024xf32, #tpu.memory_space<vmem>>, vector<16xf32>,
      tpu.vector_store %arg7[%swap3A_193, %swap3A_194], %gather3A_189 {strides = array<i32>} : memref<32x1024xf32, #tpu.memory_space<vmem>>, vector<16xf32>,
      %add3A_196 = arith.constant 8192 : i32
      %add3A_197 = vector.broadcast %add3A_196 : i32 to vector<16xi32>
      %add3A_198 = arith.addi %get3A_117, %add3A_197 : vector<16xi32>
      %gather3A_199 = tpu.vector_load_idx %arg6[%add3A_198] : memref<32768xf32, #tpu.memory_space<vmem>>[vector<16xi32>], vector<16xf32>,
      %mul3A_200 = arith.constant 16 : i32
      %mul3A_201 = arith.muli %scan3A_114, %mul3A_200 : i32
      %swap3A_202 = arith.constant 8 : i32
      %swap3A_203 = arith.index_cast %swap3A_202 : i32 to index
      %swap3A_204 = arith.index_cast %mul3A_201 : i32 to index
      %swap3A_205 = tpu.vector_load %arg7[%swap3A_203, %swap3A_204] {strides = array<i32>} : memref<32x1024xf32, #tpu.memory_space<vmem>>, vector<16xf32>,
      tpu.vector_store %arg7[%swap3A_203, %swap3A_204], %gather3A_199 {strides = array<i32>} : memref<32x1024xf32, #tpu.memory_space<vmem>>, vector<16xf32>,
      %add3A_206 = arith.constant 9216 : i32
      %add3A_207 = vector.broadcast %add3A_206 : i32 to vector<16xi32>
      %add3A_208 = arith.addi %get3A_117, %add3A_207 : vector<16xi32>
      %gather3A_209 = tpu.vector_load_idx %arg6[%add3A_208] : memref<32768xf32, #tpu.memory_space<vmem>>[vector<16xi32>], vector<16xf32>,
      %mul3A_210 = arith.constant 16 : i32
      %mul3A_211 = arith.muli %scan3A_114, %mul3A_210 : i32
      %swap3A_212 = arith.constant 9 : i32
      %swap3A_213 = arith.index_cast %swap3A_212 : i32 to index
      %swap3A_214 = arith.index_cast %mul3A_211 : i32 to index
      %swap3A_215 = tpu.vector_load %arg7[%swap3A_213, %swap3A_214] {strides = array<i32>} : memref<32x1024xf32, #tpu.memory_space<vmem>>, vector<16xf32>,
      tpu.vector_store %arg7[%swap3A_213, %swap3A_214], %gather3A_209 {strides = array<i32>} : memref<32x1024xf32, #tpu.memory_space<vmem>>, vector<16xf32>,
      %add3A_216 = arith.constant 10240 : i32
      %add3A_217 = vector.broadcast %add3A_216 : i32 to vector<16xi32>
      %add3A_218 = arith.addi %get3A_117, %add3A_217 : vector<16xi32>
      %gather3A_219 = tpu.vector_load_idx %arg6[%add3A_218] : memref<32768xf32, #tpu.memory_space<vmem>>[vector<16xi32>], vector<16xf32>,
      %mul3A_220 = arith.constant 16 : i32
      %mul3A_221 = arith.muli %scan3A_114, %mul3A_220 : i32
      %swap3A_222 = arith.constant 10 : i32
      %swap3A_223 = arith.index_cast %swap3A_222 : i32 to index
      %swap3A_224 = arith.index_cast %mul3A_221 : i32 to index
      %swap3A_225 = tpu.vector_load %arg7[%swap3A_223, %swap3A_224] {strides = array<i32>} : memref<32x1024xf32, #tpu.memory_space<vmem>>, vector<16xf32>,
      tpu.vector_store %arg7[%swap3A_223, %swap3A_224], %gather3A_219 {strides = array<i32>} : memref<32x1024xf32, #tpu.memory_space<vmem>>, vector<16xf32>,
      %add3A_226 = arith.constant 11264 : i32
      %add3A_227 = vector.broadcast %add3A_226 : i32 to vector<16xi32>
      %add3A_228 = arith.addi %get3A_117, %add3A_227 : vector<16xi32>
      %gather3A_229 = tpu.vector_load_idx %arg6[%add3A_228] : memref<32768xf32, #tpu.memory_space<vmem>>[vector<16xi32>], vector<16xf32>,
      %mul3A_230 = arith.constant 16 : i32
      %mul3A_231 = arith.muli %scan3A_114, %mul3A_230 : i32
      %swap3A_232 = arith.constant 11 : i32
      %swap3A_233 = arith.index_cast %swap3A_232 : i32 to index
      %swap3A_234 = arith.index_cast %mul3A_231 : i32 to index
      %swap3A_235 = tpu.vector_load %arg7[%swap3A_233, %swap3A_234] {strides = array<i32>} : memref<32x1024xf32, #tpu.memory_space<vmem>>, vector<16xf32>,
      tpu.vector_store %arg7[%swap3A_233, %swap3A_234], %gather3A_229 {strides = array<i32>} : memref<32x1024xf32, #tpu.memory_space<vmem>>, vector<16xf32>,
      %add3A_236 = arith.constant 12288 : i32
      %add3A_237 = vector.broadcast %add3A_236 : i32 to vector<16xi32>
      %add3A_238 = arith.addi %get3A_117, %add3A_237 : vector<16xi32>
      %gather3A_239 = tpu.vector_load_idx %arg6[%add3A_238] : memref<32768xf32, #tpu.memory_space<vmem>>[vector<16xi32>], vector<16xf32>,
      %mul3A_240 = arith.constant 16 : i32
      %mul3A_241 = arith.muli %scan3A_114, %mul3A_240 : i32
      %swap3A_242 = arith.constant 12 : i32
      %swap3A_243 = arith.index_cast %swap3A_242 : i32 to index
      %swap3A_244 = arith.index_cast %mul3A_241 : i32 to index
      %swap3A_245 = tpu.vector_load %arg7[%swap3A_243, %swap3A_244] {strides = array<i32>} : memref<32x1024xf32, #tpu.memory_space<vmem>>, vector<16xf32>,
      tpu.vector_store %arg7[%swap3A_243, %swap3A_244], %gather3A_239 {strides = array<i32>} : memref<32x1024xf32, #tpu.memory_space<vmem>>, vector<16xf32>,
      %add3A_246 = arith.constant 13312 : i32
      %add3A_247 = vector.broadcast %add3A_246 : i32 to vector<16xi32>
      %add3A_248 = arith.addi %get3A_117, %add3A_247 : vector<16xi32>
      %gather3A_249 = tpu.vector_load_idx %arg6[%add3A_248] : memref<32768xf32, #tpu.memory_space<vmem>>[vector<16xi32>], vector<16xf32>,
      %mul3A_250 = arith.constant 16 : i32
      %mul3A_251 = arith.muli %scan3A_114, %mul3A_250 : i32
      %swap3A_252 = arith.constant 13 : i32
      %swap3A_253 = arith.index_cast %swap3A_252 : i32 to index
      %swap3A_254 = arith.index_cast %mul3A_251 : i32 to index
      %swap3A_255 = tpu.vector_load %arg7[%swap3A_253, %swap3A_254] {strides = array<i32>} : memref<32x1024xf32, #tpu.memory_space<vmem>>, vector<16xf32>,
      tpu.vector_store %arg7[%swap3A_253, %swap3A_254], %gather3A_249 {strides = array<i32>} : memref<32x1024xf32, #tpu.memory_space<vmem>>, vector<16xf32>,
      %add3A_256 = arith.constant 14336 : i32
      %add3A_257 = vector.broadcast %add3A_256 : i32 to vector<16xi32>
      %add3A_258 = arith.addi %get3A_117, %add3A_257 : vector<16xi32>
      %gather3A_259 = tpu.vector_load_idx %arg6[%add3A_258] : memref<32768xf32, #tpu.memory_space<vmem>>[vector<16xi32>], vector<16xf32>,
      %mul3A_260 = arith.constant 16 : i32
      %mul3A_261 = arith.muli %scan3A_114, %mul3A_260 : i32
      %swap3A_262 = arith.constant 14 : i32
      %swap3A_263 = arith.index_cast %swap3A_262 : i32 to index
      %swap3A_264 = arith.index_cast %mul3A_261 : i32 to index
      %swap3A_265 = tpu.vector_load %arg7[%swap3A_263, %swap3A_264] {strides = array<i32>} : memref<32x1024xf32, #tpu.memory_space<vmem>>, vector<16xf32>,
      tpu.vector_store %arg7[%swap3A_263, %swap3A_264], %gather3A_259 {strides = array<i32>} : memref<32x1024xf32, #tpu.memory_space<vmem>>, vector<16xf32>,
      %add3A_266 = arith.constant 15360 : i32
      %add3A_267 = vector.broadcast %add3A_266 : i32 to vector<16xi32>
      %add3A_268 = arith.addi %get3A_117, %add3A_267 : vector<16xi32>
      %gather3A_269 = tpu.vector_load_idx %arg6[%add3A_268] : memref<32768xf32, #tpu.memory_space<vmem>>[vector<16xi32>], vector<16xf32>,
      %mul3A_270 = arith.constant 16 : i32
      %mul3A_271 = arith.muli %scan3A_114, %mul3A_270 : i32
      %swap3A_272 = arith.constant 15 : i32
      %swap3A_273 = arith.index_cast %swap3A_272 : i32 to index
      %swap3A_274 = arith.index_cast %mul3A_271 : i32 to index
      %swap3A_275 = tpu.vector_load %arg7[%swap3A_273, %swap3A_274] {strides = array<i32>} : memref<32x1024xf32, #tpu.memory_space<vmem>>, vector<16xf32>,
      tpu.vector_store %arg7[%swap3A_273, %swap3A_274], %gather3A_269 {strides = array<i32>} : memref<32x1024xf32, #tpu.memory_space<vmem>>, vector<16xf32>,
      %add3A_276 = arith.constant 16384 : i32
      %add3A_277 = vector.broadcast %add3A_276 : i32 to vector<16xi32>
      %add3A_278 = arith.addi %get3A_117, %add3A_277 : vector<16xi32>
      %gather3A_279 = tpu.vector_load_idx %arg6[%add3A_278] : memref<32768xf32, #tpu.memory_space<vmem>>[vector<16xi32>], vector<16xf32>,
      %mul3A_280 = arith.constant 16 : i32
      %mul3A_281 = arith.muli %scan3A_114, %mul3A_280 : i32
      %swap3A_282 = arith.constant 16 : i32
      %swap3A_283 = arith.index_cast %swap3A_282 : i32 to index
      %swap3A_284 = arith.index_cast %mul3A_281 : i32 to index
      %swap3A_285 = tpu.vector_load %arg7[%swap3A_283, %swap3A_284] {strides = array<i32>} : memref<32x1024xf32, #tpu.memory_space<vmem>>, vector<16xf32>,
      tpu.vector_store %arg7[%swap3A_283, %swap3A_284], %gather3A_279 {strides = array<i32>} : memref<32x1024xf32, #tpu.memory_space<vmem>>, vector<16xf32>,
      %add3A_286 = arith.constant 17408 : i32
      %add3A_287 = vector.broadcast %add3A_286 : i32 to vector<16xi32>
      %add3A_288 = arith.addi %get3A_117, %add3A_287 : vector<16xi32>
      %gather3A_289 = tpu.vector_load_idx %arg6[%add3A_288] : memref<32768xf32, #tpu.memory_space<vmem>>[vector<16xi32>], vector<16xf32>,
      %mul3A_290 = arith.constant 16 : i32
      %mul3A_291 = arith.muli %scan3A_114, %mul3A_290 : i32
      %swap3A_292 = arith.constant 17 : i32
      %swap3A_293 = arith.index_cast %swap3A_292 : i32 to index
      %swap3A_294 = arith.index_cast %mul3A_291 : i32 to index
      %swap3A_295 = tpu.vector_load %arg7[%swap3A_293, %swap3A_294] {strides = array<i32>} : memref<32x1024xf32, #tpu.memory_space<vmem>>, vector<16xf32>,
      tpu.vector_store %arg7[%swap3A_293, %swap3A_294], %gather3A_289 {strides = array<i32>} : memref<32x1024xf32, #tpu.memory_space<vmem>>, vector<16xf32>,
      %add3A_296 = arith.constant 18432 : i32
      %add3A_297 = vector.broadcast %add3A_296 : i32 to vector<16xi32>
      %add3A_298 = arith.addi %get3A_117, %add3A_297 : vector<16xi32>
      %gather3A_299 = tpu.vector_load_idx %arg6[%add3A_298] : memref<32768xf32, #tpu.memory_space<vmem>>[vector<16xi32>], vector<16xf32>,
      %mul3A_300 = arith.constant 16 : i32
      %mul3A_301 = arith.muli %scan3A_114, %mul3A_300 : i32
      %swap3A_302 = arith.constant 18 : i32
      %swap3A_303 = arith.index_cast %swap3A_302 : i32 to index
      %swap3A_304 = arith.index_cast %mul3A_301 : i32 to index
      %swap3A_305 = tpu.vector_load %arg7[%swap3A_303, %swap3A_304] {strides = array<i32>} : memref<32x1024xf32, #tpu.memory_space<vmem>>, vector<16xf32>,
      tpu.vector_store %arg7[%swap3A_303, %swap3A_304], %gather3A_299 {strides = array<i32>} : memref<32x1024xf32, #tpu.memory_space<vmem>>, vector<16xf32>,
      %add3A_306 = arith.constant 19456 : i32
      %add3A_307 = vector.broadcast %add3A_306 : i32 to vector<16xi32>
      %add3A_308 = arith.addi %get3A_117, %add3A_307 : vector<16xi32>
      %gather3A_309 = tpu.vector_load_idx %arg6[%add3A_308] : memref<32768xf32, #tpu.memory_space<vmem>>[vector<16xi32>], vector<16xf32>,
      %mul3A_310 = arith.constant 16 : i32
      %mul3A_311 = arith.muli %scan3A_114, %mul3A_310 : i32
      %swap3A_312 = arith.constant 19 : i32
      %swap3A_313 = arith.index_cast %swap3A_312 : i32 to index
      %swap3A_314 = arith.index_cast %mul3A_311 : i32 to index
      %swap3A_315 = tpu.vector_load %arg7[%swap3A_313, %swap3A_314] {strides = array<i32>} : memref<32x1024xf32, #tpu.memory_space<vmem>>, vector<16xf32>,
      tpu.vector_store %arg7[%swap3A_313, %swap3A_314], %gather3A_309 {strides = array<i32>} : memref<32x1024xf32, #tpu.memory_space<vmem>>, vector<16xf32>,
      %add3A_316 = arith.constant 20480 : i32
      %add3A_317 = vector.broadcast %add3A_316 : i32 to vector<16xi32>
      %add3A_318 = arith.addi %get3A_117, %add3A_317 : vector<16xi32>
      %gather3A_319 = tpu.vector_load_idx %arg6[%add3A_318] : memref<32768xf32, #tpu.memory_space<vmem>>[vector<16xi32>], vector<16xf32>,
      %mul3A_320 = arith.constant 16 : i32
      %mul3A_321 = arith.muli %scan3A_114, %mul3A_320 : i32
      %swap3A_322 = arith.constant 20 : i32
      %swap3A_323 = arith.index_cast %swap3A_322 : i32 to index
      %swap3A_324 = arith.index_cast %mul3A_321 : i32 to index
      %swap3A_325 = tpu.vector_load %arg7[%swap3A_323, %swap3A_324] {strides = array<i32>} : memref<32x1024xf32, #tpu.memory_space<vmem>>, vector<16xf32>,
      tpu.vector_store %arg7[%swap3A_323, %swap3A_324], %gather3A_319 {strides = array<i32>} : memref<32x1024xf32, #tpu.memory_space<vmem>>, vector<16xf32>,
      %add3A_326 = arith.constant 21504 : i32
      %add3A_327 = vector.broadcast %add3A_326 : i32 to vector<16xi32>
      %add3A_328 = arith.addi %get3A_117, %add3A_327 : vector<16xi32>
      %gather3A_329 = tpu.vector_load_idx %arg6[%add3A_328] : memref<32768xf32, #tpu.memory_space<vmem>>[vector<16xi32>], vector<16xf32>,
      %mul3A_330 = arith.constant 16 : i32
      %mul3A_331 = arith.muli %scan3A_114, %mul3A_330 : i32
      %swap3A_332 = arith.constant 21 : i32
      %swap3A_333 = arith.index_cast %swap3A_332 : i32 to index
      %swap3A_334 = arith.index_cast %mul3A_331 : i32 to index
      %swap3A_335 = tpu.vector_load %arg7[%swap3A_333, %swap3A_334] {strides = array<i32>} : memref<32x1024xf32, #tpu.memory_space<vmem>>, vector<16xf32>,
      tpu.vector_store %arg7[%swap3A_333, %swap3A_334], %gather3A_329 {strides = array<i32>} : memref<32x1024xf32, #tpu.memory_space<vmem>>, vector<16xf32>,
      %add3A_336 = arith.constant 22528 : i32
      %add3A_337 = vector.broadcast %add3A_336 : i32 to vector<16xi32>
      %add3A_338 = arith.addi %get3A_117, %add3A_337 : vector<16xi32>
      %gather3A_339 = tpu.vector_load_idx %arg6[%add3A_338] : memref<32768xf32, #tpu.memory_space<vmem>>[vector<16xi32>], vector<16xf32>,
      %mul3A_340 = arith.constant 16 : i32
      %mul3A_341 = arith.muli %scan3A_114, %mul3A_340 : i32
      %swap3A_342 = arith.constant 22 : i32
      %swap3A_343 = arith.index_cast %swap3A_342 : i32 to index
      %swap3A_344 = arith.index_cast %mul3A_341 : i32 to index
      %swap3A_345 = tpu.vector_load %arg7[%swap3A_343, %swap3A_344] {strides = array<i32>} : memref<32x1024xf32, #tpu.memory_space<vmem>>, vector<16xf32>,
      tpu.vector_store %arg7[%swap3A_343, %swap3A_344], %gather3A_339 {strides = array<i32>} : memref<32x1024xf32, #tpu.memory_space<vmem>>, vector<16xf32>,
      %add3A_346 = arith.constant 23552 : i32
      %add3A_347 = vector.broadcast %add3A_346 : i32 to vector<16xi32>
      %add3A_348 = arith.addi %get3A_117, %add3A_347 : vector<16xi32>
      %gather3A_349 = tpu.vector_load_idx %arg6[%add3A_348] : memref<32768xf32, #tpu.memory_space<vmem>>[vector<16xi32>], vector<16xf32>,
      %mul3A_350 = arith.constant 16 : i32
      %mul3A_351 = arith.muli %scan3A_114, %mul3A_350 : i32
      %swap3A_352 = arith.constant 23 : i32
      %swap3A_353 = arith.index_cast %swap3A_352 : i32 to index
      %swap3A_354 = arith.index_cast %mul3A_351 : i32 to index
      %swap3A_355 = tpu.vector_load %arg7[%swap3A_353, %swap3A_354] {strides = array<i32>} : memref<32x1024xf32, #tpu.memory_space<vmem>>, vector<16xf32>,
      tpu.vector_store %arg7[%swap3A_353, %swap3A_354], %gather3A_349 {strides = array<i32>} : memref<32x1024xf32, #tpu.memory_space<vmem>>, vector<16xf32>,
      %add3A_356 = arith.constant 24576 : i32
      %add3A_357 = vector.broadcast %add3A_356 : i32 to vector<16xi32>
      %add3A_358 = arith.addi %get3A_117, %add3A_357 : vector<16xi32>
      %gather3A_359 = tpu.vector_load_idx %arg6[%add3A_358] : memref<32768xf32, #tpu.memory_space<vmem>>[vector<16xi32>], vector<16xf32>,
      %mul3A_360 = arith.constant 16 : i32
      %mul3A_361 = arith.muli %scan3A_114, %mul3A_360 : i32
      %swap3A_362 = arith.constant 24 : i32
      %swap3A_363 = arith.index_cast %swap3A_362 : i32 to index
      %swap3A_364 = arith.index_cast %mul3A_361 : i32 to index
      %swap3A_365 = tpu.vector_load %arg7[%swap3A_363, %swap3A_364] {strides = array<i32>} : memref<32x1024xf32, #tpu.memory_space<vmem>>, vector<16xf32>,
      tpu.vector_store %arg7[%swap3A_363, %swap3A_364], %gather3A_359 {strides = array<i32>} : memref<32x1024xf32, #tpu.memory_space<vmem>>, vector<16xf32>,
      %add3A_366 = arith.constant 25600 : i32
      %add3A_367 = vector.broadcast %add3A_366 : i32 to vector<16xi32>
      %add3A_368 = arith.addi %get3A_117, %add3A_367 : vector<16xi32>
      %gather3A_369 = tpu.vector_load_idx %arg6[%add3A_368] : memref<32768xf32, #tpu.memory_space<vmem>>[vector<16xi32>], vector<16xf32>,
      %mul3A_370 = arith.constant 16 : i32
      %mul3A_371 = arith.muli %scan3A_114, %mul3A_370 : i32
      %swap3A_372 = arith.constant 25 : i32
      %swap3A_373 = arith.index_cast %swap3A_372 : i32 to index
      %swap3A_374 = arith.index_cast %mul3A_371 : i32 to index
      %swap3A_375 = tpu.vector_load %arg7[%swap3A_373, %swap3A_374] {strides = array<i32>} : memref<32x1024xf32, #tpu.memory_space<vmem>>, vector<16xf32>,
      tpu.vector_store %arg7[%swap3A_373, %swap3A_374], %gather3A_369 {strides = array<i32>} : memref<32x1024xf32, #tpu.memory_space<vmem>>, vector<16xf32>,
      %add3A_376 = arith.constant 26624 : i32
      %add3A_377 = vector.broadcast %add3A_376 : i32 to vector<16xi32>
      %add3A_378 = arith.addi %get3A_117, %add3A_377 : vector<16xi32>
      %gather3A_379 = tpu.vector_load_idx %arg6[%add3A_378] : memref<32768xf32, #tpu.memory_space<vmem>>[vector<16xi32>], vector<16xf32>,
      %mul3A_380 = arith.constant 16 : i32
      %mul3A_381 = arith.muli %scan3A_114, %mul3A_380 : i32
      %swap3A_382 = arith.constant 26 : i32
      %swap3A_383 = arith.index_cast %swap3A_382 : i32 to index
      %swap3A_384 = arith.index_cast %mul3A_381 : i32 to index
      %swap3A_385 = tpu.vector_load %arg7[%swap3A_383, %swap3A_384] {strides = array<i32>} : memref<32x1024xf32, #tpu.memory_space<vmem>>, vector<16xf32>,
      tpu.vector_store %arg7[%swap3A_383, %swap3A_384], %gather3A_379 {strides = array<i32>} : memref<32x1024xf32, #tpu.memory_space<vmem>>, vector<16xf32>,
      %add3A_386 = arith.constant 27648 : i32
      %add3A_387 = vector.broadcast %add3A_386 : i32 to vector<16xi32>
      %add3A_388 = arith.addi %get3A_117, %add3A_387 : vector<16xi32>
      %gather3A_389 = tpu.vector_load_idx %arg6[%add3A_388] : memref<32768xf32, #tpu.memory_space<vmem>>[vector<16xi32>], vector<16xf32>,
      %mul3A_390 = arith.constant 16 : i32
      %mul3A_391 = arith.muli %scan3A_114, %mul3A_390 : i32
      %swap3A_392 = arith.constant 27 : i32
      %swap3A_393 = arith.index_cast %swap3A_392 : i32 to index
      %swap3A_394 = arith.index_cast %mul3A_391 : i32 to index
      %swap3A_395 = tpu.vector_load %arg7[%swap3A_393, %swap3A_394] {strides = array<i32>} : memref<32x1024xf32, #tpu.memory_space<vmem>>, vector<16xf32>,
      tpu.vector_store %arg7[%swap3A_393, %swap3A_394], %gather3A_389 {strides = array<i32>} : memref<32x1024xf32, #tpu.memory_space<vmem>>, vector<16xf32>,
      %add3A_396 = arith.constant 28672 : i32
      %add3A_397 = vector.broadcast %add3A_396 : i32 to vector<16xi32>
      %add3A_398 = arith.addi %get3A_117, %add3A_397 : vector<16xi32>
      %gather3A_399 = tpu.vector_load_idx %arg6[%add3A_398] : memref<32768xf32, #tpu.memory_space<vmem>>[vector<16xi32>], vector<16xf32>,
      %mul3A_400 = arith.constant 16 : i32
      %mul3A_401 = arith.muli %scan3A_114, %mul3A_400 : i32
      %swap3A_402 = arith.constant 28 : i32
      %swap3A_403 = arith.index_cast %swap3A_402 : i32 to index
      %swap3A_404 = arith.index_cast %mul3A_401 : i32 to index
      %swap3A_405 = tpu.vector_load %arg7[%swap3A_403, %swap3A_404] {strides = array<i32>} : memref<32x1024xf32, #tpu.memory_space<vmem>>, vector<16xf32>,
      tpu.vector_store %arg7[%swap3A_403, %swap3A_404], %gather3A_399 {strides = array<i32>} : memref<32x1024xf32, #tpu.memory_space<vmem>>, vector<16xf32>,
      %add3A_406 = arith.constant 29696 : i32
      %add3A_407 = vector.broadcast %add3A_406 : i32 to vector<16xi32>
      %add3A_408 = arith.addi %get3A_117, %add3A_407 : vector<16xi32>
      %gather3A_409 = tpu.vector_load_idx %arg6[%add3A_408] : memref<32768xf32, #tpu.memory_space<vmem>>[vector<16xi32>], vector<16xf32>,
      %mul3A_410 = arith.constant 16 : i32
      %mul3A_411 = arith.muli %scan3A_114, %mul3A_410 : i32
      %swap3A_412 = arith.constant 29 : i32
      %swap3A_413 = arith.index_cast %swap3A_412 : i32 to index
      %swap3A_414 = arith.index_cast %mul3A_411 : i32 to index
      %swap3A_415 = tpu.vector_load %arg7[%swap3A_413, %swap3A_414] {strides = array<i32>} : memref<32x1024xf32, #tpu.memory_space<vmem>>, vector<16xf32>,
      tpu.vector_store %arg7[%swap3A_413, %swap3A_414], %gather3A_409 {strides = array<i32>} : memref<32x1024xf32, #tpu.memory_space<vmem>>, vector<16xf32>,
      %add3A_416 = arith.constant 30720 : i32
      %add3A_417 = vector.broadcast %add3A_416 : i32 to vector<16xi32>
      %add3A_418 = arith.addi %get3A_117, %add3A_417 : vector<16xi32>
      %gather3A_419 = tpu.vector_load_idx %arg6[%add3A_418] : memref<32768xf32, #tpu.memory_space<vmem>>[vector<16xi32>], vector<16xf32>,
      %mul3A_420 = arith.constant 16 : i32
      %mul3A_421 = arith.muli %scan3A_114, %mul3A_420 : i32
      %swap3A_422 = arith.constant 30 : i32
      %swap3A_423 = arith.index_cast %swap3A_422 : i32 to index
      %swap3A_424 = arith.index_cast %mul3A_421 : i32 to index
      %swap3A_425 = tpu.vector_load %arg7[%swap3A_423, %swap3A_424] {strides = array<i32>} : memref<32x1024xf32, #tpu.memory_space<vmem>>, vector<16xf32>,
      tpu.vector_store %arg7[%swap3A_423, %swap3A_424], %gather3A_419 {strides = array<i32>} : memref<32x1024xf32, #tpu.memory_space<vmem>>, vector<16xf32>,
      %add3A_426 = arith.constant 31744 : i32
      %add3A_427 = vector.broadcast %add3A_426 : i32 to vector<16xi32>
      %add3A_428 = arith.addi %get3A_117, %add3A_427 : vector<16xi32>
      %gather3A_429 = tpu.vector_load_idx %arg6[%add3A_428] : memref<32768xf32, #tpu.memory_space<vmem>>[vector<16xi32>], vector<16xf32>,
      %mul3A_430 = arith.constant 16 : i32
      %mul3A_431 = arith.muli %scan3A_114, %mul3A_430 : i32
      %swap3A_432 = arith.constant 31 : i32
      %swap3A_433 = arith.index_cast %swap3A_432 : i32 to index
      %swap3A_434 = arith.index_cast %mul3A_431 : i32 to index
      %swap3A_435 = tpu.vector_load %arg7[%swap3A_433, %swap3A_434] {strides = array<i32>} : memref<32x1024xf32, #tpu.memory_space<vmem>>, vector<16xf32>,
      tpu.vector_store %arg7[%swap3A_433, %swap3A_434], %gather3A_429 {strides = array<i32>} : memref<32x1024xf32, #tpu.memory_space<vmem>>, vector<16xf32>,
    }
    %scan3A_39 = arith.constant 64 : i32
    %mul3A_40 = arith.constant 256 : i32
    %mul3A_41 = arith.muli %select_n3A, %mul3A_40 : i32
    %add3A_42 = arith.constant 0 : i32
    %add3A_43 = arith.addi %mul3A_41, %add3A_42 : i32
    "tpu.region"() ({
      %run_scoped3A = tpu.sem_alloc : memref<!tpu.dma_semaphore, #tpu.memory_space<semaphore_mem>>
      %dma_start3A = tpu.memref_slice %arg4[%add3A_43, %mul3A_34] : memref<1024x8192xf32, #tpu.memory_space<hbm>> -> memref<32x1024xf32, #tpu.memory_space<hbm>>
      %dma_start3A_114 = tpu.memref_slice %arg4[%add3A_43, %mul3A_34] : memref<1024x8192xf32, #tpu.memory_space<hbm>> -> memref<32x1024xf32, #tpu.memory_space<hbm>>
      tpu.enqueue_dma source(%arg7 : memref<32x1024xf32, #tpu.memory_space<vmem>>) target(%dma_start3A_114 : memref<32x1024xf32, #tpu.memory_space<hbm>>) target_semaphore(%run_scoped3A : memref<!tpu.dma_semaphore, #tpu.memory_space<semaphore_mem>>)
      %dma_wait3A = tpu.memref_slice %arg4[%add3A_43, %mul3A_34] : memref<1024x8192xf32, #tpu.memory_space<hbm>> -> memref<32x1024xf32, #tpu.memory_space<hbm>>
      %dma_wait3A_115 = tpu.memref_slice %arg4[%add3A_43, %mul3A_34] : memref<1024x8192xf32, #tpu.memory_space<hbm>> -> memref<32x1024xf32, #tpu.memory_space<hbm>>
      tpu.wait_dma2 semaphore(%run_scoped3A : memref<!tpu.dma_semaphore, #tpu.memory_space<semaphore_mem>>) src(%arg7 : memref<32x1024xf32, #tpu.memory_space<vmem>>) dst(%dma_wait3A_115 : memref<32x1024xf32, #tpu.memory_space<hbm>>)
      tpu.yield
    }) : () -> ()
    "tpu.region"() ({
      %run_scoped3A = tpu.sem_alloc : memref<!tpu.dma_semaphore, #tpu.memory_space<semaphore_mem>>
      %dma_start3A = arith.constant 32768 : i32
      %dma_start3A_114 = tpu.memref_slice %arg2[%dma_start3A] : memref<262144xf32, #tpu.memory_space<hbm>> -> memref<32768xf32, #tpu.memory_space<hbm>>
      %dma_start3A_115 = arith.constant 32768 : i32
      %dma_start3A_116 = tpu.memref_slice %arg2[%dma_start3A_115] : memref<262144xf32, #tpu.memory_space<hbm>> -> memref<32768xf32, #tpu.memory_space<hbm>>
      tpu.enqueue_dma source(%dma_start3A_116 : memref<32768xf32, #tpu.memory_space<hbm>>) target(%arg6 : memref<32768xf32, #tpu.memory_space<vmem>>) target_semaphore(%run_scoped3A : memref<!tpu.dma_semaphore, #tpu.memory_space<semaphore_mem>>)
      %dma_wait3A = arith.constant 32768 : i32
      %dma_wait3A_117 = tpu.memref_slice %arg2[%dma_wait3A] : memref<262144xf32, #tpu.memory_space<hbm>> -> memref<32768xf32, #tpu.memory_space<hbm>>
      %dma_wait3A_118 = arith.constant 32768 : i32
      %dma_wait3A_119 = tpu.memref_slice %arg2[%dma_wait3A_118] : memref<262144xf32, #tpu.memory_space<hbm>> -> memref<32768xf32, #tpu.memory_space<hbm>>
      tpu.wait_dma2 semaphore(%run_scoped3A : memref<!tpu.dma_semaphore, #tpu.memory_space<semaphore_mem>>) src(%dma_wait3A_119 : memref<32768xf32, #tpu.memory_space<hbm>>) dst(%arg6 : memref<32768xf32, #tpu.memory_space<vmem>>)
      tpu.yield
    }) : () -> ()
    %scan3A_44 = arith.constant 0 : i32
    %scan3A_45 = arith.constant 0 : i32
    %scan3A_46 = arith.constant 64 : i32
    %scan3A_47 = arith.addi %scan3A_45, %scan3A_46 : i32
    %scan3A_48 = arith.constant 1 : i32
    scf.for %scan3A_114 = %scan3A_45 to %scan3A_47 step %scan3A_48  : i32 {
      %mul3A_115 = arith.constant 16 : i32
      %mul3A_116 = arith.muli %scan3A_114, %mul3A_115 : i32
      %get3A = arith.index_cast %mul3A_116 : i32 to index
      %get3A_117 = tpu.vector_load %arg5[%get3A] {strides = array<i32>} : memref<1024xi32, #tpu.memory_space<vmem>>, vector<16xi32>,
      %add3A_118 = arith.constant 0 : i32
      %add3A_119 = vector.broadcast %add3A_118 : i32 to vector<16xi32>
      %add3A_120 = arith.addi %get3A_117, %add3A_119 : vector<16xi32>
      %gather3A = tpu.vector_load_idx %arg6[%add3A_120] : memref<32768xf32, #tpu.memory_space<vmem>>[vector<16xi32>], vector<16xf32>,
      %mul3A_121 = arith.constant 16 : i32
      %mul3A_122 = arith.muli %scan3A_114, %mul3A_121 : i32
      %swap3A = arith.constant 0 : i32
      %swap3A_123 = arith.index_cast %swap3A : i32 to index
      %swap3A_124 = arith.index_cast %mul3A_122 : i32 to index
      %swap3A_125 = tpu.vector_load %arg7[%swap3A_123, %swap3A_124] {strides = array<i32>} : memref<32x1024xf32, #tpu.memory_space<vmem>>, vector<16xf32>,
      tpu.vector_store %arg7[%swap3A_123, %swap3A_124], %gather3A {strides = array<i32>} : memref<32x1024xf32, #tpu.memory_space<vmem>>, vector<16xf32>,
      %add3A_126 = arith.constant 1024 : i32
      %add3A_127 = vector.broadcast %add3A_126 : i32 to vector<16xi32>
      %add3A_128 = arith.addi %get3A_117, %add3A_127 : vector<16xi32>
      %gather3A_129 = tpu.vector_load_idx %arg6[%add3A_128] : memref<32768xf32, #tpu.memory_space<vmem>>[vector<16xi32>], vector<16xf32>,
      %mul3A_130 = arith.constant 16 : i32
      %mul3A_131 = arith.muli %scan3A_114, %mul3A_130 : i32
      %swap3A_132 = arith.constant 1 : i32
      %swap3A_133 = arith.index_cast %swap3A_132 : i32 to index
      %swap3A_134 = arith.index_cast %mul3A_131 : i32 to index
      %swap3A_135 = tpu.vector_load %arg7[%swap3A_133, %swap3A_134] {strides = array<i32>} : memref<32x1024xf32, #tpu.memory_space<vmem>>, vector<16xf32>,
      tpu.vector_store %arg7[%swap3A_133, %swap3A_134], %gather3A_129 {strides = array<i32>} : memref<32x1024xf32, #tpu.memory_space<vmem>>, vector<16xf32>,
      %add3A_136 = arith.constant 2048 : i32
      %add3A_137 = vector.broadcast %add3A_136 : i32 to vector<16xi32>
      %add3A_138 = arith.addi %get3A_117, %add3A_137 : vector<16xi32>
      %gather3A_139 = tpu.vector_load_idx %arg6[%add3A_138] : memref<32768xf32, #tpu.memory_space<vmem>>[vector<16xi32>], vector<16xf32>,
      %mul3A_140 = arith.constant 16 : i32
      %mul3A_141 = arith.muli %scan3A_114, %mul3A_140 : i32
      %swap3A_142 = arith.constant 2 : i32
      %swap3A_143 = arith.index_cast %swap3A_142 : i32 to index
      %swap3A_144 = arith.index_cast %mul3A_141 : i32 to index
      %swap3A_145 = tpu.vector_load %arg7[%swap3A_143, %swap3A_144] {strides = array<i32>} : memref<32x1024xf32, #tpu.memory_space<vmem>>, vector<16xf32>,
      tpu.vector_store %arg7[%swap3A_143, %swap3A_144], %gather3A_139 {strides = array<i32>} : memref<32x1024xf32, #tpu.memory_space<vmem>>, vector<16xf32>,
      %add3A_146 = arith.constant 3072 : i32
      %add3A_147 = vector.broadcast %add3A_146 : i32 to vector<16xi32>
      %add3A_148 = arith.addi %get3A_117, %add3A_147 : vector<16xi32>
      %gather3A_149 = tpu.vector_load_idx %arg6[%add3A_148] : memref<32768xf32, #tpu.memory_space<vmem>>[vector<16xi32>], vector<16xf32>,
      %mul3A_150 = arith.constant 16 : i32
      %mul3A_151 = arith.muli %scan3A_114, %mul3A_150 : i32
      %swap3A_152 = arith.constant 3 : i32
      %swap3A_153 = arith.index_cast %swap3A_152 : i32 to index
      %swap3A_154 = arith.index_cast %mul3A_151 : i32 to index
      %swap3A_155 = tpu.vector_load %arg7[%swap3A_153, %swap3A_154] {strides = array<i32>} : memref<32x1024xf32, #tpu.memory_space<vmem>>, vector<16xf32>,
      tpu.vector_store %arg7[%swap3A_153, %swap3A_154], %gather3A_149 {strides = array<i32>} : memref<32x1024xf32, #tpu.memory_space<vmem>>, vector<16xf32>,
      %add3A_156 = arith.constant 4096 : i32
      %add3A_157 = vector.broadcast %add3A_156 : i32 to vector<16xi32>
      %add3A_158 = arith.addi %get3A_117, %add3A_157 : vector<16xi32>
      %gather3A_159 = tpu.vector_load_idx %arg6[%add3A_158] : memref<32768xf32, #tpu.memory_space<vmem>>[vector<16xi32>], vector<16xf32>,
      %mul3A_160 = arith.constant 16 : i32
      %mul3A_161 = arith.muli %scan3A_114, %mul3A_160 : i32
      %swap3A_162 = arith.constant 4 : i32
      %swap3A_163 = arith.index_cast %swap3A_162 : i32 to index
      %swap3A_164 = arith.index_cast %mul3A_161 : i32 to index
      %swap3A_165 = tpu.vector_load %arg7[%swap3A_163, %swap3A_164] {strides = array<i32>} : memref<32x1024xf32, #tpu.memory_space<vmem>>, vector<16xf32>,
      tpu.vector_store %arg7[%swap3A_163, %swap3A_164], %gather3A_159 {strides = array<i32>} : memref<32x1024xf32, #tpu.memory_space<vmem>>, vector<16xf32>,
      %add3A_166 = arith.constant 5120 : i32
      %add3A_167 = vector.broadcast %add3A_166 : i32 to vector<16xi32>
      %add3A_168 = arith.addi %get3A_117, %add3A_167 : vector<16xi32>
      %gather3A_169 = tpu.vector_load_idx %arg6[%add3A_168] : memref<32768xf32, #tpu.memory_space<vmem>>[vector<16xi32>], vector<16xf32>,
      %mul3A_170 = arith.constant 16 : i32
      %mul3A_171 = arith.muli %scan3A_114, %mul3A_170 : i32
      %swap3A_172 = arith.constant 5 : i32
      %swap3A_173 = arith.index_cast %swap3A_172 : i32 to index
      %swap3A_174 = arith.index_cast %mul3A_171 : i32 to index
      %swap3A_175 = tpu.vector_load %arg7[%swap3A_173, %swap3A_174] {strides = array<i32>} : memref<32x1024xf32, #tpu.memory_space<vmem>>, vector<16xf32>,
      tpu.vector_store %arg7[%swap3A_173, %swap3A_174], %gather3A_169 {strides = array<i32>} : memref<32x1024xf32, #tpu.memory_space<vmem>>, vector<16xf32>,
      %add3A_176 = arith.constant 6144 : i32
      %add3A_177 = vector.broadcast %add3A_176 : i32 to vector<16xi32>
      %add3A_178 = arith.addi %get3A_117, %add3A_177 : vector<16xi32>
      %gather3A_179 = tpu.vector_load_idx %arg6[%add3A_178] : memref<32768xf32, #tpu.memory_space<vmem>>[vector<16xi32>], vector<16xf32>,
      %mul3A_180 = arith.constant 16 : i32
      %mul3A_181 = arith.muli %scan3A_114, %mul3A_180 : i32
      %swap3A_182 = arith.constant 6 : i32
      %swap3A_183 = arith.index_cast %swap3A_182 : i32 to index
      %swap3A_184 = arith.index_cast %mul3A_181 : i32 to index
      %swap3A_185 = tpu.vector_load %arg7[%swap3A_183, %swap3A_184] {strides = array<i32>} : memref<32x1024xf32, #tpu.memory_space<vmem>>, vector<16xf32>,
      tpu.vector_store %arg7[%swap3A_183, %swap3A_184], %gather3A_179 {strides = array<i32>} : memref<32x1024xf32, #tpu.memory_space<vmem>>, vector<16xf32>,
      %add3A_186 = arith.constant 7168 : i32
      %add3A_187 = vector.broadcast %add3A_186 : i32 to vector<16xi32>
      %add3A_188 = arith.addi %get3A_117, %add3A_187 : vector<16xi32>
      %gather3A_189 = tpu.vector_load_idx %arg6[%add3A_188] : memref<32768xf32, #tpu.memory_space<vmem>>[vector<16xi32>], vector<16xf32>,
      %mul3A_190 = arith.constant 16 : i32
      %mul3A_191 = arith.muli %scan3A_114, %mul3A_190 : i32
      %swap3A_192 = arith.constant 7 : i32
      %swap3A_193 = arith.index_cast %swap3A_192 : i32 to index
      %swap3A_194 = arith.index_cast %mul3A_191 : i32 to index
      %swap3A_195 = tpu.vector_load %arg7[%swap3A_193, %swap3A_194] {strides = array<i32>} : memref<32x1024xf32, #tpu.memory_space<vmem>>, vector<16xf32>,
      tpu.vector_store %arg7[%swap3A_193, %swap3A_194], %gather3A_189 {strides = array<i32>} : memref<32x1024xf32, #tpu.memory_space<vmem>>, vector<16xf32>,
      %add3A_196 = arith.constant 8192 : i32
      %add3A_197 = vector.broadcast %add3A_196 : i32 to vector<16xi32>
      %add3A_198 = arith.addi %get3A_117, %add3A_197 : vector<16xi32>
      %gather3A_199 = tpu.vector_load_idx %arg6[%add3A_198] : memref<32768xf32, #tpu.memory_space<vmem>>[vector<16xi32>], vector<16xf32>,
      %mul3A_200 = arith.constant 16 : i32
      %mul3A_201 = arith.muli %scan3A_114, %mul3A_200 : i32
      %swap3A_202 = arith.constant 8 : i32
      %swap3A_203 = arith.index_cast %swap3A_202 : i32 to index
      %swap3A_204 = arith.index_cast %mul3A_201 : i32 to index
      %swap3A_205 = tpu.vector_load %arg7[%swap3A_203, %swap3A_204] {strides = array<i32>} : memref<32x1024xf32, #tpu.memory_space<vmem>>, vector<16xf32>,
      tpu.vector_store %arg7[%swap3A_203, %swap3A_204], %gather3A_199 {strides = array<i32>} : memref<32x1024xf32, #tpu.memory_space<vmem>>, vector<16xf32>,
      %add3A_206 = arith.constant 9216 : i32
      %add3A_207 = vector.broadcast %add3A_206 : i32 to vector<16xi32>
      %add3A_208 = arith.addi %get3A_117, %add3A_207 : vector<16xi32>
      %gather3A_209 = tpu.vector_load_idx %arg6[%add3A_208] : memref<32768xf32, #tpu.memory_space<vmem>>[vector<16xi32>], vector<16xf32>,
      %mul3A_210 = arith.constant 16 : i32
      %mul3A_211 = arith.muli %scan3A_114, %mul3A_210 : i32
      %swap3A_212 = arith.constant 9 : i32
      %swap3A_213 = arith.index_cast %swap3A_212 : i32 to index
      %swap3A_214 = arith.index_cast %mul3A_211 : i32 to index
      %swap3A_215 = tpu.vector_load %arg7[%swap3A_213, %swap3A_214] {strides = array<i32>} : memref<32x1024xf32, #tpu.memory_space<vmem>>, vector<16xf32>,
      tpu.vector_store %arg7[%swap3A_213, %swap3A_214], %gather3A_209 {strides = array<i32>} : memref<32x1024xf32, #tpu.memory_space<vmem>>, vector<16xf32>,
      %add3A_216 = arith.constant 10240 : i32
      %add3A_217 = vector.broadcast %add3A_216 : i32 to vector<16xi32>
      %add3A_218 = arith.addi %get3A_117, %add3A_217 : vector<16xi32>
      %gather3A_219 = tpu.vector_load_idx %arg6[%add3A_218] : memref<32768xf32, #tpu.memory_space<vmem>>[vector<16xi32>], vector<16xf32>,
      %mul3A_220 = arith.constant 16 : i32
      %mul3A_221 = arith.muli %scan3A_114, %mul3A_220 : i32
      %swap3A_222 = arith.constant 10 : i32
      %swap3A_223 = arith.index_cast %swap3A_222 : i32 to index
      %swap3A_224 = arith.index_cast %mul3A_221 : i32 to index
      %swap3A_225 = tpu.vector_load %arg7[%swap3A_223, %swap3A_224] {strides = array<i32>} : memref<32x1024xf32, #tpu.memory_space<vmem>>, vector<16xf32>,
      tpu.vector_store %arg7[%swap3A_223, %swap3A_224], %gather3A_219 {strides = array<i32>} : memref<32x1024xf32, #tpu.memory_space<vmem>>, vector<16xf32>,
      %add3A_226 = arith.constant 11264 : i32
      %add3A_227 = vector.broadcast %add3A_226 : i32 to vector<16xi32>
      %add3A_228 = arith.addi %get3A_117, %add3A_227 : vector<16xi32>
      %gather3A_229 = tpu.vector_load_idx %arg6[%add3A_228] : memref<32768xf32, #tpu.memory_space<vmem>>[vector<16xi32>], vector<16xf32>,
      %mul3A_230 = arith.constant 16 : i32
      %mul3A_231 = arith.muli %scan3A_114, %mul3A_230 : i32
      %swap3A_232 = arith.constant 11 : i32
      %swap3A_233 = arith.index_cast %swap3A_232 : i32 to index
      %swap3A_234 = arith.index_cast %mul3A_231 : i32 to index
      %swap3A_235 = tpu.vector_load %arg7[%swap3A_233, %swap3A_234] {strides = array<i32>} : memref<32x1024xf32, #tpu.memory_space<vmem>>, vector<16xf32>,
      tpu.vector_store %arg7[%swap3A_233, %swap3A_234], %gather3A_229 {strides = array<i32>} : memref<32x1024xf32, #tpu.memory_space<vmem>>, vector<16xf32>,
      %add3A_236 = arith.constant 12288 : i32
      %add3A_237 = vector.broadcast %add3A_236 : i32 to vector<16xi32>
      %add3A_238 = arith.addi %get3A_117, %add3A_237 : vector<16xi32>
      %gather3A_239 = tpu.vector_load_idx %arg6[%add3A_238] : memref<32768xf32, #tpu.memory_space<vmem>>[vector<16xi32>], vector<16xf32>,
      %mul3A_240 = arith.constant 16 : i32
      %mul3A_241 = arith.muli %scan3A_114, %mul3A_240 : i32
      %swap3A_242 = arith.constant 12 : i32
      %swap3A_243 = arith.index_cast %swap3A_242 : i32 to index
      %swap3A_244 = arith.index_cast %mul3A_241 : i32 to index
      %swap3A_245 = tpu.vector_load %arg7[%swap3A_243, %swap3A_244] {strides = array<i32>} : memref<32x1024xf32, #tpu.memory_space<vmem>>, vector<16xf32>,
      tpu.vector_store %arg7[%swap3A_243, %swap3A_244], %gather3A_239 {strides = array<i32>} : memref<32x1024xf32, #tpu.memory_space<vmem>>, vector<16xf32>,
      %add3A_246 = arith.constant 13312 : i32
      %add3A_247 = vector.broadcast %add3A_246 : i32 to vector<16xi32>
      %add3A_248 = arith.addi %get3A_117, %add3A_247 : vector<16xi32>
      %gather3A_249 = tpu.vector_load_idx %arg6[%add3A_248] : memref<32768xf32, #tpu.memory_space<vmem>>[vector<16xi32>], vector<16xf32>,
      %mul3A_250 = arith.constant 16 : i32
      %mul3A_251 = arith.muli %scan3A_114, %mul3A_250 : i32
      %swap3A_252 = arith.constant 13 : i32
      %swap3A_253 = arith.index_cast %swap3A_252 : i32 to index
      %swap3A_254 = arith.index_cast %mul3A_251 : i32 to index
      %swap3A_255 = tpu.vector_load %arg7[%swap3A_253, %swap3A_254] {strides = array<i32>} : memref<32x1024xf32, #tpu.memory_space<vmem>>, vector<16xf32>,
      tpu.vector_store %arg7[%swap3A_253, %swap3A_254], %gather3A_249 {strides = array<i32>} : memref<32x1024xf32, #tpu.memory_space<vmem>>, vector<16xf32>,
      %add3A_256 = arith.constant 14336 : i32
      %add3A_257 = vector.broadcast %add3A_256 : i32 to vector<16xi32>
      %add3A_258 = arith.addi %get3A_117, %add3A_257 : vector<16xi32>
      %gather3A_259 = tpu.vector_load_idx %arg6[%add3A_258] : memref<32768xf32, #tpu.memory_space<vmem>>[vector<16xi32>], vector<16xf32>,
      %mul3A_260 = arith.constant 16 : i32
      %mul3A_261 = arith.muli %scan3A_114, %mul3A_260 : i32
      %swap3A_262 = arith.constant 14 : i32
      %swap3A_263 = arith.index_cast %swap3A_262 : i32 to index
      %swap3A_264 = arith.index_cast %mul3A_261 : i32 to index
      %swap3A_265 = tpu.vector_load %arg7[%swap3A_263, %swap3A_264] {strides = array<i32>} : memref<32x1024xf32, #tpu.memory_space<vmem>>, vector<16xf32>,
      tpu.vector_store %arg7[%swap3A_263, %swap3A_264], %gather3A_259 {strides = array<i32>} : memref<32x1024xf32, #tpu.memory_space<vmem>>, vector<16xf32>,
      %add3A_266 = arith.constant 15360 : i32
      %add3A_267 = vector.broadcast %add3A_266 : i32 to vector<16xi32>
      %add3A_268 = arith.addi %get3A_117, %add3A_267 : vector<16xi32>
      %gather3A_269 = tpu.vector_load_idx %arg6[%add3A_268] : memref<32768xf32, #tpu.memory_space<vmem>>[vector<16xi32>], vector<16xf32>,
      %mul3A_270 = arith.constant 16 : i32
      %mul3A_271 = arith.muli %scan3A_114, %mul3A_270 : i32
      %swap3A_272 = arith.constant 15 : i32
      %swap3A_273 = arith.index_cast %swap3A_272 : i32 to index
      %swap3A_274 = arith.index_cast %mul3A_271 : i32 to index
      %swap3A_275 = tpu.vector_load %arg7[%swap3A_273, %swap3A_274] {strides = array<i32>} : memref<32x1024xf32, #tpu.memory_space<vmem>>, vector<16xf32>,
      tpu.vector_store %arg7[%swap3A_273, %swap3A_274], %gather3A_269 {strides = array<i32>} : memref<32x1024xf32, #tpu.memory_space<vmem>>, vector<16xf32>,
      %add3A_276 = arith.constant 16384 : i32
      %add3A_277 = vector.broadcast %add3A_276 : i32 to vector<16xi32>
      %add3A_278 = arith.addi %get3A_117, %add3A_277 : vector<16xi32>
      %gather3A_279 = tpu.vector_load_idx %arg6[%add3A_278] : memref<32768xf32, #tpu.memory_space<vmem>>[vector<16xi32>], vector<16xf32>,
      %mul3A_280 = arith.constant 16 : i32
      %mul3A_281 = arith.muli %scan3A_114, %mul3A_280 : i32
      %swap3A_282 = arith.constant 16 : i32
      %swap3A_283 = arith.index_cast %swap3A_282 : i32 to index
      %swap3A_284 = arith.index_cast %mul3A_281 : i32 to index
      %swap3A_285 = tpu.vector_load %arg7[%swap3A_283, %swap3A_284] {strides = array<i32>} : memref<32x1024xf32, #tpu.memory_space<vmem>>, vector<16xf32>,
      tpu.vector_store %arg7[%swap3A_283, %swap3A_284], %gather3A_279 {strides = array<i32>} : memref<32x1024xf32, #tpu.memory_space<vmem>>, vector<16xf32>,
      %add3A_286 = arith.constant 17408 : i32
      %add3A_287 = vector.broadcast %add3A_286 : i32 to vector<16xi32>
      %add3A_288 = arith.addi %get3A_117, %add3A_287 : vector<16xi32>
      %gather3A_289 = tpu.vector_load_idx %arg6[%add3A_288] : memref<32768xf32, #tpu.memory_space<vmem>>[vector<16xi32>], vector<16xf32>,
      %mul3A_290 = arith.constant 16 : i32
      %mul3A_291 = arith.muli %scan3A_114, %mul3A_290 : i32
      %swap3A_292 = arith.constant 17 : i32
      %swap3A_293 = arith.index_cast %swap3A_292 : i32 to index
      %swap3A_294 = arith.index_cast %mul3A_291 : i32 to index
      %swap3A_295 = tpu.vector_load %arg7[%swap3A_293, %swap3A_294] {strides = array<i32>} : memref<32x1024xf32, #tpu.memory_space<vmem>>, vector<16xf32>,
      tpu.vector_store %arg7[%swap3A_293, %swap3A_294], %gather3A_289 {strides = array<i32>} : memref<32x1024xf32, #tpu.memory_space<vmem>>, vector<16xf32>,
      %add3A_296 = arith.constant 18432 : i32
      %add3A_297 = vector.broadcast %add3A_296 : i32 to vector<16xi32>
      %add3A_298 = arith.addi %get3A_117, %add3A_297 : vector<16xi32>
      %gather3A_299 = tpu.vector_load_idx %arg6[%add3A_298] : memref<32768xf32, #tpu.memory_space<vmem>>[vector<16xi32>], vector<16xf32>,
      %mul3A_300 = arith.constant 16 : i32
      %mul3A_301 = arith.muli %scan3A_114, %mul3A_300 : i32
      %swap3A_302 = arith.constant 18 : i32
      %swap3A_303 = arith.index_cast %swap3A_302 : i32 to index
      %swap3A_304 = arith.index_cast %mul3A_301 : i32 to index
      %swap3A_305 = tpu.vector_load %arg7[%swap3A_303, %swap3A_304] {strides = array<i32>} : memref<32x1024xf32, #tpu.memory_space<vmem>>, vector<16xf32>,
      tpu.vector_store %arg7[%swap3A_303, %swap3A_304], %gather3A_299 {strides = array<i32>} : memref<32x1024xf32, #tpu.memory_space<vmem>>, vector<16xf32>,
      %add3A_306 = arith.constant 19456 : i32
      %add3A_307 = vector.broadcast %add3A_306 : i32 to vector<16xi32>
      %add3A_308 = arith.addi %get3A_117, %add3A_307 : vector<16xi32>
      %gather3A_309 = tpu.vector_load_idx %arg6[%add3A_308] : memref<32768xf32, #tpu.memory_space<vmem>>[vector<16xi32>], vector<16xf32>,
      %mul3A_310 = arith.constant 16 : i32
      %mul3A_311 = arith.muli %scan3A_114, %mul3A_310 : i32
      %swap3A_312 = arith.constant 19 : i32
      %swap3A_313 = arith.index_cast %swap3A_312 : i32 to index
      %swap3A_314 = arith.index_cast %mul3A_311 : i32 to index
      %swap3A_315 = tpu.vector_load %arg7[%swap3A_313, %swap3A_314] {strides = array<i32>} : memref<32x1024xf32, #tpu.memory_space<vmem>>, vector<16xf32>,
      tpu.vector_store %arg7[%swap3A_313, %swap3A_314], %gather3A_309 {strides = array<i32>} : memref<32x1024xf32, #tpu.memory_space<vmem>>, vector<16xf32>,
      %add3A_316 = arith.constant 20480 : i32
      %add3A_317 = vector.broadcast %add3A_316 : i32 to vector<16xi32>
      %add3A_318 = arith.addi %get3A_117, %add3A_317 : vector<16xi32>
      %gather3A_319 = tpu.vector_load_idx %arg6[%add3A_318] : memref<32768xf32, #tpu.memory_space<vmem>>[vector<16xi32>], vector<16xf32>,
      %mul3A_320 = arith.constant 16 : i32
      %mul3A_321 = arith.muli %scan3A_114, %mul3A_320 : i32
      %swap3A_322 = arith.constant 20 : i32
      %swap3A_323 = arith.index_cast %swap3A_322 : i32 to index
      %swap3A_324 = arith.index_cast %mul3A_321 : i32 to index
      %swap3A_325 = tpu.vector_load %arg7[%swap3A_323, %swap3A_324] {strides = array<i32>} : memref<32x1024xf32, #tpu.memory_space<vmem>>, vector<16xf32>,
      tpu.vector_store %arg7[%swap3A_323, %swap3A_324], %gather3A_319 {strides = array<i32>} : memref<32x1024xf32, #tpu.memory_space<vmem>>, vector<16xf32>,
      %add3A_326 = arith.constant 21504 : i32
      %add3A_327 = vector.broadcast %add3A_326 : i32 to vector<16xi32>
      %add3A_328 = arith.addi %get3A_117, %add3A_327 : vector<16xi32>
      %gather3A_329 = tpu.vector_load_idx %arg6[%add3A_328] : memref<32768xf32, #tpu.memory_space<vmem>>[vector<16xi32>], vector<16xf32>,
      %mul3A_330 = arith.constant 16 : i32
      %mul3A_331 = arith.muli %scan3A_114, %mul3A_330 : i32
      %swap3A_332 = arith.constant 21 : i32
      %swap3A_333 = arith.index_cast %swap3A_332 : i32 to index
      %swap3A_334 = arith.index_cast %mul3A_331 : i32 to index
      %swap3A_335 = tpu.vector_load %arg7[%swap3A_333, %swap3A_334] {strides = array<i32>} : memref<32x1024xf32, #tpu.memory_space<vmem>>, vector<16xf32>,
      tpu.vector_store %arg7[%swap3A_333, %swap3A_334], %gather3A_329 {strides = array<i32>} : memref<32x1024xf32, #tpu.memory_space<vmem>>, vector<16xf32>,
      %add3A_336 = arith.constant 22528 : i32
      %add3A_337 = vector.broadcast %add3A_336 : i32 to vector<16xi32>
      %add3A_338 = arith.addi %get3A_117, %add3A_337 : vector<16xi32>
      %gather3A_339 = tpu.vector_load_idx %arg6[%add3A_338] : memref<32768xf32, #tpu.memory_space<vmem>>[vector<16xi32>], vector<16xf32>,
      %mul3A_340 = arith.constant 16 : i32
      %mul3A_341 = arith.muli %scan3A_114, %mul3A_340 : i32
      %swap3A_342 = arith.constant 22 : i32
      %swap3A_343 = arith.index_cast %swap3A_342 : i32 to index
      %swap3A_344 = arith.index_cast %mul3A_341 : i32 to index
      %swap3A_345 = tpu.vector_load %arg7[%swap3A_343, %swap3A_344] {strides = array<i32>} : memref<32x1024xf32, #tpu.memory_space<vmem>>, vector<16xf32>,
      tpu.vector_store %arg7[%swap3A_343, %swap3A_344], %gather3A_339 {strides = array<i32>} : memref<32x1024xf32, #tpu.memory_space<vmem>>, vector<16xf32>,
      %add3A_346 = arith.constant 23552 : i32
      %add3A_347 = vector.broadcast %add3A_346 : i32 to vector<16xi32>
      %add3A_348 = arith.addi %get3A_117, %add3A_347 : vector<16xi32>
      %gather3A_349 = tpu.vector_load_idx %arg6[%add3A_348] : memref<32768xf32, #tpu.memory_space<vmem>>[vector<16xi32>], vector<16xf32>,
      %mul3A_350 = arith.constant 16 : i32
      %mul3A_351 = arith.muli %scan3A_114, %mul3A_350 : i32
      %swap3A_352 = arith.constant 23 : i32
      %swap3A_353 = arith.index_cast %swap3A_352 : i32 to index
      %swap3A_354 = arith.index_cast %mul3A_351 : i32 to index
      %swap3A_355 = tpu.vector_load %arg7[%swap3A_353, %swap3A_354] {strides = array<i32>} : memref<32x1024xf32, #tpu.memory_space<vmem>>, vector<16xf32>,
      tpu.vector_store %arg7[%swap3A_353, %swap3A_354], %gather3A_349 {strides = array<i32>} : memref<32x1024xf32, #tpu.memory_space<vmem>>, vector<16xf32>,
      %add3A_356 = arith.constant 24576 : i32
      %add3A_357 = vector.broadcast %add3A_356 : i32 to vector<16xi32>
      %add3A_358 = arith.addi %get3A_117, %add3A_357 : vector<16xi32>
      %gather3A_359 = tpu.vector_load_idx %arg6[%add3A_358] : memref<32768xf32, #tpu.memory_space<vmem>>[vector<16xi32>], vector<16xf32>,
      %mul3A_360 = arith.constant 16 : i32
      %mul3A_361 = arith.muli %scan3A_114, %mul3A_360 : i32
      %swap3A_362 = arith.constant 24 : i32
      %swap3A_363 = arith.index_cast %swap3A_362 : i32 to index
      %swap3A_364 = arith.index_cast %mul3A_361 : i32 to index
      %swap3A_365 = tpu.vector_load %arg7[%swap3A_363, %swap3A_364] {strides = array<i32>} : memref<32x1024xf32, #tpu.memory_space<vmem>>, vector<16xf32>,
      tpu.vector_store %arg7[%swap3A_363, %swap3A_364], %gather3A_359 {strides = array<i32>} : memref<32x1024xf32, #tpu.memory_space<vmem>>, vector<16xf32>,
      %add3A_366 = arith.constant 25600 : i32
      %add3A_367 = vector.broadcast %add3A_366 : i32 to vector<16xi32>
      %add3A_368 = arith.addi %get3A_117, %add3A_367 : vector<16xi32>
      %gather3A_369 = tpu.vector_load_idx %arg6[%add3A_368] : memref<32768xf32, #tpu.memory_space<vmem>>[vector<16xi32>], vector<16xf32>,
      %mul3A_370 = arith.constant 16 : i32
      %mul3A_371 = arith.muli %scan3A_114, %mul3A_370 : i32
      %swap3A_372 = arith.constant 25 : i32
      %swap3A_373 = arith.index_cast %swap3A_372 : i32 to index
      %swap3A_374 = arith.index_cast %mul3A_371 : i32 to index
      %swap3A_375 = tpu.vector_load %arg7[%swap3A_373, %swap3A_374] {strides = array<i32>} : memref<32x1024xf32, #tpu.memory_space<vmem>>, vector<16xf32>,
      tpu.vector_store %arg7[%swap3A_373, %swap3A_374], %gather3A_369 {strides = array<i32>} : memref<32x1024xf32, #tpu.memory_space<vmem>>, vector<16xf32>,
      %add3A_376 = arith.constant 26624 : i32
      %add3A_377 = vector.broadcast %add3A_376 : i32 to vector<16xi32>
      %add3A_378 = arith.addi %get3A_117, %add3A_377 : vector<16xi32>
      %gather3A_379 = tpu.vector_load_idx %arg6[%add3A_378] : memref<32768xf32, #tpu.memory_space<vmem>>[vector<16xi32>], vector<16xf32>,
      %mul3A_380 = arith.constant 16 : i32
      %mul3A_381 = arith.muli %scan3A_114, %mul3A_380 : i32
      %swap3A_382 = arith.constant 26 : i32
      %swap3A_383 = arith.index_cast %swap3A_382 : i32 to index
      %swap3A_384 = arith.index_cast %mul3A_381 : i32 to index
      %swap3A_385 = tpu.vector_load %arg7[%swap3A_383, %swap3A_384] {strides = array<i32>} : memref<32x1024xf32, #tpu.memory_space<vmem>>, vector<16xf32>,
      tpu.vector_store %arg7[%swap3A_383, %swap3A_384], %gather3A_379 {strides = array<i32>} : memref<32x1024xf32, #tpu.memory_space<vmem>>, vector<16xf32>,
      %add3A_386 = arith.constant 27648 : i32
      %add3A_387 = vector.broadcast %add3A_386 : i32 to vector<16xi32>
      %add3A_388 = arith.addi %get3A_117, %add3A_387 : vector<16xi32>
      %gather3A_389 = tpu.vector_load_idx %arg6[%add3A_388] : memref<32768xf32, #tpu.memory_space<vmem>>[vector<16xi32>], vector<16xf32>,
      %mul3A_390 = arith.constant 16 : i32
      %mul3A_391 = arith.muli %scan3A_114, %mul3A_390 : i32
      %swap3A_392 = arith.constant 27 : i32
      %swap3A_393 = arith.index_cast %swap3A_392 : i32 to index
      %swap3A_394 = arith.index_cast %mul3A_391 : i32 to index
      %swap3A_395 = tpu.vector_load %arg7[%swap3A_393, %swap3A_394] {strides = array<i32>} : memref<32x1024xf32, #tpu.memory_space<vmem>>, vector<16xf32>,
      tpu.vector_store %arg7[%swap3A_393, %swap3A_394], %gather3A_389 {strides = array<i32>} : memref<32x1024xf32, #tpu.memory_space<vmem>>, vector<16xf32>,
      %add3A_396 = arith.constant 28672 : i32
      %add3A_397 = vector.broadcast %add3A_396 : i32 to vector<16xi32>
      %add3A_398 = arith.addi %get3A_117, %add3A_397 : vector<16xi32>
      %gather3A_399 = tpu.vector_load_idx %arg6[%add3A_398] : memref<32768xf32, #tpu.memory_space<vmem>>[vector<16xi32>], vector<16xf32>,
      %mul3A_400 = arith.constant 16 : i32
      %mul3A_401 = arith.muli %scan3A_114, %mul3A_400 : i32
      %swap3A_402 = arith.constant 28 : i32
      %swap3A_403 = arith.index_cast %swap3A_402 : i32 to index
      %swap3A_404 = arith.index_cast %mul3A_401 : i32 to index
      %swap3A_405 = tpu.vector_load %arg7[%swap3A_403, %swap3A_404] {strides = array<i32>} : memref<32x1024xf32, #tpu.memory_space<vmem>>, vector<16xf32>,
      tpu.vector_store %arg7[%swap3A_403, %swap3A_404], %gather3A_399 {strides = array<i32>} : memref<32x1024xf32, #tpu.memory_space<vmem>>, vector<16xf32>,
      %add3A_406 = arith.constant 29696 : i32
      %add3A_407 = vector.broadcast %add3A_406 : i32 to vector<16xi32>
      %add3A_408 = arith.addi %get3A_117, %add3A_407 : vector<16xi32>
      %gather3A_409 = tpu.vector_load_idx %arg6[%add3A_408] : memref<32768xf32, #tpu.memory_space<vmem>>[vector<16xi32>], vector<16xf32>,
      %mul3A_410 = arith.constant 16 : i32
      %mul3A_411 = arith.muli %scan3A_114, %mul3A_410 : i32
      %swap3A_412 = arith.constant 29 : i32
      %swap3A_413 = arith.index_cast %swap3A_412 : i32 to index
      %swap3A_414 = arith.index_cast %mul3A_411 : i32 to index
      %swap3A_415 = tpu.vector_load %arg7[%swap3A_413, %swap3A_414] {strides = array<i32>} : memref<32x1024xf32, #tpu.memory_space<vmem>>, vector<16xf32>,
      tpu.vector_store %arg7[%swap3A_413, %swap3A_414], %gather3A_409 {strides = array<i32>} : memref<32x1024xf32, #tpu.memory_space<vmem>>, vector<16xf32>,
      %add3A_416 = arith.constant 30720 : i32
      %add3A_417 = vector.broadcast %add3A_416 : i32 to vector<16xi32>
      %add3A_418 = arith.addi %get3A_117, %add3A_417 : vector<16xi32>
      %gather3A_419 = tpu.vector_load_idx %arg6[%add3A_418] : memref<32768xf32, #tpu.memory_space<vmem>>[vector<16xi32>], vector<16xf32>,
      %mul3A_420 = arith.constant 16 : i32
      %mul3A_421 = arith.muli %scan3A_114, %mul3A_420 : i32
      %swap3A_422 = arith.constant 30 : i32
      %swap3A_423 = arith.index_cast %swap3A_422 : i32 to index
      %swap3A_424 = arith.index_cast %mul3A_421 : i32 to index
      %swap3A_425 = tpu.vector_load %arg7[%swap3A_423, %swap3A_424] {strides = array<i32>} : memref<32x1024xf32, #tpu.memory_space<vmem>>, vector<16xf32>,
      tpu.vector_store %arg7[%swap3A_423, %swap3A_424], %gather3A_419 {strides = array<i32>} : memref<32x1024xf32, #tpu.memory_space<vmem>>, vector<16xf32>,
      %add3A_426 = arith.constant 31744 : i32
      %add3A_427 = vector.broadcast %add3A_426 : i32 to vector<16xi32>
      %add3A_428 = arith.addi %get3A_117, %add3A_427 : vector<16xi32>
      %gather3A_429 = tpu.vector_load_idx %arg6[%add3A_428] : memref<32768xf32, #tpu.memory_space<vmem>>[vector<16xi32>], vector<16xf32>,
      %mul3A_430 = arith.constant 16 : i32
      %mul3A_431 = arith.muli %scan3A_114, %mul3A_430 : i32
      %swap3A_432 = arith.constant 31 : i32
      %swap3A_433 = arith.index_cast %swap3A_432 : i32 to index
      %swap3A_434 = arith.index_cast %mul3A_431 : i32 to index
      %swap3A_435 = tpu.vector_load %arg7[%swap3A_433, %swap3A_434] {strides = array<i32>} : memref<32x1024xf32, #tpu.memory_space<vmem>>, vector<16xf32>,
      tpu.vector_store %arg7[%swap3A_433, %swap3A_434], %gather3A_429 {strides = array<i32>} : memref<32x1024xf32, #tpu.memory_space<vmem>>, vector<16xf32>,
    }
    %scan3A_49 = arith.constant 64 : i32
    %mul3A_50 = arith.constant 256 : i32
    %mul3A_51 = arith.muli %select_n3A, %mul3A_50 : i32
    %add3A_52 = arith.constant 32 : i32
    %add3A_53 = arith.addi %mul3A_51, %add3A_52 : i32
    "tpu.region"() ({
      %run_scoped3A = tpu.sem_alloc : memref<!tpu.dma_semaphore, #tpu.memory_space<semaphore_mem>>
      %dma_start3A = tpu.memref_slice %arg4[%add3A_53, %mul3A_34] : memref<1024x8192xf32, #tpu.memory_space<hbm>> -> memref<32x1024xf32, #tpu.memory_space<hbm>>
      %dma_start3A_114 = tpu.memref_slice %arg4[%add3A_53, %mul3A_34] : memref<1024x8192xf32, #tpu.memory_space<hbm>> -> memref<32x1024xf32, #tpu.memory_space<hbm>>
      tpu.enqueue_dma source(%arg7 : memref<32x1024xf32, #tpu.memory_space<vmem>>) target(%dma_start3A_114 : memref<32x1024xf32, #tpu.memory_space<hbm>>) target_semaphore(%run_scoped3A : memref<!tpu.dma_semaphore, #tpu.memory_space<semaphore_mem>>)
      %dma_wait3A = tpu.memref_slice %arg4[%add3A_53, %mul3A_34] : memref<1024x8192xf32, #tpu.memory_space<hbm>> -> memref<32x1024xf32, #tpu.memory_space<hbm>>
      %dma_wait3A_115 = tpu.memref_slice %arg4[%add3A_53, %mul3A_34] : memref<1024x8192xf32, #tpu.memory_space<hbm>> -> memref<32x1024xf32, #tpu.memory_space<hbm>>
      tpu.wait_dma2 semaphore(%run_scoped3A : memref<!tpu.dma_semaphore, #tpu.memory_space<semaphore_mem>>) src(%arg7 : memref<32x1024xf32, #tpu.memory_space<vmem>>) dst(%dma_wait3A_115 : memref<32x1024xf32, #tpu.memory_space<hbm>>)
      tpu.yield
    }) : () -> ()
    "tpu.region"() ({
      %run_scoped3A = tpu.sem_alloc : memref<!tpu.dma_semaphore, #tpu.memory_space<semaphore_mem>>
      %dma_start3A = arith.constant 65536 : i32
      %dma_start3A_114 = tpu.memref_slice %arg2[%dma_start3A] : memref<262144xf32, #tpu.memory_space<hbm>> -> memref<32768xf32, #tpu.memory_space<hbm>>
      %dma_start3A_115 = arith.constant 65536 : i32
      %dma_start3A_116 = tpu.memref_slice %arg2[%dma_start3A_115] : memref<262144xf32, #tpu.memory_space<hbm>> -> memref<32768xf32, #tpu.memory_space<hbm>>
      tpu.enqueue_dma source(%dma_start3A_116 : memref<32768xf32, #tpu.memory_space<hbm>>) target(%arg6 : memref<32768xf32, #tpu.memory_space<vmem>>) target_semaphore(%run_scoped3A : memref<!tpu.dma_semaphore, #tpu.memory_space<semaphore_mem>>)
      %dma_wait3A = arith.constant 65536 : i32
      %dma_wait3A_117 = tpu.memref_slice %arg2[%dma_wait3A] : memref<262144xf32, #tpu.memory_space<hbm>> -> memref<32768xf32, #tpu.memory_space<hbm>>
      %dma_wait3A_118 = arith.constant 65536 : i32
      %dma_wait3A_119 = tpu.memref_slice %arg2[%dma_wait3A_118] : memref<262144xf32, #tpu.memory_space<hbm>> -> memref<32768xf32, #tpu.memory_space<hbm>>
      tpu.wait_dma2 semaphore(%run_scoped3A : memref<!tpu.dma_semaphore, #tpu.memory_space<semaphore_mem>>) src(%dma_wait3A_119 : memref<32768xf32, #tpu.memory_space<hbm>>) dst(%arg6 : memref<32768xf32, #tpu.memory_space<vmem>>)
      tpu.yield
    }) : () -> ()
    %scan3A_54 = arith.constant 0 : i32
    %scan3A_55 = arith.constant 0 : i32
    %scan3A_56 = arith.constant 64 : i32
    %scan3A_57 = arith.addi %scan3A_55, %scan3A_56 : i32
    %scan3A_58 = arith.constant 1 : i32
    scf.for %scan3A_114 = %scan3A_55 to %scan3A_57 step %scan3A_58  : i32 {
      %mul3A_115 = arith.constant 16 : i32
      %mul3A_116 = arith.muli %scan3A_114, %mul3A_115 : i32
      %get3A = arith.index_cast %mul3A_116 : i32 to index
      %get3A_117 = tpu.vector_load %arg5[%get3A] {strides = array<i32>} : memref<1024xi32, #tpu.memory_space<vmem>>, vector<16xi32>,
      %add3A_118 = arith.constant 0 : i32
      %add3A_119 = vector.broadcast %add3A_118 : i32 to vector<16xi32>
      %add3A_120 = arith.addi %get3A_117, %add3A_119 : vector<16xi32>
      %gather3A = tpu.vector_load_idx %arg6[%add3A_120] : memref<32768xf32, #tpu.memory_space<vmem>>[vector<16xi32>], vector<16xf32>,
      %mul3A_121 = arith.constant 16 : i32
      %mul3A_122 = arith.muli %scan3A_114, %mul3A_121 : i32
      %swap3A = arith.constant 0 : i32
      %swap3A_123 = arith.index_cast %swap3A : i32 to index
      %swap3A_124 = arith.index_cast %mul3A_122 : i32 to index
      %swap3A_125 = tpu.vector_load %arg7[%swap3A_123, %swap3A_124] {strides = array<i32>} : memref<32x1024xf32, #tpu.memory_space<vmem>>, vector<16xf32>,
      tpu.vector_store %arg7[%swap3A_123, %swap3A_124], %gather3A {strides = array<i32>} : memref<32x1024xf32, #tpu.memory_space<vmem>>, vector<16xf32>,
      %add3A_126 = arith.constant 1024 : i32
      %add3A_127 = vector.broadcast %add3A_126 : i32 to vector<16xi32>
      %add3A_128 = arith.addi %get3A_117, %add3A_127 : vector<16xi32>
      %gather3A_129 = tpu.vector_load_idx %arg6[%add3A_128] : memref<32768xf32, #tpu.memory_space<vmem>>[vector<16xi32>], vector<16xf32>,
      %mul3A_130 = arith.constant 16 : i32
      %mul3A_131 = arith.muli %scan3A_114, %mul3A_130 : i32
      %swap3A_132 = arith.constant 1 : i32
      %swap3A_133 = arith.index_cast %swap3A_132 : i32 to index
      %swap3A_134 = arith.index_cast %mul3A_131 : i32 to index
      %swap3A_135 = tpu.vector_load %arg7[%swap3A_133, %swap3A_134] {strides = array<i32>} : memref<32x1024xf32, #tpu.memory_space<vmem>>, vector<16xf32>,
      tpu.vector_store %arg7[%swap3A_133, %swap3A_134], %gather3A_129 {strides = array<i32>} : memref<32x1024xf32, #tpu.memory_space<vmem>>, vector<16xf32>,
      %add3A_136 = arith.constant 2048 : i32
      %add3A_137 = vector.broadcast %add3A_136 : i32 to vector<16xi32>
      %add3A_138 = arith.addi %get3A_117, %add3A_137 : vector<16xi32>
      %gather3A_139 = tpu.vector_load_idx %arg6[%add3A_138] : memref<32768xf32, #tpu.memory_space<vmem>>[vector<16xi32>], vector<16xf32>,
      %mul3A_140 = arith.constant 16 : i32
      %mul3A_141 = arith.muli %scan3A_114, %mul3A_140 : i32
      %swap3A_142 = arith.constant 2 : i32
      %swap3A_143 = arith.index_cast %swap3A_142 : i32 to index
      %swap3A_144 = arith.index_cast %mul3A_141 : i32 to index
      %swap3A_145 = tpu.vector_load %arg7[%swap3A_143, %swap3A_144] {strides = array<i32>} : memref<32x1024xf32, #tpu.memory_space<vmem>>, vector<16xf32>,
      tpu.vector_store %arg7[%swap3A_143, %swap3A_144], %gather3A_139 {strides = array<i32>} : memref<32x1024xf32, #tpu.memory_space<vmem>>, vector<16xf32>,
      %add3A_146 = arith.constant 3072 : i32
      %add3A_147 = vector.broadcast %add3A_146 : i32 to vector<16xi32>
      %add3A_148 = arith.addi %get3A_117, %add3A_147 : vector<16xi32>
      %gather3A_149 = tpu.vector_load_idx %arg6[%add3A_148] : memref<32768xf32, #tpu.memory_space<vmem>>[vector<16xi32>], vector<16xf32>,
      %mul3A_150 = arith.constant 16 : i32
      %mul3A_151 = arith.muli %scan3A_114, %mul3A_150 : i32
      %swap3A_152 = arith.constant 3 : i32
      %swap3A_153 = arith.index_cast %swap3A_152 : i32 to index
      %swap3A_154 = arith.index_cast %mul3A_151 : i32 to index
      %swap3A_155 = tpu.vector_load %arg7[%swap3A_153, %swap3A_154] {strides = array<i32>} : memref<32x1024xf32, #tpu.memory_space<vmem>>, vector<16xf32>,
      tpu.vector_store %arg7[%swap3A_153, %swap3A_154], %gather3A_149 {strides = array<i32>} : memref<32x1024xf32, #tpu.memory_space<vmem>>, vector<16xf32>,
      %add3A_156 = arith.constant 4096 : i32
      %add3A_157 = vector.broadcast %add3A_156 : i32 to vector<16xi32>
      %add3A_158 = arith.addi %get3A_117, %add3A_157 : vector<16xi32>
      %gather3A_159 = tpu.vector_load_idx %arg6[%add3A_158] : memref<32768xf32, #tpu.memory_space<vmem>>[vector<16xi32>], vector<16xf32>,
      %mul3A_160 = arith.constant 16 : i32
      %mul3A_161 = arith.muli %scan3A_114, %mul3A_160 : i32
      %swap3A_162 = arith.constant 4 : i32
      %swap3A_163 = arith.index_cast %swap3A_162 : i32 to index
      %swap3A_164 = arith.index_cast %mul3A_161 : i32 to index
      %swap3A_165 = tpu.vector_load %arg7[%swap3A_163, %swap3A_164] {strides = array<i32>} : memref<32x1024xf32, #tpu.memory_space<vmem>>, vector<16xf32>,
      tpu.vector_store %arg7[%swap3A_163, %swap3A_164], %gather3A_159 {strides = array<i32>} : memref<32x1024xf32, #tpu.memory_space<vmem>>, vector<16xf32>,
      %add3A_166 = arith.constant 5120 : i32
      %add3A_167 = vector.broadcast %add3A_166 : i32 to vector<16xi32>
      %add3A_168 = arith.addi %get3A_117, %add3A_167 : vector<16xi32>
      %gather3A_169 = tpu.vector_load_idx %arg6[%add3A_168] : memref<32768xf32, #tpu.memory_space<vmem>>[vector<16xi32>], vector<16xf32>,
      %mul3A_170 = arith.constant 16 : i32
      %mul3A_171 = arith.muli %scan3A_114, %mul3A_170 : i32
      %swap3A_172 = arith.constant 5 : i32
      %swap3A_173 = arith.index_cast %swap3A_172 : i32 to index
      %swap3A_174 = arith.index_cast %mul3A_171 : i32 to index
      %swap3A_175 = tpu.vector_load %arg7[%swap3A_173, %swap3A_174] {strides = array<i32>} : memref<32x1024xf32, #tpu.memory_space<vmem>>, vector<16xf32>,
      tpu.vector_store %arg7[%swap3A_173, %swap3A_174], %gather3A_169 {strides = array<i32>} : memref<32x1024xf32, #tpu.memory_space<vmem>>, vector<16xf32>,
      %add3A_176 = arith.constant 6144 : i32
      %add3A_177 = vector.broadcast %add3A_176 : i32 to vector<16xi32>
      %add3A_178 = arith.addi %get3A_117, %add3A_177 : vector<16xi32>
      %gather3A_179 = tpu.vector_load_idx %arg6[%add3A_178] : memref<32768xf32, #tpu.memory_space<vmem>>[vector<16xi32>], vector<16xf32>,
      %mul3A_180 = arith.constant 16 : i32
      %mul3A_181 = arith.muli %scan3A_114, %mul3A_180 : i32
      %swap3A_182 = arith.constant 6 : i32
      %swap3A_183 = arith.index_cast %swap3A_182 : i32 to index
      %swap3A_184 = arith.index_cast %mul3A_181 : i32 to index
      %swap3A_185 = tpu.vector_load %arg7[%swap3A_183, %swap3A_184] {strides = array<i32>} : memref<32x1024xf32, #tpu.memory_space<vmem>>, vector<16xf32>,
      tpu.vector_store %arg7[%swap3A_183, %swap3A_184], %gather3A_179 {strides = array<i32>} : memref<32x1024xf32, #tpu.memory_space<vmem>>, vector<16xf32>,
      %add3A_186 = arith.constant 7168 : i32
      %add3A_187 = vector.broadcast %add3A_186 : i32 to vector<16xi32>
      %add3A_188 = arith.addi %get3A_117, %add3A_187 : vector<16xi32>
      %gather3A_189 = tpu.vector_load_idx %arg6[%add3A_188] : memref<32768xf32, #tpu.memory_space<vmem>>[vector<16xi32>], vector<16xf32>,
      %mul3A_190 = arith.constant 16 : i32
      %mul3A_191 = arith.muli %scan3A_114, %mul3A_190 : i32
      %swap3A_192 = arith.constant 7 : i32
      %swap3A_193 = arith.index_cast %swap3A_192 : i32 to index
      %swap3A_194 = arith.index_cast %mul3A_191 : i32 to index
      %swap3A_195 = tpu.vector_load %arg7[%swap3A_193, %swap3A_194] {strides = array<i32>} : memref<32x1024xf32, #tpu.memory_space<vmem>>, vector<16xf32>,
      tpu.vector_store %arg7[%swap3A_193, %swap3A_194], %gather3A_189 {strides = array<i32>} : memref<32x1024xf32, #tpu.memory_space<vmem>>, vector<16xf32>,
      %add3A_196 = arith.constant 8192 : i32
      %add3A_197 = vector.broadcast %add3A_196 : i32 to vector<16xi32>
      %add3A_198 = arith.addi %get3A_117, %add3A_197 : vector<16xi32>
      %gather3A_199 = tpu.vector_load_idx %arg6[%add3A_198] : memref<32768xf32, #tpu.memory_space<vmem>>[vector<16xi32>], vector<16xf32>,
      %mul3A_200 = arith.constant 16 : i32
      %mul3A_201 = arith.muli %scan3A_114, %mul3A_200 : i32
      %swap3A_202 = arith.constant 8 : i32
      %swap3A_203 = arith.index_cast %swap3A_202 : i32 to index
      %swap3A_204 = arith.index_cast %mul3A_201 : i32 to index
      %swap3A_205 = tpu.vector_load %arg7[%swap3A_203, %swap3A_204] {strides = array<i32>} : memref<32x1024xf32, #tpu.memory_space<vmem>>, vector<16xf32>,
      tpu.vector_store %arg7[%swap3A_203, %swap3A_204], %gather3A_199 {strides = array<i32>} : memref<32x1024xf32, #tpu.memory_space<vmem>>, vector<16xf32>,
      %add3A_206 = arith.constant 9216 : i32
      %add3A_207 = vector.broadcast %add3A_206 : i32 to vector<16xi32>
      %add3A_208 = arith.addi %get3A_117, %add3A_207 : vector<16xi32>
      %gather3A_209 = tpu.vector_load_idx %arg6[%add3A_208] : memref<32768xf32, #tpu.memory_space<vmem>>[vector<16xi32>], vector<16xf32>,
      %mul3A_210 = arith.constant 16 : i32
      %mul3A_211 = arith.muli %scan3A_114, %mul3A_210 : i32
      %swap3A_212 = arith.constant 9 : i32
      %swap3A_213 = arith.index_cast %swap3A_212 : i32 to index
      %swap3A_214 = arith.index_cast %mul3A_211 : i32 to index
      %swap3A_215 = tpu.vector_load %arg7[%swap3A_213, %swap3A_214] {strides = array<i32>} : memref<32x1024xf32, #tpu.memory_space<vmem>>, vector<16xf32>,
      tpu.vector_store %arg7[%swap3A_213, %swap3A_214], %gather3A_209 {strides = array<i32>} : memref<32x1024xf32, #tpu.memory_space<vmem>>, vector<16xf32>,
      %add3A_216 = arith.constant 10240 : i32
      %add3A_217 = vector.broadcast %add3A_216 : i32 to vector<16xi32>
      %add3A_218 = arith.addi %get3A_117, %add3A_217 : vector<16xi32>
      %gather3A_219 = tpu.vector_load_idx %arg6[%add3A_218] : memref<32768xf32, #tpu.memory_space<vmem>>[vector<16xi32>], vector<16xf32>,
      %mul3A_220 = arith.constant 16 : i32
      %mul3A_221 = arith.muli %scan3A_114, %mul3A_220 : i32
      %swap3A_222 = arith.constant 10 : i32
      %swap3A_223 = arith.index_cast %swap3A_222 : i32 to index
      %swap3A_224 = arith.index_cast %mul3A_221 : i32 to index
      %swap3A_225 = tpu.vector_load %arg7[%swap3A_223, %swap3A_224] {strides = array<i32>} : memref<32x1024xf32, #tpu.memory_space<vmem>>, vector<16xf32>,
      tpu.vector_store %arg7[%swap3A_223, %swap3A_224], %gather3A_219 {strides = array<i32>} : memref<32x1024xf32, #tpu.memory_space<vmem>>, vector<16xf32>,
      %add3A_226 = arith.constant 11264 : i32
      %add3A_227 = vector.broadcast %add3A_226 : i32 to vector<16xi32>
      %add3A_228 = arith.addi %get3A_117, %add3A_227 : vector<16xi32>
      %gather3A_229 = tpu.vector_load_idx %arg6[%add3A_228] : memref<32768xf32, #tpu.memory_space<vmem>>[vector<16xi32>], vector<16xf32>,
      %mul3A_230 = arith.constant 16 : i32
      %mul3A_231 = arith.muli %scan3A_114, %mul3A_230 : i32
      %swap3A_232 = arith.constant 11 : i32
      %swap3A_233 = arith.index_cast %swap3A_232 : i32 to index
      %swap3A_234 = arith.index_cast %mul3A_231 : i32 to index
      %swap3A_235 = tpu.vector_load %arg7[%swap3A_233, %swap3A_234] {strides = array<i32>} : memref<32x1024xf32, #tpu.memory_space<vmem>>, vector<16xf32>,
      tpu.vector_store %arg7[%swap3A_233, %swap3A_234], %gather3A_229 {strides = array<i32>} : memref<32x1024xf32, #tpu.memory_space<vmem>>, vector<16xf32>,
      %add3A_236 = arith.constant 12288 : i32
      %add3A_237 = vector.broadcast %add3A_236 : i32 to vector<16xi32>
      %add3A_238 = arith.addi %get3A_117, %add3A_237 : vector<16xi32>
      %gather3A_239 = tpu.vector_load_idx %arg6[%add3A_238] : memref<32768xf32, #tpu.memory_space<vmem>>[vector<16xi32>], vector<16xf32>,
      %mul3A_240 = arith.constant 16 : i32
      %mul3A_241 = arith.muli %scan3A_114, %mul3A_240 : i32
      %swap3A_242 = arith.constant 12 : i32
      %swap3A_243 = arith.index_cast %swap3A_242 : i32 to index
      %swap3A_244 = arith.index_cast %mul3A_241 : i32 to index
      %swap3A_245 = tpu.vector_load %arg7[%swap3A_243, %swap3A_244] {strides = array<i32>} : memref<32x1024xf32, #tpu.memory_space<vmem>>, vector<16xf32>,
      tpu.vector_store %arg7[%swap3A_243, %swap3A_244], %gather3A_239 {strides = array<i32>} : memref<32x1024xf32, #tpu.memory_space<vmem>>, vector<16xf32>,
      %add3A_246 = arith.constant 13312 : i32
      %add3A_247 = vector.broadcast %add3A_246 : i32 to vector<16xi32>
      %add3A_248 = arith.addi %get3A_117, %add3A_247 : vector<16xi32>
      %gather3A_249 = tpu.vector_load_idx %arg6[%add3A_248] : memref<32768xf32, #tpu.memory_space<vmem>>[vector<16xi32>], vector<16xf32>,
      %mul3A_250 = arith.constant 16 : i32
      %mul3A_251 = arith.muli %scan3A_114, %mul3A_250 : i32
      %swap3A_252 = arith.constant 13 : i32
      %swap3A_253 = arith.index_cast %swap3A_252 : i32 to index
      %swap3A_254 = arith.index_cast %mul3A_251 : i32 to index
      %swap3A_255 = tpu.vector_load %arg7[%swap3A_253, %swap3A_254] {strides = array<i32>} : memref<32x1024xf32, #tpu.memory_space<vmem>>, vector<16xf32>,
      tpu.vector_store %arg7[%swap3A_253, %swap3A_254], %gather3A_249 {strides = array<i32>} : memref<32x1024xf32, #tpu.memory_space<vmem>>, vector<16xf32>,
      %add3A_256 = arith.constant 14336 : i32
      %add3A_257 = vector.broadcast %add3A_256 : i32 to vector<16xi32>
      %add3A_258 = arith.addi %get3A_117, %add3A_257 : vector<16xi32>
      %gather3A_259 = tpu.vector_load_idx %arg6[%add3A_258] : memref<32768xf32, #tpu.memory_space<vmem>>[vector<16xi32>], vector<16xf32>,
      %mul3A_260 = arith.constant 16 : i32
      %mul3A_261 = arith.muli %scan3A_114, %mul3A_260 : i32
      %swap3A_262 = arith.constant 14 : i32
      %swap3A_263 = arith.index_cast %swap3A_262 : i32 to index
      %swap3A_264 = arith.index_cast %mul3A_261 : i32 to index
      %swap3A_265 = tpu.vector_load %arg7[%swap3A_263, %swap3A_264] {strides = array<i32>} : memref<32x1024xf32, #tpu.memory_space<vmem>>, vector<16xf32>,
      tpu.vector_store %arg7[%swap3A_263, %swap3A_264], %gather3A_259 {strides = array<i32>} : memref<32x1024xf32, #tpu.memory_space<vmem>>, vector<16xf32>,
      %add3A_266 = arith.constant 15360 : i32
      %add3A_267 = vector.broadcast %add3A_266 : i32 to vector<16xi32>
      %add3A_268 = arith.addi %get3A_117, %add3A_267 : vector<16xi32>
      %gather3A_269 = tpu.vector_load_idx %arg6[%add3A_268] : memref<32768xf32, #tpu.memory_space<vmem>>[vector<16xi32>], vector<16xf32>,
      %mul3A_270 = arith.constant 16 : i32
      %mul3A_271 = arith.muli %scan3A_114, %mul3A_270 : i32
      %swap3A_272 = arith.constant 15 : i32
      %swap3A_273 = arith.index_cast %swap3A_272 : i32 to index
      %swap3A_274 = arith.index_cast %mul3A_271 : i32 to index
      %swap3A_275 = tpu.vector_load %arg7[%swap3A_273, %swap3A_274] {strides = array<i32>} : memref<32x1024xf32, #tpu.memory_space<vmem>>, vector<16xf32>,
      tpu.vector_store %arg7[%swap3A_273, %swap3A_274], %gather3A_269 {strides = array<i32>} : memref<32x1024xf32, #tpu.memory_space<vmem>>, vector<16xf32>,
      %add3A_276 = arith.constant 16384 : i32
      %add3A_277 = vector.broadcast %add3A_276 : i32 to vector<16xi32>
      %add3A_278 = arith.addi %get3A_117, %add3A_277 : vector<16xi32>
      %gather3A_279 = tpu.vector_load_idx %arg6[%add3A_278] : memref<32768xf32, #tpu.memory_space<vmem>>[vector<16xi32>], vector<16xf32>,
      %mul3A_280 = arith.constant 16 : i32
      %mul3A_281 = arith.muli %scan3A_114, %mul3A_280 : i32
      %swap3A_282 = arith.constant 16 : i32
      %swap3A_283 = arith.index_cast %swap3A_282 : i32 to index
      %swap3A_284 = arith.index_cast %mul3A_281 : i32 to index
      %swap3A_285 = tpu.vector_load %arg7[%swap3A_283, %swap3A_284] {strides = array<i32>} : memref<32x1024xf32, #tpu.memory_space<vmem>>, vector<16xf32>,
      tpu.vector_store %arg7[%swap3A_283, %swap3A_284], %gather3A_279 {strides = array<i32>} : memref<32x1024xf32, #tpu.memory_space<vmem>>, vector<16xf32>,
      %add3A_286 = arith.constant 17408 : i32
      %add3A_287 = vector.broadcast %add3A_286 : i32 to vector<16xi32>
      %add3A_288 = arith.addi %get3A_117, %add3A_287 : vector<16xi32>
      %gather3A_289 = tpu.vector_load_idx %arg6[%add3A_288] : memref<32768xf32, #tpu.memory_space<vmem>>[vector<16xi32>], vector<16xf32>,
      %mul3A_290 = arith.constant 16 : i32
      %mul3A_291 = arith.muli %scan3A_114, %mul3A_290 : i32
      %swap3A_292 = arith.constant 17 : i32
      %swap3A_293 = arith.index_cast %swap3A_292 : i32 to index
      %swap3A_294 = arith.index_cast %mul3A_291 : i32 to index
      %swap3A_295 = tpu.vector_load %arg7[%swap3A_293, %swap3A_294] {strides = array<i32>} : memref<32x1024xf32, #tpu.memory_space<vmem>>, vector<16xf32>,
      tpu.vector_store %arg7[%swap3A_293, %swap3A_294], %gather3A_289 {strides = array<i32>} : memref<32x1024xf32, #tpu.memory_space<vmem>>, vector<16xf32>,
      %add3A_296 = arith.constant 18432 : i32
      %add3A_297 = vector.broadcast %add3A_296 : i32 to vector<16xi32>
      %add3A_298 = arith.addi %get3A_117, %add3A_297 : vector<16xi32>
      %gather3A_299 = tpu.vector_load_idx %arg6[%add3A_298] : memref<32768xf32, #tpu.memory_space<vmem>>[vector<16xi32>], vector<16xf32>,
      %mul3A_300 = arith.constant 16 : i32
      %mul3A_301 = arith.muli %scan3A_114, %mul3A_300 : i32
      %swap3A_302 = arith.constant 18 : i32
      %swap3A_303 = arith.index_cast %swap3A_302 : i32 to index
      %swap3A_304 = arith.index_cast %mul3A_301 : i32 to index
      %swap3A_305 = tpu.vector_load %arg7[%swap3A_303, %swap3A_304] {strides = array<i32>} : memref<32x1024xf32, #tpu.memory_space<vmem>>, vector<16xf32>,
      tpu.vector_store %arg7[%swap3A_303, %swap3A_304], %gather3A_299 {strides = array<i32>} : memref<32x1024xf32, #tpu.memory_space<vmem>>, vector<16xf32>,
      %add3A_306 = arith.constant 19456 : i32
      %add3A_307 = vector.broadcast %add3A_306 : i32 to vector<16xi32>
      %add3A_308 = arith.addi %get3A_117, %add3A_307 : vector<16xi32>
      %gather3A_309 = tpu.vector_load_idx %arg6[%add3A_308] : memref<32768xf32, #tpu.memory_space<vmem>>[vector<16xi32>], vector<16xf32>,
      %mul3A_310 = arith.constant 16 : i32
      %mul3A_311 = arith.muli %scan3A_114, %mul3A_310 : i32
      %swap3A_312 = arith.constant 19 : i32
      %swap3A_313 = arith.index_cast %swap3A_312 : i32 to index
      %swap3A_314 = arith.index_cast %mul3A_311 : i32 to index
      %swap3A_315 = tpu.vector_load %arg7[%swap3A_313, %swap3A_314] {strides = array<i32>} : memref<32x1024xf32, #tpu.memory_space<vmem>>, vector<16xf32>,
      tpu.vector_store %arg7[%swap3A_313, %swap3A_314], %gather3A_309 {strides = array<i32>} : memref<32x1024xf32, #tpu.memory_space<vmem>>, vector<16xf32>,
      %add3A_316 = arith.constant 20480 : i32
      %add3A_317 = vector.broadcast %add3A_316 : i32 to vector<16xi32>
      %add3A_318 = arith.addi %get3A_117, %add3A_317 : vector<16xi32>
      %gather3A_319 = tpu.vector_load_idx %arg6[%add3A_318] : memref<32768xf32, #tpu.memory_space<vmem>>[vector<16xi32>], vector<16xf32>,
      %mul3A_320 = arith.constant 16 : i32
      %mul3A_321 = arith.muli %scan3A_114, %mul3A_320 : i32
      %swap3A_322 = arith.constant 20 : i32
      %swap3A_323 = arith.index_cast %swap3A_322 : i32 to index
      %swap3A_324 = arith.index_cast %mul3A_321 : i32 to index
      %swap3A_325 = tpu.vector_load %arg7[%swap3A_323, %swap3A_324] {strides = array<i32>} : memref<32x1024xf32, #tpu.memory_space<vmem>>, vector<16xf32>,
      tpu.vector_store %arg7[%swap3A_323, %swap3A_324], %gather3A_319 {strides = array<i32>} : memref<32x1024xf32, #tpu.memory_space<vmem>>, vector<16xf32>,
      %add3A_326 = arith.constant 21504 : i32
      %add3A_327 = vector.broadcast %add3A_326 : i32 to vector<16xi32>
      %add3A_328 = arith.addi %get3A_117, %add3A_327 : vector<16xi32>
      %gather3A_329 = tpu.vector_load_idx %arg6[%add3A_328] : memref<32768xf32, #tpu.memory_space<vmem>>[vector<16xi32>], vector<16xf32>,
      %mul3A_330 = arith.constant 16 : i32
      %mul3A_331 = arith.muli %scan3A_114, %mul3A_330 : i32
      %swap3A_332 = arith.constant 21 : i32
      %swap3A_333 = arith.index_cast %swap3A_332 : i32 to index
      %swap3A_334 = arith.index_cast %mul3A_331 : i32 to index
      %swap3A_335 = tpu.vector_load %arg7[%swap3A_333, %swap3A_334] {strides = array<i32>} : memref<32x1024xf32, #tpu.memory_space<vmem>>, vector<16xf32>,
      tpu.vector_store %arg7[%swap3A_333, %swap3A_334], %gather3A_329 {strides = array<i32>} : memref<32x1024xf32, #tpu.memory_space<vmem>>, vector<16xf32>,
      %add3A_336 = arith.constant 22528 : i32
      %add3A_337 = vector.broadcast %add3A_336 : i32 to vector<16xi32>
      %add3A_338 = arith.addi %get3A_117, %add3A_337 : vector<16xi32>
      %gather3A_339 = tpu.vector_load_idx %arg6[%add3A_338] : memref<32768xf32, #tpu.memory_space<vmem>>[vector<16xi32>], vector<16xf32>,
      %mul3A_340 = arith.constant 16 : i32
      %mul3A_341 = arith.muli %scan3A_114, %mul3A_340 : i32
      %swap3A_342 = arith.constant 22 : i32
      %swap3A_343 = arith.index_cast %swap3A_342 : i32 to index
      %swap3A_344 = arith.index_cast %mul3A_341 : i32 to index
      %swap3A_345 = tpu.vector_load %arg7[%swap3A_343, %swap3A_344] {strides = array<i32>} : memref<32x1024xf32, #tpu.memory_space<vmem>>, vector<16xf32>,
      tpu.vector_store %arg7[%swap3A_343, %swap3A_344], %gather3A_339 {strides = array<i32>} : memref<32x1024xf32, #tpu.memory_space<vmem>>, vector<16xf32>,
      %add3A_346 = arith.constant 23552 : i32
      %add3A_347 = vector.broadcast %add3A_346 : i32 to vector<16xi32>
      %add3A_348 = arith.addi %get3A_117, %add3A_347 : vector<16xi32>
      %gather3A_349 = tpu.vector_load_idx %arg6[%add3A_348] : memref<32768xf32, #tpu.memory_space<vmem>>[vector<16xi32>], vector<16xf32>,
      %mul3A_350 = arith.constant 16 : i32
      %mul3A_351 = arith.muli %scan3A_114, %mul3A_350 : i32
      %swap3A_352 = arith.constant 23 : i32
      %swap3A_353 = arith.index_cast %swap3A_352 : i32 to index
      %swap3A_354 = arith.index_cast %mul3A_351 : i32 to index
      %swap3A_355 = tpu.vector_load %arg7[%swap3A_353, %swap3A_354] {strides = array<i32>} : memref<32x1024xf32, #tpu.memory_space<vmem>>, vector<16xf32>,
      tpu.vector_store %arg7[%swap3A_353, %swap3A_354], %gather3A_349 {strides = array<i32>} : memref<32x1024xf32, #tpu.memory_space<vmem>>, vector<16xf32>,
      %add3A_356 = arith.constant 24576 : i32
      %add3A_357 = vector.broadcast %add3A_356 : i32 to vector<16xi32>
      %add3A_358 = arith.addi %get3A_117, %add3A_357 : vector<16xi32>
      %gather3A_359 = tpu.vector_load_idx %arg6[%add3A_358] : memref<32768xf32, #tpu.memory_space<vmem>>[vector<16xi32>], vector<16xf32>,
      %mul3A_360 = arith.constant 16 : i32
      %mul3A_361 = arith.muli %scan3A_114, %mul3A_360 : i32
      %swap3A_362 = arith.constant 24 : i32
      %swap3A_363 = arith.index_cast %swap3A_362 : i32 to index
      %swap3A_364 = arith.index_cast %mul3A_361 : i32 to index
      %swap3A_365 = tpu.vector_load %arg7[%swap3A_363, %swap3A_364] {strides = array<i32>} : memref<32x1024xf32, #tpu.memory_space<vmem>>, vector<16xf32>,
      tpu.vector_store %arg7[%swap3A_363, %swap3A_364], %gather3A_359 {strides = array<i32>} : memref<32x1024xf32, #tpu.memory_space<vmem>>, vector<16xf32>,
      %add3A_366 = arith.constant 25600 : i32
      %add3A_367 = vector.broadcast %add3A_366 : i32 to vector<16xi32>
      %add3A_368 = arith.addi %get3A_117, %add3A_367 : vector<16xi32>
      %gather3A_369 = tpu.vector_load_idx %arg6[%add3A_368] : memref<32768xf32, #tpu.memory_space<vmem>>[vector<16xi32>], vector<16xf32>,
      %mul3A_370 = arith.constant 16 : i32
      %mul3A_371 = arith.muli %scan3A_114, %mul3A_370 : i32
      %swap3A_372 = arith.constant 25 : i32
      %swap3A_373 = arith.index_cast %swap3A_372 : i32 to index
      %swap3A_374 = arith.index_cast %mul3A_371 : i32 to index
      %swap3A_375 = tpu.vector_load %arg7[%swap3A_373, %swap3A_374] {strides = array<i32>} : memref<32x1024xf32, #tpu.memory_space<vmem>>, vector<16xf32>,
      tpu.vector_store %arg7[%swap3A_373, %swap3A_374], %gather3A_369 {strides = array<i32>} : memref<32x1024xf32, #tpu.memory_space<vmem>>, vector<16xf32>,
      %add3A_376 = arith.constant 26624 : i32
      %add3A_377 = vector.broadcast %add3A_376 : i32 to vector<16xi32>
      %add3A_378 = arith.addi %get3A_117, %add3A_377 : vector<16xi32>
      %gather3A_379 = tpu.vector_load_idx %arg6[%add3A_378] : memref<32768xf32, #tpu.memory_space<vmem>>[vector<16xi32>], vector<16xf32>,
      %mul3A_380 = arith.constant 16 : i32
      %mul3A_381 = arith.muli %scan3A_114, %mul3A_380 : i32
      %swap3A_382 = arith.constant 26 : i32
      %swap3A_383 = arith.index_cast %swap3A_382 : i32 to index
      %swap3A_384 = arith.index_cast %mul3A_381 : i32 to index
      %swap3A_385 = tpu.vector_load %arg7[%swap3A_383, %swap3A_384] {strides = array<i32>} : memref<32x1024xf32, #tpu.memory_space<vmem>>, vector<16xf32>,
      tpu.vector_store %arg7[%swap3A_383, %swap3A_384], %gather3A_379 {strides = array<i32>} : memref<32x1024xf32, #tpu.memory_space<vmem>>, vector<16xf32>,
      %add3A_386 = arith.constant 27648 : i32
      %add3A_387 = vector.broadcast %add3A_386 : i32 to vector<16xi32>
      %add3A_388 = arith.addi %get3A_117, %add3A_387 : vector<16xi32>
      %gather3A_389 = tpu.vector_load_idx %arg6[%add3A_388] : memref<32768xf32, #tpu.memory_space<vmem>>[vector<16xi32>], vector<16xf32>,
      %mul3A_390 = arith.constant 16 : i32
      %mul3A_391 = arith.muli %scan3A_114, %mul3A_390 : i32
      %swap3A_392 = arith.constant 27 : i32
      %swap3A_393 = arith.index_cast %swap3A_392 : i32 to index
      %swap3A_394 = arith.index_cast %mul3A_391 : i32 to index
      %swap3A_395 = tpu.vector_load %arg7[%swap3A_393, %swap3A_394] {strides = array<i32>} : memref<32x1024xf32, #tpu.memory_space<vmem>>, vector<16xf32>,
      tpu.vector_store %arg7[%swap3A_393, %swap3A_394], %gather3A_389 {strides = array<i32>} : memref<32x1024xf32, #tpu.memory_space<vmem>>, vector<16xf32>,
      %add3A_396 = arith.constant 28672 : i32
      %add3A_397 = vector.broadcast %add3A_396 : i32 to vector<16xi32>
      %add3A_398 = arith.addi %get3A_117, %add3A_397 : vector<16xi32>
      %gather3A_399 = tpu.vector_load_idx %arg6[%add3A_398] : memref<32768xf32, #tpu.memory_space<vmem>>[vector<16xi32>], vector<16xf32>,
      %mul3A_400 = arith.constant 16 : i32
      %mul3A_401 = arith.muli %scan3A_114, %mul3A_400 : i32
      %swap3A_402 = arith.constant 28 : i32
      %swap3A_403 = arith.index_cast %swap3A_402 : i32 to index
      %swap3A_404 = arith.index_cast %mul3A_401 : i32 to index
      %swap3A_405 = tpu.vector_load %arg7[%swap3A_403, %swap3A_404] {strides = array<i32>} : memref<32x1024xf32, #tpu.memory_space<vmem>>, vector<16xf32>,
      tpu.vector_store %arg7[%swap3A_403, %swap3A_404], %gather3A_399 {strides = array<i32>} : memref<32x1024xf32, #tpu.memory_space<vmem>>, vector<16xf32>,
      %add3A_406 = arith.constant 29696 : i32
      %add3A_407 = vector.broadcast %add3A_406 : i32 to vector<16xi32>
      %add3A_408 = arith.addi %get3A_117, %add3A_407 : vector<16xi32>
      %gather3A_409 = tpu.vector_load_idx %arg6[%add3A_408] : memref<32768xf32, #tpu.memory_space<vmem>>[vector<16xi32>], vector<16xf32>,
      %mul3A_410 = arith.constant 16 : i32
      %mul3A_411 = arith.muli %scan3A_114, %mul3A_410 : i32
      %swap3A_412 = arith.constant 29 : i32
      %swap3A_413 = arith.index_cast %swap3A_412 : i32 to index
      %swap3A_414 = arith.index_cast %mul3A_411 : i32 to index
      %swap3A_415 = tpu.vector_load %arg7[%swap3A_413, %swap3A_414] {strides = array<i32>} : memref<32x1024xf32, #tpu.memory_space<vmem>>, vector<16xf32>,
      tpu.vector_store %arg7[%swap3A_413, %swap3A_414], %gather3A_409 {strides = array<i32>} : memref<32x1024xf32, #tpu.memory_space<vmem>>, vector<16xf32>,
      %add3A_416 = arith.constant 30720 : i32
      %add3A_417 = vector.broadcast %add3A_416 : i32 to vector<16xi32>
      %add3A_418 = arith.addi %get3A_117, %add3A_417 : vector<16xi32>
      %gather3A_419 = tpu.vector_load_idx %arg6[%add3A_418] : memref<32768xf32, #tpu.memory_space<vmem>>[vector<16xi32>], vector<16xf32>,
      %mul3A_420 = arith.constant 16 : i32
      %mul3A_421 = arith.muli %scan3A_114, %mul3A_420 : i32
      %swap3A_422 = arith.constant 30 : i32
      %swap3A_423 = arith.index_cast %swap3A_422 : i32 to index
      %swap3A_424 = arith.index_cast %mul3A_421 : i32 to index
      %swap3A_425 = tpu.vector_load %arg7[%swap3A_423, %swap3A_424] {strides = array<i32>} : memref<32x1024xf32, #tpu.memory_space<vmem>>, vector<16xf32>,
      tpu.vector_store %arg7[%swap3A_423, %swap3A_424], %gather3A_419 {strides = array<i32>} : memref<32x1024xf32, #tpu.memory_space<vmem>>, vector<16xf32>,
      %add3A_426 = arith.constant 31744 : i32
      %add3A_427 = vector.broadcast %add3A_426 : i32 to vector<16xi32>
      %add3A_428 = arith.addi %get3A_117, %add3A_427 : vector<16xi32>
      %gather3A_429 = tpu.vector_load_idx %arg6[%add3A_428] : memref<32768xf32, #tpu.memory_space<vmem>>[vector<16xi32>], vector<16xf32>,
      %mul3A_430 = arith.constant 16 : i32
      %mul3A_431 = arith.muli %scan3A_114, %mul3A_430 : i32
      %swap3A_432 = arith.constant 31 : i32
      %swap3A_433 = arith.index_cast %swap3A_432 : i32 to index
      %swap3A_434 = arith.index_cast %mul3A_431 : i32 to index
      %swap3A_435 = tpu.vector_load %arg7[%swap3A_433, %swap3A_434] {strides = array<i32>} : memref<32x1024xf32, #tpu.memory_space<vmem>>, vector<16xf32>,
      tpu.vector_store %arg7[%swap3A_433, %swap3A_434], %gather3A_429 {strides = array<i32>} : memref<32x1024xf32, #tpu.memory_space<vmem>>, vector<16xf32>,
    }
    %scan3A_59 = arith.constant 64 : i32
    %mul3A_60 = arith.constant 256 : i32
    %mul3A_61 = arith.muli %select_n3A, %mul3A_60 : i32
    %add3A_62 = arith.constant 64 : i32
    %add3A_63 = arith.addi %mul3A_61, %add3A_62 : i32
    "tpu.region"() ({
      %run_scoped3A = tpu.sem_alloc : memref<!tpu.dma_semaphore, #tpu.memory_space<semaphore_mem>>
      %dma_start3A = tpu.memref_slice %arg4[%add3A_63, %mul3A_34] : memref<1024x8192xf32, #tpu.memory_space<hbm>> -> memref<32x1024xf32, #tpu.memory_space<hbm>>
      %dma_start3A_114 = tpu.memref_slice %arg4[%add3A_63, %mul3A_34] : memref<1024x8192xf32, #tpu.memory_space<hbm>> -> memref<32x1024xf32, #tpu.memory_space<hbm>>
      tpu.enqueue_dma source(%arg7 : memref<32x1024xf32, #tpu.memory_space<vmem>>) target(%dma_start3A_114 : memref<32x1024xf32, #tpu.memory_space<hbm>>) target_semaphore(%run_scoped3A : memref<!tpu.dma_semaphore, #tpu.memory_space<semaphore_mem>>)
      %dma_wait3A = tpu.memref_slice %arg4[%add3A_63, %mul3A_34] : memref<1024x8192xf32, #tpu.memory_space<hbm>> -> memref<32x1024xf32, #tpu.memory_space<hbm>>
      %dma_wait3A_115 = tpu.memref_slice %arg4[%add3A_63, %mul3A_34] : memref<1024x8192xf32, #tpu.memory_space<hbm>> -> memref<32x1024xf32, #tpu.memory_space<hbm>>
      tpu.wait_dma2 semaphore(%run_scoped3A : memref<!tpu.dma_semaphore, #tpu.memory_space<semaphore_mem>>) src(%arg7 : memref<32x1024xf32, #tpu.memory_space<vmem>>) dst(%dma_wait3A_115 : memref<32x1024xf32, #tpu.memory_space<hbm>>)
      tpu.yield
    }) : () -> ()
    "tpu.region"() ({
      %run_scoped3A = tpu.sem_alloc : memref<!tpu.dma_semaphore, #tpu.memory_space<semaphore_mem>>
      %dma_start3A = arith.constant 98304 : i32
      %dma_start3A_114 = tpu.memref_slice %arg2[%dma_start3A] : memref<262144xf32, #tpu.memory_space<hbm>> -> memref<32768xf32, #tpu.memory_space<hbm>>
      %dma_start3A_115 = arith.constant 98304 : i32
      %dma_start3A_116 = tpu.memref_slice %arg2[%dma_start3A_115] : memref<262144xf32, #tpu.memory_space<hbm>> -> memref<32768xf32, #tpu.memory_space<hbm>>
      tpu.enqueue_dma source(%dma_start3A_116 : memref<32768xf32, #tpu.memory_space<hbm>>) target(%arg6 : memref<32768xf32, #tpu.memory_space<vmem>>) target_semaphore(%run_scoped3A : memref<!tpu.dma_semaphore, #tpu.memory_space<semaphore_mem>>)
      %dma_wait3A = arith.constant 98304 : i32
      %dma_wait3A_117 = tpu.memref_slice %arg2[%dma_wait3A] : memref<262144xf32, #tpu.memory_space<hbm>> -> memref<32768xf32, #tpu.memory_space<hbm>>
      %dma_wait3A_118 = arith.constant 98304 : i32
      %dma_wait3A_119 = tpu.memref_slice %arg2[%dma_wait3A_118] : memref<262144xf32, #tpu.memory_space<hbm>> -> memref<32768xf32, #tpu.memory_space<hbm>>
      tpu.wait_dma2 semaphore(%run_scoped3A : memref<!tpu.dma_semaphore, #tpu.memory_space<semaphore_mem>>) src(%dma_wait3A_119 : memref<32768xf32, #tpu.memory_space<hbm>>) dst(%arg6 : memref<32768xf32, #tpu.memory_space<vmem>>)
      tpu.yield
    }) : () -> ()
    %scan3A_64 = arith.constant 0 : i32
    %scan3A_65 = arith.constant 0 : i32
    %scan3A_66 = arith.constant 64 : i32
    %scan3A_67 = arith.addi %scan3A_65, %scan3A_66 : i32
    %scan3A_68 = arith.constant 1 : i32
    scf.for %scan3A_114 = %scan3A_65 to %scan3A_67 step %scan3A_68  : i32 {
      %mul3A_115 = arith.constant 16 : i32
      %mul3A_116 = arith.muli %scan3A_114, %mul3A_115 : i32
      %get3A = arith.index_cast %mul3A_116 : i32 to index
      %get3A_117 = tpu.vector_load %arg5[%get3A] {strides = array<i32>} : memref<1024xi32, #tpu.memory_space<vmem>>, vector<16xi32>,
      %add3A_118 = arith.constant 0 : i32
      %add3A_119 = vector.broadcast %add3A_118 : i32 to vector<16xi32>
      %add3A_120 = arith.addi %get3A_117, %add3A_119 : vector<16xi32>
      %gather3A = tpu.vector_load_idx %arg6[%add3A_120] : memref<32768xf32, #tpu.memory_space<vmem>>[vector<16xi32>], vector<16xf32>,
      %mul3A_121 = arith.constant 16 : i32
      %mul3A_122 = arith.muli %scan3A_114, %mul3A_121 : i32
      %swap3A = arith.constant 0 : i32
      %swap3A_123 = arith.index_cast %swap3A : i32 to index
      %swap3A_124 = arith.index_cast %mul3A_122 : i32 to index
      %swap3A_125 = tpu.vector_load %arg7[%swap3A_123, %swap3A_124] {strides = array<i32>} : memref<32x1024xf32, #tpu.memory_space<vmem>>, vector<16xf32>,
      tpu.vector_store %arg7[%swap3A_123, %swap3A_124], %gather3A {strides = array<i32>} : memref<32x1024xf32, #tpu.memory_space<vmem>>, vector<16xf32>,
      %add3A_126 = arith.constant 1024 : i32
      %add3A_127 = vector.broadcast %add3A_126 : i32 to vector<16xi32>
      %add3A_128 = arith.addi %get3A_117, %add3A_127 : vector<16xi32>
      %gather3A_129 = tpu.vector_load_idx %arg6[%add3A_128] : memref<32768xf32, #tpu.memory_space<vmem>>[vector<16xi32>], vector<16xf32>,
      %mul3A_130 = arith.constant 16 : i32
      %mul3A_131 = arith.muli %scan3A_114, %mul3A_130 : i32
      %swap3A_132 = arith.constant 1 : i32
      %swap3A_133 = arith.index_cast %swap3A_132 : i32 to index
      %swap3A_134 = arith.index_cast %mul3A_131 : i32 to index
      %swap3A_135 = tpu.vector_load %arg7[%swap3A_133, %swap3A_134] {strides = array<i32>} : memref<32x1024xf32, #tpu.memory_space<vmem>>, vector<16xf32>,
      tpu.vector_store %arg7[%swap3A_133, %swap3A_134], %gather3A_129 {strides = array<i32>} : memref<32x1024xf32, #tpu.memory_space<vmem>>, vector<16xf32>,
      %add3A_136 = arith.constant 2048 : i32
      %add3A_137 = vector.broadcast %add3A_136 : i32 to vector<16xi32>
      %add3A_138 = arith.addi %get3A_117, %add3A_137 : vector<16xi32>
      %gather3A_139 = tpu.vector_load_idx %arg6[%add3A_138] : memref<32768xf32, #tpu.memory_space<vmem>>[vector<16xi32>], vector<16xf32>,
      %mul3A_140 = arith.constant 16 : i32
      %mul3A_141 = arith.muli %scan3A_114, %mul3A_140 : i32
      %swap3A_142 = arith.constant 2 : i32
      %swap3A_143 = arith.index_cast %swap3A_142 : i32 to index
      %swap3A_144 = arith.index_cast %mul3A_141 : i32 to index
      %swap3A_145 = tpu.vector_load %arg7[%swap3A_143, %swap3A_144] {strides = array<i32>} : memref<32x1024xf32, #tpu.memory_space<vmem>>, vector<16xf32>,
      tpu.vector_store %arg7[%swap3A_143, %swap3A_144], %gather3A_139 {strides = array<i32>} : memref<32x1024xf32, #tpu.memory_space<vmem>>, vector<16xf32>,
      %add3A_146 = arith.constant 3072 : i32
      %add3A_147 = vector.broadcast %add3A_146 : i32 to vector<16xi32>
      %add3A_148 = arith.addi %get3A_117, %add3A_147 : vector<16xi32>
      %gather3A_149 = tpu.vector_load_idx %arg6[%add3A_148] : memref<32768xf32, #tpu.memory_space<vmem>>[vector<16xi32>], vector<16xf32>,
      %mul3A_150 = arith.constant 16 : i32
      %mul3A_151 = arith.muli %scan3A_114, %mul3A_150 : i32
      %swap3A_152 = arith.constant 3 : i32
      %swap3A_153 = arith.index_cast %swap3A_152 : i32 to index
      %swap3A_154 = arith.index_cast %mul3A_151 : i32 to index
      %swap3A_155 = tpu.vector_load %arg7[%swap3A_153, %swap3A_154] {strides = array<i32>} : memref<32x1024xf32, #tpu.memory_space<vmem>>, vector<16xf32>,
      tpu.vector_store %arg7[%swap3A_153, %swap3A_154], %gather3A_149 {strides = array<i32>} : memref<32x1024xf32, #tpu.memory_space<vmem>>, vector<16xf32>,
      %add3A_156 = arith.constant 4096 : i32
      %add3A_157 = vector.broadcast %add3A_156 : i32 to vector<16xi32>
      %add3A_158 = arith.addi %get3A_117, %add3A_157 : vector<16xi32>
      %gather3A_159 = tpu.vector_load_idx %arg6[%add3A_158] : memref<32768xf32, #tpu.memory_space<vmem>>[vector<16xi32>], vector<16xf32>,
      %mul3A_160 = arith.constant 16 : i32
      %mul3A_161 = arith.muli %scan3A_114, %mul3A_160 : i32
      %swap3A_162 = arith.constant 4 : i32
      %swap3A_163 = arith.index_cast %swap3A_162 : i32 to index
      %swap3A_164 = arith.index_cast %mul3A_161 : i32 to index
      %swap3A_165 = tpu.vector_load %arg7[%swap3A_163, %swap3A_164] {strides = array<i32>} : memref<32x1024xf32, #tpu.memory_space<vmem>>, vector<16xf32>,
      tpu.vector_store %arg7[%swap3A_163, %swap3A_164], %gather3A_159 {strides = array<i32>} : memref<32x1024xf32, #tpu.memory_space<vmem>>, vector<16xf32>,
      %add3A_166 = arith.constant 5120 : i32
      %add3A_167 = vector.broadcast %add3A_166 : i32 to vector<16xi32>
      %add3A_168 = arith.addi %get3A_117, %add3A_167 : vector<16xi32>
      %gather3A_169 = tpu.vector_load_idx %arg6[%add3A_168] : memref<32768xf32, #tpu.memory_space<vmem>>[vector<16xi32>], vector<16xf32>,
      %mul3A_170 = arith.constant 16 : i32
      %mul3A_171 = arith.muli %scan3A_114, %mul3A_170 : i32
      %swap3A_172 = arith.constant 5 : i32
      %swap3A_173 = arith.index_cast %swap3A_172 : i32 to index
      %swap3A_174 = arith.index_cast %mul3A_171 : i32 to index
      %swap3A_175 = tpu.vector_load %arg7[%swap3A_173, %swap3A_174] {strides = array<i32>} : memref<32x1024xf32, #tpu.memory_space<vmem>>, vector<16xf32>,
      tpu.vector_store %arg7[%swap3A_173, %swap3A_174], %gather3A_169 {strides = array<i32>} : memref<32x1024xf32, #tpu.memory_space<vmem>>, vector<16xf32>,
      %add3A_176 = arith.constant 6144 : i32
      %add3A_177 = vector.broadcast %add3A_176 : i32 to vector<16xi32>
      %add3A_178 = arith.addi %get3A_117, %add3A_177 : vector<16xi32>
      %gather3A_179 = tpu.vector_load_idx %arg6[%add3A_178] : memref<32768xf32, #tpu.memory_space<vmem>>[vector<16xi32>], vector<16xf32>,
      %mul3A_180 = arith.constant 16 : i32
      %mul3A_181 = arith.muli %scan3A_114, %mul3A_180 : i32
      %swap3A_182 = arith.constant 6 : i32
      %swap3A_183 = arith.index_cast %swap3A_182 : i32 to index
      %swap3A_184 = arith.index_cast %mul3A_181 : i32 to index
      %swap3A_185 = tpu.vector_load %arg7[%swap3A_183, %swap3A_184] {strides = array<i32>} : memref<32x1024xf32, #tpu.memory_space<vmem>>, vector<16xf32>,
      tpu.vector_store %arg7[%swap3A_183, %swap3A_184], %gather3A_179 {strides = array<i32>} : memref<32x1024xf32, #tpu.memory_space<vmem>>, vector<16xf32>,
      %add3A_186 = arith.constant 7168 : i32
      %add3A_187 = vector.broadcast %add3A_186 : i32 to vector<16xi32>
      %add3A_188 = arith.addi %get3A_117, %add3A_187 : vector<16xi32>
      %gather3A_189 = tpu.vector_load_idx %arg6[%add3A_188] : memref<32768xf32, #tpu.memory_space<vmem>>[vector<16xi32>], vector<16xf32>,
      %mul3A_190 = arith.constant 16 : i32
      %mul3A_191 = arith.muli %scan3A_114, %mul3A_190 : i32
      %swap3A_192 = arith.constant 7 : i32
      %swap3A_193 = arith.index_cast %swap3A_192 : i32 to index
      %swap3A_194 = arith.index_cast %mul3A_191 : i32 to index
      %swap3A_195 = tpu.vector_load %arg7[%swap3A_193, %swap3A_194] {strides = array<i32>} : memref<32x1024xf32, #tpu.memory_space<vmem>>, vector<16xf32>,
      tpu.vector_store %arg7[%swap3A_193, %swap3A_194], %gather3A_189 {strides = array<i32>} : memref<32x1024xf32, #tpu.memory_space<vmem>>, vector<16xf32>,
      %add3A_196 = arith.constant 8192 : i32
      %add3A_197 = vector.broadcast %add3A_196 : i32 to vector<16xi32>
      %add3A_198 = arith.addi %get3A_117, %add3A_197 : vector<16xi32>
      %gather3A_199 = tpu.vector_load_idx %arg6[%add3A_198] : memref<32768xf32, #tpu.memory_space<vmem>>[vector<16xi32>], vector<16xf32>,
      %mul3A_200 = arith.constant 16 : i32
      %mul3A_201 = arith.muli %scan3A_114, %mul3A_200 : i32
      %swap3A_202 = arith.constant 8 : i32
      %swap3A_203 = arith.index_cast %swap3A_202 : i32 to index
      %swap3A_204 = arith.index_cast %mul3A_201 : i32 to index
      %swap3A_205 = tpu.vector_load %arg7[%swap3A_203, %swap3A_204] {strides = array<i32>} : memref<32x1024xf32, #tpu.memory_space<vmem>>, vector<16xf32>,
      tpu.vector_store %arg7[%swap3A_203, %swap3A_204], %gather3A_199 {strides = array<i32>} : memref<32x1024xf32, #tpu.memory_space<vmem>>, vector<16xf32>,
      %add3A_206 = arith.constant 9216 : i32
      %add3A_207 = vector.broadcast %add3A_206 : i32 to vector<16xi32>
      %add3A_208 = arith.addi %get3A_117, %add3A_207 : vector<16xi32>
      %gather3A_209 = tpu.vector_load_idx %arg6[%add3A_208] : memref<32768xf32, #tpu.memory_space<vmem>>[vector<16xi32>], vector<16xf32>,
      %mul3A_210 = arith.constant 16 : i32
      %mul3A_211 = arith.muli %scan3A_114, %mul3A_210 : i32
      %swap3A_212 = arith.constant 9 : i32
      %swap3A_213 = arith.index_cast %swap3A_212 : i32 to index
      %swap3A_214 = arith.index_cast %mul3A_211 : i32 to index
      %swap3A_215 = tpu.vector_load %arg7[%swap3A_213, %swap3A_214] {strides = array<i32>} : memref<32x1024xf32, #tpu.memory_space<vmem>>, vector<16xf32>,
      tpu.vector_store %arg7[%swap3A_213, %swap3A_214], %gather3A_209 {strides = array<i32>} : memref<32x1024xf32, #tpu.memory_space<vmem>>, vector<16xf32>,
      %add3A_216 = arith.constant 10240 : i32
      %add3A_217 = vector.broadcast %add3A_216 : i32 to vector<16xi32>
      %add3A_218 = arith.addi %get3A_117, %add3A_217 : vector<16xi32>
      %gather3A_219 = tpu.vector_load_idx %arg6[%add3A_218] : memref<32768xf32, #tpu.memory_space<vmem>>[vector<16xi32>], vector<16xf32>,
      %mul3A_220 = arith.constant 16 : i32
      %mul3A_221 = arith.muli %scan3A_114, %mul3A_220 : i32
      %swap3A_222 = arith.constant 10 : i32
      %swap3A_223 = arith.index_cast %swap3A_222 : i32 to index
      %swap3A_224 = arith.index_cast %mul3A_221 : i32 to index
      %swap3A_225 = tpu.vector_load %arg7[%swap3A_223, %swap3A_224] {strides = array<i32>} : memref<32x1024xf32, #tpu.memory_space<vmem>>, vector<16xf32>,
      tpu.vector_store %arg7[%swap3A_223, %swap3A_224], %gather3A_219 {strides = array<i32>} : memref<32x1024xf32, #tpu.memory_space<vmem>>, vector<16xf32>,
      %add3A_226 = arith.constant 11264 : i32
      %add3A_227 = vector.broadcast %add3A_226 : i32 to vector<16xi32>
      %add3A_228 = arith.addi %get3A_117, %add3A_227 : vector<16xi32>
      %gather3A_229 = tpu.vector_load_idx %arg6[%add3A_228] : memref<32768xf32, #tpu.memory_space<vmem>>[vector<16xi32>], vector<16xf32>,
      %mul3A_230 = arith.constant 16 : i32
      %mul3A_231 = arith.muli %scan3A_114, %mul3A_230 : i32
      %swap3A_232 = arith.constant 11 : i32
      %swap3A_233 = arith.index_cast %swap3A_232 : i32 to index
      %swap3A_234 = arith.index_cast %mul3A_231 : i32 to index
      %swap3A_235 = tpu.vector_load %arg7[%swap3A_233, %swap3A_234] {strides = array<i32>} : memref<32x1024xf32, #tpu.memory_space<vmem>>, vector<16xf32>,
      tpu.vector_store %arg7[%swap3A_233, %swap3A_234], %gather3A_229 {strides = array<i32>} : memref<32x1024xf32, #tpu.memory_space<vmem>>, vector<16xf32>,
      %add3A_236 = arith.constant 12288 : i32
      %add3A_237 = vector.broadcast %add3A_236 : i32 to vector<16xi32>
      %add3A_238 = arith.addi %get3A_117, %add3A_237 : vector<16xi32>
      %gather3A_239 = tpu.vector_load_idx %arg6[%add3A_238] : memref<32768xf32, #tpu.memory_space<vmem>>[vector<16xi32>], vector<16xf32>,
      %mul3A_240 = arith.constant 16 : i32
      %mul3A_241 = arith.muli %scan3A_114, %mul3A_240 : i32
      %swap3A_242 = arith.constant 12 : i32
      %swap3A_243 = arith.index_cast %swap3A_242 : i32 to index
      %swap3A_244 = arith.index_cast %mul3A_241 : i32 to index
      %swap3A_245 = tpu.vector_load %arg7[%swap3A_243, %swap3A_244] {strides = array<i32>} : memref<32x1024xf32, #tpu.memory_space<vmem>>, vector<16xf32>,
      tpu.vector_store %arg7[%swap3A_243, %swap3A_244], %gather3A_239 {strides = array<i32>} : memref<32x1024xf32, #tpu.memory_space<vmem>>, vector<16xf32>,
      %add3A_246 = arith.constant 13312 : i32
      %add3A_247 = vector.broadcast %add3A_246 : i32 to vector<16xi32>
      %add3A_248 = arith.addi %get3A_117, %add3A_247 : vector<16xi32>
      %gather3A_249 = tpu.vector_load_idx %arg6[%add3A_248] : memref<32768xf32, #tpu.memory_space<vmem>>[vector<16xi32>], vector<16xf32>,
      %mul3A_250 = arith.constant 16 : i32
      %mul3A_251 = arith.muli %scan3A_114, %mul3A_250 : i32
      %swap3A_252 = arith.constant 13 : i32
      %swap3A_253 = arith.index_cast %swap3A_252 : i32 to index
      %swap3A_254 = arith.index_cast %mul3A_251 : i32 to index
      %swap3A_255 = tpu.vector_load %arg7[%swap3A_253, %swap3A_254] {strides = array<i32>} : memref<32x1024xf32, #tpu.memory_space<vmem>>, vector<16xf32>,
      tpu.vector_store %arg7[%swap3A_253, %swap3A_254], %gather3A_249 {strides = array<i32>} : memref<32x1024xf32, #tpu.memory_space<vmem>>, vector<16xf32>,
      %add3A_256 = arith.constant 14336 : i32
      %add3A_257 = vector.broadcast %add3A_256 : i32 to vector<16xi32>
      %add3A_258 = arith.addi %get3A_117, %add3A_257 : vector<16xi32>
      %gather3A_259 = tpu.vector_load_idx %arg6[%add3A_258] : memref<32768xf32, #tpu.memory_space<vmem>>[vector<16xi32>], vector<16xf32>,
      %mul3A_260 = arith.constant 16 : i32
      %mul3A_261 = arith.muli %scan3A_114, %mul3A_260 : i32
      %swap3A_262 = arith.constant 14 : i32
      %swap3A_263 = arith.index_cast %swap3A_262 : i32 to index
      %swap3A_264 = arith.index_cast %mul3A_261 : i32 to index
      %swap3A_265 = tpu.vector_load %arg7[%swap3A_263, %swap3A_264] {strides = array<i32>} : memref<32x1024xf32, #tpu.memory_space<vmem>>, vector<16xf32>,
      tpu.vector_store %arg7[%swap3A_263, %swap3A_264], %gather3A_259 {strides = array<i32>} : memref<32x1024xf32, #tpu.memory_space<vmem>>, vector<16xf32>,
      %add3A_266 = arith.constant 15360 : i32
      %add3A_267 = vector.broadcast %add3A_266 : i32 to vector<16xi32>
      %add3A_268 = arith.addi %get3A_117, %add3A_267 : vector<16xi32>
      %gather3A_269 = tpu.vector_load_idx %arg6[%add3A_268] : memref<32768xf32, #tpu.memory_space<vmem>>[vector<16xi32>], vector<16xf32>,
      %mul3A_270 = arith.constant 16 : i32
      %mul3A_271 = arith.muli %scan3A_114, %mul3A_270 : i32
      %swap3A_272 = arith.constant 15 : i32
      %swap3A_273 = arith.index_cast %swap3A_272 : i32 to index
      %swap3A_274 = arith.index_cast %mul3A_271 : i32 to index
      %swap3A_275 = tpu.vector_load %arg7[%swap3A_273, %swap3A_274] {strides = array<i32>} : memref<32x1024xf32, #tpu.memory_space<vmem>>, vector<16xf32>,
      tpu.vector_store %arg7[%swap3A_273, %swap3A_274], %gather3A_269 {strides = array<i32>} : memref<32x1024xf32, #tpu.memory_space<vmem>>, vector<16xf32>,
      %add3A_276 = arith.constant 16384 : i32
      %add3A_277 = vector.broadcast %add3A_276 : i32 to vector<16xi32>
      %add3A_278 = arith.addi %get3A_117, %add3A_277 : vector<16xi32>
      %gather3A_279 = tpu.vector_load_idx %arg6[%add3A_278] : memref<32768xf32, #tpu.memory_space<vmem>>[vector<16xi32>], vector<16xf32>,
      %mul3A_280 = arith.constant 16 : i32
      %mul3A_281 = arith.muli %scan3A_114, %mul3A_280 : i32
      %swap3A_282 = arith.constant 16 : i32
      %swap3A_283 = arith.index_cast %swap3A_282 : i32 to index
      %swap3A_284 = arith.index_cast %mul3A_281 : i32 to index
      %swap3A_285 = tpu.vector_load %arg7[%swap3A_283, %swap3A_284] {strides = array<i32>} : memref<32x1024xf32, #tpu.memory_space<vmem>>, vector<16xf32>,
      tpu.vector_store %arg7[%swap3A_283, %swap3A_284], %gather3A_279 {strides = array<i32>} : memref<32x1024xf32, #tpu.memory_space<vmem>>, vector<16xf32>,
      %add3A_286 = arith.constant 17408 : i32
      %add3A_287 = vector.broadcast %add3A_286 : i32 to vector<16xi32>
      %add3A_288 = arith.addi %get3A_117, %add3A_287 : vector<16xi32>
      %gather3A_289 = tpu.vector_load_idx %arg6[%add3A_288] : memref<32768xf32, #tpu.memory_space<vmem>>[vector<16xi32>], vector<16xf32>,
      %mul3A_290 = arith.constant 16 : i32
      %mul3A_291 = arith.muli %scan3A_114, %mul3A_290 : i32
      %swap3A_292 = arith.constant 17 : i32
      %swap3A_293 = arith.index_cast %swap3A_292 : i32 to index
      %swap3A_294 = arith.index_cast %mul3A_291 : i32 to index
      %swap3A_295 = tpu.vector_load %arg7[%swap3A_293, %swap3A_294] {strides = array<i32>} : memref<32x1024xf32, #tpu.memory_space<vmem>>, vector<16xf32>,
      tpu.vector_store %arg7[%swap3A_293, %swap3A_294], %gather3A_289 {strides = array<i32>} : memref<32x1024xf32, #tpu.memory_space<vmem>>, vector<16xf32>,
      %add3A_296 = arith.constant 18432 : i32
      %add3A_297 = vector.broadcast %add3A_296 : i32 to vector<16xi32>
      %add3A_298 = arith.addi %get3A_117, %add3A_297 : vector<16xi32>
      %gather3A_299 = tpu.vector_load_idx %arg6[%add3A_298] : memref<32768xf32, #tpu.memory_space<vmem>>[vector<16xi32>], vector<16xf32>,
      %mul3A_300 = arith.constant 16 : i32
      %mul3A_301 = arith.muli %scan3A_114, %mul3A_300 : i32
      %swap3A_302 = arith.constant 18 : i32
      %swap3A_303 = arith.index_cast %swap3A_302 : i32 to index
      %swap3A_304 = arith.index_cast %mul3A_301 : i32 to index
      %swap3A_305 = tpu.vector_load %arg7[%swap3A_303, %swap3A_304] {strides = array<i32>} : memref<32x1024xf32, #tpu.memory_space<vmem>>, vector<16xf32>,
      tpu.vector_store %arg7[%swap3A_303, %swap3A_304], %gather3A_299 {strides = array<i32>} : memref<32x1024xf32, #tpu.memory_space<vmem>>, vector<16xf32>,
      %add3A_306 = arith.constant 19456 : i32
      %add3A_307 = vector.broadcast %add3A_306 : i32 to vector<16xi32>
      %add3A_308 = arith.addi %get3A_117, %add3A_307 : vector<16xi32>
      %gather3A_309 = tpu.vector_load_idx %arg6[%add3A_308] : memref<32768xf32, #tpu.memory_space<vmem>>[vector<16xi32>], vector<16xf32>,
      %mul3A_310 = arith.constant 16 : i32
      %mul3A_311 = arith.muli %scan3A_114, %mul3A_310 : i32
      %swap3A_312 = arith.constant 19 : i32
      %swap3A_313 = arith.index_cast %swap3A_312 : i32 to index
      %swap3A_314 = arith.index_cast %mul3A_311 : i32 to index
      %swap3A_315 = tpu.vector_load %arg7[%swap3A_313, %swap3A_314] {strides = array<i32>} : memref<32x1024xf32, #tpu.memory_space<vmem>>, vector<16xf32>,
      tpu.vector_store %arg7[%swap3A_313, %swap3A_314], %gather3A_309 {strides = array<i32>} : memref<32x1024xf32, #tpu.memory_space<vmem>>, vector<16xf32>,
      %add3A_316 = arith.constant 20480 : i32
      %add3A_317 = vector.broadcast %add3A_316 : i32 to vector<16xi32>
      %add3A_318 = arith.addi %get3A_117, %add3A_317 : vector<16xi32>
      %gather3A_319 = tpu.vector_load_idx %arg6[%add3A_318] : memref<32768xf32, #tpu.memory_space<vmem>>[vector<16xi32>], vector<16xf32>,
      %mul3A_320 = arith.constant 16 : i32
      %mul3A_321 = arith.muli %scan3A_114, %mul3A_320 : i32
      %swap3A_322 = arith.constant 20 : i32
      %swap3A_323 = arith.index_cast %swap3A_322 : i32 to index
      %swap3A_324 = arith.index_cast %mul3A_321 : i32 to index
      %swap3A_325 = tpu.vector_load %arg7[%swap3A_323, %swap3A_324] {strides = array<i32>} : memref<32x1024xf32, #tpu.memory_space<vmem>>, vector<16xf32>,
      tpu.vector_store %arg7[%swap3A_323, %swap3A_324], %gather3A_319 {strides = array<i32>} : memref<32x1024xf32, #tpu.memory_space<vmem>>, vector<16xf32>,
      %add3A_326 = arith.constant 21504 : i32
      %add3A_327 = vector.broadcast %add3A_326 : i32 to vector<16xi32>
      %add3A_328 = arith.addi %get3A_117, %add3A_327 : vector<16xi32>
      %gather3A_329 = tpu.vector_load_idx %arg6[%add3A_328] : memref<32768xf32, #tpu.memory_space<vmem>>[vector<16xi32>], vector<16xf32>,
      %mul3A_330 = arith.constant 16 : i32
      %mul3A_331 = arith.muli %scan3A_114, %mul3A_330 : i32
      %swap3A_332 = arith.constant 21 : i32
      %swap3A_333 = arith.index_cast %swap3A_332 : i32 to index
      %swap3A_334 = arith.index_cast %mul3A_331 : i32 to index
      %swap3A_335 = tpu.vector_load %arg7[%swap3A_333, %swap3A_334] {strides = array<i32>} : memref<32x1024xf32, #tpu.memory_space<vmem>>, vector<16xf32>,
      tpu.vector_store %arg7[%swap3A_333, %swap3A_334], %gather3A_329 {strides = array<i32>} : memref<32x1024xf32, #tpu.memory_space<vmem>>, vector<16xf32>,
      %add3A_336 = arith.constant 22528 : i32
      %add3A_337 = vector.broadcast %add3A_336 : i32 to vector<16xi32>
      %add3A_338 = arith.addi %get3A_117, %add3A_337 : vector<16xi32>
      %gather3A_339 = tpu.vector_load_idx %arg6[%add3A_338] : memref<32768xf32, #tpu.memory_space<vmem>>[vector<16xi32>], vector<16xf32>,
      %mul3A_340 = arith.constant 16 : i32
      %mul3A_341 = arith.muli %scan3A_114, %mul3A_340 : i32
      %swap3A_342 = arith.constant 22 : i32
      %swap3A_343 = arith.index_cast %swap3A_342 : i32 to index
      %swap3A_344 = arith.index_cast %mul3A_341 : i32 to index
      %swap3A_345 = tpu.vector_load %arg7[%swap3A_343, %swap3A_344] {strides = array<i32>} : memref<32x1024xf32, #tpu.memory_space<vmem>>, vector<16xf32>,
      tpu.vector_store %arg7[%swap3A_343, %swap3A_344], %gather3A_339 {strides = array<i32>} : memref<32x1024xf32, #tpu.memory_space<vmem>>, vector<16xf32>,
      %add3A_346 = arith.constant 23552 : i32
      %add3A_347 = vector.broadcast %add3A_346 : i32 to vector<16xi32>
      %add3A_348 = arith.addi %get3A_117, %add3A_347 : vector<16xi32>
      %gather3A_349 = tpu.vector_load_idx %arg6[%add3A_348] : memref<32768xf32, #tpu.memory_space<vmem>>[vector<16xi32>], vector<16xf32>,
      %mul3A_350 = arith.constant 16 : i32
      %mul3A_351 = arith.muli %scan3A_114, %mul3A_350 : i32
      %swap3A_352 = arith.constant 23 : i32
      %swap3A_353 = arith.index_cast %swap3A_352 : i32 to index
      %swap3A_354 = arith.index_cast %mul3A_351 : i32 to index
      %swap3A_355 = tpu.vector_load %arg7[%swap3A_353, %swap3A_354] {strides = array<i32>} : memref<32x1024xf32, #tpu.memory_space<vmem>>, vector<16xf32>,
      tpu.vector_store %arg7[%swap3A_353, %swap3A_354], %gather3A_349 {strides = array<i32>} : memref<32x1024xf32, #tpu.memory_space<vmem>>, vector<16xf32>,
      %add3A_356 = arith.constant 24576 : i32
      %add3A_357 = vector.broadcast %add3A_356 : i32 to vector<16xi32>
      %add3A_358 = arith.addi %get3A_117, %add3A_357 : vector<16xi32>
      %gather3A_359 = tpu.vector_load_idx %arg6[%add3A_358] : memref<32768xf32, #tpu.memory_space<vmem>>[vector<16xi32>], vector<16xf32>,
      %mul3A_360 = arith.constant 16 : i32
      %mul3A_361 = arith.muli %scan3A_114, %mul3A_360 : i32
      %swap3A_362 = arith.constant 24 : i32
      %swap3A_363 = arith.index_cast %swap3A_362 : i32 to index
      %swap3A_364 = arith.index_cast %mul3A_361 : i32 to index
      %swap3A_365 = tpu.vector_load %arg7[%swap3A_363, %swap3A_364] {strides = array<i32>} : memref<32x1024xf32, #tpu.memory_space<vmem>>, vector<16xf32>,
      tpu.vector_store %arg7[%swap3A_363, %swap3A_364], %gather3A_359 {strides = array<i32>} : memref<32x1024xf32, #tpu.memory_space<vmem>>, vector<16xf32>,
      %add3A_366 = arith.constant 25600 : i32
      %add3A_367 = vector.broadcast %add3A_366 : i32 to vector<16xi32>
      %add3A_368 = arith.addi %get3A_117, %add3A_367 : vector<16xi32>
      %gather3A_369 = tpu.vector_load_idx %arg6[%add3A_368] : memref<32768xf32, #tpu.memory_space<vmem>>[vector<16xi32>], vector<16xf32>,
      %mul3A_370 = arith.constant 16 : i32
      %mul3A_371 = arith.muli %scan3A_114, %mul3A_370 : i32
      %swap3A_372 = arith.constant 25 : i32
      %swap3A_373 = arith.index_cast %swap3A_372 : i32 to index
      %swap3A_374 = arith.index_cast %mul3A_371 : i32 to index
      %swap3A_375 = tpu.vector_load %arg7[%swap3A_373, %swap3A_374] {strides = array<i32>} : memref<32x1024xf32, #tpu.memory_space<vmem>>, vector<16xf32>,
      tpu.vector_store %arg7[%swap3A_373, %swap3A_374], %gather3A_369 {strides = array<i32>} : memref<32x1024xf32, #tpu.memory_space<vmem>>, vector<16xf32>,
      %add3A_376 = arith.constant 26624 : i32
      %add3A_377 = vector.broadcast %add3A_376 : i32 to vector<16xi32>
      %add3A_378 = arith.addi %get3A_117, %add3A_377 : vector<16xi32>
      %gather3A_379 = tpu.vector_load_idx %arg6[%add3A_378] : memref<32768xf32, #tpu.memory_space<vmem>>[vector<16xi32>], vector<16xf32>,
      %mul3A_380 = arith.constant 16 : i32
      %mul3A_381 = arith.muli %scan3A_114, %mul3A_380 : i32
      %swap3A_382 = arith.constant 26 : i32
      %swap3A_383 = arith.index_cast %swap3A_382 : i32 to index
      %swap3A_384 = arith.index_cast %mul3A_381 : i32 to index
      %swap3A_385 = tpu.vector_load %arg7[%swap3A_383, %swap3A_384] {strides = array<i32>} : memref<32x1024xf32, #tpu.memory_space<vmem>>, vector<16xf32>,
      tpu.vector_store %arg7[%swap3A_383, %swap3A_384], %gather3A_379 {strides = array<i32>} : memref<32x1024xf32, #tpu.memory_space<vmem>>, vector<16xf32>,
      %add3A_386 = arith.constant 27648 : i32
      %add3A_387 = vector.broadcast %add3A_386 : i32 to vector<16xi32>
      %add3A_388 = arith.addi %get3A_117, %add3A_387 : vector<16xi32>
      %gather3A_389 = tpu.vector_load_idx %arg6[%add3A_388] : memref<32768xf32, #tpu.memory_space<vmem>>[vector<16xi32>], vector<16xf32>,
      %mul3A_390 = arith.constant 16 : i32
      %mul3A_391 = arith.muli %scan3A_114, %mul3A_390 : i32
      %swap3A_392 = arith.constant 27 : i32
      %swap3A_393 = arith.index_cast %swap3A_392 : i32 to index
      %swap3A_394 = arith.index_cast %mul3A_391 : i32 to index
      %swap3A_395 = tpu.vector_load %arg7[%swap3A_393, %swap3A_394] {strides = array<i32>} : memref<32x1024xf32, #tpu.memory_space<vmem>>, vector<16xf32>,
      tpu.vector_store %arg7[%swap3A_393, %swap3A_394], %gather3A_389 {strides = array<i32>} : memref<32x1024xf32, #tpu.memory_space<vmem>>, vector<16xf32>,
      %add3A_396 = arith.constant 28672 : i32
      %add3A_397 = vector.broadcast %add3A_396 : i32 to vector<16xi32>
      %add3A_398 = arith.addi %get3A_117, %add3A_397 : vector<16xi32>
      %gather3A_399 = tpu.vector_load_idx %arg6[%add3A_398] : memref<32768xf32, #tpu.memory_space<vmem>>[vector<16xi32>], vector<16xf32>,
      %mul3A_400 = arith.constant 16 : i32
      %mul3A_401 = arith.muli %scan3A_114, %mul3A_400 : i32
      %swap3A_402 = arith.constant 28 : i32
      %swap3A_403 = arith.index_cast %swap3A_402 : i32 to index
      %swap3A_404 = arith.index_cast %mul3A_401 : i32 to index
      %swap3A_405 = tpu.vector_load %arg7[%swap3A_403, %swap3A_404] {strides = array<i32>} : memref<32x1024xf32, #tpu.memory_space<vmem>>, vector<16xf32>,
      tpu.vector_store %arg7[%swap3A_403, %swap3A_404], %gather3A_399 {strides = array<i32>} : memref<32x1024xf32, #tpu.memory_space<vmem>>, vector<16xf32>,
      %add3A_406 = arith.constant 29696 : i32
      %add3A_407 = vector.broadcast %add3A_406 : i32 to vector<16xi32>
      %add3A_408 = arith.addi %get3A_117, %add3A_407 : vector<16xi32>
      %gather3A_409 = tpu.vector_load_idx %arg6[%add3A_408] : memref<32768xf32, #tpu.memory_space<vmem>>[vector<16xi32>], vector<16xf32>,
      %mul3A_410 = arith.constant 16 : i32
      %mul3A_411 = arith.muli %scan3A_114, %mul3A_410 : i32
      %swap3A_412 = arith.constant 29 : i32
      %swap3A_413 = arith.index_cast %swap3A_412 : i32 to index
      %swap3A_414 = arith.index_cast %mul3A_411 : i32 to index
      %swap3A_415 = tpu.vector_load %arg7[%swap3A_413, %swap3A_414] {strides = array<i32>} : memref<32x1024xf32, #tpu.memory_space<vmem>>, vector<16xf32>,
      tpu.vector_store %arg7[%swap3A_413, %swap3A_414], %gather3A_409 {strides = array<i32>} : memref<32x1024xf32, #tpu.memory_space<vmem>>, vector<16xf32>,
      %add3A_416 = arith.constant 30720 : i32
      %add3A_417 = vector.broadcast %add3A_416 : i32 to vector<16xi32>
      %add3A_418 = arith.addi %get3A_117, %add3A_417 : vector<16xi32>
      %gather3A_419 = tpu.vector_load_idx %arg6[%add3A_418] : memref<32768xf32, #tpu.memory_space<vmem>>[vector<16xi32>], vector<16xf32>,
      %mul3A_420 = arith.constant 16 : i32
      %mul3A_421 = arith.muli %scan3A_114, %mul3A_420 : i32
      %swap3A_422 = arith.constant 30 : i32
      %swap3A_423 = arith.index_cast %swap3A_422 : i32 to index
      %swap3A_424 = arith.index_cast %mul3A_421 : i32 to index
      %swap3A_425 = tpu.vector_load %arg7[%swap3A_423, %swap3A_424] {strides = array<i32>} : memref<32x1024xf32, #tpu.memory_space<vmem>>, vector<16xf32>,
      tpu.vector_store %arg7[%swap3A_423, %swap3A_424], %gather3A_419 {strides = array<i32>} : memref<32x1024xf32, #tpu.memory_space<vmem>>, vector<16xf32>,
      %add3A_426 = arith.constant 31744 : i32
      %add3A_427 = vector.broadcast %add3A_426 : i32 to vector<16xi32>
      %add3A_428 = arith.addi %get3A_117, %add3A_427 : vector<16xi32>
      %gather3A_429 = tpu.vector_load_idx %arg6[%add3A_428] : memref<32768xf32, #tpu.memory_space<vmem>>[vector<16xi32>], vector<16xf32>,
      %mul3A_430 = arith.constant 16 : i32
      %mul3A_431 = arith.muli %scan3A_114, %mul3A_430 : i32
      %swap3A_432 = arith.constant 31 : i32
      %swap3A_433 = arith.index_cast %swap3A_432 : i32 to index
      %swap3A_434 = arith.index_cast %mul3A_431 : i32 to index
      %swap3A_435 = tpu.vector_load %arg7[%swap3A_433, %swap3A_434] {strides = array<i32>} : memref<32x1024xf32, #tpu.memory_space<vmem>>, vector<16xf32>,
      tpu.vector_store %arg7[%swap3A_433, %swap3A_434], %gather3A_429 {strides = array<i32>} : memref<32x1024xf32, #tpu.memory_space<vmem>>, vector<16xf32>,
    }
    %scan3A_69 = arith.constant 64 : i32
    %mul3A_70 = arith.constant 256 : i32
    %mul3A_71 = arith.muli %select_n3A, %mul3A_70 : i32
    %add3A_72 = arith.constant 96 : i32
    %add3A_73 = arith.addi %mul3A_71, %add3A_72 : i32
    "tpu.region"() ({
      %run_scoped3A = tpu.sem_alloc : memref<!tpu.dma_semaphore, #tpu.memory_space<semaphore_mem>>
      %dma_start3A = tpu.memref_slice %arg4[%add3A_73, %mul3A_34] : memref<1024x8192xf32, #tpu.memory_space<hbm>> -> memref<32x1024xf32, #tpu.memory_space<hbm>>
      %dma_start3A_114 = tpu.memref_slice %arg4[%add3A_73, %mul3A_34] : memref<1024x8192xf32, #tpu.memory_space<hbm>> -> memref<32x1024xf32, #tpu.memory_space<hbm>>
      tpu.enqueue_dma source(%arg7 : memref<32x1024xf32, #tpu.memory_space<vmem>>) target(%dma_start3A_114 : memref<32x1024xf32, #tpu.memory_space<hbm>>) target_semaphore(%run_scoped3A : memref<!tpu.dma_semaphore, #tpu.memory_space<semaphore_mem>>)
      %dma_wait3A = tpu.memref_slice %arg4[%add3A_73, %mul3A_34] : memref<1024x8192xf32, #tpu.memory_space<hbm>> -> memref<32x1024xf32, #tpu.memory_space<hbm>>
      %dma_wait3A_115 = tpu.memref_slice %arg4[%add3A_73, %mul3A_34] : memref<1024x8192xf32, #tpu.memory_space<hbm>> -> memref<32x1024xf32, #tpu.memory_space<hbm>>
      tpu.wait_dma2 semaphore(%run_scoped3A : memref<!tpu.dma_semaphore, #tpu.memory_space<semaphore_mem>>) src(%arg7 : memref<32x1024xf32, #tpu.memory_space<vmem>>) dst(%dma_wait3A_115 : memref<32x1024xf32, #tpu.memory_space<hbm>>)
      tpu.yield
    }) : () -> ()
    "tpu.region"() ({
      %run_scoped3A = tpu.sem_alloc : memref<!tpu.dma_semaphore, #tpu.memory_space<semaphore_mem>>
      %dma_start3A = arith.constant 131072 : i32
      %dma_start3A_114 = tpu.memref_slice %arg2[%dma_start3A] : memref<262144xf32, #tpu.memory_space<hbm>> -> memref<32768xf32, #tpu.memory_space<hbm>>
      %dma_start3A_115 = arith.constant 131072 : i32
      %dma_start3A_116 = tpu.memref_slice %arg2[%dma_start3A_115] : memref<262144xf32, #tpu.memory_space<hbm>> -> memref<32768xf32, #tpu.memory_space<hbm>>
      tpu.enqueue_dma source(%dma_start3A_116 : memref<32768xf32, #tpu.memory_space<hbm>>) target(%arg6 : memref<32768xf32, #tpu.memory_space<vmem>>) target_semaphore(%run_scoped3A : memref<!tpu.dma_semaphore, #tpu.memory_space<semaphore_mem>>)
      %dma_wait3A = arith.constant 131072 : i32
      %dma_wait3A_117 = tpu.memref_slice %arg2[%dma_wait3A] : memref<262144xf32, #tpu.memory_space<hbm>> -> memref<32768xf32, #tpu.memory_space<hbm>>
      %dma_wait3A_118 = arith.constant 131072 : i32
      %dma_wait3A_119 = tpu.memref_slice %arg2[%dma_wait3A_118] : memref<262144xf32, #tpu.memory_space<hbm>> -> memref<32768xf32, #tpu.memory_space<hbm>>
      tpu.wait_dma2 semaphore(%run_scoped3A : memref<!tpu.dma_semaphore, #tpu.memory_space<semaphore_mem>>) src(%dma_wait3A_119 : memref<32768xf32, #tpu.memory_space<hbm>>) dst(%arg6 : memref<32768xf32, #tpu.memory_space<vmem>>)
      tpu.yield
    }) : () -> ()
    %scan3A_74 = arith.constant 0 : i32
    %scan3A_75 = arith.constant 0 : i32
    %scan3A_76 = arith.constant 64 : i32
    %scan3A_77 = arith.addi %scan3A_75, %scan3A_76 : i32
    %scan3A_78 = arith.constant 1 : i32
    scf.for %scan3A_114 = %scan3A_75 to %scan3A_77 step %scan3A_78  : i32 {
      %mul3A_115 = arith.constant 16 : i32
      %mul3A_116 = arith.muli %scan3A_114, %mul3A_115 : i32
      %get3A = arith.index_cast %mul3A_116 : i32 to index
      %get3A_117 = tpu.vector_load %arg5[%get3A] {strides = array<i32>} : memref<1024xi32, #tpu.memory_space<vmem>>, vector<16xi32>,
      %add3A_118 = arith.constant 0 : i32
      %add3A_119 = vector.broadcast %add3A_118 : i32 to vector<16xi32>
      %add3A_120 = arith.addi %get3A_117, %add3A_119 : vector<16xi32>
      %gather3A = tpu.vector_load_idx %arg6[%add3A_120] : memref<32768xf32, #tpu.memory_space<vmem>>[vector<16xi32>], vector<16xf32>,
      %mul3A_121 = arith.constant 16 : i32
      %mul3A_122 = arith.muli %scan3A_114, %mul3A_121 : i32
      %swap3A = arith.constant 0 : i32
      %swap3A_123 = arith.index_cast %swap3A : i32 to index
      %swap3A_124 = arith.index_cast %mul3A_122 : i32 to index
      %swap3A_125 = tpu.vector_load %arg7[%swap3A_123, %swap3A_124] {strides = array<i32>} : memref<32x1024xf32, #tpu.memory_space<vmem>>, vector<16xf32>,
      tpu.vector_store %arg7[%swap3A_123, %swap3A_124], %gather3A {strides = array<i32>} : memref<32x1024xf32, #tpu.memory_space<vmem>>, vector<16xf32>,
      %add3A_126 = arith.constant 1024 : i32
      %add3A_127 = vector.broadcast %add3A_126 : i32 to vector<16xi32>
      %add3A_128 = arith.addi %get3A_117, %add3A_127 : vector<16xi32>
      %gather3A_129 = tpu.vector_load_idx %arg6[%add3A_128] : memref<32768xf32, #tpu.memory_space<vmem>>[vector<16xi32>], vector<16xf32>,
      %mul3A_130 = arith.constant 16 : i32
      %mul3A_131 = arith.muli %scan3A_114, %mul3A_130 : i32
      %swap3A_132 = arith.constant 1 : i32
      %swap3A_133 = arith.index_cast %swap3A_132 : i32 to index
      %swap3A_134 = arith.index_cast %mul3A_131 : i32 to index
      %swap3A_135 = tpu.vector_load %arg7[%swap3A_133, %swap3A_134] {strides = array<i32>} : memref<32x1024xf32, #tpu.memory_space<vmem>>, vector<16xf32>,
      tpu.vector_store %arg7[%swap3A_133, %swap3A_134], %gather3A_129 {strides = array<i32>} : memref<32x1024xf32, #tpu.memory_space<vmem>>, vector<16xf32>,
      %add3A_136 = arith.constant 2048 : i32
      %add3A_137 = vector.broadcast %add3A_136 : i32 to vector<16xi32>
      %add3A_138 = arith.addi %get3A_117, %add3A_137 : vector<16xi32>
      %gather3A_139 = tpu.vector_load_idx %arg6[%add3A_138] : memref<32768xf32, #tpu.memory_space<vmem>>[vector<16xi32>], vector<16xf32>,
      %mul3A_140 = arith.constant 16 : i32
      %mul3A_141 = arith.muli %scan3A_114, %mul3A_140 : i32
      %swap3A_142 = arith.constant 2 : i32
      %swap3A_143 = arith.index_cast %swap3A_142 : i32 to index
      %swap3A_144 = arith.index_cast %mul3A_141 : i32 to index
      %swap3A_145 = tpu.vector_load %arg7[%swap3A_143, %swap3A_144] {strides = array<i32>} : memref<32x1024xf32, #tpu.memory_space<vmem>>, vector<16xf32>,
      tpu.vector_store %arg7[%swap3A_143, %swap3A_144], %gather3A_139 {strides = array<i32>} : memref<32x1024xf32, #tpu.memory_space<vmem>>, vector<16xf32>,
      %add3A_146 = arith.constant 3072 : i32
      %add3A_147 = vector.broadcast %add3A_146 : i32 to vector<16xi32>
      %add3A_148 = arith.addi %get3A_117, %add3A_147 : vector<16xi32>
      %gather3A_149 = tpu.vector_load_idx %arg6[%add3A_148] : memref<32768xf32, #tpu.memory_space<vmem>>[vector<16xi32>], vector<16xf32>,
      %mul3A_150 = arith.constant 16 : i32
      %mul3A_151 = arith.muli %scan3A_114, %mul3A_150 : i32
      %swap3A_152 = arith.constant 3 : i32
      %swap3A_153 = arith.index_cast %swap3A_152 : i32 to index
      %swap3A_154 = arith.index_cast %mul3A_151 : i32 to index
      %swap3A_155 = tpu.vector_load %arg7[%swap3A_153, %swap3A_154] {strides = array<i32>} : memref<32x1024xf32, #tpu.memory_space<vmem>>, vector<16xf32>,
      tpu.vector_store %arg7[%swap3A_153, %swap3A_154], %gather3A_149 {strides = array<i32>} : memref<32x1024xf32, #tpu.memory_space<vmem>>, vector<16xf32>,
      %add3A_156 = arith.constant 4096 : i32
      %add3A_157 = vector.broadcast %add3A_156 : i32 to vector<16xi32>
      %add3A_158 = arith.addi %get3A_117, %add3A_157 : vector<16xi32>
      %gather3A_159 = tpu.vector_load_idx %arg6[%add3A_158] : memref<32768xf32, #tpu.memory_space<vmem>>[vector<16xi32>], vector<16xf32>,
      %mul3A_160 = arith.constant 16 : i32
      %mul3A_161 = arith.muli %scan3A_114, %mul3A_160 : i32
      %swap3A_162 = arith.constant 4 : i32
      %swap3A_163 = arith.index_cast %swap3A_162 : i32 to index
      %swap3A_164 = arith.index_cast %mul3A_161 : i32 to index
      %swap3A_165 = tpu.vector_load %arg7[%swap3A_163, %swap3A_164] {strides = array<i32>} : memref<32x1024xf32, #tpu.memory_space<vmem>>, vector<16xf32>,
      tpu.vector_store %arg7[%swap3A_163, %swap3A_164], %gather3A_159 {strides = array<i32>} : memref<32x1024xf32, #tpu.memory_space<vmem>>, vector<16xf32>,
      %add3A_166 = arith.constant 5120 : i32
      %add3A_167 = vector.broadcast %add3A_166 : i32 to vector<16xi32>
      %add3A_168 = arith.addi %get3A_117, %add3A_167 : vector<16xi32>
      %gather3A_169 = tpu.vector_load_idx %arg6[%add3A_168] : memref<32768xf32, #tpu.memory_space<vmem>>[vector<16xi32>], vector<16xf32>,
      %mul3A_170 = arith.constant 16 : i32
      %mul3A_171 = arith.muli %scan3A_114, %mul3A_170 : i32
      %swap3A_172 = arith.constant 5 : i32
      %swap3A_173 = arith.index_cast %swap3A_172 : i32 to index
      %swap3A_174 = arith.index_cast %mul3A_171 : i32 to index
      %swap3A_175 = tpu.vector_load %arg7[%swap3A_173, %swap3A_174] {strides = array<i32>} : memref<32x1024xf32, #tpu.memory_space<vmem>>, vector<16xf32>,
      tpu.vector_store %arg7[%swap3A_173, %swap3A_174], %gather3A_169 {strides = array<i32>} : memref<32x1024xf32, #tpu.memory_space<vmem>>, vector<16xf32>,
      %add3A_176 = arith.constant 6144 : i32
      %add3A_177 = vector.broadcast %add3A_176 : i32 to vector<16xi32>
      %add3A_178 = arith.addi %get3A_117, %add3A_177 : vector<16xi32>
      %gather3A_179 = tpu.vector_load_idx %arg6[%add3A_178] : memref<32768xf32, #tpu.memory_space<vmem>>[vector<16xi32>], vector<16xf32>,
      %mul3A_180 = arith.constant 16 : i32
      %mul3A_181 = arith.muli %scan3A_114, %mul3A_180 : i32
      %swap3A_182 = arith.constant 6 : i32
      %swap3A_183 = arith.index_cast %swap3A_182 : i32 to index
      %swap3A_184 = arith.index_cast %mul3A_181 : i32 to index
      %swap3A_185 = tpu.vector_load %arg7[%swap3A_183, %swap3A_184] {strides = array<i32>} : memref<32x1024xf32, #tpu.memory_space<vmem>>, vector<16xf32>,
      tpu.vector_store %arg7[%swap3A_183, %swap3A_184], %gather3A_179 {strides = array<i32>} : memref<32x1024xf32, #tpu.memory_space<vmem>>, vector<16xf32>,
      %add3A_186 = arith.constant 7168 : i32
      %add3A_187 = vector.broadcast %add3A_186 : i32 to vector<16xi32>
      %add3A_188 = arith.addi %get3A_117, %add3A_187 : vector<16xi32>
      %gather3A_189 = tpu.vector_load_idx %arg6[%add3A_188] : memref<32768xf32, #tpu.memory_space<vmem>>[vector<16xi32>], vector<16xf32>,
      %mul3A_190 = arith.constant 16 : i32
      %mul3A_191 = arith.muli %scan3A_114, %mul3A_190 : i32
      %swap3A_192 = arith.constant 7 : i32
      %swap3A_193 = arith.index_cast %swap3A_192 : i32 to index
      %swap3A_194 = arith.index_cast %mul3A_191 : i32 to index
      %swap3A_195 = tpu.vector_load %arg7[%swap3A_193, %swap3A_194] {strides = array<i32>} : memref<32x1024xf32, #tpu.memory_space<vmem>>, vector<16xf32>,
      tpu.vector_store %arg7[%swap3A_193, %swap3A_194], %gather3A_189 {strides = array<i32>} : memref<32x1024xf32, #tpu.memory_space<vmem>>, vector<16xf32>,
      %add3A_196 = arith.constant 8192 : i32
      %add3A_197 = vector.broadcast %add3A_196 : i32 to vector<16xi32>
      %add3A_198 = arith.addi %get3A_117, %add3A_197 : vector<16xi32>
      %gather3A_199 = tpu.vector_load_idx %arg6[%add3A_198] : memref<32768xf32, #tpu.memory_space<vmem>>[vector<16xi32>], vector<16xf32>,
      %mul3A_200 = arith.constant 16 : i32
      %mul3A_201 = arith.muli %scan3A_114, %mul3A_200 : i32
      %swap3A_202 = arith.constant 8 : i32
      %swap3A_203 = arith.index_cast %swap3A_202 : i32 to index
      %swap3A_204 = arith.index_cast %mul3A_201 : i32 to index
      %swap3A_205 = tpu.vector_load %arg7[%swap3A_203, %swap3A_204] {strides = array<i32>} : memref<32x1024xf32, #tpu.memory_space<vmem>>, vector<16xf32>,
      tpu.vector_store %arg7[%swap3A_203, %swap3A_204], %gather3A_199 {strides = array<i32>} : memref<32x1024xf32, #tpu.memory_space<vmem>>, vector<16xf32>,
      %add3A_206 = arith.constant 9216 : i32
      %add3A_207 = vector.broadcast %add3A_206 : i32 to vector<16xi32>
      %add3A_208 = arith.addi %get3A_117, %add3A_207 : vector<16xi32>
      %gather3A_209 = tpu.vector_load_idx %arg6[%add3A_208] : memref<32768xf32, #tpu.memory_space<vmem>>[vector<16xi32>], vector<16xf32>,
      %mul3A_210 = arith.constant 16 : i32
      %mul3A_211 = arith.muli %scan3A_114, %mul3A_210 : i32
      %swap3A_212 = arith.constant 9 : i32
      %swap3A_213 = arith.index_cast %swap3A_212 : i32 to index
      %swap3A_214 = arith.index_cast %mul3A_211 : i32 to index
      %swap3A_215 = tpu.vector_load %arg7[%swap3A_213, %swap3A_214] {strides = array<i32>} : memref<32x1024xf32, #tpu.memory_space<vmem>>, vector<16xf32>,
      tpu.vector_store %arg7[%swap3A_213, %swap3A_214], %gather3A_209 {strides = array<i32>} : memref<32x1024xf32, #tpu.memory_space<vmem>>, vector<16xf32>,
      %add3A_216 = arith.constant 10240 : i32
      %add3A_217 = vector.broadcast %add3A_216 : i32 to vector<16xi32>
      %add3A_218 = arith.addi %get3A_117, %add3A_217 : vector<16xi32>
      %gather3A_219 = tpu.vector_load_idx %arg6[%add3A_218] : memref<32768xf32, #tpu.memory_space<vmem>>[vector<16xi32>], vector<16xf32>,
      %mul3A_220 = arith.constant 16 : i32
      %mul3A_221 = arith.muli %scan3A_114, %mul3A_220 : i32
      %swap3A_222 = arith.constant 10 : i32
      %swap3A_223 = arith.index_cast %swap3A_222 : i32 to index
      %swap3A_224 = arith.index_cast %mul3A_221 : i32 to index
      %swap3A_225 = tpu.vector_load %arg7[%swap3A_223, %swap3A_224] {strides = array<i32>} : memref<32x1024xf32, #tpu.memory_space<vmem>>, vector<16xf32>,
      tpu.vector_store %arg7[%swap3A_223, %swap3A_224], %gather3A_219 {strides = array<i32>} : memref<32x1024xf32, #tpu.memory_space<vmem>>, vector<16xf32>,
      %add3A_226 = arith.constant 11264 : i32
      %add3A_227 = vector.broadcast %add3A_226 : i32 to vector<16xi32>
      %add3A_228 = arith.addi %get3A_117, %add3A_227 : vector<16xi32>
      %gather3A_229 = tpu.vector_load_idx %arg6[%add3A_228] : memref<32768xf32, #tpu.memory_space<vmem>>[vector<16xi32>], vector<16xf32>,
      %mul3A_230 = arith.constant 16 : i32
      %mul3A_231 = arith.muli %scan3A_114, %mul3A_230 : i32
      %swap3A_232 = arith.constant 11 : i32
      %swap3A_233 = arith.index_cast %swap3A_232 : i32 to index
      %swap3A_234 = arith.index_cast %mul3A_231 : i32 to index
      %swap3A_235 = tpu.vector_load %arg7[%swap3A_233, %swap3A_234] {strides = array<i32>} : memref<32x1024xf32, #tpu.memory_space<vmem>>, vector<16xf32>,
      tpu.vector_store %arg7[%swap3A_233, %swap3A_234], %gather3A_229 {strides = array<i32>} : memref<32x1024xf32, #tpu.memory_space<vmem>>, vector<16xf32>,
      %add3A_236 = arith.constant 12288 : i32
      %add3A_237 = vector.broadcast %add3A_236 : i32 to vector<16xi32>
      %add3A_238 = arith.addi %get3A_117, %add3A_237 : vector<16xi32>
      %gather3A_239 = tpu.vector_load_idx %arg6[%add3A_238] : memref<32768xf32, #tpu.memory_space<vmem>>[vector<16xi32>], vector<16xf32>,
      %mul3A_240 = arith.constant 16 : i32
      %mul3A_241 = arith.muli %scan3A_114, %mul3A_240 : i32
      %swap3A_242 = arith.constant 12 : i32
      %swap3A_243 = arith.index_cast %swap3A_242 : i32 to index
      %swap3A_244 = arith.index_cast %mul3A_241 : i32 to index
      %swap3A_245 = tpu.vector_load %arg7[%swap3A_243, %swap3A_244] {strides = array<i32>} : memref<32x1024xf32, #tpu.memory_space<vmem>>, vector<16xf32>,
      tpu.vector_store %arg7[%swap3A_243, %swap3A_244], %gather3A_239 {strides = array<i32>} : memref<32x1024xf32, #tpu.memory_space<vmem>>, vector<16xf32>,
      %add3A_246 = arith.constant 13312 : i32
      %add3A_247 = vector.broadcast %add3A_246 : i32 to vector<16xi32>
      %add3A_248 = arith.addi %get3A_117, %add3A_247 : vector<16xi32>
      %gather3A_249 = tpu.vector_load_idx %arg6[%add3A_248] : memref<32768xf32, #tpu.memory_space<vmem>>[vector<16xi32>], vector<16xf32>,
      %mul3A_250 = arith.constant 16 : i32
      %mul3A_251 = arith.muli %scan3A_114, %mul3A_250 : i32
      %swap3A_252 = arith.constant 13 : i32
      %swap3A_253 = arith.index_cast %swap3A_252 : i32 to index
      %swap3A_254 = arith.index_cast %mul3A_251 : i32 to index
      %swap3A_255 = tpu.vector_load %arg7[%swap3A_253, %swap3A_254] {strides = array<i32>} : memref<32x1024xf32, #tpu.memory_space<vmem>>, vector<16xf32>,
      tpu.vector_store %arg7[%swap3A_253, %swap3A_254], %gather3A_249 {strides = array<i32>} : memref<32x1024xf32, #tpu.memory_space<vmem>>, vector<16xf32>,
      %add3A_256 = arith.constant 14336 : i32
      %add3A_257 = vector.broadcast %add3A_256 : i32 to vector<16xi32>
      %add3A_258 = arith.addi %get3A_117, %add3A_257 : vector<16xi32>
      %gather3A_259 = tpu.vector_load_idx %arg6[%add3A_258] : memref<32768xf32, #tpu.memory_space<vmem>>[vector<16xi32>], vector<16xf32>,
      %mul3A_260 = arith.constant 16 : i32
      %mul3A_261 = arith.muli %scan3A_114, %mul3A_260 : i32
      %swap3A_262 = arith.constant 14 : i32
      %swap3A_263 = arith.index_cast %swap3A_262 : i32 to index
      %swap3A_264 = arith.index_cast %mul3A_261 : i32 to index
      %swap3A_265 = tpu.vector_load %arg7[%swap3A_263, %swap3A_264] {strides = array<i32>} : memref<32x1024xf32, #tpu.memory_space<vmem>>, vector<16xf32>,
      tpu.vector_store %arg7[%swap3A_263, %swap3A_264], %gather3A_259 {strides = array<i32>} : memref<32x1024xf32, #tpu.memory_space<vmem>>, vector<16xf32>,
      %add3A_266 = arith.constant 15360 : i32
      %add3A_267 = vector.broadcast %add3A_266 : i32 to vector<16xi32>
      %add3A_268 = arith.addi %get3A_117, %add3A_267 : vector<16xi32>
      %gather3A_269 = tpu.vector_load_idx %arg6[%add3A_268] : memref<32768xf32, #tpu.memory_space<vmem>>[vector<16xi32>], vector<16xf32>,
      %mul3A_270 = arith.constant 16 : i32
      %mul3A_271 = arith.muli %scan3A_114, %mul3A_270 : i32
      %swap3A_272 = arith.constant 15 : i32
      %swap3A_273 = arith.index_cast %swap3A_272 : i32 to index
      %swap3A_274 = arith.index_cast %mul3A_271 : i32 to index
      %swap3A_275 = tpu.vector_load %arg7[%swap3A_273, %swap3A_274] {strides = array<i32>} : memref<32x1024xf32, #tpu.memory_space<vmem>>, vector<16xf32>,
      tpu.vector_store %arg7[%swap3A_273, %swap3A_274], %gather3A_269 {strides = array<i32>} : memref<32x1024xf32, #tpu.memory_space<vmem>>, vector<16xf32>,
      %add3A_276 = arith.constant 16384 : i32
      %add3A_277 = vector.broadcast %add3A_276 : i32 to vector<16xi32>
      %add3A_278 = arith.addi %get3A_117, %add3A_277 : vector<16xi32>
      %gather3A_279 = tpu.vector_load_idx %arg6[%add3A_278] : memref<32768xf32, #tpu.memory_space<vmem>>[vector<16xi32>], vector<16xf32>,
      %mul3A_280 = arith.constant 16 : i32
      %mul3A_281 = arith.muli %scan3A_114, %mul3A_280 : i32
      %swap3A_282 = arith.constant 16 : i32
      %swap3A_283 = arith.index_cast %swap3A_282 : i32 to index
      %swap3A_284 = arith.index_cast %mul3A_281 : i32 to index
      %swap3A_285 = tpu.vector_load %arg7[%swap3A_283, %swap3A_284] {strides = array<i32>} : memref<32x1024xf32, #tpu.memory_space<vmem>>, vector<16xf32>,
      tpu.vector_store %arg7[%swap3A_283, %swap3A_284], %gather3A_279 {strides = array<i32>} : memref<32x1024xf32, #tpu.memory_space<vmem>>, vector<16xf32>,
      %add3A_286 = arith.constant 17408 : i32
      %add3A_287 = vector.broadcast %add3A_286 : i32 to vector<16xi32>
      %add3A_288 = arith.addi %get3A_117, %add3A_287 : vector<16xi32>
      %gather3A_289 = tpu.vector_load_idx %arg6[%add3A_288] : memref<32768xf32, #tpu.memory_space<vmem>>[vector<16xi32>], vector<16xf32>,
      %mul3A_290 = arith.constant 16 : i32
      %mul3A_291 = arith.muli %scan3A_114, %mul3A_290 : i32
      %swap3A_292 = arith.constant 17 : i32
      %swap3A_293 = arith.index_cast %swap3A_292 : i32 to index
      %swap3A_294 = arith.index_cast %mul3A_291 : i32 to index
      %swap3A_295 = tpu.vector_load %arg7[%swap3A_293, %swap3A_294] {strides = array<i32>} : memref<32x1024xf32, #tpu.memory_space<vmem>>, vector<16xf32>,
      tpu.vector_store %arg7[%swap3A_293, %swap3A_294], %gather3A_289 {strides = array<i32>} : memref<32x1024xf32, #tpu.memory_space<vmem>>, vector<16xf32>,
      %add3A_296 = arith.constant 18432 : i32
      %add3A_297 = vector.broadcast %add3A_296 : i32 to vector<16xi32>
      %add3A_298 = arith.addi %get3A_117, %add3A_297 : vector<16xi32>
      %gather3A_299 = tpu.vector_load_idx %arg6[%add3A_298] : memref<32768xf32, #tpu.memory_space<vmem>>[vector<16xi32>], vector<16xf32>,
      %mul3A_300 = arith.constant 16 : i32
      %mul3A_301 = arith.muli %scan3A_114, %mul3A_300 : i32
      %swap3A_302 = arith.constant 18 : i32
      %swap3A_303 = arith.index_cast %swap3A_302 : i32 to index
      %swap3A_304 = arith.index_cast %mul3A_301 : i32 to index
      %swap3A_305 = tpu.vector_load %arg7[%swap3A_303, %swap3A_304] {strides = array<i32>} : memref<32x1024xf32, #tpu.memory_space<vmem>>, vector<16xf32>,
      tpu.vector_store %arg7[%swap3A_303, %swap3A_304], %gather3A_299 {strides = array<i32>} : memref<32x1024xf32, #tpu.memory_space<vmem>>, vector<16xf32>,
      %add3A_306 = arith.constant 19456 : i32
      %add3A_307 = vector.broadcast %add3A_306 : i32 to vector<16xi32>
      %add3A_308 = arith.addi %get3A_117, %add3A_307 : vector<16xi32>
      %gather3A_309 = tpu.vector_load_idx %arg6[%add3A_308] : memref<32768xf32, #tpu.memory_space<vmem>>[vector<16xi32>], vector<16xf32>,
      %mul3A_310 = arith.constant 16 : i32
      %mul3A_311 = arith.muli %scan3A_114, %mul3A_310 : i32
      %swap3A_312 = arith.constant 19 : i32
      %swap3A_313 = arith.index_cast %swap3A_312 : i32 to index
      %swap3A_314 = arith.index_cast %mul3A_311 : i32 to index
      %swap3A_315 = tpu.vector_load %arg7[%swap3A_313, %swap3A_314] {strides = array<i32>} : memref<32x1024xf32, #tpu.memory_space<vmem>>, vector<16xf32>,
      tpu.vector_store %arg7[%swap3A_313, %swap3A_314], %gather3A_309 {strides = array<i32>} : memref<32x1024xf32, #tpu.memory_space<vmem>>, vector<16xf32>,
      %add3A_316 = arith.constant 20480 : i32
      %add3A_317 = vector.broadcast %add3A_316 : i32 to vector<16xi32>
      %add3A_318 = arith.addi %get3A_117, %add3A_317 : vector<16xi32>
      %gather3A_319 = tpu.vector_load_idx %arg6[%add3A_318] : memref<32768xf32, #tpu.memory_space<vmem>>[vector<16xi32>], vector<16xf32>,
      %mul3A_320 = arith.constant 16 : i32
      %mul3A_321 = arith.muli %scan3A_114, %mul3A_320 : i32
      %swap3A_322 = arith.constant 20 : i32
      %swap3A_323 = arith.index_cast %swap3A_322 : i32 to index
      %swap3A_324 = arith.index_cast %mul3A_321 : i32 to index
      %swap3A_325 = tpu.vector_load %arg7[%swap3A_323, %swap3A_324] {strides = array<i32>} : memref<32x1024xf32, #tpu.memory_space<vmem>>, vector<16xf32>,
      tpu.vector_store %arg7[%swap3A_323, %swap3A_324], %gather3A_319 {strides = array<i32>} : memref<32x1024xf32, #tpu.memory_space<vmem>>, vector<16xf32>,
      %add3A_326 = arith.constant 21504 : i32
      %add3A_327 = vector.broadcast %add3A_326 : i32 to vector<16xi32>
      %add3A_328 = arith.addi %get3A_117, %add3A_327 : vector<16xi32>
      %gather3A_329 = tpu.vector_load_idx %arg6[%add3A_328] : memref<32768xf32, #tpu.memory_space<vmem>>[vector<16xi32>], vector<16xf32>,
      %mul3A_330 = arith.constant 16 : i32
      %mul3A_331 = arith.muli %scan3A_114, %mul3A_330 : i32
      %swap3A_332 = arith.constant 21 : i32
      %swap3A_333 = arith.index_cast %swap3A_332 : i32 to index
      %swap3A_334 = arith.index_cast %mul3A_331 : i32 to index
      %swap3A_335 = tpu.vector_load %arg7[%swap3A_333, %swap3A_334] {strides = array<i32>} : memref<32x1024xf32, #tpu.memory_space<vmem>>, vector<16xf32>,
      tpu.vector_store %arg7[%swap3A_333, %swap3A_334], %gather3A_329 {strides = array<i32>} : memref<32x1024xf32, #tpu.memory_space<vmem>>, vector<16xf32>,
      %add3A_336 = arith.constant 22528 : i32
      %add3A_337 = vector.broadcast %add3A_336 : i32 to vector<16xi32>
      %add3A_338 = arith.addi %get3A_117, %add3A_337 : vector<16xi32>
      %gather3A_339 = tpu.vector_load_idx %arg6[%add3A_338] : memref<32768xf32, #tpu.memory_space<vmem>>[vector<16xi32>], vector<16xf32>,
      %mul3A_340 = arith.constant 16 : i32
      %mul3A_341 = arith.muli %scan3A_114, %mul3A_340 : i32
      %swap3A_342 = arith.constant 22 : i32
      %swap3A_343 = arith.index_cast %swap3A_342 : i32 to index
      %swap3A_344 = arith.index_cast %mul3A_341 : i32 to index
      %swap3A_345 = tpu.vector_load %arg7[%swap3A_343, %swap3A_344] {strides = array<i32>} : memref<32x1024xf32, #tpu.memory_space<vmem>>, vector<16xf32>,
      tpu.vector_store %arg7[%swap3A_343, %swap3A_344], %gather3A_339 {strides = array<i32>} : memref<32x1024xf32, #tpu.memory_space<vmem>>, vector<16xf32>,
      %add3A_346 = arith.constant 23552 : i32
      %add3A_347 = vector.broadcast %add3A_346 : i32 to vector<16xi32>
      %add3A_348 = arith.addi %get3A_117, %add3A_347 : vector<16xi32>
      %gather3A_349 = tpu.vector_load_idx %arg6[%add3A_348] : memref<32768xf32, #tpu.memory_space<vmem>>[vector<16xi32>], vector<16xf32>,
      %mul3A_350 = arith.constant 16 : i32
      %mul3A_351 = arith.muli %scan3A_114, %mul3A_350 : i32
      %swap3A_352 = arith.constant 23 : i32
      %swap3A_353 = arith.index_cast %swap3A_352 : i32 to index
      %swap3A_354 = arith.index_cast %mul3A_351 : i32 to index
      %swap3A_355 = tpu.vector_load %arg7[%swap3A_353, %swap3A_354] {strides = array<i32>} : memref<32x1024xf32, #tpu.memory_space<vmem>>, vector<16xf32>,
      tpu.vector_store %arg7[%swap3A_353, %swap3A_354], %gather3A_349 {strides = array<i32>} : memref<32x1024xf32, #tpu.memory_space<vmem>>, vector<16xf32>,
      %add3A_356 = arith.constant 24576 : i32
      %add3A_357 = vector.broadcast %add3A_356 : i32 to vector<16xi32>
      %add3A_358 = arith.addi %get3A_117, %add3A_357 : vector<16xi32>
      %gather3A_359 = tpu.vector_load_idx %arg6[%add3A_358] : memref<32768xf32, #tpu.memory_space<vmem>>[vector<16xi32>], vector<16xf32>,
      %mul3A_360 = arith.constant 16 : i32
      %mul3A_361 = arith.muli %scan3A_114, %mul3A_360 : i32
      %swap3A_362 = arith.constant 24 : i32
      %swap3A_363 = arith.index_cast %swap3A_362 : i32 to index
      %swap3A_364 = arith.index_cast %mul3A_361 : i32 to index
      %swap3A_365 = tpu.vector_load %arg7[%swap3A_363, %swap3A_364] {strides = array<i32>} : memref<32x1024xf32, #tpu.memory_space<vmem>>, vector<16xf32>,
      tpu.vector_store %arg7[%swap3A_363, %swap3A_364], %gather3A_359 {strides = array<i32>} : memref<32x1024xf32, #tpu.memory_space<vmem>>, vector<16xf32>,
      %add3A_366 = arith.constant 25600 : i32
      %add3A_367 = vector.broadcast %add3A_366 : i32 to vector<16xi32>
      %add3A_368 = arith.addi %get3A_117, %add3A_367 : vector<16xi32>
      %gather3A_369 = tpu.vector_load_idx %arg6[%add3A_368] : memref<32768xf32, #tpu.memory_space<vmem>>[vector<16xi32>], vector<16xf32>,
      %mul3A_370 = arith.constant 16 : i32
      %mul3A_371 = arith.muli %scan3A_114, %mul3A_370 : i32
      %swap3A_372 = arith.constant 25 : i32
      %swap3A_373 = arith.index_cast %swap3A_372 : i32 to index
      %swap3A_374 = arith.index_cast %mul3A_371 : i32 to index
      %swap3A_375 = tpu.vector_load %arg7[%swap3A_373, %swap3A_374] {strides = array<i32>} : memref<32x1024xf32, #tpu.memory_space<vmem>>, vector<16xf32>,
      tpu.vector_store %arg7[%swap3A_373, %swap3A_374], %gather3A_369 {strides = array<i32>} : memref<32x1024xf32, #tpu.memory_space<vmem>>, vector<16xf32>,
      %add3A_376 = arith.constant 26624 : i32
      %add3A_377 = vector.broadcast %add3A_376 : i32 to vector<16xi32>
      %add3A_378 = arith.addi %get3A_117, %add3A_377 : vector<16xi32>
      %gather3A_379 = tpu.vector_load_idx %arg6[%add3A_378] : memref<32768xf32, #tpu.memory_space<vmem>>[vector<16xi32>], vector<16xf32>,
      %mul3A_380 = arith.constant 16 : i32
      %mul3A_381 = arith.muli %scan3A_114, %mul3A_380 : i32
      %swap3A_382 = arith.constant 26 : i32
      %swap3A_383 = arith.index_cast %swap3A_382 : i32 to index
      %swap3A_384 = arith.index_cast %mul3A_381 : i32 to index
      %swap3A_385 = tpu.vector_load %arg7[%swap3A_383, %swap3A_384] {strides = array<i32>} : memref<32x1024xf32, #tpu.memory_space<vmem>>, vector<16xf32>,
      tpu.vector_store %arg7[%swap3A_383, %swap3A_384], %gather3A_379 {strides = array<i32>} : memref<32x1024xf32, #tpu.memory_space<vmem>>, vector<16xf32>,
      %add3A_386 = arith.constant 27648 : i32
      %add3A_387 = vector.broadcast %add3A_386 : i32 to vector<16xi32>
      %add3A_388 = arith.addi %get3A_117, %add3A_387 : vector<16xi32>
      %gather3A_389 = tpu.vector_load_idx %arg6[%add3A_388] : memref<32768xf32, #tpu.memory_space<vmem>>[vector<16xi32>], vector<16xf32>,
      %mul3A_390 = arith.constant 16 : i32
      %mul3A_391 = arith.muli %scan3A_114, %mul3A_390 : i32
      %swap3A_392 = arith.constant 27 : i32
      %swap3A_393 = arith.index_cast %swap3A_392 : i32 to index
      %swap3A_394 = arith.index_cast %mul3A_391 : i32 to index
      %swap3A_395 = tpu.vector_load %arg7[%swap3A_393, %swap3A_394] {strides = array<i32>} : memref<32x1024xf32, #tpu.memory_space<vmem>>, vector<16xf32>,
      tpu.vector_store %arg7[%swap3A_393, %swap3A_394], %gather3A_389 {strides = array<i32>} : memref<32x1024xf32, #tpu.memory_space<vmem>>, vector<16xf32>,
      %add3A_396 = arith.constant 28672 : i32
      %add3A_397 = vector.broadcast %add3A_396 : i32 to vector<16xi32>
      %add3A_398 = arith.addi %get3A_117, %add3A_397 : vector<16xi32>
      %gather3A_399 = tpu.vector_load_idx %arg6[%add3A_398] : memref<32768xf32, #tpu.memory_space<vmem>>[vector<16xi32>], vector<16xf32>,
      %mul3A_400 = arith.constant 16 : i32
      %mul3A_401 = arith.muli %scan3A_114, %mul3A_400 : i32
      %swap3A_402 = arith.constant 28 : i32
      %swap3A_403 = arith.index_cast %swap3A_402 : i32 to index
      %swap3A_404 = arith.index_cast %mul3A_401 : i32 to index
      %swap3A_405 = tpu.vector_load %arg7[%swap3A_403, %swap3A_404] {strides = array<i32>} : memref<32x1024xf32, #tpu.memory_space<vmem>>, vector<16xf32>,
      tpu.vector_store %arg7[%swap3A_403, %swap3A_404], %gather3A_399 {strides = array<i32>} : memref<32x1024xf32, #tpu.memory_space<vmem>>, vector<16xf32>,
      %add3A_406 = arith.constant 29696 : i32
      %add3A_407 = vector.broadcast %add3A_406 : i32 to vector<16xi32>
      %add3A_408 = arith.addi %get3A_117, %add3A_407 : vector<16xi32>
      %gather3A_409 = tpu.vector_load_idx %arg6[%add3A_408] : memref<32768xf32, #tpu.memory_space<vmem>>[vector<16xi32>], vector<16xf32>,
      %mul3A_410 = arith.constant 16 : i32
      %mul3A_411 = arith.muli %scan3A_114, %mul3A_410 : i32
      %swap3A_412 = arith.constant 29 : i32
      %swap3A_413 = arith.index_cast %swap3A_412 : i32 to index
      %swap3A_414 = arith.index_cast %mul3A_411 : i32 to index
      %swap3A_415 = tpu.vector_load %arg7[%swap3A_413, %swap3A_414] {strides = array<i32>} : memref<32x1024xf32, #tpu.memory_space<vmem>>, vector<16xf32>,
      tpu.vector_store %arg7[%swap3A_413, %swap3A_414], %gather3A_409 {strides = array<i32>} : memref<32x1024xf32, #tpu.memory_space<vmem>>, vector<16xf32>,
      %add3A_416 = arith.constant 30720 : i32
      %add3A_417 = vector.broadcast %add3A_416 : i32 to vector<16xi32>
      %add3A_418 = arith.addi %get3A_117, %add3A_417 : vector<16xi32>
      %gather3A_419 = tpu.vector_load_idx %arg6[%add3A_418] : memref<32768xf32, #tpu.memory_space<vmem>>[vector<16xi32>], vector<16xf32>,
      %mul3A_420 = arith.constant 16 : i32
      %mul3A_421 = arith.muli %scan3A_114, %mul3A_420 : i32
      %swap3A_422 = arith.constant 30 : i32
      %swap3A_423 = arith.index_cast %swap3A_422 : i32 to index
      %swap3A_424 = arith.index_cast %mul3A_421 : i32 to index
      %swap3A_425 = tpu.vector_load %arg7[%swap3A_423, %swap3A_424] {strides = array<i32>} : memref<32x1024xf32, #tpu.memory_space<vmem>>, vector<16xf32>,
      tpu.vector_store %arg7[%swap3A_423, %swap3A_424], %gather3A_419 {strides = array<i32>} : memref<32x1024xf32, #tpu.memory_space<vmem>>, vector<16xf32>,
      %add3A_426 = arith.constant 31744 : i32
      %add3A_427 = vector.broadcast %add3A_426 : i32 to vector<16xi32>
      %add3A_428 = arith.addi %get3A_117, %add3A_427 : vector<16xi32>
      %gather3A_429 = tpu.vector_load_idx %arg6[%add3A_428] : memref<32768xf32, #tpu.memory_space<vmem>>[vector<16xi32>], vector<16xf32>,
      %mul3A_430 = arith.constant 16 : i32
      %mul3A_431 = arith.muli %scan3A_114, %mul3A_430 : i32
      %swap3A_432 = arith.constant 31 : i32
      %swap3A_433 = arith.index_cast %swap3A_432 : i32 to index
      %swap3A_434 = arith.index_cast %mul3A_431 : i32 to index
      %swap3A_435 = tpu.vector_load %arg7[%swap3A_433, %swap3A_434] {strides = array<i32>} : memref<32x1024xf32, #tpu.memory_space<vmem>>, vector<16xf32>,
      tpu.vector_store %arg7[%swap3A_433, %swap3A_434], %gather3A_429 {strides = array<i32>} : memref<32x1024xf32, #tpu.memory_space<vmem>>, vector<16xf32>,
    }
    %scan3A_79 = arith.constant 64 : i32
    %mul3A_80 = arith.constant 256 : i32
    %mul3A_81 = arith.muli %select_n3A, %mul3A_80 : i32
    %add3A_82 = arith.constant 128 : i32
    %add3A_83 = arith.addi %mul3A_81, %add3A_82 : i32
    "tpu.region"() ({
      %run_scoped3A = tpu.sem_alloc : memref<!tpu.dma_semaphore, #tpu.memory_space<semaphore_mem>>
      %dma_start3A = tpu.memref_slice %arg4[%add3A_83, %mul3A_34] : memref<1024x8192xf32, #tpu.memory_space<hbm>> -> memref<32x1024xf32, #tpu.memory_space<hbm>>
      %dma_start3A_114 = tpu.memref_slice %arg4[%add3A_83, %mul3A_34] : memref<1024x8192xf32, #tpu.memory_space<hbm>> -> memref<32x1024xf32, #tpu.memory_space<hbm>>
      tpu.enqueue_dma source(%arg7 : memref<32x1024xf32, #tpu.memory_space<vmem>>) target(%dma_start3A_114 : memref<32x1024xf32, #tpu.memory_space<hbm>>) target_semaphore(%run_scoped3A : memref<!tpu.dma_semaphore, #tpu.memory_space<semaphore_mem>>)
      %dma_wait3A = tpu.memref_slice %arg4[%add3A_83, %mul3A_34] : memref<1024x8192xf32, #tpu.memory_space<hbm>> -> memref<32x1024xf32, #tpu.memory_space<hbm>>
      %dma_wait3A_115 = tpu.memref_slice %arg4[%add3A_83, %mul3A_34] : memref<1024x8192xf32, #tpu.memory_space<hbm>> -> memref<32x1024xf32, #tpu.memory_space<hbm>>
      tpu.wait_dma2 semaphore(%run_scoped3A : memref<!tpu.dma_semaphore, #tpu.memory_space<semaphore_mem>>) src(%arg7 : memref<32x1024xf32, #tpu.memory_space<vmem>>) dst(%dma_wait3A_115 : memref<32x1024xf32, #tpu.memory_space<hbm>>)
      tpu.yield
    }) : () -> ()
    "tpu.region"() ({
      %run_scoped3A = tpu.sem_alloc : memref<!tpu.dma_semaphore, #tpu.memory_space<semaphore_mem>>
      %dma_start3A = arith.constant 163840 : i32
      %dma_start3A_114 = tpu.memref_slice %arg2[%dma_start3A] : memref<262144xf32, #tpu.memory_space<hbm>> -> memref<32768xf32, #tpu.memory_space<hbm>>
      %dma_start3A_115 = arith.constant 163840 : i32
      %dma_start3A_116 = tpu.memref_slice %arg2[%dma_start3A_115] : memref<262144xf32, #tpu.memory_space<hbm>> -> memref<32768xf32, #tpu.memory_space<hbm>>
      tpu.enqueue_dma source(%dma_start3A_116 : memref<32768xf32, #tpu.memory_space<hbm>>) target(%arg6 : memref<32768xf32, #tpu.memory_space<vmem>>) target_semaphore(%run_scoped3A : memref<!tpu.dma_semaphore, #tpu.memory_space<semaphore_mem>>)
      %dma_wait3A = arith.constant 163840 : i32
      %dma_wait3A_117 = tpu.memref_slice %arg2[%dma_wait3A] : memref<262144xf32, #tpu.memory_space<hbm>> -> memref<32768xf32, #tpu.memory_space<hbm>>
      %dma_wait3A_118 = arith.constant 163840 : i32
      %dma_wait3A_119 = tpu.memref_slice %arg2[%dma_wait3A_118] : memref<262144xf32, #tpu.memory_space<hbm>> -> memref<32768xf32, #tpu.memory_space<hbm>>
      tpu.wait_dma2 semaphore(%run_scoped3A : memref<!tpu.dma_semaphore, #tpu.memory_space<semaphore_mem>>) src(%dma_wait3A_119 : memref<32768xf32, #tpu.memory_space<hbm>>) dst(%arg6 : memref<32768xf32, #tpu.memory_space<vmem>>)
      tpu.yield
    }) : () -> ()
    %scan3A_84 = arith.constant 0 : i32
    %scan3A_85 = arith.constant 0 : i32
    %scan3A_86 = arith.constant 64 : i32
    %scan3A_87 = arith.addi %scan3A_85, %scan3A_86 : i32
    %scan3A_88 = arith.constant 1 : i32
    scf.for %scan3A_114 = %scan3A_85 to %scan3A_87 step %scan3A_88  : i32 {
      %mul3A_115 = arith.constant 16 : i32
      %mul3A_116 = arith.muli %scan3A_114, %mul3A_115 : i32
      %get3A = arith.index_cast %mul3A_116 : i32 to index
      %get3A_117 = tpu.vector_load %arg5[%get3A] {strides = array<i32>} : memref<1024xi32, #tpu.memory_space<vmem>>, vector<16xi32>,
      %add3A_118 = arith.constant 0 : i32
      %add3A_119 = vector.broadcast %add3A_118 : i32 to vector<16xi32>
      %add3A_120 = arith.addi %get3A_117, %add3A_119 : vector<16xi32>
      %gather3A = tpu.vector_load_idx %arg6[%add3A_120] : memref<32768xf32, #tpu.memory_space<vmem>>[vector<16xi32>], vector<16xf32>,
      %mul3A_121 = arith.constant 16 : i32
      %mul3A_122 = arith.muli %scan3A_114, %mul3A_121 : i32
      %swap3A = arith.constant 0 : i32
      %swap3A_123 = arith.index_cast %swap3A : i32 to index
      %swap3A_124 = arith.index_cast %mul3A_122 : i32 to index
      %swap3A_125 = tpu.vector_load %arg7[%swap3A_123, %swap3A_124] {strides = array<i32>} : memref<32x1024xf32, #tpu.memory_space<vmem>>, vector<16xf32>,
      tpu.vector_store %arg7[%swap3A_123, %swap3A_124], %gather3A {strides = array<i32>} : memref<32x1024xf32, #tpu.memory_space<vmem>>, vector<16xf32>,
      %add3A_126 = arith.constant 1024 : i32
      %add3A_127 = vector.broadcast %add3A_126 : i32 to vector<16xi32>
      %add3A_128 = arith.addi %get3A_117, %add3A_127 : vector<16xi32>
      %gather3A_129 = tpu.vector_load_idx %arg6[%add3A_128] : memref<32768xf32, #tpu.memory_space<vmem>>[vector<16xi32>], vector<16xf32>,
      %mul3A_130 = arith.constant 16 : i32
      %mul3A_131 = arith.muli %scan3A_114, %mul3A_130 : i32
      %swap3A_132 = arith.constant 1 : i32
      %swap3A_133 = arith.index_cast %swap3A_132 : i32 to index
      %swap3A_134 = arith.index_cast %mul3A_131 : i32 to index
      %swap3A_135 = tpu.vector_load %arg7[%swap3A_133, %swap3A_134] {strides = array<i32>} : memref<32x1024xf32, #tpu.memory_space<vmem>>, vector<16xf32>,
      tpu.vector_store %arg7[%swap3A_133, %swap3A_134], %gather3A_129 {strides = array<i32>} : memref<32x1024xf32, #tpu.memory_space<vmem>>, vector<16xf32>,
      %add3A_136 = arith.constant 2048 : i32
      %add3A_137 = vector.broadcast %add3A_136 : i32 to vector<16xi32>
      %add3A_138 = arith.addi %get3A_117, %add3A_137 : vector<16xi32>
      %gather3A_139 = tpu.vector_load_idx %arg6[%add3A_138] : memref<32768xf32, #tpu.memory_space<vmem>>[vector<16xi32>], vector<16xf32>,
      %mul3A_140 = arith.constant 16 : i32
      %mul3A_141 = arith.muli %scan3A_114, %mul3A_140 : i32
      %swap3A_142 = arith.constant 2 : i32
      %swap3A_143 = arith.index_cast %swap3A_142 : i32 to index
      %swap3A_144 = arith.index_cast %mul3A_141 : i32 to index
      %swap3A_145 = tpu.vector_load %arg7[%swap3A_143, %swap3A_144] {strides = array<i32>} : memref<32x1024xf32, #tpu.memory_space<vmem>>, vector<16xf32>,
      tpu.vector_store %arg7[%swap3A_143, %swap3A_144], %gather3A_139 {strides = array<i32>} : memref<32x1024xf32, #tpu.memory_space<vmem>>, vector<16xf32>,
      %add3A_146 = arith.constant 3072 : i32
      %add3A_147 = vector.broadcast %add3A_146 : i32 to vector<16xi32>
      %add3A_148 = arith.addi %get3A_117, %add3A_147 : vector<16xi32>
      %gather3A_149 = tpu.vector_load_idx %arg6[%add3A_148] : memref<32768xf32, #tpu.memory_space<vmem>>[vector<16xi32>], vector<16xf32>,
      %mul3A_150 = arith.constant 16 : i32
      %mul3A_151 = arith.muli %scan3A_114, %mul3A_150 : i32
      %swap3A_152 = arith.constant 3 : i32
      %swap3A_153 = arith.index_cast %swap3A_152 : i32 to index
      %swap3A_154 = arith.index_cast %mul3A_151 : i32 to index
      %swap3A_155 = tpu.vector_load %arg7[%swap3A_153, %swap3A_154] {strides = array<i32>} : memref<32x1024xf32, #tpu.memory_space<vmem>>, vector<16xf32>,
      tpu.vector_store %arg7[%swap3A_153, %swap3A_154], %gather3A_149 {strides = array<i32>} : memref<32x1024xf32, #tpu.memory_space<vmem>>, vector<16xf32>,
      %add3A_156 = arith.constant 4096 : i32
      %add3A_157 = vector.broadcast %add3A_156 : i32 to vector<16xi32>
      %add3A_158 = arith.addi %get3A_117, %add3A_157 : vector<16xi32>
      %gather3A_159 = tpu.vector_load_idx %arg6[%add3A_158] : memref<32768xf32, #tpu.memory_space<vmem>>[vector<16xi32>], vector<16xf32>,
      %mul3A_160 = arith.constant 16 : i32
      %mul3A_161 = arith.muli %scan3A_114, %mul3A_160 : i32
      %swap3A_162 = arith.constant 4 : i32
      %swap3A_163 = arith.index_cast %swap3A_162 : i32 to index
      %swap3A_164 = arith.index_cast %mul3A_161 : i32 to index
      %swap3A_165 = tpu.vector_load %arg7[%swap3A_163, %swap3A_164] {strides = array<i32>} : memref<32x1024xf32, #tpu.memory_space<vmem>>, vector<16xf32>,
      tpu.vector_store %arg7[%swap3A_163, %swap3A_164], %gather3A_159 {strides = array<i32>} : memref<32x1024xf32, #tpu.memory_space<vmem>>, vector<16xf32>,
      %add3A_166 = arith.constant 5120 : i32
      %add3A_167 = vector.broadcast %add3A_166 : i32 to vector<16xi32>
      %add3A_168 = arith.addi %get3A_117, %add3A_167 : vector<16xi32>
      %gather3A_169 = tpu.vector_load_idx %arg6[%add3A_168] : memref<32768xf32, #tpu.memory_space<vmem>>[vector<16xi32>], vector<16xf32>,
      %mul3A_170 = arith.constant 16 : i32
      %mul3A_171 = arith.muli %scan3A_114, %mul3A_170 : i32
      %swap3A_172 = arith.constant 5 : i32
      %swap3A_173 = arith.index_cast %swap3A_172 : i32 to index
      %swap3A_174 = arith.index_cast %mul3A_171 : i32 to index
      %swap3A_175 = tpu.vector_load %arg7[%swap3A_173, %swap3A_174] {strides = array<i32>} : memref<32x1024xf32, #tpu.memory_space<vmem>>, vector<16xf32>,
      tpu.vector_store %arg7[%swap3A_173, %swap3A_174], %gather3A_169 {strides = array<i32>} : memref<32x1024xf32, #tpu.memory_space<vmem>>, vector<16xf32>,
      %add3A_176 = arith.constant 6144 : i32
      %add3A_177 = vector.broadcast %add3A_176 : i32 to vector<16xi32>
      %add3A_178 = arith.addi %get3A_117, %add3A_177 : vector<16xi32>
      %gather3A_179 = tpu.vector_load_idx %arg6[%add3A_178] : memref<32768xf32, #tpu.memory_space<vmem>>[vector<16xi32>], vector<16xf32>,
      %mul3A_180 = arith.constant 16 : i32
      %mul3A_181 = arith.muli %scan3A_114, %mul3A_180 : i32
      %swap3A_182 = arith.constant 6 : i32
      %swap3A_183 = arith.index_cast %swap3A_182 : i32 to index
      %swap3A_184 = arith.index_cast %mul3A_181 : i32 to index
      %swap3A_185 = tpu.vector_load %arg7[%swap3A_183, %swap3A_184] {strides = array<i32>} : memref<32x1024xf32, #tpu.memory_space<vmem>>, vector<16xf32>,
      tpu.vector_store %arg7[%swap3A_183, %swap3A_184], %gather3A_179 {strides = array<i32>} : memref<32x1024xf32, #tpu.memory_space<vmem>>, vector<16xf32>,
      %add3A_186 = arith.constant 7168 : i32
      %add3A_187 = vector.broadcast %add3A_186 : i32 to vector<16xi32>
      %add3A_188 = arith.addi %get3A_117, %add3A_187 : vector<16xi32>
      %gather3A_189 = tpu.vector_load_idx %arg6[%add3A_188] : memref<32768xf32, #tpu.memory_space<vmem>>[vector<16xi32>], vector<16xf32>,
      %mul3A_190 = arith.constant 16 : i32
      %mul3A_191 = arith.muli %scan3A_114, %mul3A_190 : i32
      %swap3A_192 = arith.constant 7 : i32
      %swap3A_193 = arith.index_cast %swap3A_192 : i32 to index
      %swap3A_194 = arith.index_cast %mul3A_191 : i32 to index
      %swap3A_195 = tpu.vector_load %arg7[%swap3A_193, %swap3A_194] {strides = array<i32>} : memref<32x1024xf32, #tpu.memory_space<vmem>>, vector<16xf32>,
      tpu.vector_store %arg7[%swap3A_193, %swap3A_194], %gather3A_189 {strides = array<i32>} : memref<32x1024xf32, #tpu.memory_space<vmem>>, vector<16xf32>,
      %add3A_196 = arith.constant 8192 : i32
      %add3A_197 = vector.broadcast %add3A_196 : i32 to vector<16xi32>
      %add3A_198 = arith.addi %get3A_117, %add3A_197 : vector<16xi32>
      %gather3A_199 = tpu.vector_load_idx %arg6[%add3A_198] : memref<32768xf32, #tpu.memory_space<vmem>>[vector<16xi32>], vector<16xf32>,
      %mul3A_200 = arith.constant 16 : i32
      %mul3A_201 = arith.muli %scan3A_114, %mul3A_200 : i32
      %swap3A_202 = arith.constant 8 : i32
      %swap3A_203 = arith.index_cast %swap3A_202 : i32 to index
      %swap3A_204 = arith.index_cast %mul3A_201 : i32 to index
      %swap3A_205 = tpu.vector_load %arg7[%swap3A_203, %swap3A_204] {strides = array<i32>} : memref<32x1024xf32, #tpu.memory_space<vmem>>, vector<16xf32>,
      tpu.vector_store %arg7[%swap3A_203, %swap3A_204], %gather3A_199 {strides = array<i32>} : memref<32x1024xf32, #tpu.memory_space<vmem>>, vector<16xf32>,
      %add3A_206 = arith.constant 9216 : i32
      %add3A_207 = vector.broadcast %add3A_206 : i32 to vector<16xi32>
      %add3A_208 = arith.addi %get3A_117, %add3A_207 : vector<16xi32>
      %gather3A_209 = tpu.vector_load_idx %arg6[%add3A_208] : memref<32768xf32, #tpu.memory_space<vmem>>[vector<16xi32>], vector<16xf32>,
      %mul3A_210 = arith.constant 16 : i32
      %mul3A_211 = arith.muli %scan3A_114, %mul3A_210 : i32
      %swap3A_212 = arith.constant 9 : i32
      %swap3A_213 = arith.index_cast %swap3A_212 : i32 to index
      %swap3A_214 = arith.index_cast %mul3A_211 : i32 to index
      %swap3A_215 = tpu.vector_load %arg7[%swap3A_213, %swap3A_214] {strides = array<i32>} : memref<32x1024xf32, #tpu.memory_space<vmem>>, vector<16xf32>,
      tpu.vector_store %arg7[%swap3A_213, %swap3A_214], %gather3A_209 {strides = array<i32>} : memref<32x1024xf32, #tpu.memory_space<vmem>>, vector<16xf32>,
      %add3A_216 = arith.constant 10240 : i32
      %add3A_217 = vector.broadcast %add3A_216 : i32 to vector<16xi32>
      %add3A_218 = arith.addi %get3A_117, %add3A_217 : vector<16xi32>
      %gather3A_219 = tpu.vector_load_idx %arg6[%add3A_218] : memref<32768xf32, #tpu.memory_space<vmem>>[vector<16xi32>], vector<16xf32>,
      %mul3A_220 = arith.constant 16 : i32
      %mul3A_221 = arith.muli %scan3A_114, %mul3A_220 : i32
      %swap3A_222 = arith.constant 10 : i32
      %swap3A_223 = arith.index_cast %swap3A_222 : i32 to index
      %swap3A_224 = arith.index_cast %mul3A_221 : i32 to index
      %swap3A_225 = tpu.vector_load %arg7[%swap3A_223, %swap3A_224] {strides = array<i32>} : memref<32x1024xf32, #tpu.memory_space<vmem>>, vector<16xf32>,
      tpu.vector_store %arg7[%swap3A_223, %swap3A_224], %gather3A_219 {strides = array<i32>} : memref<32x1024xf32, #tpu.memory_space<vmem>>, vector<16xf32>,
      %add3A_226 = arith.constant 11264 : i32
      %add3A_227 = vector.broadcast %add3A_226 : i32 to vector<16xi32>
      %add3A_228 = arith.addi %get3A_117, %add3A_227 : vector<16xi32>
      %gather3A_229 = tpu.vector_load_idx %arg6[%add3A_228] : memref<32768xf32, #tpu.memory_space<vmem>>[vector<16xi32>], vector<16xf32>,
      %mul3A_230 = arith.constant 16 : i32
      %mul3A_231 = arith.muli %scan3A_114, %mul3A_230 : i32
      %swap3A_232 = arith.constant 11 : i32
      %swap3A_233 = arith.index_cast %swap3A_232 : i32 to index
      %swap3A_234 = arith.index_cast %mul3A_231 : i32 to index
      %swap3A_235 = tpu.vector_load %arg7[%swap3A_233, %swap3A_234] {strides = array<i32>} : memref<32x1024xf32, #tpu.memory_space<vmem>>, vector<16xf32>,
      tpu.vector_store %arg7[%swap3A_233, %swap3A_234], %gather3A_229 {strides = array<i32>} : memref<32x1024xf32, #tpu.memory_space<vmem>>, vector<16xf32>,
      %add3A_236 = arith.constant 12288 : i32
      %add3A_237 = vector.broadcast %add3A_236 : i32 to vector<16xi32>
      %add3A_238 = arith.addi %get3A_117, %add3A_237 : vector<16xi32>
      %gather3A_239 = tpu.vector_load_idx %arg6[%add3A_238] : memref<32768xf32, #tpu.memory_space<vmem>>[vector<16xi32>], vector<16xf32>,
      %mul3A_240 = arith.constant 16 : i32
      %mul3A_241 = arith.muli %scan3A_114, %mul3A_240 : i32
      %swap3A_242 = arith.constant 12 : i32
      %swap3A_243 = arith.index_cast %swap3A_242 : i32 to index
      %swap3A_244 = arith.index_cast %mul3A_241 : i32 to index
      %swap3A_245 = tpu.vector_load %arg7[%swap3A_243, %swap3A_244] {strides = array<i32>} : memref<32x1024xf32, #tpu.memory_space<vmem>>, vector<16xf32>,
      tpu.vector_store %arg7[%swap3A_243, %swap3A_244], %gather3A_239 {strides = array<i32>} : memref<32x1024xf32, #tpu.memory_space<vmem>>, vector<16xf32>,
      %add3A_246 = arith.constant 13312 : i32
      %add3A_247 = vector.broadcast %add3A_246 : i32 to vector<16xi32>
      %add3A_248 = arith.addi %get3A_117, %add3A_247 : vector<16xi32>
      %gather3A_249 = tpu.vector_load_idx %arg6[%add3A_248] : memref<32768xf32, #tpu.memory_space<vmem>>[vector<16xi32>], vector<16xf32>,
      %mul3A_250 = arith.constant 16 : i32
      %mul3A_251 = arith.muli %scan3A_114, %mul3A_250 : i32
      %swap3A_252 = arith.constant 13 : i32
      %swap3A_253 = arith.index_cast %swap3A_252 : i32 to index
      %swap3A_254 = arith.index_cast %mul3A_251 : i32 to index
      %swap3A_255 = tpu.vector_load %arg7[%swap3A_253, %swap3A_254] {strides = array<i32>} : memref<32x1024xf32, #tpu.memory_space<vmem>>, vector<16xf32>,
      tpu.vector_store %arg7[%swap3A_253, %swap3A_254], %gather3A_249 {strides = array<i32>} : memref<32x1024xf32, #tpu.memory_space<vmem>>, vector<16xf32>,
      %add3A_256 = arith.constant 14336 : i32
      %add3A_257 = vector.broadcast %add3A_256 : i32 to vector<16xi32>
      %add3A_258 = arith.addi %get3A_117, %add3A_257 : vector<16xi32>
      %gather3A_259 = tpu.vector_load_idx %arg6[%add3A_258] : memref<32768xf32, #tpu.memory_space<vmem>>[vector<16xi32>], vector<16xf32>,
      %mul3A_260 = arith.constant 16 : i32
      %mul3A_261 = arith.muli %scan3A_114, %mul3A_260 : i32
      %swap3A_262 = arith.constant 14 : i32
      %swap3A_263 = arith.index_cast %swap3A_262 : i32 to index
      %swap3A_264 = arith.index_cast %mul3A_261 : i32 to index
      %swap3A_265 = tpu.vector_load %arg7[%swap3A_263, %swap3A_264] {strides = array<i32>} : memref<32x1024xf32, #tpu.memory_space<vmem>>, vector<16xf32>,
      tpu.vector_store %arg7[%swap3A_263, %swap3A_264], %gather3A_259 {strides = array<i32>} : memref<32x1024xf32, #tpu.memory_space<vmem>>, vector<16xf32>,
      %add3A_266 = arith.constant 15360 : i32
      %add3A_267 = vector.broadcast %add3A_266 : i32 to vector<16xi32>
      %add3A_268 = arith.addi %get3A_117, %add3A_267 : vector<16xi32>
      %gather3A_269 = tpu.vector_load_idx %arg6[%add3A_268] : memref<32768xf32, #tpu.memory_space<vmem>>[vector<16xi32>], vector<16xf32>,
      %mul3A_270 = arith.constant 16 : i32
      %mul3A_271 = arith.muli %scan3A_114, %mul3A_270 : i32
      %swap3A_272 = arith.constant 15 : i32
      %swap3A_273 = arith.index_cast %swap3A_272 : i32 to index
      %swap3A_274 = arith.index_cast %mul3A_271 : i32 to index
      %swap3A_275 = tpu.vector_load %arg7[%swap3A_273, %swap3A_274] {strides = array<i32>} : memref<32x1024xf32, #tpu.memory_space<vmem>>, vector<16xf32>,
      tpu.vector_store %arg7[%swap3A_273, %swap3A_274], %gather3A_269 {strides = array<i32>} : memref<32x1024xf32, #tpu.memory_space<vmem>>, vector<16xf32>,
      %add3A_276 = arith.constant 16384 : i32
      %add3A_277 = vector.broadcast %add3A_276 : i32 to vector<16xi32>
      %add3A_278 = arith.addi %get3A_117, %add3A_277 : vector<16xi32>
      %gather3A_279 = tpu.vector_load_idx %arg6[%add3A_278] : memref<32768xf32, #tpu.memory_space<vmem>>[vector<16xi32>], vector<16xf32>,
      %mul3A_280 = arith.constant 16 : i32
      %mul3A_281 = arith.muli %scan3A_114, %mul3A_280 : i32
      %swap3A_282 = arith.constant 16 : i32
      %swap3A_283 = arith.index_cast %swap3A_282 : i32 to index
      %swap3A_284 = arith.index_cast %mul3A_281 : i32 to index
      %swap3A_285 = tpu.vector_load %arg7[%swap3A_283, %swap3A_284] {strides = array<i32>} : memref<32x1024xf32, #tpu.memory_space<vmem>>, vector<16xf32>,
      tpu.vector_store %arg7[%swap3A_283, %swap3A_284], %gather3A_279 {strides = array<i32>} : memref<32x1024xf32, #tpu.memory_space<vmem>>, vector<16xf32>,
      %add3A_286 = arith.constant 17408 : i32
      %add3A_287 = vector.broadcast %add3A_286 : i32 to vector<16xi32>
      %add3A_288 = arith.addi %get3A_117, %add3A_287 : vector<16xi32>
      %gather3A_289 = tpu.vector_load_idx %arg6[%add3A_288] : memref<32768xf32, #tpu.memory_space<vmem>>[vector<16xi32>], vector<16xf32>,
      %mul3A_290 = arith.constant 16 : i32
      %mul3A_291 = arith.muli %scan3A_114, %mul3A_290 : i32
      %swap3A_292 = arith.constant 17 : i32
      %swap3A_293 = arith.index_cast %swap3A_292 : i32 to index
      %swap3A_294 = arith.index_cast %mul3A_291 : i32 to index
      %swap3A_295 = tpu.vector_load %arg7[%swap3A_293, %swap3A_294] {strides = array<i32>} : memref<32x1024xf32, #tpu.memory_space<vmem>>, vector<16xf32>,
      tpu.vector_store %arg7[%swap3A_293, %swap3A_294], %gather3A_289 {strides = array<i32>} : memref<32x1024xf32, #tpu.memory_space<vmem>>, vector<16xf32>,
      %add3A_296 = arith.constant 18432 : i32
      %add3A_297 = vector.broadcast %add3A_296 : i32 to vector<16xi32>
      %add3A_298 = arith.addi %get3A_117, %add3A_297 : vector<16xi32>
      %gather3A_299 = tpu.vector_load_idx %arg6[%add3A_298] : memref<32768xf32, #tpu.memory_space<vmem>>[vector<16xi32>], vector<16xf32>,
      %mul3A_300 = arith.constant 16 : i32
      %mul3A_301 = arith.muli %scan3A_114, %mul3A_300 : i32
      %swap3A_302 = arith.constant 18 : i32
      %swap3A_303 = arith.index_cast %swap3A_302 : i32 to index
      %swap3A_304 = arith.index_cast %mul3A_301 : i32 to index
      %swap3A_305 = tpu.vector_load %arg7[%swap3A_303, %swap3A_304] {strides = array<i32>} : memref<32x1024xf32, #tpu.memory_space<vmem>>, vector<16xf32>,
      tpu.vector_store %arg7[%swap3A_303, %swap3A_304], %gather3A_299 {strides = array<i32>} : memref<32x1024xf32, #tpu.memory_space<vmem>>, vector<16xf32>,
      %add3A_306 = arith.constant 19456 : i32
      %add3A_307 = vector.broadcast %add3A_306 : i32 to vector<16xi32>
      %add3A_308 = arith.addi %get3A_117, %add3A_307 : vector<16xi32>
      %gather3A_309 = tpu.vector_load_idx %arg6[%add3A_308] : memref<32768xf32, #tpu.memory_space<vmem>>[vector<16xi32>], vector<16xf32>,
      %mul3A_310 = arith.constant 16 : i32
      %mul3A_311 = arith.muli %scan3A_114, %mul3A_310 : i32
      %swap3A_312 = arith.constant 19 : i32
      %swap3A_313 = arith.index_cast %swap3A_312 : i32 to index
      %swap3A_314 = arith.index_cast %mul3A_311 : i32 to index
      %swap3A_315 = tpu.vector_load %arg7[%swap3A_313, %swap3A_314] {strides = array<i32>} : memref<32x1024xf32, #tpu.memory_space<vmem>>, vector<16xf32>,
      tpu.vector_store %arg7[%swap3A_313, %swap3A_314], %gather3A_309 {strides = array<i32>} : memref<32x1024xf32, #tpu.memory_space<vmem>>, vector<16xf32>,
      %add3A_316 = arith.constant 20480 : i32
      %add3A_317 = vector.broadcast %add3A_316 : i32 to vector<16xi32>
      %add3A_318 = arith.addi %get3A_117, %add3A_317 : vector<16xi32>
      %gather3A_319 = tpu.vector_load_idx %arg6[%add3A_318] : memref<32768xf32, #tpu.memory_space<vmem>>[vector<16xi32>], vector<16xf32>,
      %mul3A_320 = arith.constant 16 : i32
      %mul3A_321 = arith.muli %scan3A_114, %mul3A_320 : i32
      %swap3A_322 = arith.constant 20 : i32
      %swap3A_323 = arith.index_cast %swap3A_322 : i32 to index
      %swap3A_324 = arith.index_cast %mul3A_321 : i32 to index
      %swap3A_325 = tpu.vector_load %arg7[%swap3A_323, %swap3A_324] {strides = array<i32>} : memref<32x1024xf32, #tpu.memory_space<vmem>>, vector<16xf32>,
      tpu.vector_store %arg7[%swap3A_323, %swap3A_324], %gather3A_319 {strides = array<i32>} : memref<32x1024xf32, #tpu.memory_space<vmem>>, vector<16xf32>,
      %add3A_326 = arith.constant 21504 : i32
      %add3A_327 = vector.broadcast %add3A_326 : i32 to vector<16xi32>
      %add3A_328 = arith.addi %get3A_117, %add3A_327 : vector<16xi32>
      %gather3A_329 = tpu.vector_load_idx %arg6[%add3A_328] : memref<32768xf32, #tpu.memory_space<vmem>>[vector<16xi32>], vector<16xf32>,
      %mul3A_330 = arith.constant 16 : i32
      %mul3A_331 = arith.muli %scan3A_114, %mul3A_330 : i32
      %swap3A_332 = arith.constant 21 : i32
      %swap3A_333 = arith.index_cast %swap3A_332 : i32 to index
      %swap3A_334 = arith.index_cast %mul3A_331 : i32 to index
      %swap3A_335 = tpu.vector_load %arg7[%swap3A_333, %swap3A_334] {strides = array<i32>} : memref<32x1024xf32, #tpu.memory_space<vmem>>, vector<16xf32>,
      tpu.vector_store %arg7[%swap3A_333, %swap3A_334], %gather3A_329 {strides = array<i32>} : memref<32x1024xf32, #tpu.memory_space<vmem>>, vector<16xf32>,
      %add3A_336 = arith.constant 22528 : i32
      %add3A_337 = vector.broadcast %add3A_336 : i32 to vector<16xi32>
      %add3A_338 = arith.addi %get3A_117, %add3A_337 : vector<16xi32>
      %gather3A_339 = tpu.vector_load_idx %arg6[%add3A_338] : memref<32768xf32, #tpu.memory_space<vmem>>[vector<16xi32>], vector<16xf32>,
      %mul3A_340 = arith.constant 16 : i32
      %mul3A_341 = arith.muli %scan3A_114, %mul3A_340 : i32
      %swap3A_342 = arith.constant 22 : i32
      %swap3A_343 = arith.index_cast %swap3A_342 : i32 to index
      %swap3A_344 = arith.index_cast %mul3A_341 : i32 to index
      %swap3A_345 = tpu.vector_load %arg7[%swap3A_343, %swap3A_344] {strides = array<i32>} : memref<32x1024xf32, #tpu.memory_space<vmem>>, vector<16xf32>,
      tpu.vector_store %arg7[%swap3A_343, %swap3A_344], %gather3A_339 {strides = array<i32>} : memref<32x1024xf32, #tpu.memory_space<vmem>>, vector<16xf32>,
      %add3A_346 = arith.constant 23552 : i32
      %add3A_347 = vector.broadcast %add3A_346 : i32 to vector<16xi32>
      %add3A_348 = arith.addi %get3A_117, %add3A_347 : vector<16xi32>
      %gather3A_349 = tpu.vector_load_idx %arg6[%add3A_348] : memref<32768xf32, #tpu.memory_space<vmem>>[vector<16xi32>], vector<16xf32>,
      %mul3A_350 = arith.constant 16 : i32
      %mul3A_351 = arith.muli %scan3A_114, %mul3A_350 : i32
      %swap3A_352 = arith.constant 23 : i32
      %swap3A_353 = arith.index_cast %swap3A_352 : i32 to index
      %swap3A_354 = arith.index_cast %mul3A_351 : i32 to index
      %swap3A_355 = tpu.vector_load %arg7[%swap3A_353, %swap3A_354] {strides = array<i32>} : memref<32x1024xf32, #tpu.memory_space<vmem>>, vector<16xf32>,
      tpu.vector_store %arg7[%swap3A_353, %swap3A_354], %gather3A_349 {strides = array<i32>} : memref<32x1024xf32, #tpu.memory_space<vmem>>, vector<16xf32>,
      %add3A_356 = arith.constant 24576 : i32
      %add3A_357 = vector.broadcast %add3A_356 : i32 to vector<16xi32>
      %add3A_358 = arith.addi %get3A_117, %add3A_357 : vector<16xi32>
      %gather3A_359 = tpu.vector_load_idx %arg6[%add3A_358] : memref<32768xf32, #tpu.memory_space<vmem>>[vector<16xi32>], vector<16xf32>,
      %mul3A_360 = arith.constant 16 : i32
      %mul3A_361 = arith.muli %scan3A_114, %mul3A_360 : i32
      %swap3A_362 = arith.constant 24 : i32
      %swap3A_363 = arith.index_cast %swap3A_362 : i32 to index
      %swap3A_364 = arith.index_cast %mul3A_361 : i32 to index
      %swap3A_365 = tpu.vector_load %arg7[%swap3A_363, %swap3A_364] {strides = array<i32>} : memref<32x1024xf32, #tpu.memory_space<vmem>>, vector<16xf32>,
      tpu.vector_store %arg7[%swap3A_363, %swap3A_364], %gather3A_359 {strides = array<i32>} : memref<32x1024xf32, #tpu.memory_space<vmem>>, vector<16xf32>,
      %add3A_366 = arith.constant 25600 : i32
      %add3A_367 = vector.broadcast %add3A_366 : i32 to vector<16xi32>
      %add3A_368 = arith.addi %get3A_117, %add3A_367 : vector<16xi32>
      %gather3A_369 = tpu.vector_load_idx %arg6[%add3A_368] : memref<32768xf32, #tpu.memory_space<vmem>>[vector<16xi32>], vector<16xf32>,
      %mul3A_370 = arith.constant 16 : i32
      %mul3A_371 = arith.muli %scan3A_114, %mul3A_370 : i32
      %swap3A_372 = arith.constant 25 : i32
      %swap3A_373 = arith.index_cast %swap3A_372 : i32 to index
      %swap3A_374 = arith.index_cast %mul3A_371 : i32 to index
      %swap3A_375 = tpu.vector_load %arg7[%swap3A_373, %swap3A_374] {strides = array<i32>} : memref<32x1024xf32, #tpu.memory_space<vmem>>, vector<16xf32>,
      tpu.vector_store %arg7[%swap3A_373, %swap3A_374], %gather3A_369 {strides = array<i32>} : memref<32x1024xf32, #tpu.memory_space<vmem>>, vector<16xf32>,
      %add3A_376 = arith.constant 26624 : i32
      %add3A_377 = vector.broadcast %add3A_376 : i32 to vector<16xi32>
      %add3A_378 = arith.addi %get3A_117, %add3A_377 : vector<16xi32>
      %gather3A_379 = tpu.vector_load_idx %arg6[%add3A_378] : memref<32768xf32, #tpu.memory_space<vmem>>[vector<16xi32>], vector<16xf32>,
      %mul3A_380 = arith.constant 16 : i32
      %mul3A_381 = arith.muli %scan3A_114, %mul3A_380 : i32
      %swap3A_382 = arith.constant 26 : i32
      %swap3A_383 = arith.index_cast %swap3A_382 : i32 to index
      %swap3A_384 = arith.index_cast %mul3A_381 : i32 to index
      %swap3A_385 = tpu.vector_load %arg7[%swap3A_383, %swap3A_384] {strides = array<i32>} : memref<32x1024xf32, #tpu.memory_space<vmem>>, vector<16xf32>,
      tpu.vector_store %arg7[%swap3A_383, %swap3A_384], %gather3A_379 {strides = array<i32>} : memref<32x1024xf32, #tpu.memory_space<vmem>>, vector<16xf32>,
      %add3A_386 = arith.constant 27648 : i32
      %add3A_387 = vector.broadcast %add3A_386 : i32 to vector<16xi32>
      %add3A_388 = arith.addi %get3A_117, %add3A_387 : vector<16xi32>
      %gather3A_389 = tpu.vector_load_idx %arg6[%add3A_388] : memref<32768xf32, #tpu.memory_space<vmem>>[vector<16xi32>], vector<16xf32>,
      %mul3A_390 = arith.constant 16 : i32
      %mul3A_391 = arith.muli %scan3A_114, %mul3A_390 : i32
      %swap3A_392 = arith.constant 27 : i32
      %swap3A_393 = arith.index_cast %swap3A_392 : i32 to index
      %swap3A_394 = arith.index_cast %mul3A_391 : i32 to index
      %swap3A_395 = tpu.vector_load %arg7[%swap3A_393, %swap3A_394] {strides = array<i32>} : memref<32x1024xf32, #tpu.memory_space<vmem>>, vector<16xf32>,
      tpu.vector_store %arg7[%swap3A_393, %swap3A_394], %gather3A_389 {strides = array<i32>} : memref<32x1024xf32, #tpu.memory_space<vmem>>, vector<16xf32>,
      %add3A_396 = arith.constant 28672 : i32
      %add3A_397 = vector.broadcast %add3A_396 : i32 to vector<16xi32>
      %add3A_398 = arith.addi %get3A_117, %add3A_397 : vector<16xi32>
      %gather3A_399 = tpu.vector_load_idx %arg6[%add3A_398] : memref<32768xf32, #tpu.memory_space<vmem>>[vector<16xi32>], vector<16xf32>,
      %mul3A_400 = arith.constant 16 : i32
      %mul3A_401 = arith.muli %scan3A_114, %mul3A_400 : i32
      %swap3A_402 = arith.constant 28 : i32
      %swap3A_403 = arith.index_cast %swap3A_402 : i32 to index
      %swap3A_404 = arith.index_cast %mul3A_401 : i32 to index
      %swap3A_405 = tpu.vector_load %arg7[%swap3A_403, %swap3A_404] {strides = array<i32>} : memref<32x1024xf32, #tpu.memory_space<vmem>>, vector<16xf32>,
      tpu.vector_store %arg7[%swap3A_403, %swap3A_404], %gather3A_399 {strides = array<i32>} : memref<32x1024xf32, #tpu.memory_space<vmem>>, vector<16xf32>,
      %add3A_406 = arith.constant 29696 : i32
      %add3A_407 = vector.broadcast %add3A_406 : i32 to vector<16xi32>
      %add3A_408 = arith.addi %get3A_117, %add3A_407 : vector<16xi32>
      %gather3A_409 = tpu.vector_load_idx %arg6[%add3A_408] : memref<32768xf32, #tpu.memory_space<vmem>>[vector<16xi32>], vector<16xf32>,
      %mul3A_410 = arith.constant 16 : i32
      %mul3A_411 = arith.muli %scan3A_114, %mul3A_410 : i32
      %swap3A_412 = arith.constant 29 : i32
      %swap3A_413 = arith.index_cast %swap3A_412 : i32 to index
      %swap3A_414 = arith.index_cast %mul3A_411 : i32 to index
      %swap3A_415 = tpu.vector_load %arg7[%swap3A_413, %swap3A_414] {strides = array<i32>} : memref<32x1024xf32, #tpu.memory_space<vmem>>, vector<16xf32>,
      tpu.vector_store %arg7[%swap3A_413, %swap3A_414], %gather3A_409 {strides = array<i32>} : memref<32x1024xf32, #tpu.memory_space<vmem>>, vector<16xf32>,
      %add3A_416 = arith.constant 30720 : i32
      %add3A_417 = vector.broadcast %add3A_416 : i32 to vector<16xi32>
      %add3A_418 = arith.addi %get3A_117, %add3A_417 : vector<16xi32>
      %gather3A_419 = tpu.vector_load_idx %arg6[%add3A_418] : memref<32768xf32, #tpu.memory_space<vmem>>[vector<16xi32>], vector<16xf32>,
      %mul3A_420 = arith.constant 16 : i32
      %mul3A_421 = arith.muli %scan3A_114, %mul3A_420 : i32
      %swap3A_422 = arith.constant 30 : i32
      %swap3A_423 = arith.index_cast %swap3A_422 : i32 to index
      %swap3A_424 = arith.index_cast %mul3A_421 : i32 to index
      %swap3A_425 = tpu.vector_load %arg7[%swap3A_423, %swap3A_424] {strides = array<i32>} : memref<32x1024xf32, #tpu.memory_space<vmem>>, vector<16xf32>,
      tpu.vector_store %arg7[%swap3A_423, %swap3A_424], %gather3A_419 {strides = array<i32>} : memref<32x1024xf32, #tpu.memory_space<vmem>>, vector<16xf32>,
      %add3A_426 = arith.constant 31744 : i32
      %add3A_427 = vector.broadcast %add3A_426 : i32 to vector<16xi32>
      %add3A_428 = arith.addi %get3A_117, %add3A_427 : vector<16xi32>
      %gather3A_429 = tpu.vector_load_idx %arg6[%add3A_428] : memref<32768xf32, #tpu.memory_space<vmem>>[vector<16xi32>], vector<16xf32>,
      %mul3A_430 = arith.constant 16 : i32
      %mul3A_431 = arith.muli %scan3A_114, %mul3A_430 : i32
      %swap3A_432 = arith.constant 31 : i32
      %swap3A_433 = arith.index_cast %swap3A_432 : i32 to index
      %swap3A_434 = arith.index_cast %mul3A_431 : i32 to index
      %swap3A_435 = tpu.vector_load %arg7[%swap3A_433, %swap3A_434] {strides = array<i32>} : memref<32x1024xf32, #tpu.memory_space<vmem>>, vector<16xf32>,
      tpu.vector_store %arg7[%swap3A_433, %swap3A_434], %gather3A_429 {strides = array<i32>} : memref<32x1024xf32, #tpu.memory_space<vmem>>, vector<16xf32>,
    }
    %scan3A_89 = arith.constant 64 : i32
    %mul3A_90 = arith.constant 256 : i32
    %mul3A_91 = arith.muli %select_n3A, %mul3A_90 : i32
    %add3A_92 = arith.constant 160 : i32
    %add3A_93 = arith.addi %mul3A_91, %add3A_92 : i32
    "tpu.region"() ({
      %run_scoped3A = tpu.sem_alloc : memref<!tpu.dma_semaphore, #tpu.memory_space<semaphore_mem>>
      %dma_start3A = tpu.memref_slice %arg4[%add3A_93, %mul3A_34] : memref<1024x8192xf32, #tpu.memory_space<hbm>> -> memref<32x1024xf32, #tpu.memory_space<hbm>>
      %dma_start3A_114 = tpu.memref_slice %arg4[%add3A_93, %mul3A_34] : memref<1024x8192xf32, #tpu.memory_space<hbm>> -> memref<32x1024xf32, #tpu.memory_space<hbm>>
      tpu.enqueue_dma source(%arg7 : memref<32x1024xf32, #tpu.memory_space<vmem>>) target(%dma_start3A_114 : memref<32x1024xf32, #tpu.memory_space<hbm>>) target_semaphore(%run_scoped3A : memref<!tpu.dma_semaphore, #tpu.memory_space<semaphore_mem>>)
      %dma_wait3A = tpu.memref_slice %arg4[%add3A_93, %mul3A_34] : memref<1024x8192xf32, #tpu.memory_space<hbm>> -> memref<32x1024xf32, #tpu.memory_space<hbm>>
      %dma_wait3A_115 = tpu.memref_slice %arg4[%add3A_93, %mul3A_34] : memref<1024x8192xf32, #tpu.memory_space<hbm>> -> memref<32x1024xf32, #tpu.memory_space<hbm>>
      tpu.wait_dma2 semaphore(%run_scoped3A : memref<!tpu.dma_semaphore, #tpu.memory_space<semaphore_mem>>) src(%arg7 : memref<32x1024xf32, #tpu.memory_space<vmem>>) dst(%dma_wait3A_115 : memref<32x1024xf32, #tpu.memory_space<hbm>>)
      tpu.yield
    }) : () -> ()
    "tpu.region"() ({
      %run_scoped3A = tpu.sem_alloc : memref<!tpu.dma_semaphore, #tpu.memory_space<semaphore_mem>>
      %dma_start3A = arith.constant 196608 : i32
      %dma_start3A_114 = tpu.memref_slice %arg2[%dma_start3A] : memref<262144xf32, #tpu.memory_space<hbm>> -> memref<32768xf32, #tpu.memory_space<hbm>>
      %dma_start3A_115 = arith.constant 196608 : i32
      %dma_start3A_116 = tpu.memref_slice %arg2[%dma_start3A_115] : memref<262144xf32, #tpu.memory_space<hbm>> -> memref<32768xf32, #tpu.memory_space<hbm>>
      tpu.enqueue_dma source(%dma_start3A_116 : memref<32768xf32, #tpu.memory_space<hbm>>) target(%arg6 : memref<32768xf32, #tpu.memory_space<vmem>>) target_semaphore(%run_scoped3A : memref<!tpu.dma_semaphore, #tpu.memory_space<semaphore_mem>>)
      %dma_wait3A = arith.constant 196608 : i32
      %dma_wait3A_117 = tpu.memref_slice %arg2[%dma_wait3A] : memref<262144xf32, #tpu.memory_space<hbm>> -> memref<32768xf32, #tpu.memory_space<hbm>>
      %dma_wait3A_118 = arith.constant 196608 : i32
      %dma_wait3A_119 = tpu.memref_slice %arg2[%dma_wait3A_118] : memref<262144xf32, #tpu.memory_space<hbm>> -> memref<32768xf32, #tpu.memory_space<hbm>>
      tpu.wait_dma2 semaphore(%run_scoped3A : memref<!tpu.dma_semaphore, #tpu.memory_space<semaphore_mem>>) src(%dma_wait3A_119 : memref<32768xf32, #tpu.memory_space<hbm>>) dst(%arg6 : memref<32768xf32, #tpu.memory_space<vmem>>)
      tpu.yield
    }) : () -> ()
    %scan3A_94 = arith.constant 0 : i32
    %scan3A_95 = arith.constant 0 : i32
    %scan3A_96 = arith.constant 64 : i32
    %scan3A_97 = arith.addi %scan3A_95, %scan3A_96 : i32
    %scan3A_98 = arith.constant 1 : i32
    scf.for %scan3A_114 = %scan3A_95 to %scan3A_97 step %scan3A_98  : i32 {
      %mul3A_115 = arith.constant 16 : i32
      %mul3A_116 = arith.muli %scan3A_114, %mul3A_115 : i32
      %get3A = arith.index_cast %mul3A_116 : i32 to index
      %get3A_117 = tpu.vector_load %arg5[%get3A] {strides = array<i32>} : memref<1024xi32, #tpu.memory_space<vmem>>, vector<16xi32>,
      %add3A_118 = arith.constant 0 : i32
      %add3A_119 = vector.broadcast %add3A_118 : i32 to vector<16xi32>
      %add3A_120 = arith.addi %get3A_117, %add3A_119 : vector<16xi32>
      %gather3A = tpu.vector_load_idx %arg6[%add3A_120] : memref<32768xf32, #tpu.memory_space<vmem>>[vector<16xi32>], vector<16xf32>,
      %mul3A_121 = arith.constant 16 : i32
      %mul3A_122 = arith.muli %scan3A_114, %mul3A_121 : i32
      %swap3A = arith.constant 0 : i32
      %swap3A_123 = arith.index_cast %swap3A : i32 to index
      %swap3A_124 = arith.index_cast %mul3A_122 : i32 to index
      %swap3A_125 = tpu.vector_load %arg7[%swap3A_123, %swap3A_124] {strides = array<i32>} : memref<32x1024xf32, #tpu.memory_space<vmem>>, vector<16xf32>,
      tpu.vector_store %arg7[%swap3A_123, %swap3A_124], %gather3A {strides = array<i32>} : memref<32x1024xf32, #tpu.memory_space<vmem>>, vector<16xf32>,
      %add3A_126 = arith.constant 1024 : i32
      %add3A_127 = vector.broadcast %add3A_126 : i32 to vector<16xi32>
      %add3A_128 = arith.addi %get3A_117, %add3A_127 : vector<16xi32>
      %gather3A_129 = tpu.vector_load_idx %arg6[%add3A_128] : memref<32768xf32, #tpu.memory_space<vmem>>[vector<16xi32>], vector<16xf32>,
      %mul3A_130 = arith.constant 16 : i32
      %mul3A_131 = arith.muli %scan3A_114, %mul3A_130 : i32
      %swap3A_132 = arith.constant 1 : i32
      %swap3A_133 = arith.index_cast %swap3A_132 : i32 to index
      %swap3A_134 = arith.index_cast %mul3A_131 : i32 to index
      %swap3A_135 = tpu.vector_load %arg7[%swap3A_133, %swap3A_134] {strides = array<i32>} : memref<32x1024xf32, #tpu.memory_space<vmem>>, vector<16xf32>,
      tpu.vector_store %arg7[%swap3A_133, %swap3A_134], %gather3A_129 {strides = array<i32>} : memref<32x1024xf32, #tpu.memory_space<vmem>>, vector<16xf32>,
      %add3A_136 = arith.constant 2048 : i32
      %add3A_137 = vector.broadcast %add3A_136 : i32 to vector<16xi32>
      %add3A_138 = arith.addi %get3A_117, %add3A_137 : vector<16xi32>
      %gather3A_139 = tpu.vector_load_idx %arg6[%add3A_138] : memref<32768xf32, #tpu.memory_space<vmem>>[vector<16xi32>], vector<16xf32>,
      %mul3A_140 = arith.constant 16 : i32
      %mul3A_141 = arith.muli %scan3A_114, %mul3A_140 : i32
      %swap3A_142 = arith.constant 2 : i32
      %swap3A_143 = arith.index_cast %swap3A_142 : i32 to index
      %swap3A_144 = arith.index_cast %mul3A_141 : i32 to index
      %swap3A_145 = tpu.vector_load %arg7[%swap3A_143, %swap3A_144] {strides = array<i32>} : memref<32x1024xf32, #tpu.memory_space<vmem>>, vector<16xf32>,
      tpu.vector_store %arg7[%swap3A_143, %swap3A_144], %gather3A_139 {strides = array<i32>} : memref<32x1024xf32, #tpu.memory_space<vmem>>, vector<16xf32>,
      %add3A_146 = arith.constant 3072 : i32
      %add3A_147 = vector.broadcast %add3A_146 : i32 to vector<16xi32>
      %add3A_148 = arith.addi %get3A_117, %add3A_147 : vector<16xi32>
      %gather3A_149 = tpu.vector_load_idx %arg6[%add3A_148] : memref<32768xf32, #tpu.memory_space<vmem>>[vector<16xi32>], vector<16xf32>,
      %mul3A_150 = arith.constant 16 : i32
      %mul3A_151 = arith.muli %scan3A_114, %mul3A_150 : i32
      %swap3A_152 = arith.constant 3 : i32
      %swap3A_153 = arith.index_cast %swap3A_152 : i32 to index
      %swap3A_154 = arith.index_cast %mul3A_151 : i32 to index
      %swap3A_155 = tpu.vector_load %arg7[%swap3A_153, %swap3A_154] {strides = array<i32>} : memref<32x1024xf32, #tpu.memory_space<vmem>>, vector<16xf32>,
      tpu.vector_store %arg7[%swap3A_153, %swap3A_154], %gather3A_149 {strides = array<i32>} : memref<32x1024xf32, #tpu.memory_space<vmem>>, vector<16xf32>,
      %add3A_156 = arith.constant 4096 : i32
      %add3A_157 = vector.broadcast %add3A_156 : i32 to vector<16xi32>
      %add3A_158 = arith.addi %get3A_117, %add3A_157 : vector<16xi32>
      %gather3A_159 = tpu.vector_load_idx %arg6[%add3A_158] : memref<32768xf32, #tpu.memory_space<vmem>>[vector<16xi32>], vector<16xf32>,
      %mul3A_160 = arith.constant 16 : i32
      %mul3A_161 = arith.muli %scan3A_114, %mul3A_160 : i32
      %swap3A_162 = arith.constant 4 : i32
      %swap3A_163 = arith.index_cast %swap3A_162 : i32 to index
      %swap3A_164 = arith.index_cast %mul3A_161 : i32 to index
      %swap3A_165 = tpu.vector_load %arg7[%swap3A_163, %swap3A_164] {strides = array<i32>} : memref<32x1024xf32, #tpu.memory_space<vmem>>, vector<16xf32>,
      tpu.vector_store %arg7[%swap3A_163, %swap3A_164], %gather3A_159 {strides = array<i32>} : memref<32x1024xf32, #tpu.memory_space<vmem>>, vector<16xf32>,
      %add3A_166 = arith.constant 5120 : i32
      %add3A_167 = vector.broadcast %add3A_166 : i32 to vector<16xi32>
      %add3A_168 = arith.addi %get3A_117, %add3A_167 : vector<16xi32>
      %gather3A_169 = tpu.vector_load_idx %arg6[%add3A_168] : memref<32768xf32, #tpu.memory_space<vmem>>[vector<16xi32>], vector<16xf32>,
      %mul3A_170 = arith.constant 16 : i32
      %mul3A_171 = arith.muli %scan3A_114, %mul3A_170 : i32
      %swap3A_172 = arith.constant 5 : i32
      %swap3A_173 = arith.index_cast %swap3A_172 : i32 to index
      %swap3A_174 = arith.index_cast %mul3A_171 : i32 to index
      %swap3A_175 = tpu.vector_load %arg7[%swap3A_173, %swap3A_174] {strides = array<i32>} : memref<32x1024xf32, #tpu.memory_space<vmem>>, vector<16xf32>,
      tpu.vector_store %arg7[%swap3A_173, %swap3A_174], %gather3A_169 {strides = array<i32>} : memref<32x1024xf32, #tpu.memory_space<vmem>>, vector<16xf32>,
      %add3A_176 = arith.constant 6144 : i32
      %add3A_177 = vector.broadcast %add3A_176 : i32 to vector<16xi32>
      %add3A_178 = arith.addi %get3A_117, %add3A_177 : vector<16xi32>
      %gather3A_179 = tpu.vector_load_idx %arg6[%add3A_178] : memref<32768xf32, #tpu.memory_space<vmem>>[vector<16xi32>], vector<16xf32>,
      %mul3A_180 = arith.constant 16 : i32
      %mul3A_181 = arith.muli %scan3A_114, %mul3A_180 : i32
      %swap3A_182 = arith.constant 6 : i32
      %swap3A_183 = arith.index_cast %swap3A_182 : i32 to index
      %swap3A_184 = arith.index_cast %mul3A_181 : i32 to index
      %swap3A_185 = tpu.vector_load %arg7[%swap3A_183, %swap3A_184] {strides = array<i32>} : memref<32x1024xf32, #tpu.memory_space<vmem>>, vector<16xf32>,
      tpu.vector_store %arg7[%swap3A_183, %swap3A_184], %gather3A_179 {strides = array<i32>} : memref<32x1024xf32, #tpu.memory_space<vmem>>, vector<16xf32>,
      %add3A_186 = arith.constant 7168 : i32
      %add3A_187 = vector.broadcast %add3A_186 : i32 to vector<16xi32>
      %add3A_188 = arith.addi %get3A_117, %add3A_187 : vector<16xi32>
      %gather3A_189 = tpu.vector_load_idx %arg6[%add3A_188] : memref<32768xf32, #tpu.memory_space<vmem>>[vector<16xi32>], vector<16xf32>,
      %mul3A_190 = arith.constant 16 : i32
      %mul3A_191 = arith.muli %scan3A_114, %mul3A_190 : i32
      %swap3A_192 = arith.constant 7 : i32
      %swap3A_193 = arith.index_cast %swap3A_192 : i32 to index
      %swap3A_194 = arith.index_cast %mul3A_191 : i32 to index
      %swap3A_195 = tpu.vector_load %arg7[%swap3A_193, %swap3A_194] {strides = array<i32>} : memref<32x1024xf32, #tpu.memory_space<vmem>>, vector<16xf32>,
      tpu.vector_store %arg7[%swap3A_193, %swap3A_194], %gather3A_189 {strides = array<i32>} : memref<32x1024xf32, #tpu.memory_space<vmem>>, vector<16xf32>,
      %add3A_196 = arith.constant 8192 : i32
      %add3A_197 = vector.broadcast %add3A_196 : i32 to vector<16xi32>
      %add3A_198 = arith.addi %get3A_117, %add3A_197 : vector<16xi32>
      %gather3A_199 = tpu.vector_load_idx %arg6[%add3A_198] : memref<32768xf32, #tpu.memory_space<vmem>>[vector<16xi32>], vector<16xf32>,
      %mul3A_200 = arith.constant 16 : i32
      %mul3A_201 = arith.muli %scan3A_114, %mul3A_200 : i32
      %swap3A_202 = arith.constant 8 : i32
      %swap3A_203 = arith.index_cast %swap3A_202 : i32 to index
      %swap3A_204 = arith.index_cast %mul3A_201 : i32 to index
      %swap3A_205 = tpu.vector_load %arg7[%swap3A_203, %swap3A_204] {strides = array<i32>} : memref<32x1024xf32, #tpu.memory_space<vmem>>, vector<16xf32>,
      tpu.vector_store %arg7[%swap3A_203, %swap3A_204], %gather3A_199 {strides = array<i32>} : memref<32x1024xf32, #tpu.memory_space<vmem>>, vector<16xf32>,
      %add3A_206 = arith.constant 9216 : i32
      %add3A_207 = vector.broadcast %add3A_206 : i32 to vector<16xi32>
      %add3A_208 = arith.addi %get3A_117, %add3A_207 : vector<16xi32>
      %gather3A_209 = tpu.vector_load_idx %arg6[%add3A_208] : memref<32768xf32, #tpu.memory_space<vmem>>[vector<16xi32>], vector<16xf32>,
      %mul3A_210 = arith.constant 16 : i32
      %mul3A_211 = arith.muli %scan3A_114, %mul3A_210 : i32
      %swap3A_212 = arith.constant 9 : i32
      %swap3A_213 = arith.index_cast %swap3A_212 : i32 to index
      %swap3A_214 = arith.index_cast %mul3A_211 : i32 to index
      %swap3A_215 = tpu.vector_load %arg7[%swap3A_213, %swap3A_214] {strides = array<i32>} : memref<32x1024xf32, #tpu.memory_space<vmem>>, vector<16xf32>,
      tpu.vector_store %arg7[%swap3A_213, %swap3A_214], %gather3A_209 {strides = array<i32>} : memref<32x1024xf32, #tpu.memory_space<vmem>>, vector<16xf32>,
      %add3A_216 = arith.constant 10240 : i32
      %add3A_217 = vector.broadcast %add3A_216 : i32 to vector<16xi32>
      %add3A_218 = arith.addi %get3A_117, %add3A_217 : vector<16xi32>
      %gather3A_219 = tpu.vector_load_idx %arg6[%add3A_218] : memref<32768xf32, #tpu.memory_space<vmem>>[vector<16xi32>], vector<16xf32>,
      %mul3A_220 = arith.constant 16 : i32
      %mul3A_221 = arith.muli %scan3A_114, %mul3A_220 : i32
      %swap3A_222 = arith.constant 10 : i32
      %swap3A_223 = arith.index_cast %swap3A_222 : i32 to index
      %swap3A_224 = arith.index_cast %mul3A_221 : i32 to index
      %swap3A_225 = tpu.vector_load %arg7[%swap3A_223, %swap3A_224] {strides = array<i32>} : memref<32x1024xf32, #tpu.memory_space<vmem>>, vector<16xf32>,
      tpu.vector_store %arg7[%swap3A_223, %swap3A_224], %gather3A_219 {strides = array<i32>} : memref<32x1024xf32, #tpu.memory_space<vmem>>, vector<16xf32>,
      %add3A_226 = arith.constant 11264 : i32
      %add3A_227 = vector.broadcast %add3A_226 : i32 to vector<16xi32>
      %add3A_228 = arith.addi %get3A_117, %add3A_227 : vector<16xi32>
      %gather3A_229 = tpu.vector_load_idx %arg6[%add3A_228] : memref<32768xf32, #tpu.memory_space<vmem>>[vector<16xi32>], vector<16xf32>,
      %mul3A_230 = arith.constant 16 : i32
      %mul3A_231 = arith.muli %scan3A_114, %mul3A_230 : i32
      %swap3A_232 = arith.constant 11 : i32
      %swap3A_233 = arith.index_cast %swap3A_232 : i32 to index
      %swap3A_234 = arith.index_cast %mul3A_231 : i32 to index
      %swap3A_235 = tpu.vector_load %arg7[%swap3A_233, %swap3A_234] {strides = array<i32>} : memref<32x1024xf32, #tpu.memory_space<vmem>>, vector<16xf32>,
      tpu.vector_store %arg7[%swap3A_233, %swap3A_234], %gather3A_229 {strides = array<i32>} : memref<32x1024xf32, #tpu.memory_space<vmem>>, vector<16xf32>,
      %add3A_236 = arith.constant 12288 : i32
      %add3A_237 = vector.broadcast %add3A_236 : i32 to vector<16xi32>
      %add3A_238 = arith.addi %get3A_117, %add3A_237 : vector<16xi32>
      %gather3A_239 = tpu.vector_load_idx %arg6[%add3A_238] : memref<32768xf32, #tpu.memory_space<vmem>>[vector<16xi32>], vector<16xf32>,
      %mul3A_240 = arith.constant 16 : i32
      %mul3A_241 = arith.muli %scan3A_114, %mul3A_240 : i32
      %swap3A_242 = arith.constant 12 : i32
      %swap3A_243 = arith.index_cast %swap3A_242 : i32 to index
      %swap3A_244 = arith.index_cast %mul3A_241 : i32 to index
      %swap3A_245 = tpu.vector_load %arg7[%swap3A_243, %swap3A_244] {strides = array<i32>} : memref<32x1024xf32, #tpu.memory_space<vmem>>, vector<16xf32>,
      tpu.vector_store %arg7[%swap3A_243, %swap3A_244], %gather3A_239 {strides = array<i32>} : memref<32x1024xf32, #tpu.memory_space<vmem>>, vector<16xf32>,
      %add3A_246 = arith.constant 13312 : i32
      %add3A_247 = vector.broadcast %add3A_246 : i32 to vector<16xi32>
      %add3A_248 = arith.addi %get3A_117, %add3A_247 : vector<16xi32>
      %gather3A_249 = tpu.vector_load_idx %arg6[%add3A_248] : memref<32768xf32, #tpu.memory_space<vmem>>[vector<16xi32>], vector<16xf32>,
      %mul3A_250 = arith.constant 16 : i32
      %mul3A_251 = arith.muli %scan3A_114, %mul3A_250 : i32
      %swap3A_252 = arith.constant 13 : i32
      %swap3A_253 = arith.index_cast %swap3A_252 : i32 to index
      %swap3A_254 = arith.index_cast %mul3A_251 : i32 to index
      %swap3A_255 = tpu.vector_load %arg7[%swap3A_253, %swap3A_254] {strides = array<i32>} : memref<32x1024xf32, #tpu.memory_space<vmem>>, vector<16xf32>,
      tpu.vector_store %arg7[%swap3A_253, %swap3A_254], %gather3A_249 {strides = array<i32>} : memref<32x1024xf32, #tpu.memory_space<vmem>>, vector<16xf32>,
      %add3A_256 = arith.constant 14336 : i32
      %add3A_257 = vector.broadcast %add3A_256 : i32 to vector<16xi32>
      %add3A_258 = arith.addi %get3A_117, %add3A_257 : vector<16xi32>
      %gather3A_259 = tpu.vector_load_idx %arg6[%add3A_258] : memref<32768xf32, #tpu.memory_space<vmem>>[vector<16xi32>], vector<16xf32>,
      %mul3A_260 = arith.constant 16 : i32
      %mul3A_261 = arith.muli %scan3A_114, %mul3A_260 : i32
      %swap3A_262 = arith.constant 14 : i32
      %swap3A_263 = arith.index_cast %swap3A_262 : i32 to index
      %swap3A_264 = arith.index_cast %mul3A_261 : i32 to index
      %swap3A_265 = tpu.vector_load %arg7[%swap3A_263, %swap3A_264] {strides = array<i32>} : memref<32x1024xf32, #tpu.memory_space<vmem>>, vector<16xf32>,
      tpu.vector_store %arg7[%swap3A_263, %swap3A_264], %gather3A_259 {strides = array<i32>} : memref<32x1024xf32, #tpu.memory_space<vmem>>, vector<16xf32>,
      %add3A_266 = arith.constant 15360 : i32
      %add3A_267 = vector.broadcast %add3A_266 : i32 to vector<16xi32>
      %add3A_268 = arith.addi %get3A_117, %add3A_267 : vector<16xi32>
      %gather3A_269 = tpu.vector_load_idx %arg6[%add3A_268] : memref<32768xf32, #tpu.memory_space<vmem>>[vector<16xi32>], vector<16xf32>,
      %mul3A_270 = arith.constant 16 : i32
      %mul3A_271 = arith.muli %scan3A_114, %mul3A_270 : i32
      %swap3A_272 = arith.constant 15 : i32
      %swap3A_273 = arith.index_cast %swap3A_272 : i32 to index
      %swap3A_274 = arith.index_cast %mul3A_271 : i32 to index
      %swap3A_275 = tpu.vector_load %arg7[%swap3A_273, %swap3A_274] {strides = array<i32>} : memref<32x1024xf32, #tpu.memory_space<vmem>>, vector<16xf32>,
      tpu.vector_store %arg7[%swap3A_273, %swap3A_274], %gather3A_269 {strides = array<i32>} : memref<32x1024xf32, #tpu.memory_space<vmem>>, vector<16xf32>,
      %add3A_276 = arith.constant 16384 : i32
      %add3A_277 = vector.broadcast %add3A_276 : i32 to vector<16xi32>
      %add3A_278 = arith.addi %get3A_117, %add3A_277 : vector<16xi32>
      %gather3A_279 = tpu.vector_load_idx %arg6[%add3A_278] : memref<32768xf32, #tpu.memory_space<vmem>>[vector<16xi32>], vector<16xf32>,
      %mul3A_280 = arith.constant 16 : i32
      %mul3A_281 = arith.muli %scan3A_114, %mul3A_280 : i32
      %swap3A_282 = arith.constant 16 : i32
      %swap3A_283 = arith.index_cast %swap3A_282 : i32 to index
      %swap3A_284 = arith.index_cast %mul3A_281 : i32 to index
      %swap3A_285 = tpu.vector_load %arg7[%swap3A_283, %swap3A_284] {strides = array<i32>} : memref<32x1024xf32, #tpu.memory_space<vmem>>, vector<16xf32>,
      tpu.vector_store %arg7[%swap3A_283, %swap3A_284], %gather3A_279 {strides = array<i32>} : memref<32x1024xf32, #tpu.memory_space<vmem>>, vector<16xf32>,
      %add3A_286 = arith.constant 17408 : i32
      %add3A_287 = vector.broadcast %add3A_286 : i32 to vector<16xi32>
      %add3A_288 = arith.addi %get3A_117, %add3A_287 : vector<16xi32>
      %gather3A_289 = tpu.vector_load_idx %arg6[%add3A_288] : memref<32768xf32, #tpu.memory_space<vmem>>[vector<16xi32>], vector<16xf32>,
      %mul3A_290 = arith.constant 16 : i32
      %mul3A_291 = arith.muli %scan3A_114, %mul3A_290 : i32
      %swap3A_292 = arith.constant 17 : i32
      %swap3A_293 = arith.index_cast %swap3A_292 : i32 to index
      %swap3A_294 = arith.index_cast %mul3A_291 : i32 to index
      %swap3A_295 = tpu.vector_load %arg7[%swap3A_293, %swap3A_294] {strides = array<i32>} : memref<32x1024xf32, #tpu.memory_space<vmem>>, vector<16xf32>,
      tpu.vector_store %arg7[%swap3A_293, %swap3A_294], %gather3A_289 {strides = array<i32>} : memref<32x1024xf32, #tpu.memory_space<vmem>>, vector<16xf32>,
      %add3A_296 = arith.constant 18432 : i32
      %add3A_297 = vector.broadcast %add3A_296 : i32 to vector<16xi32>
      %add3A_298 = arith.addi %get3A_117, %add3A_297 : vector<16xi32>
      %gather3A_299 = tpu.vector_load_idx %arg6[%add3A_298] : memref<32768xf32, #tpu.memory_space<vmem>>[vector<16xi32>], vector<16xf32>,
      %mul3A_300 = arith.constant 16 : i32
      %mul3A_301 = arith.muli %scan3A_114, %mul3A_300 : i32
      %swap3A_302 = arith.constant 18 : i32
      %swap3A_303 = arith.index_cast %swap3A_302 : i32 to index
      %swap3A_304 = arith.index_cast %mul3A_301 : i32 to index
      %swap3A_305 = tpu.vector_load %arg7[%swap3A_303, %swap3A_304] {strides = array<i32>} : memref<32x1024xf32, #tpu.memory_space<vmem>>, vector<16xf32>,
      tpu.vector_store %arg7[%swap3A_303, %swap3A_304], %gather3A_299 {strides = array<i32>} : memref<32x1024xf32, #tpu.memory_space<vmem>>, vector<16xf32>,
      %add3A_306 = arith.constant 19456 : i32
      %add3A_307 = vector.broadcast %add3A_306 : i32 to vector<16xi32>
      %add3A_308 = arith.addi %get3A_117, %add3A_307 : vector<16xi32>
      %gather3A_309 = tpu.vector_load_idx %arg6[%add3A_308] : memref<32768xf32, #tpu.memory_space<vmem>>[vector<16xi32>], vector<16xf32>,
      %mul3A_310 = arith.constant 16 : i32
      %mul3A_311 = arith.muli %scan3A_114, %mul3A_310 : i32
      %swap3A_312 = arith.constant 19 : i32
      %swap3A_313 = arith.index_cast %swap3A_312 : i32 to index
      %swap3A_314 = arith.index_cast %mul3A_311 : i32 to index
      %swap3A_315 = tpu.vector_load %arg7[%swap3A_313, %swap3A_314] {strides = array<i32>} : memref<32x1024xf32, #tpu.memory_space<vmem>>, vector<16xf32>,
      tpu.vector_store %arg7[%swap3A_313, %swap3A_314], %gather3A_309 {strides = array<i32>} : memref<32x1024xf32, #tpu.memory_space<vmem>>, vector<16xf32>,
      %add3A_316 = arith.constant 20480 : i32
      %add3A_317 = vector.broadcast %add3A_316 : i32 to vector<16xi32>
      %add3A_318 = arith.addi %get3A_117, %add3A_317 : vector<16xi32>
      %gather3A_319 = tpu.vector_load_idx %arg6[%add3A_318] : memref<32768xf32, #tpu.memory_space<vmem>>[vector<16xi32>], vector<16xf32>,
      %mul3A_320 = arith.constant 16 : i32
      %mul3A_321 = arith.muli %scan3A_114, %mul3A_320 : i32
      %swap3A_322 = arith.constant 20 : i32
      %swap3A_323 = arith.index_cast %swap3A_322 : i32 to index
      %swap3A_324 = arith.index_cast %mul3A_321 : i32 to index
      %swap3A_325 = tpu.vector_load %arg7[%swap3A_323, %swap3A_324] {strides = array<i32>} : memref<32x1024xf32, #tpu.memory_space<vmem>>, vector<16xf32>,
      tpu.vector_store %arg7[%swap3A_323, %swap3A_324], %gather3A_319 {strides = array<i32>} : memref<32x1024xf32, #tpu.memory_space<vmem>>, vector<16xf32>,
      %add3A_326 = arith.constant 21504 : i32
      %add3A_327 = vector.broadcast %add3A_326 : i32 to vector<16xi32>
      %add3A_328 = arith.addi %get3A_117, %add3A_327 : vector<16xi32>
      %gather3A_329 = tpu.vector_load_idx %arg6[%add3A_328] : memref<32768xf32, #tpu.memory_space<vmem>>[vector<16xi32>], vector<16xf32>,
      %mul3A_330 = arith.constant 16 : i32
      %mul3A_331 = arith.muli %scan3A_114, %mul3A_330 : i32
      %swap3A_332 = arith.constant 21 : i32
      %swap3A_333 = arith.index_cast %swap3A_332 : i32 to index
      %swap3A_334 = arith.index_cast %mul3A_331 : i32 to index
      %swap3A_335 = tpu.vector_load %arg7[%swap3A_333, %swap3A_334] {strides = array<i32>} : memref<32x1024xf32, #tpu.memory_space<vmem>>, vector<16xf32>,
      tpu.vector_store %arg7[%swap3A_333, %swap3A_334], %gather3A_329 {strides = array<i32>} : memref<32x1024xf32, #tpu.memory_space<vmem>>, vector<16xf32>,
      %add3A_336 = arith.constant 22528 : i32
      %add3A_337 = vector.broadcast %add3A_336 : i32 to vector<16xi32>
      %add3A_338 = arith.addi %get3A_117, %add3A_337 : vector<16xi32>
      %gather3A_339 = tpu.vector_load_idx %arg6[%add3A_338] : memref<32768xf32, #tpu.memory_space<vmem>>[vector<16xi32>], vector<16xf32>,
      %mul3A_340 = arith.constant 16 : i32
      %mul3A_341 = arith.muli %scan3A_114, %mul3A_340 : i32
      %swap3A_342 = arith.constant 22 : i32
      %swap3A_343 = arith.index_cast %swap3A_342 : i32 to index
      %swap3A_344 = arith.index_cast %mul3A_341 : i32 to index
      %swap3A_345 = tpu.vector_load %arg7[%swap3A_343, %swap3A_344] {strides = array<i32>} : memref<32x1024xf32, #tpu.memory_space<vmem>>, vector<16xf32>,
      tpu.vector_store %arg7[%swap3A_343, %swap3A_344], %gather3A_339 {strides = array<i32>} : memref<32x1024xf32, #tpu.memory_space<vmem>>, vector<16xf32>,
      %add3A_346 = arith.constant 23552 : i32
      %add3A_347 = vector.broadcast %add3A_346 : i32 to vector<16xi32>
      %add3A_348 = arith.addi %get3A_117, %add3A_347 : vector<16xi32>
      %gather3A_349 = tpu.vector_load_idx %arg6[%add3A_348] : memref<32768xf32, #tpu.memory_space<vmem>>[vector<16xi32>], vector<16xf32>,
      %mul3A_350 = arith.constant 16 : i32
      %mul3A_351 = arith.muli %scan3A_114, %mul3A_350 : i32
      %swap3A_352 = arith.constant 23 : i32
      %swap3A_353 = arith.index_cast %swap3A_352 : i32 to index
      %swap3A_354 = arith.index_cast %mul3A_351 : i32 to index
      %swap3A_355 = tpu.vector_load %arg7[%swap3A_353, %swap3A_354] {strides = array<i32>} : memref<32x1024xf32, #tpu.memory_space<vmem>>, vector<16xf32>,
      tpu.vector_store %arg7[%swap3A_353, %swap3A_354], %gather3A_349 {strides = array<i32>} : memref<32x1024xf32, #tpu.memory_space<vmem>>, vector<16xf32>,
      %add3A_356 = arith.constant 24576 : i32
      %add3A_357 = vector.broadcast %add3A_356 : i32 to vector<16xi32>
      %add3A_358 = arith.addi %get3A_117, %add3A_357 : vector<16xi32>
      %gather3A_359 = tpu.vector_load_idx %arg6[%add3A_358] : memref<32768xf32, #tpu.memory_space<vmem>>[vector<16xi32>], vector<16xf32>,
      %mul3A_360 = arith.constant 16 : i32
      %mul3A_361 = arith.muli %scan3A_114, %mul3A_360 : i32
      %swap3A_362 = arith.constant 24 : i32
      %swap3A_363 = arith.index_cast %swap3A_362 : i32 to index
      %swap3A_364 = arith.index_cast %mul3A_361 : i32 to index
      %swap3A_365 = tpu.vector_load %arg7[%swap3A_363, %swap3A_364] {strides = array<i32>} : memref<32x1024xf32, #tpu.memory_space<vmem>>, vector<16xf32>,
      tpu.vector_store %arg7[%swap3A_363, %swap3A_364], %gather3A_359 {strides = array<i32>} : memref<32x1024xf32, #tpu.memory_space<vmem>>, vector<16xf32>,
      %add3A_366 = arith.constant 25600 : i32
      %add3A_367 = vector.broadcast %add3A_366 : i32 to vector<16xi32>
      %add3A_368 = arith.addi %get3A_117, %add3A_367 : vector<16xi32>
      %gather3A_369 = tpu.vector_load_idx %arg6[%add3A_368] : memref<32768xf32, #tpu.memory_space<vmem>>[vector<16xi32>], vector<16xf32>,
      %mul3A_370 = arith.constant 16 : i32
      %mul3A_371 = arith.muli %scan3A_114, %mul3A_370 : i32
      %swap3A_372 = arith.constant 25 : i32
      %swap3A_373 = arith.index_cast %swap3A_372 : i32 to index
      %swap3A_374 = arith.index_cast %mul3A_371 : i32 to index
      %swap3A_375 = tpu.vector_load %arg7[%swap3A_373, %swap3A_374] {strides = array<i32>} : memref<32x1024xf32, #tpu.memory_space<vmem>>, vector<16xf32>,
      tpu.vector_store %arg7[%swap3A_373, %swap3A_374], %gather3A_369 {strides = array<i32>} : memref<32x1024xf32, #tpu.memory_space<vmem>>, vector<16xf32>,
      %add3A_376 = arith.constant 26624 : i32
      %add3A_377 = vector.broadcast %add3A_376 : i32 to vector<16xi32>
      %add3A_378 = arith.addi %get3A_117, %add3A_377 : vector<16xi32>
      %gather3A_379 = tpu.vector_load_idx %arg6[%add3A_378] : memref<32768xf32, #tpu.memory_space<vmem>>[vector<16xi32>], vector<16xf32>,
      %mul3A_380 = arith.constant 16 : i32
      %mul3A_381 = arith.muli %scan3A_114, %mul3A_380 : i32
      %swap3A_382 = arith.constant 26 : i32
      %swap3A_383 = arith.index_cast %swap3A_382 : i32 to index
      %swap3A_384 = arith.index_cast %mul3A_381 : i32 to index
      %swap3A_385 = tpu.vector_load %arg7[%swap3A_383, %swap3A_384] {strides = array<i32>} : memref<32x1024xf32, #tpu.memory_space<vmem>>, vector<16xf32>,
      tpu.vector_store %arg7[%swap3A_383, %swap3A_384], %gather3A_379 {strides = array<i32>} : memref<32x1024xf32, #tpu.memory_space<vmem>>, vector<16xf32>,
      %add3A_386 = arith.constant 27648 : i32
      %add3A_387 = vector.broadcast %add3A_386 : i32 to vector<16xi32>
      %add3A_388 = arith.addi %get3A_117, %add3A_387 : vector<16xi32>
      %gather3A_389 = tpu.vector_load_idx %arg6[%add3A_388] : memref<32768xf32, #tpu.memory_space<vmem>>[vector<16xi32>], vector<16xf32>,
      %mul3A_390 = arith.constant 16 : i32
      %mul3A_391 = arith.muli %scan3A_114, %mul3A_390 : i32
      %swap3A_392 = arith.constant 27 : i32
      %swap3A_393 = arith.index_cast %swap3A_392 : i32 to index
      %swap3A_394 = arith.index_cast %mul3A_391 : i32 to index
      %swap3A_395 = tpu.vector_load %arg7[%swap3A_393, %swap3A_394] {strides = array<i32>} : memref<32x1024xf32, #tpu.memory_space<vmem>>, vector<16xf32>,
      tpu.vector_store %arg7[%swap3A_393, %swap3A_394], %gather3A_389 {strides = array<i32>} : memref<32x1024xf32, #tpu.memory_space<vmem>>, vector<16xf32>,
      %add3A_396 = arith.constant 28672 : i32
      %add3A_397 = vector.broadcast %add3A_396 : i32 to vector<16xi32>
      %add3A_398 = arith.addi %get3A_117, %add3A_397 : vector<16xi32>
      %gather3A_399 = tpu.vector_load_idx %arg6[%add3A_398] : memref<32768xf32, #tpu.memory_space<vmem>>[vector<16xi32>], vector<16xf32>,
      %mul3A_400 = arith.constant 16 : i32
      %mul3A_401 = arith.muli %scan3A_114, %mul3A_400 : i32
      %swap3A_402 = arith.constant 28 : i32
      %swap3A_403 = arith.index_cast %swap3A_402 : i32 to index
      %swap3A_404 = arith.index_cast %mul3A_401 : i32 to index
      %swap3A_405 = tpu.vector_load %arg7[%swap3A_403, %swap3A_404] {strides = array<i32>} : memref<32x1024xf32, #tpu.memory_space<vmem>>, vector<16xf32>,
      tpu.vector_store %arg7[%swap3A_403, %swap3A_404], %gather3A_399 {strides = array<i32>} : memref<32x1024xf32, #tpu.memory_space<vmem>>, vector<16xf32>,
      %add3A_406 = arith.constant 29696 : i32
      %add3A_407 = vector.broadcast %add3A_406 : i32 to vector<16xi32>
      %add3A_408 = arith.addi %get3A_117, %add3A_407 : vector<16xi32>
      %gather3A_409 = tpu.vector_load_idx %arg6[%add3A_408] : memref<32768xf32, #tpu.memory_space<vmem>>[vector<16xi32>], vector<16xf32>,
      %mul3A_410 = arith.constant 16 : i32
      %mul3A_411 = arith.muli %scan3A_114, %mul3A_410 : i32
      %swap3A_412 = arith.constant 29 : i32
      %swap3A_413 = arith.index_cast %swap3A_412 : i32 to index
      %swap3A_414 = arith.index_cast %mul3A_411 : i32 to index
      %swap3A_415 = tpu.vector_load %arg7[%swap3A_413, %swap3A_414] {strides = array<i32>} : memref<32x1024xf32, #tpu.memory_space<vmem>>, vector<16xf32>,
      tpu.vector_store %arg7[%swap3A_413, %swap3A_414], %gather3A_409 {strides = array<i32>} : memref<32x1024xf32, #tpu.memory_space<vmem>>, vector<16xf32>,
      %add3A_416 = arith.constant 30720 : i32
      %add3A_417 = vector.broadcast %add3A_416 : i32 to vector<16xi32>
      %add3A_418 = arith.addi %get3A_117, %add3A_417 : vector<16xi32>
      %gather3A_419 = tpu.vector_load_idx %arg6[%add3A_418] : memref<32768xf32, #tpu.memory_space<vmem>>[vector<16xi32>], vector<16xf32>,
      %mul3A_420 = arith.constant 16 : i32
      %mul3A_421 = arith.muli %scan3A_114, %mul3A_420 : i32
      %swap3A_422 = arith.constant 30 : i32
      %swap3A_423 = arith.index_cast %swap3A_422 : i32 to index
      %swap3A_424 = arith.index_cast %mul3A_421 : i32 to index
      %swap3A_425 = tpu.vector_load %arg7[%swap3A_423, %swap3A_424] {strides = array<i32>} : memref<32x1024xf32, #tpu.memory_space<vmem>>, vector<16xf32>,
      tpu.vector_store %arg7[%swap3A_423, %swap3A_424], %gather3A_419 {strides = array<i32>} : memref<32x1024xf32, #tpu.memory_space<vmem>>, vector<16xf32>,
      %add3A_426 = arith.constant 31744 : i32
      %add3A_427 = vector.broadcast %add3A_426 : i32 to vector<16xi32>
      %add3A_428 = arith.addi %get3A_117, %add3A_427 : vector<16xi32>
      %gather3A_429 = tpu.vector_load_idx %arg6[%add3A_428] : memref<32768xf32, #tpu.memory_space<vmem>>[vector<16xi32>], vector<16xf32>,
      %mul3A_430 = arith.constant 16 : i32
      %mul3A_431 = arith.muli %scan3A_114, %mul3A_430 : i32
      %swap3A_432 = arith.constant 31 : i32
      %swap3A_433 = arith.index_cast %swap3A_432 : i32 to index
      %swap3A_434 = arith.index_cast %mul3A_431 : i32 to index
      %swap3A_435 = tpu.vector_load %arg7[%swap3A_433, %swap3A_434] {strides = array<i32>} : memref<32x1024xf32, #tpu.memory_space<vmem>>, vector<16xf32>,
      tpu.vector_store %arg7[%swap3A_433, %swap3A_434], %gather3A_429 {strides = array<i32>} : memref<32x1024xf32, #tpu.memory_space<vmem>>, vector<16xf32>,
    }
    %scan3A_99 = arith.constant 64 : i32
    %mul3A_100 = arith.constant 256 : i32
    %mul3A_101 = arith.muli %select_n3A, %mul3A_100 : i32
    %add3A_102 = arith.constant 192 : i32
    %add3A_103 = arith.addi %mul3A_101, %add3A_102 : i32
    "tpu.region"() ({
      %run_scoped3A = tpu.sem_alloc : memref<!tpu.dma_semaphore, #tpu.memory_space<semaphore_mem>>
      %dma_start3A = tpu.memref_slice %arg4[%add3A_103, %mul3A_34] : memref<1024x8192xf32, #tpu.memory_space<hbm>> -> memref<32x1024xf32, #tpu.memory_space<hbm>>
      %dma_start3A_114 = tpu.memref_slice %arg4[%add3A_103, %mul3A_34] : memref<1024x8192xf32, #tpu.memory_space<hbm>> -> memref<32x1024xf32, #tpu.memory_space<hbm>>
      tpu.enqueue_dma source(%arg7 : memref<32x1024xf32, #tpu.memory_space<vmem>>) target(%dma_start3A_114 : memref<32x1024xf32, #tpu.memory_space<hbm>>) target_semaphore(%run_scoped3A : memref<!tpu.dma_semaphore, #tpu.memory_space<semaphore_mem>>)
      %dma_wait3A = tpu.memref_slice %arg4[%add3A_103, %mul3A_34] : memref<1024x8192xf32, #tpu.memory_space<hbm>> -> memref<32x1024xf32, #tpu.memory_space<hbm>>
      %dma_wait3A_115 = tpu.memref_slice %arg4[%add3A_103, %mul3A_34] : memref<1024x8192xf32, #tpu.memory_space<hbm>> -> memref<32x1024xf32, #tpu.memory_space<hbm>>
      tpu.wait_dma2 semaphore(%run_scoped3A : memref<!tpu.dma_semaphore, #tpu.memory_space<semaphore_mem>>) src(%arg7 : memref<32x1024xf32, #tpu.memory_space<vmem>>) dst(%dma_wait3A_115 : memref<32x1024xf32, #tpu.memory_space<hbm>>)
      tpu.yield
    }) : () -> ()
    "tpu.region"() ({
      %run_scoped3A = tpu.sem_alloc : memref<!tpu.dma_semaphore, #tpu.memory_space<semaphore_mem>>
      %dma_start3A = arith.constant 229376 : i32
      %dma_start3A_114 = tpu.memref_slice %arg2[%dma_start3A] : memref<262144xf32, #tpu.memory_space<hbm>> -> memref<32768xf32, #tpu.memory_space<hbm>>
      %dma_start3A_115 = arith.constant 229376 : i32
      %dma_start3A_116 = tpu.memref_slice %arg2[%dma_start3A_115] : memref<262144xf32, #tpu.memory_space<hbm>> -> memref<32768xf32, #tpu.memory_space<hbm>>
      tpu.enqueue_dma source(%dma_start3A_116 : memref<32768xf32, #tpu.memory_space<hbm>>) target(%arg6 : memref<32768xf32, #tpu.memory_space<vmem>>) target_semaphore(%run_scoped3A : memref<!tpu.dma_semaphore, #tpu.memory_space<semaphore_mem>>)
      %dma_wait3A = arith.constant 229376 : i32
      %dma_wait3A_117 = tpu.memref_slice %arg2[%dma_wait3A] : memref<262144xf32, #tpu.memory_space<hbm>> -> memref<32768xf32, #tpu.memory_space<hbm>>
      %dma_wait3A_118 = arith.constant 229376 : i32
      %dma_wait3A_119 = tpu.memref_slice %arg2[%dma_wait3A_118] : memref<262144xf32, #tpu.memory_space<hbm>> -> memref<32768xf32, #tpu.memory_space<hbm>>
      tpu.wait_dma2 semaphore(%run_scoped3A : memref<!tpu.dma_semaphore, #tpu.memory_space<semaphore_mem>>) src(%dma_wait3A_119 : memref<32768xf32, #tpu.memory_space<hbm>>) dst(%arg6 : memref<32768xf32, #tpu.memory_space<vmem>>)
      tpu.yield
    }) : () -> ()
    %scan3A_104 = arith.constant 0 : i32
    %scan3A_105 = arith.constant 0 : i32
    %scan3A_106 = arith.constant 64 : i32
    %scan3A_107 = arith.addi %scan3A_105, %scan3A_106 : i32
    %scan3A_108 = arith.constant 1 : i32
    scf.for %scan3A_114 = %scan3A_105 to %scan3A_107 step %scan3A_108  : i32 {
      %mul3A_115 = arith.constant 16 : i32
      %mul3A_116 = arith.muli %scan3A_114, %mul3A_115 : i32
      %get3A = arith.index_cast %mul3A_116 : i32 to index
      %get3A_117 = tpu.vector_load %arg5[%get3A] {strides = array<i32>} : memref<1024xi32, #tpu.memory_space<vmem>>, vector<16xi32>,
      %add3A_118 = arith.constant 0 : i32
      %add3A_119 = vector.broadcast %add3A_118 : i32 to vector<16xi32>
      %add3A_120 = arith.addi %get3A_117, %add3A_119 : vector<16xi32>
      %gather3A = tpu.vector_load_idx %arg6[%add3A_120] : memref<32768xf32, #tpu.memory_space<vmem>>[vector<16xi32>], vector<16xf32>,
      %mul3A_121 = arith.constant 16 : i32
      %mul3A_122 = arith.muli %scan3A_114, %mul3A_121 : i32
      %swap3A = arith.constant 0 : i32
      %swap3A_123 = arith.index_cast %swap3A : i32 to index
      %swap3A_124 = arith.index_cast %mul3A_122 : i32 to index
      %swap3A_125 = tpu.vector_load %arg7[%swap3A_123, %swap3A_124] {strides = array<i32>} : memref<32x1024xf32, #tpu.memory_space<vmem>>, vector<16xf32>,
      tpu.vector_store %arg7[%swap3A_123, %swap3A_124], %gather3A {strides = array<i32>} : memref<32x1024xf32, #tpu.memory_space<vmem>>, vector<16xf32>,
      %add3A_126 = arith.constant 1024 : i32
      %add3A_127 = vector.broadcast %add3A_126 : i32 to vector<16xi32>
      %add3A_128 = arith.addi %get3A_117, %add3A_127 : vector<16xi32>
      %gather3A_129 = tpu.vector_load_idx %arg6[%add3A_128] : memref<32768xf32, #tpu.memory_space<vmem>>[vector<16xi32>], vector<16xf32>,
      %mul3A_130 = arith.constant 16 : i32
      %mul3A_131 = arith.muli %scan3A_114, %mul3A_130 : i32
      %swap3A_132 = arith.constant 1 : i32
      %swap3A_133 = arith.index_cast %swap3A_132 : i32 to index
      %swap3A_134 = arith.index_cast %mul3A_131 : i32 to index
      %swap3A_135 = tpu.vector_load %arg7[%swap3A_133, %swap3A_134] {strides = array<i32>} : memref<32x1024xf32, #tpu.memory_space<vmem>>, vector<16xf32>,
      tpu.vector_store %arg7[%swap3A_133, %swap3A_134], %gather3A_129 {strides = array<i32>} : memref<32x1024xf32, #tpu.memory_space<vmem>>, vector<16xf32>,
      %add3A_136 = arith.constant 2048 : i32
      %add3A_137 = vector.broadcast %add3A_136 : i32 to vector<16xi32>
      %add3A_138 = arith.addi %get3A_117, %add3A_137 : vector<16xi32>
      %gather3A_139 = tpu.vector_load_idx %arg6[%add3A_138] : memref<32768xf32, #tpu.memory_space<vmem>>[vector<16xi32>], vector<16xf32>,
      %mul3A_140 = arith.constant 16 : i32
      %mul3A_141 = arith.muli %scan3A_114, %mul3A_140 : i32
      %swap3A_142 = arith.constant 2 : i32
      %swap3A_143 = arith.index_cast %swap3A_142 : i32 to index
      %swap3A_144 = arith.index_cast %mul3A_141 : i32 to index
      %swap3A_145 = tpu.vector_load %arg7[%swap3A_143, %swap3A_144] {strides = array<i32>} : memref<32x1024xf32, #tpu.memory_space<vmem>>, vector<16xf32>,
      tpu.vector_store %arg7[%swap3A_143, %swap3A_144], %gather3A_139 {strides = array<i32>} : memref<32x1024xf32, #tpu.memory_space<vmem>>, vector<16xf32>,
      %add3A_146 = arith.constant 3072 : i32
      %add3A_147 = vector.broadcast %add3A_146 : i32 to vector<16xi32>
      %add3A_148 = arith.addi %get3A_117, %add3A_147 : vector<16xi32>
      %gather3A_149 = tpu.vector_load_idx %arg6[%add3A_148] : memref<32768xf32, #tpu.memory_space<vmem>>[vector<16xi32>], vector<16xf32>,
      %mul3A_150 = arith.constant 16 : i32
      %mul3A_151 = arith.muli %scan3A_114, %mul3A_150 : i32
      %swap3A_152 = arith.constant 3 : i32
      %swap3A_153 = arith.index_cast %swap3A_152 : i32 to index
      %swap3A_154 = arith.index_cast %mul3A_151 : i32 to index
      %swap3A_155 = tpu.vector_load %arg7[%swap3A_153, %swap3A_154] {strides = array<i32>} : memref<32x1024xf32, #tpu.memory_space<vmem>>, vector<16xf32>,
      tpu.vector_store %arg7[%swap3A_153, %swap3A_154], %gather3A_149 {strides = array<i32>} : memref<32x1024xf32, #tpu.memory_space<vmem>>, vector<16xf32>,
      %add3A_156 = arith.constant 4096 : i32
      %add3A_157 = vector.broadcast %add3A_156 : i32 to vector<16xi32>
      %add3A_158 = arith.addi %get3A_117, %add3A_157 : vector<16xi32>
      %gather3A_159 = tpu.vector_load_idx %arg6[%add3A_158] : memref<32768xf32, #tpu.memory_space<vmem>>[vector<16xi32>], vector<16xf32>,
      %mul3A_160 = arith.constant 16 : i32
      %mul3A_161 = arith.muli %scan3A_114, %mul3A_160 : i32
      %swap3A_162 = arith.constant 4 : i32
      %swap3A_163 = arith.index_cast %swap3A_162 : i32 to index
      %swap3A_164 = arith.index_cast %mul3A_161 : i32 to index
      %swap3A_165 = tpu.vector_load %arg7[%swap3A_163, %swap3A_164] {strides = array<i32>} : memref<32x1024xf32, #tpu.memory_space<vmem>>, vector<16xf32>,
      tpu.vector_store %arg7[%swap3A_163, %swap3A_164], %gather3A_159 {strides = array<i32>} : memref<32x1024xf32, #tpu.memory_space<vmem>>, vector<16xf32>,
      %add3A_166 = arith.constant 5120 : i32
      %add3A_167 = vector.broadcast %add3A_166 : i32 to vector<16xi32>
      %add3A_168 = arith.addi %get3A_117, %add3A_167 : vector<16xi32>
      %gather3A_169 = tpu.vector_load_idx %arg6[%add3A_168] : memref<32768xf32, #tpu.memory_space<vmem>>[vector<16xi32>], vector<16xf32>,
      %mul3A_170 = arith.constant 16 : i32
      %mul3A_171 = arith.muli %scan3A_114, %mul3A_170 : i32
      %swap3A_172 = arith.constant 5 : i32
      %swap3A_173 = arith.index_cast %swap3A_172 : i32 to index
      %swap3A_174 = arith.index_cast %mul3A_171 : i32 to index
      %swap3A_175 = tpu.vector_load %arg7[%swap3A_173, %swap3A_174] {strides = array<i32>} : memref<32x1024xf32, #tpu.memory_space<vmem>>, vector<16xf32>,
      tpu.vector_store %arg7[%swap3A_173, %swap3A_174], %gather3A_169 {strides = array<i32>} : memref<32x1024xf32, #tpu.memory_space<vmem>>, vector<16xf32>,
      %add3A_176 = arith.constant 6144 : i32
      %add3A_177 = vector.broadcast %add3A_176 : i32 to vector<16xi32>
      %add3A_178 = arith.addi %get3A_117, %add3A_177 : vector<16xi32>
      %gather3A_179 = tpu.vector_load_idx %arg6[%add3A_178] : memref<32768xf32, #tpu.memory_space<vmem>>[vector<16xi32>], vector<16xf32>,
      %mul3A_180 = arith.constant 16 : i32
      %mul3A_181 = arith.muli %scan3A_114, %mul3A_180 : i32
      %swap3A_182 = arith.constant 6 : i32
      %swap3A_183 = arith.index_cast %swap3A_182 : i32 to index
      %swap3A_184 = arith.index_cast %mul3A_181 : i32 to index
      %swap3A_185 = tpu.vector_load %arg7[%swap3A_183, %swap3A_184] {strides = array<i32>} : memref<32x1024xf32, #tpu.memory_space<vmem>>, vector<16xf32>,
      tpu.vector_store %arg7[%swap3A_183, %swap3A_184], %gather3A_179 {strides = array<i32>} : memref<32x1024xf32, #tpu.memory_space<vmem>>, vector<16xf32>,
      %add3A_186 = arith.constant 7168 : i32
      %add3A_187 = vector.broadcast %add3A_186 : i32 to vector<16xi32>
      %add3A_188 = arith.addi %get3A_117, %add3A_187 : vector<16xi32>
      %gather3A_189 = tpu.vector_load_idx %arg6[%add3A_188] : memref<32768xf32, #tpu.memory_space<vmem>>[vector<16xi32>], vector<16xf32>,
      %mul3A_190 = arith.constant 16 : i32
      %mul3A_191 = arith.muli %scan3A_114, %mul3A_190 : i32
      %swap3A_192 = arith.constant 7 : i32
      %swap3A_193 = arith.index_cast %swap3A_192 : i32 to index
      %swap3A_194 = arith.index_cast %mul3A_191 : i32 to index
      %swap3A_195 = tpu.vector_load %arg7[%swap3A_193, %swap3A_194] {strides = array<i32>} : memref<32x1024xf32, #tpu.memory_space<vmem>>, vector<16xf32>,
      tpu.vector_store %arg7[%swap3A_193, %swap3A_194], %gather3A_189 {strides = array<i32>} : memref<32x1024xf32, #tpu.memory_space<vmem>>, vector<16xf32>,
      %add3A_196 = arith.constant 8192 : i32
      %add3A_197 = vector.broadcast %add3A_196 : i32 to vector<16xi32>
      %add3A_198 = arith.addi %get3A_117, %add3A_197 : vector<16xi32>
      %gather3A_199 = tpu.vector_load_idx %arg6[%add3A_198] : memref<32768xf32, #tpu.memory_space<vmem>>[vector<16xi32>], vector<16xf32>,
      %mul3A_200 = arith.constant 16 : i32
      %mul3A_201 = arith.muli %scan3A_114, %mul3A_200 : i32
      %swap3A_202 = arith.constant 8 : i32
      %swap3A_203 = arith.index_cast %swap3A_202 : i32 to index
      %swap3A_204 = arith.index_cast %mul3A_201 : i32 to index
      %swap3A_205 = tpu.vector_load %arg7[%swap3A_203, %swap3A_204] {strides = array<i32>} : memref<32x1024xf32, #tpu.memory_space<vmem>>, vector<16xf32>,
      tpu.vector_store %arg7[%swap3A_203, %swap3A_204], %gather3A_199 {strides = array<i32>} : memref<32x1024xf32, #tpu.memory_space<vmem>>, vector<16xf32>,
      %add3A_206 = arith.constant 9216 : i32
      %add3A_207 = vector.broadcast %add3A_206 : i32 to vector<16xi32>
      %add3A_208 = arith.addi %get3A_117, %add3A_207 : vector<16xi32>
      %gather3A_209 = tpu.vector_load_idx %arg6[%add3A_208] : memref<32768xf32, #tpu.memory_space<vmem>>[vector<16xi32>], vector<16xf32>,
      %mul3A_210 = arith.constant 16 : i32
      %mul3A_211 = arith.muli %scan3A_114, %mul3A_210 : i32
      %swap3A_212 = arith.constant 9 : i32
      %swap3A_213 = arith.index_cast %swap3A_212 : i32 to index
      %swap3A_214 = arith.index_cast %mul3A_211 : i32 to index
      %swap3A_215 = tpu.vector_load %arg7[%swap3A_213, %swap3A_214] {strides = array<i32>} : memref<32x1024xf32, #tpu.memory_space<vmem>>, vector<16xf32>,
      tpu.vector_store %arg7[%swap3A_213, %swap3A_214], %gather3A_209 {strides = array<i32>} : memref<32x1024xf32, #tpu.memory_space<vmem>>, vector<16xf32>,
      %add3A_216 = arith.constant 10240 : i32
      %add3A_217 = vector.broadcast %add3A_216 : i32 to vector<16xi32>
      %add3A_218 = arith.addi %get3A_117, %add3A_217 : vector<16xi32>
      %gather3A_219 = tpu.vector_load_idx %arg6[%add3A_218] : memref<32768xf32, #tpu.memory_space<vmem>>[vector<16xi32>], vector<16xf32>,
      %mul3A_220 = arith.constant 16 : i32
      %mul3A_221 = arith.muli %scan3A_114, %mul3A_220 : i32
      %swap3A_222 = arith.constant 10 : i32
      %swap3A_223 = arith.index_cast %swap3A_222 : i32 to index
      %swap3A_224 = arith.index_cast %mul3A_221 : i32 to index
      %swap3A_225 = tpu.vector_load %arg7[%swap3A_223, %swap3A_224] {strides = array<i32>} : memref<32x1024xf32, #tpu.memory_space<vmem>>, vector<16xf32>,
      tpu.vector_store %arg7[%swap3A_223, %swap3A_224], %gather3A_219 {strides = array<i32>} : memref<32x1024xf32, #tpu.memory_space<vmem>>, vector<16xf32>,
      %add3A_226 = arith.constant 11264 : i32
      %add3A_227 = vector.broadcast %add3A_226 : i32 to vector<16xi32>
      %add3A_228 = arith.addi %get3A_117, %add3A_227 : vector<16xi32>
      %gather3A_229 = tpu.vector_load_idx %arg6[%add3A_228] : memref<32768xf32, #tpu.memory_space<vmem>>[vector<16xi32>], vector<16xf32>,
      %mul3A_230 = arith.constant 16 : i32
      %mul3A_231 = arith.muli %scan3A_114, %mul3A_230 : i32
      %swap3A_232 = arith.constant 11 : i32
      %swap3A_233 = arith.index_cast %swap3A_232 : i32 to index
      %swap3A_234 = arith.index_cast %mul3A_231 : i32 to index
      %swap3A_235 = tpu.vector_load %arg7[%swap3A_233, %swap3A_234] {strides = array<i32>} : memref<32x1024xf32, #tpu.memory_space<vmem>>, vector<16xf32>,
      tpu.vector_store %arg7[%swap3A_233, %swap3A_234], %gather3A_229 {strides = array<i32>} : memref<32x1024xf32, #tpu.memory_space<vmem>>, vector<16xf32>,
      %add3A_236 = arith.constant 12288 : i32
      %add3A_237 = vector.broadcast %add3A_236 : i32 to vector<16xi32>
      %add3A_238 = arith.addi %get3A_117, %add3A_237 : vector<16xi32>
      %gather3A_239 = tpu.vector_load_idx %arg6[%add3A_238] : memref<32768xf32, #tpu.memory_space<vmem>>[vector<16xi32>], vector<16xf32>,
      %mul3A_240 = arith.constant 16 : i32
      %mul3A_241 = arith.muli %scan3A_114, %mul3A_240 : i32
      %swap3A_242 = arith.constant 12 : i32
      %swap3A_243 = arith.index_cast %swap3A_242 : i32 to index
      %swap3A_244 = arith.index_cast %mul3A_241 : i32 to index
      %swap3A_245 = tpu.vector_load %arg7[%swap3A_243, %swap3A_244] {strides = array<i32>} : memref<32x1024xf32, #tpu.memory_space<vmem>>, vector<16xf32>,
      tpu.vector_store %arg7[%swap3A_243, %swap3A_244], %gather3A_239 {strides = array<i32>} : memref<32x1024xf32, #tpu.memory_space<vmem>>, vector<16xf32>,
      %add3A_246 = arith.constant 13312 : i32
      %add3A_247 = vector.broadcast %add3A_246 : i32 to vector<16xi32>
      %add3A_248 = arith.addi %get3A_117, %add3A_247 : vector<16xi32>
      %gather3A_249 = tpu.vector_load_idx %arg6[%add3A_248] : memref<32768xf32, #tpu.memory_space<vmem>>[vector<16xi32>], vector<16xf32>,
      %mul3A_250 = arith.constant 16 : i32
      %mul3A_251 = arith.muli %scan3A_114, %mul3A_250 : i32
      %swap3A_252 = arith.constant 13 : i32
      %swap3A_253 = arith.index_cast %swap3A_252 : i32 to index
      %swap3A_254 = arith.index_cast %mul3A_251 : i32 to index
      %swap3A_255 = tpu.vector_load %arg7[%swap3A_253, %swap3A_254] {strides = array<i32>} : memref<32x1024xf32, #tpu.memory_space<vmem>>, vector<16xf32>,
      tpu.vector_store %arg7[%swap3A_253, %swap3A_254], %gather3A_249 {strides = array<i32>} : memref<32x1024xf32, #tpu.memory_space<vmem>>, vector<16xf32>,
      %add3A_256 = arith.constant 14336 : i32
      %add3A_257 = vector.broadcast %add3A_256 : i32 to vector<16xi32>
      %add3A_258 = arith.addi %get3A_117, %add3A_257 : vector<16xi32>
      %gather3A_259 = tpu.vector_load_idx %arg6[%add3A_258] : memref<32768xf32, #tpu.memory_space<vmem>>[vector<16xi32>], vector<16xf32>,
      %mul3A_260 = arith.constant 16 : i32
      %mul3A_261 = arith.muli %scan3A_114, %mul3A_260 : i32
      %swap3A_262 = arith.constant 14 : i32
      %swap3A_263 = arith.index_cast %swap3A_262 : i32 to index
      %swap3A_264 = arith.index_cast %mul3A_261 : i32 to index
      %swap3A_265 = tpu.vector_load %arg7[%swap3A_263, %swap3A_264] {strides = array<i32>} : memref<32x1024xf32, #tpu.memory_space<vmem>>, vector<16xf32>,
      tpu.vector_store %arg7[%swap3A_263, %swap3A_264], %gather3A_259 {strides = array<i32>} : memref<32x1024xf32, #tpu.memory_space<vmem>>, vector<16xf32>,
      %add3A_266 = arith.constant 15360 : i32
      %add3A_267 = vector.broadcast %add3A_266 : i32 to vector<16xi32>
      %add3A_268 = arith.addi %get3A_117, %add3A_267 : vector<16xi32>
      %gather3A_269 = tpu.vector_load_idx %arg6[%add3A_268] : memref<32768xf32, #tpu.memory_space<vmem>>[vector<16xi32>], vector<16xf32>,
      %mul3A_270 = arith.constant 16 : i32
      %mul3A_271 = arith.muli %scan3A_114, %mul3A_270 : i32
      %swap3A_272 = arith.constant 15 : i32
      %swap3A_273 = arith.index_cast %swap3A_272 : i32 to index
      %swap3A_274 = arith.index_cast %mul3A_271 : i32 to index
      %swap3A_275 = tpu.vector_load %arg7[%swap3A_273, %swap3A_274] {strides = array<i32>} : memref<32x1024xf32, #tpu.memory_space<vmem>>, vector<16xf32>,
      tpu.vector_store %arg7[%swap3A_273, %swap3A_274], %gather3A_269 {strides = array<i32>} : memref<32x1024xf32, #tpu.memory_space<vmem>>, vector<16xf32>,
      %add3A_276 = arith.constant 16384 : i32
      %add3A_277 = vector.broadcast %add3A_276 : i32 to vector<16xi32>
      %add3A_278 = arith.addi %get3A_117, %add3A_277 : vector<16xi32>
      %gather3A_279 = tpu.vector_load_idx %arg6[%add3A_278] : memref<32768xf32, #tpu.memory_space<vmem>>[vector<16xi32>], vector<16xf32>,
      %mul3A_280 = arith.constant 16 : i32
      %mul3A_281 = arith.muli %scan3A_114, %mul3A_280 : i32
      %swap3A_282 = arith.constant 16 : i32
      %swap3A_283 = arith.index_cast %swap3A_282 : i32 to index
      %swap3A_284 = arith.index_cast %mul3A_281 : i32 to index
      %swap3A_285 = tpu.vector_load %arg7[%swap3A_283, %swap3A_284] {strides = array<i32>} : memref<32x1024xf32, #tpu.memory_space<vmem>>, vector<16xf32>,
      tpu.vector_store %arg7[%swap3A_283, %swap3A_284], %gather3A_279 {strides = array<i32>} : memref<32x1024xf32, #tpu.memory_space<vmem>>, vector<16xf32>,
      %add3A_286 = arith.constant 17408 : i32
      %add3A_287 = vector.broadcast %add3A_286 : i32 to vector<16xi32>
      %add3A_288 = arith.addi %get3A_117, %add3A_287 : vector<16xi32>
      %gather3A_289 = tpu.vector_load_idx %arg6[%add3A_288] : memref<32768xf32, #tpu.memory_space<vmem>>[vector<16xi32>], vector<16xf32>,
      %mul3A_290 = arith.constant 16 : i32
      %mul3A_291 = arith.muli %scan3A_114, %mul3A_290 : i32
      %swap3A_292 = arith.constant 17 : i32
      %swap3A_293 = arith.index_cast %swap3A_292 : i32 to index
      %swap3A_294 = arith.index_cast %mul3A_291 : i32 to index
      %swap3A_295 = tpu.vector_load %arg7[%swap3A_293, %swap3A_294] {strides = array<i32>} : memref<32x1024xf32, #tpu.memory_space<vmem>>, vector<16xf32>,
      tpu.vector_store %arg7[%swap3A_293, %swap3A_294], %gather3A_289 {strides = array<i32>} : memref<32x1024xf32, #tpu.memory_space<vmem>>, vector<16xf32>,
      %add3A_296 = arith.constant 18432 : i32
      %add3A_297 = vector.broadcast %add3A_296 : i32 to vector<16xi32>
      %add3A_298 = arith.addi %get3A_117, %add3A_297 : vector<16xi32>
      %gather3A_299 = tpu.vector_load_idx %arg6[%add3A_298] : memref<32768xf32, #tpu.memory_space<vmem>>[vector<16xi32>], vector<16xf32>,
      %mul3A_300 = arith.constant 16 : i32
      %mul3A_301 = arith.muli %scan3A_114, %mul3A_300 : i32
      %swap3A_302 = arith.constant 18 : i32
      %swap3A_303 = arith.index_cast %swap3A_302 : i32 to index
      %swap3A_304 = arith.index_cast %mul3A_301 : i32 to index
      %swap3A_305 = tpu.vector_load %arg7[%swap3A_303, %swap3A_304] {strides = array<i32>} : memref<32x1024xf32, #tpu.memory_space<vmem>>, vector<16xf32>,
      tpu.vector_store %arg7[%swap3A_303, %swap3A_304], %gather3A_299 {strides = array<i32>} : memref<32x1024xf32, #tpu.memory_space<vmem>>, vector<16xf32>,
      %add3A_306 = arith.constant 19456 : i32
      %add3A_307 = vector.broadcast %add3A_306 : i32 to vector<16xi32>
      %add3A_308 = arith.addi %get3A_117, %add3A_307 : vector<16xi32>
      %gather3A_309 = tpu.vector_load_idx %arg6[%add3A_308] : memref<32768xf32, #tpu.memory_space<vmem>>[vector<16xi32>], vector<16xf32>,
      %mul3A_310 = arith.constant 16 : i32
      %mul3A_311 = arith.muli %scan3A_114, %mul3A_310 : i32
      %swap3A_312 = arith.constant 19 : i32
      %swap3A_313 = arith.index_cast %swap3A_312 : i32 to index
      %swap3A_314 = arith.index_cast %mul3A_311 : i32 to index
      %swap3A_315 = tpu.vector_load %arg7[%swap3A_313, %swap3A_314] {strides = array<i32>} : memref<32x1024xf32, #tpu.memory_space<vmem>>, vector<16xf32>,
      tpu.vector_store %arg7[%swap3A_313, %swap3A_314], %gather3A_309 {strides = array<i32>} : memref<32x1024xf32, #tpu.memory_space<vmem>>, vector<16xf32>,
      %add3A_316 = arith.constant 20480 : i32
      %add3A_317 = vector.broadcast %add3A_316 : i32 to vector<16xi32>
      %add3A_318 = arith.addi %get3A_117, %add3A_317 : vector<16xi32>
      %gather3A_319 = tpu.vector_load_idx %arg6[%add3A_318] : memref<32768xf32, #tpu.memory_space<vmem>>[vector<16xi32>], vector<16xf32>,
      %mul3A_320 = arith.constant 16 : i32
      %mul3A_321 = arith.muli %scan3A_114, %mul3A_320 : i32
      %swap3A_322 = arith.constant 20 : i32
      %swap3A_323 = arith.index_cast %swap3A_322 : i32 to index
      %swap3A_324 = arith.index_cast %mul3A_321 : i32 to index
      %swap3A_325 = tpu.vector_load %arg7[%swap3A_323, %swap3A_324] {strides = array<i32>} : memref<32x1024xf32, #tpu.memory_space<vmem>>, vector<16xf32>,
      tpu.vector_store %arg7[%swap3A_323, %swap3A_324], %gather3A_319 {strides = array<i32>} : memref<32x1024xf32, #tpu.memory_space<vmem>>, vector<16xf32>,
      %add3A_326 = arith.constant 21504 : i32
      %add3A_327 = vector.broadcast %add3A_326 : i32 to vector<16xi32>
      %add3A_328 = arith.addi %get3A_117, %add3A_327 : vector<16xi32>
      %gather3A_329 = tpu.vector_load_idx %arg6[%add3A_328] : memref<32768xf32, #tpu.memory_space<vmem>>[vector<16xi32>], vector<16xf32>,
      %mul3A_330 = arith.constant 16 : i32
      %mul3A_331 = arith.muli %scan3A_114, %mul3A_330 : i32
      %swap3A_332 = arith.constant 21 : i32
      %swap3A_333 = arith.index_cast %swap3A_332 : i32 to index
      %swap3A_334 = arith.index_cast %mul3A_331 : i32 to index
      %swap3A_335 = tpu.vector_load %arg7[%swap3A_333, %swap3A_334] {strides = array<i32>} : memref<32x1024xf32, #tpu.memory_space<vmem>>, vector<16xf32>,
      tpu.vector_store %arg7[%swap3A_333, %swap3A_334], %gather3A_329 {strides = array<i32>} : memref<32x1024xf32, #tpu.memory_space<vmem>>, vector<16xf32>,
      %add3A_336 = arith.constant 22528 : i32
      %add3A_337 = vector.broadcast %add3A_336 : i32 to vector<16xi32>
      %add3A_338 = arith.addi %get3A_117, %add3A_337 : vector<16xi32>
      %gather3A_339 = tpu.vector_load_idx %arg6[%add3A_338] : memref<32768xf32, #tpu.memory_space<vmem>>[vector<16xi32>], vector<16xf32>,
      %mul3A_340 = arith.constant 16 : i32
      %mul3A_341 = arith.muli %scan3A_114, %mul3A_340 : i32
      %swap3A_342 = arith.constant 22 : i32
      %swap3A_343 = arith.index_cast %swap3A_342 : i32 to index
      %swap3A_344 = arith.index_cast %mul3A_341 : i32 to index
      %swap3A_345 = tpu.vector_load %arg7[%swap3A_343, %swap3A_344] {strides = array<i32>} : memref<32x1024xf32, #tpu.memory_space<vmem>>, vector<16xf32>,
      tpu.vector_store %arg7[%swap3A_343, %swap3A_344], %gather3A_339 {strides = array<i32>} : memref<32x1024xf32, #tpu.memory_space<vmem>>, vector<16xf32>,
      %add3A_346 = arith.constant 23552 : i32
      %add3A_347 = vector.broadcast %add3A_346 : i32 to vector<16xi32>
      %add3A_348 = arith.addi %get3A_117, %add3A_347 : vector<16xi32>
      %gather3A_349 = tpu.vector_load_idx %arg6[%add3A_348] : memref<32768xf32, #tpu.memory_space<vmem>>[vector<16xi32>], vector<16xf32>,
      %mul3A_350 = arith.constant 16 : i32
      %mul3A_351 = arith.muli %scan3A_114, %mul3A_350 : i32
      %swap3A_352 = arith.constant 23 : i32
      %swap3A_353 = arith.index_cast %swap3A_352 : i32 to index
      %swap3A_354 = arith.index_cast %mul3A_351 : i32 to index
      %swap3A_355 = tpu.vector_load %arg7[%swap3A_353, %swap3A_354] {strides = array<i32>} : memref<32x1024xf32, #tpu.memory_space<vmem>>, vector<16xf32>,
      tpu.vector_store %arg7[%swap3A_353, %swap3A_354], %gather3A_349 {strides = array<i32>} : memref<32x1024xf32, #tpu.memory_space<vmem>>, vector<16xf32>,
      %add3A_356 = arith.constant 24576 : i32
      %add3A_357 = vector.broadcast %add3A_356 : i32 to vector<16xi32>
      %add3A_358 = arith.addi %get3A_117, %add3A_357 : vector<16xi32>
      %gather3A_359 = tpu.vector_load_idx %arg6[%add3A_358] : memref<32768xf32, #tpu.memory_space<vmem>>[vector<16xi32>], vector<16xf32>,
      %mul3A_360 = arith.constant 16 : i32
      %mul3A_361 = arith.muli %scan3A_114, %mul3A_360 : i32
      %swap3A_362 = arith.constant 24 : i32
      %swap3A_363 = arith.index_cast %swap3A_362 : i32 to index
      %swap3A_364 = arith.index_cast %mul3A_361 : i32 to index
      %swap3A_365 = tpu.vector_load %arg7[%swap3A_363, %swap3A_364] {strides = array<i32>} : memref<32x1024xf32, #tpu.memory_space<vmem>>, vector<16xf32>,
      tpu.vector_store %arg7[%swap3A_363, %swap3A_364], %gather3A_359 {strides = array<i32>} : memref<32x1024xf32, #tpu.memory_space<vmem>>, vector<16xf32>,
      %add3A_366 = arith.constant 25600 : i32
      %add3A_367 = vector.broadcast %add3A_366 : i32 to vector<16xi32>
      %add3A_368 = arith.addi %get3A_117, %add3A_367 : vector<16xi32>
      %gather3A_369 = tpu.vector_load_idx %arg6[%add3A_368] : memref<32768xf32, #tpu.memory_space<vmem>>[vector<16xi32>], vector<16xf32>,
      %mul3A_370 = arith.constant 16 : i32
      %mul3A_371 = arith.muli %scan3A_114, %mul3A_370 : i32
      %swap3A_372 = arith.constant 25 : i32
      %swap3A_373 = arith.index_cast %swap3A_372 : i32 to index
      %swap3A_374 = arith.index_cast %mul3A_371 : i32 to index
      %swap3A_375 = tpu.vector_load %arg7[%swap3A_373, %swap3A_374] {strides = array<i32>} : memref<32x1024xf32, #tpu.memory_space<vmem>>, vector<16xf32>,
      tpu.vector_store %arg7[%swap3A_373, %swap3A_374], %gather3A_369 {strides = array<i32>} : memref<32x1024xf32, #tpu.memory_space<vmem>>, vector<16xf32>,
      %add3A_376 = arith.constant 26624 : i32
      %add3A_377 = vector.broadcast %add3A_376 : i32 to vector<16xi32>
      %add3A_378 = arith.addi %get3A_117, %add3A_377 : vector<16xi32>
      %gather3A_379 = tpu.vector_load_idx %arg6[%add3A_378] : memref<32768xf32, #tpu.memory_space<vmem>>[vector<16xi32>], vector<16xf32>,
      %mul3A_380 = arith.constant 16 : i32
      %mul3A_381 = arith.muli %scan3A_114, %mul3A_380 : i32
      %swap3A_382 = arith.constant 26 : i32
      %swap3A_383 = arith.index_cast %swap3A_382 : i32 to index
      %swap3A_384 = arith.index_cast %mul3A_381 : i32 to index
      %swap3A_385 = tpu.vector_load %arg7[%swap3A_383, %swap3A_384] {strides = array<i32>} : memref<32x1024xf32, #tpu.memory_space<vmem>>, vector<16xf32>,
      tpu.vector_store %arg7[%swap3A_383, %swap3A_384], %gather3A_379 {strides = array<i32>} : memref<32x1024xf32, #tpu.memory_space<vmem>>, vector<16xf32>,
      %add3A_386 = arith.constant 27648 : i32
      %add3A_387 = vector.broadcast %add3A_386 : i32 to vector<16xi32>
      %add3A_388 = arith.addi %get3A_117, %add3A_387 : vector<16xi32>
      %gather3A_389 = tpu.vector_load_idx %arg6[%add3A_388] : memref<32768xf32, #tpu.memory_space<vmem>>[vector<16xi32>], vector<16xf32>,
      %mul3A_390 = arith.constant 16 : i32
      %mul3A_391 = arith.muli %scan3A_114, %mul3A_390 : i32
      %swap3A_392 = arith.constant 27 : i32
      %swap3A_393 = arith.index_cast %swap3A_392 : i32 to index
      %swap3A_394 = arith.index_cast %mul3A_391 : i32 to index
      %swap3A_395 = tpu.vector_load %arg7[%swap3A_393, %swap3A_394] {strides = array<i32>} : memref<32x1024xf32, #tpu.memory_space<vmem>>, vector<16xf32>,
      tpu.vector_store %arg7[%swap3A_393, %swap3A_394], %gather3A_389 {strides = array<i32>} : memref<32x1024xf32, #tpu.memory_space<vmem>>, vector<16xf32>,
      %add3A_396 = arith.constant 28672 : i32
      %add3A_397 = vector.broadcast %add3A_396 : i32 to vector<16xi32>
      %add3A_398 = arith.addi %get3A_117, %add3A_397 : vector<16xi32>
      %gather3A_399 = tpu.vector_load_idx %arg6[%add3A_398] : memref<32768xf32, #tpu.memory_space<vmem>>[vector<16xi32>], vector<16xf32>,
      %mul3A_400 = arith.constant 16 : i32
      %mul3A_401 = arith.muli %scan3A_114, %mul3A_400 : i32
      %swap3A_402 = arith.constant 28 : i32
      %swap3A_403 = arith.index_cast %swap3A_402 : i32 to index
      %swap3A_404 = arith.index_cast %mul3A_401 : i32 to index
      %swap3A_405 = tpu.vector_load %arg7[%swap3A_403, %swap3A_404] {strides = array<i32>} : memref<32x1024xf32, #tpu.memory_space<vmem>>, vector<16xf32>,
      tpu.vector_store %arg7[%swap3A_403, %swap3A_404], %gather3A_399 {strides = array<i32>} : memref<32x1024xf32, #tpu.memory_space<vmem>>, vector<16xf32>,
      %add3A_406 = arith.constant 29696 : i32
      %add3A_407 = vector.broadcast %add3A_406 : i32 to vector<16xi32>
      %add3A_408 = arith.addi %get3A_117, %add3A_407 : vector<16xi32>
      %gather3A_409 = tpu.vector_load_idx %arg6[%add3A_408] : memref<32768xf32, #tpu.memory_space<vmem>>[vector<16xi32>], vector<16xf32>,
      %mul3A_410 = arith.constant 16 : i32
      %mul3A_411 = arith.muli %scan3A_114, %mul3A_410 : i32
      %swap3A_412 = arith.constant 29 : i32
      %swap3A_413 = arith.index_cast %swap3A_412 : i32 to index
      %swap3A_414 = arith.index_cast %mul3A_411 : i32 to index
      %swap3A_415 = tpu.vector_load %arg7[%swap3A_413, %swap3A_414] {strides = array<i32>} : memref<32x1024xf32, #tpu.memory_space<vmem>>, vector<16xf32>,
      tpu.vector_store %arg7[%swap3A_413, %swap3A_414], %gather3A_409 {strides = array<i32>} : memref<32x1024xf32, #tpu.memory_space<vmem>>, vector<16xf32>,
      %add3A_416 = arith.constant 30720 : i32
      %add3A_417 = vector.broadcast %add3A_416 : i32 to vector<16xi32>
      %add3A_418 = arith.addi %get3A_117, %add3A_417 : vector<16xi32>
      %gather3A_419 = tpu.vector_load_idx %arg6[%add3A_418] : memref<32768xf32, #tpu.memory_space<vmem>>[vector<16xi32>], vector<16xf32>,
      %mul3A_420 = arith.constant 16 : i32
      %mul3A_421 = arith.muli %scan3A_114, %mul3A_420 : i32
      %swap3A_422 = arith.constant 30 : i32
      %swap3A_423 = arith.index_cast %swap3A_422 : i32 to index
      %swap3A_424 = arith.index_cast %mul3A_421 : i32 to index
      %swap3A_425 = tpu.vector_load %arg7[%swap3A_423, %swap3A_424] {strides = array<i32>} : memref<32x1024xf32, #tpu.memory_space<vmem>>, vector<16xf32>,
      tpu.vector_store %arg7[%swap3A_423, %swap3A_424], %gather3A_419 {strides = array<i32>} : memref<32x1024xf32, #tpu.memory_space<vmem>>, vector<16xf32>,
      %add3A_426 = arith.constant 31744 : i32
      %add3A_427 = vector.broadcast %add3A_426 : i32 to vector<16xi32>
      %add3A_428 = arith.addi %get3A_117, %add3A_427 : vector<16xi32>
      %gather3A_429 = tpu.vector_load_idx %arg6[%add3A_428] : memref<32768xf32, #tpu.memory_space<vmem>>[vector<16xi32>], vector<16xf32>,
      %mul3A_430 = arith.constant 16 : i32
      %mul3A_431 = arith.muli %scan3A_114, %mul3A_430 : i32
      %swap3A_432 = arith.constant 31 : i32
      %swap3A_433 = arith.index_cast %swap3A_432 : i32 to index
      %swap3A_434 = arith.index_cast %mul3A_431 : i32 to index
      %swap3A_435 = tpu.vector_load %arg7[%swap3A_433, %swap3A_434] {strides = array<i32>} : memref<32x1024xf32, #tpu.memory_space<vmem>>, vector<16xf32>,
      tpu.vector_store %arg7[%swap3A_433, %swap3A_434], %gather3A_429 {strides = array<i32>} : memref<32x1024xf32, #tpu.memory_space<vmem>>, vector<16xf32>,
    }
    %scan3A_109 = arith.constant 64 : i32
    %mul3A_110 = arith.constant 256 : i32
    %mul3A_111 = arith.muli %select_n3A, %mul3A_110 : i32
    %add3A_112 = arith.constant 224 : i32
    %add3A_113 = arith.addi %mul3A_111, %add3A_112 : i32
    "tpu.region"() ({
      %run_scoped3A = tpu.sem_alloc : memref<!tpu.dma_semaphore, #tpu.memory_space<semaphore_mem>>
      %dma_start3A = tpu.memref_slice %arg4[%add3A_113, %mul3A_34] : memref<1024x8192xf32, #tpu.memory_space<hbm>> -> memref<32x1024xf32, #tpu.memory_space<hbm>>
      %dma_start3A_114 = tpu.memref_slice %arg4[%add3A_113, %mul3A_34] : memref<1024x8192xf32, #tpu.memory_space<hbm>> -> memref<32x1024xf32, #tpu.memory_space<hbm>>
      tpu.enqueue_dma source(%arg7 : memref<32x1024xf32, #tpu.memory_space<vmem>>) target(%dma_start3A_114 : memref<32x1024xf32, #tpu.memory_space<hbm>>) target_semaphore(%run_scoped3A : memref<!tpu.dma_semaphore, #tpu.memory_space<semaphore_mem>>)
      %dma_wait3A = tpu.memref_slice %arg4[%add3A_113, %mul3A_34] : memref<1024x8192xf32, #tpu.memory_space<hbm>> -> memref<32x1024xf32, #tpu.memory_space<hbm>>
      %dma_wait3A_115 = tpu.memref_slice %arg4[%add3A_113, %mul3A_34] : memref<1024x8192xf32, #tpu.memory_space<hbm>> -> memref<32x1024xf32, #tpu.memory_space<hbm>>
      tpu.wait_dma2 semaphore(%run_scoped3A : memref<!tpu.dma_semaphore, #tpu.memory_space<semaphore_mem>>) src(%arg7 : memref<32x1024xf32, #tpu.memory_space<vmem>>) dst(%dma_wait3A_115 : memref<32x1024xf32, #tpu.memory_space<hbm>>)
      tpu.yield
    }) : () -> ()
    return
  }
}

module attributes {stable_mosaic.version = 14 : i64} {
  func.func @_vq_tile(%arg0: i32, %arg1: i32, %arg2: memref<1x256x512xf32, #tpu.memory_space<vmem>>, %arg3: memref<1024x256xf32, #tpu.memory_space<vmem>>, %arg4: memref<1x1x512xi32, #tpu.memory_space<vmem>>, %arg5: memref<1x1xf32, #tpu.memory_space<vmem>>, %arg6: memref<1024x512xf32, #tpu.memory_space<vmem>>) attributes {dimension_semantics = [#tpu.dimension_semantics<arbitrary>, #tpu.dimension_semantics<arbitrary>], iteration_bounds = array<i64: 4, 16>, scalar_prefetch = 0 : i64, scratch_operands = 1 : i64, tpu.core_type = #tpu.core_type<tc>, window_params = [{transform_indices = @transform_0, window_bounds = array<i64: 1, 256, 512>}, {pipeline_mode = #tpu.pipeline_mode<synchronous>, transform_indices = @transform_1, window_bounds = array<i64: 1024, 256>}, {transform_indices = @transform_2, window_bounds = array<i64: 1, 1, 512>}, {pipeline_mode = #tpu.pipeline_mode<synchronous>, transform_indices = @transform_3, window_bounds = array<i64: 1, 1>}]} {
    %eq3A = arith.constant 0 : i32
    %eq3A_0 = arith.cmpi eq, %arg0, %eq3A : i32
    %eq3A_1 = arith.constant 0 : i32
    %eq3A_2 = arith.cmpi eq, %arg1, %eq3A_1 : i32
    %and3A = arith.andi %eq3A_0, %eq3A_2 : i1
    %convert_element_type3A = arith.extui %and3A : i1 to i32
    %cond3A = arith.constant 0 : i32
    %cond3A_3 = arith.cmpi ne, %convert_element_type3A, %cond3A : i32
    scf.if %cond3A_3 {
      %get3A_129 = arith.constant 0 : index
      %get3A_130 = arith.constant 0 : index
      %get3A_131 = vector.load %arg3[%get3A_129, %get3A_130] : memref<1024x256xf32, #tpu.memory_space<vmem>>, vector<1024x256xf32>
      %mul3A_132 = arith.mulf %get3A_131, %get3A_131 : vector<1024x256xf32>
      %reduce_sum3A_133 = arith.constant dense<0.000000e+00> : vector<1024xf32>
      %reduce_sum3A_134 = vector.multi_reduction <add>, %mul3A_132, %reduce_sum3A_133 [1] : vector<1024x256xf32> to vector<1024xf32>
      %broadcast_in_dim3A_135 = vector.shape_cast %reduce_sum3A_134 : vector<1024xf32> to vector<1024x1xf32>
      %mul3A_136 = arith.constant 2.500000e-01 : f32
      %mul3A_137 = vector.broadcast %mul3A_136 : f32 to vector<1024x1xf32>
      %mul3A_138 = arith.mulf %mul3A_137, %broadcast_in_dim3A_135 : vector<1024x1xf32>
      %broadcast_in_dim3A_139 = vector.shape_cast %mul3A_138 : vector<1024x1xf32> to vector<1024x1xf32>
      %broadcast_in_dim3A_140 = vector.broadcast %broadcast_in_dim3A_139 : vector<1024x1xf32> to vector<1024x512xf32>
      %swap3A_141 = arith.constant 0 : index
      %swap3A_142 = arith.constant 0 : index
      %swap3A_143 = vector.load %arg6[%swap3A_141, %swap3A_142] : memref<1024x512xf32, #tpu.memory_space<vmem>>, vector<1024x512xf32>
      tpu.vector_store %arg6[%swap3A_141, %swap3A_142], %broadcast_in_dim3A_140 {strides = array<i32>} : memref<1024x512xf32, #tpu.memory_space<vmem>>, vector<1024x512xf32>,
      %broadcast_in_dim3A_144 = arith.constant 0.000000e+00 : f32
      %broadcast_in_dim3A_145 = vector.broadcast %broadcast_in_dim3A_144 : f32 to vector<1x1xf32>
      %swap3A_146 = arith.constant 0 : index
      %swap3A_147 = arith.constant 0 : index
      %swap3A_148 = vector.load %arg5[%swap3A_146, %swap3A_147] : memref<1x1xf32, #tpu.memory_space<vmem>>, vector<1x1xf32>
      tpu.vector_store %arg5[%swap3A_146, %swap3A_147], %broadcast_in_dim3A_145 {strides = array<i32>} : memref<1x1xf32, #tpu.memory_space<vmem>>, vector<1x1xf32>,
    } else {
    }
    %get3A = arith.constant 0 : index
    %get3A_4 = arith.constant 0 : index
    %get3A_5 = arith.constant 0 : index
    %get3A_6 = vector.load %arg2[%get3A, %get3A_4, %get3A_5] : memref<1x256x512xf32, #tpu.memory_space<vmem>>, vector<1x256x512xf32>
    %get3A_7 = vector.shape_cast %get3A_6 : vector<1x256x512xf32> to vector<256x512xf32>
    %mul3A = arith.mulf %get3A_7, %get3A_7 : vector<256x512xf32>
    %reduce_sum3A = arith.constant dense<0.000000e+00> : vector<512xf32>
    %reduce_sum3A_8 = vector.multi_reduction <add>, %mul3A, %reduce_sum3A [0] : vector<256x512xf32> to vector<512xf32>
    %broadcast_in_dim3A = vector.shape_cast %reduce_sum3A_8 : vector<512xf32> to vector<1x512xf32>
    %get3A_9 = arith.constant 0 : index
    %get3A_10 = arith.constant 0 : index
    %get3A_11 = vector.load %arg3[%get3A_9, %get3A_10] : memref<1024x256xf32, #tpu.memory_space<vmem>>, vector<256x256xf32>
    %dot_general3A = arith.constant dense<0.000000e+00> : vector<256x512xf32>
    %dot_general3A_12 = tpu.matmul %get3A_11, %get3A_7, %dot_general3A {dimension_numbers = #tpu.dot_dimension_numbers<[1], [0], [0], [1], [0, 0, 1, 1], [], []>, transpose_lhs_hint = false} : vector<256x256xf32>, vector<256x512xf32>, vector<256x512xf32> -> vector<256x512xf32>
    %get3A_13 = arith.constant 0 : index
    %get3A_14 = arith.constant 0 : index
    %get3A_15 = vector.load %arg6[%get3A_13, %get3A_14] : memref<1024x512xf32, #tpu.memory_space<vmem>>, vector<256x512xf32>
    %add3A = vector.broadcast %broadcast_in_dim3A : vector<1x512xf32> to vector<256x512xf32>
    %add3A_16 = arith.addf %get3A_15, %add3A : vector<256x512xf32>
    %add3A_17 = arith.addf %add3A_16, %dot_general3A_12 : vector<256x512xf32>
    %reduce_min3A = arith.constant dense<0x7F800000> : vector<512xf32>
    %reduce_min3A_18 = vector.multi_reduction <minimumf>, %add3A_17, %reduce_min3A [0] : vector<256x512xf32> to vector<512xf32>
    %broadcast_in_dim3A_19 = vector.shape_cast %reduce_min3A_18 : vector<512xf32> to vector<1x512xf32>
    %iota3A = tpu.iota {dimensions = array<i32: 0>} : vector<256x512xi32>
    %add3A_20 = arith.constant 0 : i32
    %add3A_21 = vector.broadcast %add3A_20 : i32 to vector<256x512xi32>
    %add3A_22 = arith.addi %iota3A, %add3A_21 : vector<256x512xi32>
    %eq3A_23 = vector.broadcast %broadcast_in_dim3A_19 : vector<1x512xf32> to vector<256x512xf32>
    %eq3A_24 = arith.cmpf oeq, %add3A_17, %eq3A_23 : vector<256x512xf32>
    %jit3A = arith.constant 1024 : i32
    %broadcast_in_dim3A_25 = vector.broadcast %jit3A : i32 to vector<256x512xi32>
    %select_n3A = arith.select %eq3A_24, %add3A_22, %broadcast_in_dim3A_25 : vector<256x512xi1>, vector<256x512xi32>
    %reduce_min3A_26 = arith.constant dense<2147483647> : vector<512xi32>
    %reduce_min3A_27 = vector.multi_reduction <minsi>, %select_n3A, %reduce_min3A_26 [0] : vector<256x512xi32> to vector<512xi32>
    %broadcast_in_dim3A_28 = vector.shape_cast %reduce_min3A_27 : vector<512xi32> to vector<1x512xi32>
    %get3A_29 = arith.constant 256 : index
    %get3A_30 = arith.constant 0 : index
    %get3A_31 = vector.load %arg3[%get3A_29, %get3A_30] : memref<1024x256xf32, #tpu.memory_space<vmem>>, vector<256x256xf32>
    %dot_general3A_32 = arith.constant dense<0.000000e+00> : vector<256x512xf32>
    %dot_general3A_33 = tpu.matmul %get3A_31, %get3A_7, %dot_general3A_32 {dimension_numbers = #tpu.dot_dimension_numbers<[1], [0], [0], [1], [0, 0, 1, 1], [], []>, transpose_lhs_hint = false} : vector<256x256xf32>, vector<256x512xf32>, vector<256x512xf32> -> vector<256x512xf32>
    %get3A_34 = arith.constant 256 : index
    %get3A_35 = arith.constant 0 : index
    %get3A_36 = vector.load %arg6[%get3A_34, %get3A_35] : memref<1024x512xf32, #tpu.memory_space<vmem>>, vector<256x512xf32>
    %add3A_37 = vector.broadcast %broadcast_in_dim3A : vector<1x512xf32> to vector<256x512xf32>
    %add3A_38 = arith.addf %get3A_36, %add3A_37 : vector<256x512xf32>
    %add3A_39 = arith.addf %add3A_38, %dot_general3A_33 : vector<256x512xf32>
    %reduce_min3A_40 = arith.constant dense<0x7F800000> : vector<512xf32>
    %reduce_min3A_41 = vector.multi_reduction <minimumf>, %add3A_39, %reduce_min3A_40 [0] : vector<256x512xf32> to vector<512xf32>
    %broadcast_in_dim3A_42 = vector.shape_cast %reduce_min3A_41 : vector<512xf32> to vector<1x512xf32>
    %iota3A_43 = tpu.iota {dimensions = array<i32: 0>} : vector<256x512xi32>
    %add3A_44 = arith.constant 256 : i32
    %add3A_45 = vector.broadcast %add3A_44 : i32 to vector<256x512xi32>
    %add3A_46 = arith.addi %iota3A_43, %add3A_45 : vector<256x512xi32>
    %eq3A_47 = vector.broadcast %broadcast_in_dim3A_42 : vector<1x512xf32> to vector<256x512xf32>
    %eq3A_48 = arith.cmpf oeq, %add3A_39, %eq3A_47 : vector<256x512xf32>
    %jit3A_49 = arith.constant 1024 : i32
    %broadcast_in_dim3A_50 = vector.broadcast %jit3A_49 : i32 to vector<256x512xi32>
    %select_n3A_51 = arith.select %eq3A_48, %add3A_46, %broadcast_in_dim3A_50 : vector<256x512xi1>, vector<256x512xi32>
    %reduce_min3A_52 = arith.constant dense<2147483647> : vector<512xi32>
    %reduce_min3A_53 = vector.multi_reduction <minsi>, %select_n3A_51, %reduce_min3A_52 [0] : vector<256x512xi32> to vector<512xi32>
    %broadcast_in_dim3A_54 = vector.shape_cast %reduce_min3A_53 : vector<512xi32> to vector<1x512xi32>
    %lt3A = arith.cmpf olt, %broadcast_in_dim3A_42, %broadcast_in_dim3A_19 : vector<1x512xf32>
    %select_n3A_55 = arith.select %lt3A, %broadcast_in_dim3A_54, %broadcast_in_dim3A_28 : vector<1x512xi1>, vector<1x512xi32>
    %min3A = arith.minimumf %broadcast_in_dim3A_19, %broadcast_in_dim3A_42 : vector<1x512xf32>
    %get3A_56 = arith.constant 512 : index
    %get3A_57 = arith.constant 0 : index
    %get3A_58 = vector.load %arg3[%get3A_56, %get3A_57] : memref<1024x256xf32, #tpu.memory_space<vmem>>, vector<256x256xf32>
    %dot_general3A_59 = arith.constant dense<0.000000e+00> : vector<256x512xf32>
    %dot_general3A_60 = tpu.matmul %get3A_58, %get3A_7, %dot_general3A_59 {dimension_numbers = #tpu.dot_dimension_numbers<[1], [0], [0], [1], [0, 0, 1, 1], [], []>, transpose_lhs_hint = false} : vector<256x256xf32>, vector<256x512xf32>, vector<256x512xf32> -> vector<256x512xf32>
    %get3A_61 = arith.constant 512 : index
    %get3A_62 = arith.constant 0 : index
    %get3A_63 = vector.load %arg6[%get3A_61, %get3A_62] : memref<1024x512xf32, #tpu.memory_space<vmem>>, vector<256x512xf32>
    %add3A_64 = vector.broadcast %broadcast_in_dim3A : vector<1x512xf32> to vector<256x512xf32>
    %add3A_65 = arith.addf %get3A_63, %add3A_64 : vector<256x512xf32>
    %add3A_66 = arith.addf %add3A_65, %dot_general3A_60 : vector<256x512xf32>
    %reduce_min3A_67 = arith.constant dense<0x7F800000> : vector<512xf32>
    %reduce_min3A_68 = vector.multi_reduction <minimumf>, %add3A_66, %reduce_min3A_67 [0] : vector<256x512xf32> to vector<512xf32>
    %broadcast_in_dim3A_69 = vector.shape_cast %reduce_min3A_68 : vector<512xf32> to vector<1x512xf32>
    %iota3A_70 = tpu.iota {dimensions = array<i32: 0>} : vector<256x512xi32>
    %add3A_71 = arith.constant 512 : i32
    %add3A_72 = vector.broadcast %add3A_71 : i32 to vector<256x512xi32>
    %add3A_73 = arith.addi %iota3A_70, %add3A_72 : vector<256x512xi32>
    %eq3A_74 = vector.broadcast %broadcast_in_dim3A_69 : vector<1x512xf32> to vector<256x512xf32>
    %eq3A_75 = arith.cmpf oeq, %add3A_66, %eq3A_74 : vector<256x512xf32>
    %jit3A_76 = arith.constant 1024 : i32
    %broadcast_in_dim3A_77 = vector.broadcast %jit3A_76 : i32 to vector<256x512xi32>
    %select_n3A_78 = arith.select %eq3A_75, %add3A_73, %broadcast_in_dim3A_77 : vector<256x512xi1>, vector<256x512xi32>
    %reduce_min3A_79 = arith.constant dense<2147483647> : vector<512xi32>
    %reduce_min3A_80 = vector.multi_reduction <minsi>, %select_n3A_78, %reduce_min3A_79 [0] : vector<256x512xi32> to vector<512xi32>
    %broadcast_in_dim3A_81 = vector.shape_cast %reduce_min3A_80 : vector<512xi32> to vector<1x512xi32>
    %lt3A_82 = arith.cmpf olt, %broadcast_in_dim3A_69, %min3A : vector<1x512xf32>
    %select_n3A_83 = arith.select %lt3A_82, %broadcast_in_dim3A_81, %select_n3A_55 : vector<1x512xi1>, vector<1x512xi32>
    %min3A_84 = arith.minimumf %min3A, %broadcast_in_dim3A_69 : vector<1x512xf32>
    %get3A_85 = arith.constant 768 : index
    %get3A_86 = arith.constant 0 : index
    %get3A_87 = vector.load %arg3[%get3A_85, %get3A_86] : memref<1024x256xf32, #tpu.memory_space<vmem>>, vector<256x256xf32>
    %dot_general3A_88 = arith.constant dense<0.000000e+00> : vector<256x512xf32>
    %dot_general3A_89 = tpu.matmul %get3A_87, %get3A_7, %dot_general3A_88 {dimension_numbers = #tpu.dot_dimension_numbers<[1], [0], [0], [1], [0, 0, 1, 1], [], []>, transpose_lhs_hint = false} : vector<256x256xf32>, vector<256x512xf32>, vector<256x512xf32> -> vector<256x512xf32>
    %get3A_90 = arith.constant 768 : index
    %get3A_91 = arith.constant 0 : index
    %get3A_92 = vector.load %arg6[%get3A_90, %get3A_91] : memref<1024x512xf32, #tpu.memory_space<vmem>>, vector<256x512xf32>
    %add3A_93 = vector.broadcast %broadcast_in_dim3A : vector<1x512xf32> to vector<256x512xf32>
    %add3A_94 = arith.addf %get3A_92, %add3A_93 : vector<256x512xf32>
    %add3A_95 = arith.addf %add3A_94, %dot_general3A_89 : vector<256x512xf32>
    %reduce_min3A_96 = arith.constant dense<0x7F800000> : vector<512xf32>
    %reduce_min3A_97 = vector.multi_reduction <minimumf>, %add3A_95, %reduce_min3A_96 [0] : vector<256x512xf32> to vector<512xf32>
    %broadcast_in_dim3A_98 = vector.shape_cast %reduce_min3A_97 : vector<512xf32> to vector<1x512xf32>
    %iota3A_99 = tpu.iota {dimensions = array<i32: 0>} : vector<256x512xi32>
    %add3A_100 = arith.constant 768 : i32
    %add3A_101 = vector.broadcast %add3A_100 : i32 to vector<256x512xi32>
    %add3A_102 = arith.addi %iota3A_99, %add3A_101 : vector<256x512xi32>
    %eq3A_103 = vector.broadcast %broadcast_in_dim3A_98 : vector<1x512xf32> to vector<256x512xf32>
    %eq3A_104 = arith.cmpf oeq, %add3A_95, %eq3A_103 : vector<256x512xf32>
    %jit3A_105 = arith.constant 1024 : i32
    %broadcast_in_dim3A_106 = vector.broadcast %jit3A_105 : i32 to vector<256x512xi32>
    %select_n3A_107 = arith.select %eq3A_104, %add3A_102, %broadcast_in_dim3A_106 : vector<256x512xi1>, vector<256x512xi32>
    %reduce_min3A_108 = arith.constant dense<2147483647> : vector<512xi32>
    %reduce_min3A_109 = vector.multi_reduction <minsi>, %select_n3A_107, %reduce_min3A_108 [0] : vector<256x512xi32> to vector<512xi32>
    %broadcast_in_dim3A_110 = vector.shape_cast %reduce_min3A_109 : vector<512xi32> to vector<1x512xi32>
    %lt3A_111 = arith.cmpf olt, %broadcast_in_dim3A_98, %min3A_84 : vector<1x512xf32>
    %select_n3A_112 = arith.select %lt3A_111, %broadcast_in_dim3A_110, %select_n3A_83 : vector<1x512xi1>, vector<1x512xi32>
    %min3A_113 = arith.minimumf %min3A_84, %broadcast_in_dim3A_98 : vector<1x512xf32>
    %swap3A = arith.constant 0 : index
    %swap3A_114 = arith.constant 0 : index
    %swap3A_115 = arith.constant 0 : index
    %swap3A_116 = vector.load %arg4[%swap3A, %swap3A_114, %swap3A_115] : memref<1x1x512xi32, #tpu.memory_space<vmem>>, vector<1x1x512xi32>
    %swap3A_117 = vector.shape_cast %swap3A_116 : vector<1x1x512xi32> to vector<1x512xi32>
    %swap3A_118 = vector.shape_cast %select_n3A_112 : vector<1x512xi32> to vector<1x1x512xi32>
    tpu.vector_store %arg4[%swap3A, %swap3A_114, %swap3A_115], %swap3A_118 {strides = array<i32>} : memref<1x1x512xi32, #tpu.memory_space<vmem>>, vector<1x1x512xi32>,
    %get3A_119 = arith.constant 0 : index
    %get3A_120 = arith.constant 0 : index
    %get3A_121 = vector.load %arg5[%get3A_119, %get3A_120] : memref<1x1xf32, #tpu.memory_space<vmem>>, vector<1x1xf32>
    %reduce_sum3A_122 = arith.constant dense<0.000000e+00> : vector<1xf32>
    %reduce_sum3A_123 = vector.multi_reduction <add>, %min3A_113, %reduce_sum3A_122 [1] : vector<1x512xf32> to vector<1xf32>
    %broadcast_in_dim3A_124 = vector.shape_cast %reduce_sum3A_123 : vector<1xf32> to vector<1x1xf32>
    %add3A_125 = arith.addf %get3A_121, %broadcast_in_dim3A_124 : vector<1x1xf32>
    %swap3A_126 = arith.constant 0 : index
    %swap3A_127 = arith.constant 0 : index
    %swap3A_128 = vector.load %arg5[%swap3A_126, %swap3A_127] : memref<1x1xf32, #tpu.memory_space<vmem>>, vector<1x1xf32>
    tpu.vector_store %arg5[%swap3A_126, %swap3A_127], %add3A_125 {strides = array<i32>} : memref<1x1xf32, #tpu.memory_space<vmem>>, vector<1x1xf32>,
    return
  }
  func.func @transform_0(%arg0: i32, %arg1: i32) -> (i32, i32, i32) {
    %c0_i32 = arith.constant 0 : i32
    %c0_i32_0 = arith.constant 0 : i32
    return %arg0, %c0_i32, %arg1 : i32, i32, i32
  }
  func.func @transform_1(%arg0: i32, %arg1: i32) -> (i32, i32) {
    %c0_i32 = arith.constant 0 : i32
    %c0_i32_0 = arith.constant 0 : i32
    %c0_i32_1 = arith.constant 0 : i32
    return %c0_i32, %c0_i32_0 : i32, i32
  }
  func.func @transform_2(%arg0: i32, %arg1: i32) -> (i32, i32, i32) {
    %c0_i32 = arith.constant 0 : i32
    %c0_i32_0 = arith.constant 0 : i32
    return %arg0, %c0_i32, %arg1 : i32, i32, i32
  }
  func.func @transform_3(%arg0: i32, %arg1: i32) -> (i32, i32) {
    %c0_i32 = arith.constant 0 : i32
    %c0_i32_0 = arith.constant 0 : i32
    %c0_i32_1 = arith.constant 0 : i32
    return %c0_i32, %c0_i32_0 : i32, i32
  }
}

</mosaic_0001>

<sc_bundles>
// kernel: kernel.4.cloned.1.call-start
scs
__scs_entry_jumppad:
0x0: {  	(pc) =	sbr.rel $0x88, $3  }
0x1: {  	(tag) =	ssettag $0x0;
	lr =	simm.s32 $0x1  }
0x2: {  	[smem:$0x3F9F] =	sst lr;
	_ =	strace $0xD0000000  }
0x3: {  	_ = 	snop  }
0x4: {  	_ = 	snop  }
0x5: {  	_ = 	snop  }
0x6: {  	_ = 	snop  }
0x7: {  	_ = 	snop  }
__scs_overlays_trampoline_lowered:
0x8: {  	[smem:$0x3FAE] =	sst s0  }
0x9: {  	[smem:$0x3FAF] =	sst s1  }
0xa: {  	[smem:$0x3FB0] =	sst s2  }
0xb: {  	[smem:$0x3FB1] =	sst s3  }
0xc: {  	[smem:$0x3FB2] =	sst s4  }
0xd: {  	[smem:$0x3FB3] =	sst s5  }
0xe: {  	[smem:$0x3FB4] =	sst s6  }
0xf: {  	[smem:$0x3FB5] =	sst s7  }
0x10: {  	[smem:$0x3FB6] =	sst s8  }
0x11: {  	[smem:$0x3FB7] =	sst s9;
	s0 =	simm.s32 @!p0 $0x0  }
0x12: {  	s1 =	sld [smem:$0x3F9D];
	s0 =	simm.s32 @p0 $0x1  }
0x13: {  	[smem:$0x3FB8] =	sst s0;
	s0 =	simm.s32 @!p1 $0x0  }
0x14: {  	s2 =	sld [smem:$0x3F9C];
	s0 =	simm.s32 @p1 $0x1  }
0x15: {  	[smem:$0x3FB9] =	sst s0;
	s0 =	simm.s32 @!p2 $0x0  }
0x16: {  	s3 =	sld [smem:$0x3FDB];
	s0 =	simm.s32 @p2 $0x1  }
0x17: {  	s4 =	simm.s32 $0x1BF5;
	[smem:$0x3FBB] =	sst s0  }
0x18: {  	s0 =	sld [smem:$0x3F9E];
	_ =	swait.ge [sflag:s4], $0x0  }
0x19: {  	s7 =	sld [smem:$0x3F9F]  }
0x1a: {  	s8 =	sadd.s32 $0xFFFFE003, lr  }
0x1b: {  	s9 =	sadd.s32 $0xFFFFFEF7, lr;
	s5 =	simm.s32 $0xFFFFFFFF;
	p2 =	slt.u32 s8, $0xFFFFF086  }
0x1c: {  	p1 =	slt.u32 s9, $0xF7A;
	s5 =	simm.s32 @!p2 $0x0  }
0x1d: {  	s5 =	simm.s32 @p1 $0x1;
	p0 =	seq.s32 s7, s2  }
0x1e: {  	s7 =	smul.u32 @!p0 $0xF7A, s2;
	p2 =	seq.s32 @!p0 s5, $0x0  }
0x1f: {  	s9 =	smul.u32 $0xF7A, s1;
	s8 =	simm.s32 @!p0 $0x1BF5;
	p2 =	por !p2, p0  }
0x20: {  	[sflag:s8] =	ssyncset.s32 @!p0 $0xFFFFF086;
	s6 =	sadd.s32 @!p0 s3, s7;
	s7 =	simm.s32 @!p0 $0x108  }
0x21: {  	s3 =	sadd.s32 s3, s9;
	s6 =	sadd.s32 @!p0 $0x88, s6;
	s7 =	simm.s32 @p2 $0x1082  }
0x22: {  	[simem:s7], [sflag:s8] =	dma.local @!p0 [hbm:s6], $0xF7A  }
0x23: {  	s9 =	sor.u32 $0xD0000000, s2;
	s6 =	simm.s32 $0x108;
	_ =	swait.ge @!p0 [sflag:s8], $0x0  }
0x24: {  	s3 =	sadd.s32 $0x88, s3;
	s6 =	simm.s32 @!p1 $0x1082;
	[sflag:s4] =	ssyncset.s32 $0xFFFFF086  }
0x25: {  	[simem:s6], [sflag:s4] =	dma.local [hbm:s3], $0xF7A  }
0x26: {  	[smem:$0x3F9F] =	sst s1;
	(tag) =	ssettag s2;
	_ =	strace s9  }
0x27: {  	s1 =	sld [smem:$0x3FAF]  }
0x28: {  	s2 =	sld [smem:$0x3FB0]  }
0x29: {  	s4 =	sld [smem:$0x3FB2]  }
0x2a: {  	p0 =	seq.s32 s5, $0x0;
	s5 =	sld [smem:$0x3FB3]  }
0x2b: {  	s6 =	sld [smem:$0x3FB4]  }
0x2c: {  	s7 =	sld [smem:$0x3FB5]  }
0x2d: {  	s3 =	simm.s32 $0x108;
	s8 =	sld [smem:$0x3FB6]  }
0x2e: {  	s3 =	simm.s32 @!p0 $0x1082;
	s9 =	sld [smem:$0x3FB7]  }
0x2f: {  	lr =	sadd.s32 s0, s3;
	s0 =	sld [smem:$0x3FAE]  }
0x30: {  	s3 =	sld [smem:$0x3FB1]  }
0x31: {  	[smem:$0x3FBA] =	sst s10  }
0x32: {  	s10 =	sld [smem:$0x3FB8];
	_ =	sdelay $0x3  }
0x33: {  	p0 =	seq.s32 s10, $0x1;
	s10 =	sld [smem:$0x3FBA];
	_ =	sdelay $0x3  }
0x34: {  	[smem:$0x3FBA] =	sst s10  }
0x35: {  	s10 =	sld [smem:$0x3FB9];
	_ =	sdelay $0x3  }
0x36: {  	p1 =	seq.s32 s10, $0x1;
	s10 =	sld [smem:$0x3FBA];
	_ =	sdelay $0x3  }
0x37: {  	[smem:$0x3FBA] =	sst s10  }
0x38: {  	s10 =	sld [smem:$0x3FBB]  }
0x39: {  	_ = 	snop;
	(pc) =	sbr.ind lr, $3  }
0x3a: {  	_ = 	snop  }
0x3b: {  	_ = 	snop  }
0x3c: {  	p2 =	seq.s32 s10, $0x1;
	s10 =	sld [smem:$0x3FBA]  }
0x3d: {  	_ =	shalt  }
0x3e: {  	_ =	shalt  }
0x3f: {  	_ =	shalt  }
0x40: {  	_ =	shalt  }
0x41: {  	_ =	shalt  }
0x42: {  	_ =	shalt  }
0x43: {  	_ =	shalt  }
0x44: {  	_ =	shalt  }
0x45: {  	_ =	shalt  }
0x46: {  	_ =	shalt  }
0x47: {  	_ =	shalt  }
0x48: {  	_ =	shalt  }
0x49: {  	_ =	shalt  }
0x4a: {  	_ =	shalt  }
0x4b: {  	_ =	shalt  }
0x4c: {  	_ =	shalt  }
0x4d: {  	_ =	shalt  }
0x4e: {  	_ =	shalt  }
0x4f: {  	_ =	shalt  }
0x50: {  	_ =	shalt  }
0x51: {  	_ =	shalt  }
0x52: {  	_ =	shalt  }
0x53: {  	_ =	shalt  }
0x54: {  	_ =	shalt  }
0x55: {  	_ =	shalt  }
0x56: {  	_ =	shalt  }
0x57: {  	_ =	shalt  }
0x58: {  	_ =	shalt  }
0x59: {  	_ =	shalt  }
0x5a: {  	_ =	shalt  }
0x5b: {  	_ =	shalt  }
0x5c: {  	_ =	shalt  }
0x5d: {  	_ =	shalt  }
0x5e: {  	_ =	shalt  }
0x5f: {  	_ =	shalt  }
0x60: {  	_ =	shalt  }
0x61: {  	_ =	shalt  }
0x62: {  	_ =	shalt  }
0x63: {  	_ =	shalt  }
0x64: {  	_ =	shalt  }
0x65: {  	_ =	shalt  }
0x66: {  	_ =	shalt  }
0x67: {  	_ =	shalt  }
0x68: {  	_ =	shalt  }
0x69: {  	_ =	shalt  }
0x6a: {  	_ =	shalt  }
0x6b: {  	_ =	shalt  }
0x6c: {  	_ =	shalt  }
0x6d: {  	_ =	shalt  }
0x6e: {  	_ =	shalt  }
0x6f: {  	_ =	shalt  }
0x70: {  	_ =	shalt  }
0x71: {  	_ =	shalt  }
0x72: {  	_ =	shalt  }
0x73: {  	_ =	shalt  }
0x74: {  	_ =	shalt  }
0x75: {  	_ =	shalt  }
0x76: {  	_ =	shalt  }
0x77: {  	_ =	shalt  }
0x78: {  	_ =	shalt  }
0x79: {  	_ =	shalt  }
0x7a: {  	_ =	shalt  }
0x7b: {  	_ =	shalt  }
0x7c: {  	_ =	shalt  }
0x7d: {  	_ =	shalt  }
0x7e: {  	_ =	shalt  }
0x7f: {  	_ =	shalt  }
0x80: {  	_ =	shalt  }
0x81: {  	_ =	shalt  }
0x82: {  	_ =	shalt  }
0x83: {  	_ =	shalt  }
0x84: {  	_ =	shalt  }
0x85: {  	_ =	shalt  }
0x86: {  	_ =	shalt  }
0x87: {  	_ =	shalt  }
.Lfunc_end0:
.L_simem_size_0:
called_computation.2_lowered:
.L_overlay_start_0:
0x88: {  	s2 =	sld [smem:$0x3FD9]  }
0x89: {  	s3 =	sld [smem:$0x3FFE];
	_ =	sdelay $0x1  }
0x8a: {  	s1 =	srdreg.scid  }
0x8b: {  	s0 =	sand.u32 $0x1, s1  }
0x8c: {  	s14 =	sshll.u32 s0, $0xA;
	s2 =	sadd.s32 s3, s2  }
0x8d: {  	s2 =	sadd.s32 s2, s14  }
0x8e: {  	[smem:$0x3FC6] =	sst s2  }
0x8f: {  	_ = 	snop  }
0x90: {  	s2 =	sld [smem:$0x3FD0];
	_ =	sdelay $0x2  }
0x91: {  	s15 =	simm.s32 $0xA;
	s4 =	simm.s32 $0x10  }
0x92: {  	[smem:s4], [sflag:s15] =	dma.local [hbm:s2], $0x1  }
0x93: {  	_ =	swait.eq [sflag:s15], $0x1  }
0x94: {  	[sflag:s15] =	ssyncset.done $0x0  }
0x95: {  	[sflag:s15] =	ssyncadd.s32 $0xFFFFFFFF  }
0x96: {  	s16 =	sld [smem:$0x12];
	(tm) =	ssettm $0x1  }
0x97: {  	s17 =	sld [smem:$0x3FFB];
	_ =	sdelay $0x3  }
0x98: {  	_ =	strace s17  }
0x99: {  	s3 =	sld [smem:$0x3FFC];
	_ =	sdelay $0x3  }
0x9a: {  	_ =	strace s3  }
0x9b: {  	s3 =	sld [smem:$0x3FFD];
	_ =	sdelay $0x3  }
0x9c: {  	_ =	strace s3  }
0x9d: {  	_ =	strace $0x8FFFFFFF  }
0x9e: {  	s18 =	sld [smem:$0x3FDB];
	_ =	sdelay $0x1  }
0x9f: {  	s19 =	simm.s32 $_scs_section_size  }
0xa0: {  	s5 =	simm.s32 $_size__tile_overlayer_lowered;
	s6 =	simm.s32 $_tile_overlayer_lowered  }
0xa1: {  	s22 =	simm.s32 $0x1BFF;
	s21 =	sshll.u32 s6, $0x1;
	s3 =	sadd.s32 s19, s18  }
0xa2: {  	s7 =	simm.s32 $0x0;
	s20 =	sshll.u32 s5, $0x1;
	s5 =	sadd.s32 s21, s3  }
0xa3: {  	[timem:s7], [sflag:s22] =	dma.local [hbm:s5], s20  }
0xa4: {  	_ =	swait.ge [sflag:s22], s20  }
0xa5: {  	s4 =	ssub.s32 $0x0, s20;
	[sflag:s22] =	ssyncset.done $0x0  }
0xa6: {  	[sflag:s22] =	ssyncadd.s32 s4;
	_ =	sdelay $0x1  }
0xa7: {  	s23 =	simm.s32 $0x1B8B  }
0xa8: {  	_ =	swait.ge [sflag:s23], $0x1  }
0xa9: {  	[sflag:s23] =	ssyncset.done $0x0  }
0xaa: {  	s25 =	simm.s32 $0x1B8E;
	s24 =	sld [smem:$0x3FFE];
	[sflag:s23] =	ssyncadd.s32 $0xFFFFFFFF  }
0xab: {  	s26 =	simm.s32 $execute0_lowered;
	[smem:$0x3FD2] =	sst s25  }
0xac: {  	s5 =	sshll.u32 s26, $0x1;
	_ =	strace $0x80000046;
	[dreg:$0x1] =	wrdreg $0xFFFFFFFF  }
0xad: {  	s28 =	simm.s32 $_size_execute0_lowered;
	s3 =	sadd.s32 s3, s5;
	[dreg:$0x0] =	wrdreg $0x0  }
0xae: {  	s5 =	sshll.u32 s28, $0x1;
	[dreg:$0x2] =	wrdreg s3  }
0xaf: {  	[dreg:$0x3] =	wrdreg s5  }
0xb0: {  	[dreg:$0x4] =	wrdreg $0xC0  }
0xb1: {  	_ =	task [dreg:s7], $0x5FFFF  }
0xb2: {  	[dreg:$0x1] =	wrdreg $0xFFFFFFFF  }
0xb3: {  	[dreg:$0x0] =	wrdreg $0x60  }
0xb4: {  	[dreg:$0x2] =	wrdreg s24  }
0xb5: {  	[dreg:$0x3] =	wrdreg s16  }
0xb6: {  	[dreg:$0x4] =	wrdreg $0x9  }
0xb7: {  	_ =	task.clear_ibuf [dreg:s7], $0x5FFFF;
	_ =	strace $0x90000046  }
0xb8: {  	s29 =	simm.s32 $0x9;
	_ =	strace $0x80000048  }
0xb9: {  	_ =	swait.ge [sflag:s29], $0x1  }
0xba: {  	[sflag:s29] =	ssyncadd.s32 $0xFFFFFFFF  }
0xbb: {  	_ =	strace $0x90000048  }
0xbc: {  	_ =	sfence  }
0xbd: {  	s30 =	sld [smem:$0x0];
	_ =	sdelay $0x2  }
0xbe: {  	s31 =	sshll.u32 s1, $0xD;
	s1 =	sshrl.u32 s1, $0x2  }
0xbf: {  	s3 =	sand.u32 $0x4000, s31;
	s1 =	sadd.s32 s1, s30  }
0xc0: {  	s0 =	sor.u32 s3, s0;
	s1 =	sshll.u32 s1, $0x11  }
0xc1: {  	s0 =	sor.u32 s1, s0  }
0xc2: {  	s0 =	sadd.s32 $0x8F2B, s0  }
0xc3: {  	[sflag:s0] =	ssyncadd.remote.s32 $0x1  }
0xc4: {  	_ =	sfence.sel $0xFFFF  }
0xc5: {  	[dreg:$0x0] =	wrdreg $0xFFFFFFFF;
	(pc) =	sbr.abs _section_cstart, $3  }
0xc6: {  	[dreg:$0x1] =	wrdreg $0xFFFFFFFF  }
0xc7: {  	_ =	task.clear_ibuf [dreg:s7], $0x2FFFF;
	_ =	strace $0x9FFFFFFF  }
0xc8: {  	(tm) =	ssettm $0x7FFFFFFF  }
0xc9: {  	_ =	shalt  }
tec
execute0_lowered:
.L_overlay_start_1:
0x0: {  	(tag) =	ssettag $0x1  }
0x1: {  	s18 =	rddreg [dreg:$0x0]  }
0x2: {  	s4 =	rddreg [dreg:$0x1];
	s2 =	srdreg.scid  }
0x3: {  	s0 =	rddreg [dreg:$0x2];
	s1 =	stileid.u32;
	s21 =	simm.s32 $0x1  }
0x4: {  	s22 =	simm.s32 $0x400;
	s23 =	simm.s32 $0x2000;
	s24 =	simm.s32 $0x8400  }
0x5: {  	s25 =	simm.s32 $0x0;
	s3 =	sand.u32 $0x1, s2;
	s2 =	simm.s32 $0x0  }
0x6: {  	s5 =	sshll.u32 s1, $0x8;
	s31 =	sshll.u32 s1, $0x10;
	s10 =	sadd.s32 $0x4000, s18  }
0x7: {  	s12 =	sadd.s32 $0x5000, s18;
	s14 =	sadd.s32 $0x6000, s18;
	s16 =	sadd.s32 $0x7000, s18  }
0x8: {  	s6 =	sshll.u32 s3, $0x7;
	[smem:$0x7FF] =	sst s2;
	s7 =	ssub.s32 $0x2, s3  }
0x9: {  	s3 =	sadd.s32 $0x1000, s18;
	s5 =	sor.u32 s6, s5;
	s8 =	sshrl.u32 s7, $0x1  }
0xa: {  	_ =	strace $0x80000047;
	s6 =	sor.u32 s31, s5;
	s20 =	ssub.s32 s7, s8  }
0xb: {  	s4 =	sadd.s32 s4, s5;
	s8 =	sadd.s32 $0x3000, s18;
	s6 =	sand.u32 $0xC0380, s6  }
0xc: {  	s20 =	smax.u32 s20, $0x1;
	s19 =	sadd.s32 s6, s18;
	s6 =	sadd.s32 $0x2000, s18  }
0xd: {  	s18 =	sadd.s32 $0x8000, s18;
	s5 =	sadd.s32 $0x9000, s19;
	s7 =	sadd.s32 $0x11000, s19  }
0xe: {  	s9 =	sadd.s32 $0x19000, s19;
	s11 =	sadd.s32 $0x21000, s19;
	s13 =	sadd.s32 $0x29000, s19  }
0xf: {  	s15 =	sadd.s32 $0x31000, s19;
	s17 =	sadd.s32 $0x39000, s19;
	s19 =	sadd.s32 $0x41000, s19  }
.LBB2_1:
0x10: {  	[tilespmem:s2], [sflag:$0x1] =	stream.linear.gather [hbm4b:s4+s2], $0x400, $0x38;
	[tilespmem:$0x10400] =	vst v63  }
0x11: {  	_ =	swait.ge [sflag:s21], $0x400  }
0x12: {  	[sflag:s21] =	ssyncset.done $0x0  }
0x13: {  	[sflag:s21] =	ssyncadd.s32 $0xFFFFFC00  }
0x14: {  	[tilespmem:s22], [sflag:$0x1] =	stream.linear.gather [hbm4b:s3+s2], $0x8000, $0x38;
	[tilespmem:$0x10400] =	vst v63  }
0x15: {  	_ =	swait.ge [sflag:s21], $0x8000  }
0x16: {  	[sflag:s21] =	ssyncset.done $0x0  }
0x17: {  	s26 =	simm.s32 $0x0;
	[sflag:s21] =	ssyncadd.s32 $0xFFFF8000  }
0x18: {  	v0 =	vld [tilespmem:s26+$0x0];
	_ =	sdelay $0x7  }
0x19: {  	v1 =	vld.idx.msk [tilespmem:v0+s22+$0x0], $0xffff  }
0x1a: {  	v2 =	vadd.s32 $0x400, v0;
	_ =	sdelay $0x3  }
0x1b: {  	[tilespmem:s26+$0x8400] =	vst v1  }
0x1c: {  	v1 =	vld.idx.msk [tilespmem:v2+s22+$0x0], $0xffff  }
0x1d: {  	v2 =	vadd.s32 $0x800, v0;
	_ =	sdelay $0x3  }
0x1e: {  	[tilespmem:s26+$0x8800] =	vst v1  }
0x1f: {  	v1 =	vld.idx.msk [tilespmem:v2+s22+$0x0], $0xffff  }
0x20: {  	v2 =	vadd.s32 $0xC00, v0;
	_ =	sdelay $0x3  }
0x21: {  	[tilespmem:s26+$0x8C00] =	vst v1  }
0x22: {  	v1 =	vld.idx.msk [tilespmem:v2+s22+$0x0], $0xffff  }
0x23: {  	v2 =	vadd.s32 $0x1000, v0;
	_ =	sdelay $0x3  }
0x24: {  	[tilespmem:s26+$0x9000] =	vst v1  }
0x25: {  	v1 =	vld.idx.msk [tilespmem:v2+s22+$0x0], $0xffff  }
0x26: {  	v2 =	vadd.s32 $0x1400, v0;
	_ =	sdelay $0x3  }
0x27: {  	[tilespmem:s26+$0x9400] =	vst v1  }
0x28: {  	v1 =	vld.idx.msk [tilespmem:v2+s22+$0x0], $0xffff  }
0x29: {  	v2 =	vadd.s32 $0x1800, v0;
	_ =	sdelay $0x3  }
0x2a: {  	[tilespmem:s26+$0x9800] =	vst v1  }
0x2b: {  	v1 =	vld.idx.msk [tilespmem:v2+s22+$0x0], $0xffff  }
0x2c: {  	v2 =	vadd.s32 $0x1C00, v0;
	_ =	sdelay $0x3  }
0x2d: {  	[tilespmem:s26+$0x9C00] =	vst v1  }
0x2e: {  	v1 =	vld.idx.msk [tilespmem:v2+s22+$0x0], $0xffff  }
0x2f: {  	v2 =	vadd.s32 $0x2000, v0;
	_ =	sdelay $0x3  }
0x30: {  	[tilespmem:s26+$0xA000] =	vst v1  }
0x31: {  	v1 =	vld.idx.msk [tilespmem:v2+s22+$0x0], $0xffff  }
0x32: {  	v2 =	vadd.s32 $0x2400, v0;
	_ =	sdelay $0x3  }
0x33: {  	[tilespmem:s26+$0xA400] =	vst v1  }
0x34: {  	v1 =	vld.idx.msk [tilespmem:v2+s22+$0x0], $0xffff  }
0x35: {  	v2 =	vadd.s32 $0x2800, v0;
	_ =	sdelay $0x3  }
0x36: {  	[tilespmem:s26+$0xA800] =	vst v1  }
0x37: {  	v1 =	vld.idx.msk [tilespmem:v2+s22+$0x0], $0xffff  }
0x38: {  	v2 =	vadd.s32 $0x2C00, v0;
	_ =	sdelay $0x3  }
0x39: {  	[tilespmem:s26+$0xAC00] =	vst v1  }
0x3a: {  	v1 =	vld.idx.msk [tilespmem:v2+s22+$0x0], $0xffff  }
0x3b: {  	v2 =	vadd.s32 $0x3000, v0;
	_ =	sdelay $0x3  }
0x3c: {  	[tilespmem:s26+$0xB000] =	vst v1  }
0x3d: {  	v1 =	vld.idx.msk [tilespmem:v2+s22+$0x0], $0xffff  }
0x3e: {  	v2 =	vadd.s32 $0x3400, v0;
	_ =	sdelay $0x3  }
0x3f: {  	[tilespmem:s26+$0xB400] =	vst v1  }
0x40: {  	v1 =	vld.idx.msk [tilespmem:v2+s22+$0x0], $0xffff  }
0x41: {  	v2 =	vadd.s32 $0x3800, v0;
	_ =	sdelay $0x3  }
0x42: {  	[tilespmem:s26+$0xB800] =	vst v1  }
0x43: {  	v1 =	vld.idx.msk [tilespmem:v2+s22+$0x0], $0xffff  }
0x44: {  	v2 =	vadd.s32 $0x3C00, v0;
	_ =	sdelay $0x3  }
0x45: {  	[tilespmem:s26+$0xBC00] =	vst v1  }
0x46: {  	v1 =	vld.idx.msk [tilespmem:v2+s22+$0x0], $0xffff  }
0x47: {  	v2 =	vadd.s32 $0x4000, v0;
	_ =	sdelay $0x3  }
0x48: {  	[tilespmem:s26+$0xC000] =	vst v1  }
0x49: {  	v1 =	vld.idx.msk [tilespmem:v2+s22+$0x0], $0xffff  }
0x4a: {  	v2 =	vadd.s32 $0x4400, v0;
	_ =	sdelay $0x3  }
0x4b: {  	[tilespmem:s26+$0xC400] =	vst v1  }
0x4c: {  	v1 =	vld.idx.msk [tilespmem:v2+s22+$0x0], $0xffff  }
0x4d: {  	v2 =	vadd.s32 $0x4800, v0;
	_ =	sdelay $0x3  }
0x4e: {  	[tilespmem:s26+$0xC800] =	vst v1  }
0x4f: {  	v1 =	vld.idx.msk [tilespmem:v2+s22+$0x0], $0xffff  }
0x50: {  	v2 =	vadd.s32 $0x4C00, v0;
	_ =	sdelay $0x3  }
0x51: {  	[tilespmem:s26+$0xCC00] =	vst v1  }
0x52: {  	v1 =	vld.idx.msk [tilespmem:v2+s22+$0x0], $0xffff  }
0x53: {  	v2 =	vadd.s32 $0x5000, v0;
	_ =	sdelay $0x3  }
0x54: {  	[tilespmem:s26+$0xD000] =	vst v1  }
0x55: {  	v1 =	vld.idx.msk [tilespmem:v2+s22+$0x0], $0xffff  }
0x56: {  	v2 =	vadd.s32 $0x5400, v0;
	_ =	sdelay $0x3  }
0x57: {  	[tilespmem:s26+$0xD400] =	vst v1  }
0x58: {  	v1 =	vld.idx.msk [tilespmem:v2+s22+$0x0], $0xffff  }
0x59: {  	v2 =	vadd.s32 $0x5800, v0;
	_ =	sdelay $0x3  }
0x5a: {  	[tilespmem:s26+$0xD800] =	vst v1  }
0x5b: {  	v1 =	vld.idx.msk [tilespmem:v2+s22+$0x0], $0xffff  }
0x5c: {  	v2 =	vadd.s32 $0x5C00, v0;
	_ =	sdelay $0x3  }
0x5d: {  	[tilespmem:s26+$0xDC00] =	vst v1  }
0x5e: {  	v1 =	vld.idx.msk [tilespmem:v2+s22+$0x0], $0xffff  }
0x5f: {  	v2 =	vadd.s32 $0x6000, v0;
	_ =	sdelay $0x3  }
0x60: {  	[tilespmem:s26+$0xE000] =	vst v1  }
0x61: {  	v1 =	vld.idx.msk [tilespmem:v2+s22+$0x0], $0xffff  }
0x62: {  	v2 =	vadd.s32 $0x6400, v0;
	_ =	sdelay $0x3  }
0x63: {  	[tilespmem:s26+$0xE400] =	vst v1  }
0x64: {  	v1 =	vld.idx.msk [tilespmem:v2+s22+$0x0], $0xffff  }
0x65: {  	v2 =	vadd.s32 $0x6800, v0;
	_ =	sdelay $0x3  }
0x66: {  	[tilespmem:s26+$0xE800] =	vst v1  }
0x67: {  	v1 =	vld.idx.msk [tilespmem:v2+s22+$0x0], $0xffff  }
0x68: {  	v2 =	vadd.s32 $0x6C00, v0;
	_ =	sdelay $0x3  }
0x69: {  	[tilespmem:s26+$0xEC00] =	vst v1  }
0x6a: {  	v1 =	vld.idx.msk [tilespmem:v2+s22+$0x0], $0xffff  }
0x6b: {  	v2 =	vadd.s32 $0x7000, v0;
	_ =	sdelay $0x3  }
0x6c: {  	[tilespmem:s26+$0xF000] =	vst v1  }
0x6d: {  	v1 =	vld.idx.msk [tilespmem:v2+s22+$0x0], $0xffff  }
0x6e: {  	v2 =	vadd.s32 $0x7400, v0;
	_ =	sdelay $0x3  }
0x6f: {  	[tilespmem:s26+$0xF400] =	vst v1  }
0x70: {  	v1 =	vld.idx.msk [tilespmem:v2+s22+$0x0], $0xffff  }
0x71: {  	v2 =	vadd.s32 $0x7800, v0;
	_ =	sdelay $0x3  }
0x72: {  	[tilespmem:s26+$0xF800] =	vst v1  }
0x73: {  	v1 =	vld.idx.msk [tilespmem:v2+s22+$0x0], $0xffff  }
0x74: {  	v2 =	vadd.s32 $0x7C00, v0;
	_ =	sdelay $0x2  }
0x75: {  	s29 =	simm.s32 $0x10;
	s28 =	simm.s32 $0x80  }
.LBB2_2:
0x76: {  	p0 =	sne.s32 s28, $0xFC0;
	v0 =	vld [tilespmem:s29+$0x0];
	[tilespmem:s26+$0xFC00] =	vst v1  }
0x77: {  	v1 =	vld.idx.msk [tilespmem:v2+s22+$0x0], $0xffff;
	_ =	sdelay $0x5  }
0x78: {  	[tilespmem:s26+$0x10000] =	vst v1;
	s26 =	smov.u32 s29  }
0x79: {  	v1 =	vld.idx.msk [tilespmem:v0+s22+$0x0], $0xffff;
	_ =	sdelay $0x1  }
0x7a: {  	v2 =	vadd.s32 $0x400, v0;
	_ =	sdelay $0x3  }
0x7b: {  	[tilespmem:s26+$0x8400] =	vst v1  }
0x7c: {  	v1 =	vld.idx.msk [tilespmem:v2+s22+$0x0], $0xffff;
	_ =	sdelay $0x1  }
0x7d: {  	v2 =	vadd.s32 $0x800, v0;
	_ =	sdelay $0x3  }
0x7e: {  	[tilespmem:s26+$0x8800] =	vst v1  }
0x7f: {  	v1 =	vld.idx.msk [tilespmem:v2+s22+$0x0], $0xffff;
	_ =	sdelay $0x1  }
0x80: {  	v2 =	vadd.s32 $0xC00, v0;
	_ =	sdelay $0x3  }
0x81: {  	[tilespmem:s26+$0x8C00] =	vst v1  }
0x82: {  	v1 =	vld.idx.msk [tilespmem:v2+s22+$0x0], $0xffff;
	_ =	sdelay $0x1  }
0x83: {  	v2 =	vadd.s32 $0x1000, v0;
	_ =	sdelay $0x3  }
0x84: {  	[tilespmem:s26+$0x9000] =	vst v1  }
0x85: {  	v1 =	vld.idx.msk [tilespmem:v2+s22+$0x0], $0xffff;
	_ =	sdelay $0x1  }
0x86: {  	v2 =	vadd.s32 $0x1400, v0;
	_ =	sdelay $0x3  }
0x87: {  	[tilespmem:s26+$0x9400] =	vst v1  }
0x88: {  	v1 =	vld.idx.msk [tilespmem:v2+s22+$0x0], $0xffff;
	_ =	sdelay $0x1  }
0x89: {  	v2 =	vadd.s32 $0x1800, v0;
	_ =	sdelay $0x3  }
0x8a: {  	[tilespmem:s26+$0x9800] =	vst v1  }
0x8b: {  	v1 =	vld.idx.msk [tilespmem:v2+s22+$0x0], $0xffff;
	_ =	sdelay $0x1  }
0x8c: {  	v2 =	vadd.s32 $0x1C00, v0;
	_ =	sdelay $0x3  }
0x8d: {  	[tilespmem:s26+$0x9C00] =	vst v1  }
0x8e: {  	v1 =	vld.idx.msk [tilespmem:v2+s22+$0x0], $0xffff;
	_ =	sdelay $0x1  }
0x8f: {  	v2 =	vadd.s32 $0x2000, v0;
	_ =	sdelay $0x3  }
0x90: {  	[tilespmem:s26+$0xA000] =	vst v1  }
0x91: {  	v1 =	vld.idx.msk [tilespmem:v2+s22+$0x0], $0xffff;
	_ =	sdelay $0x1  }
0x92: {  	v2 =	vadd.s32 $0x2400, v0;
	_ =	sdelay $0x3  }
0x93: {  	[tilespmem:s26+$0xA400] =	vst v1  }
0x94: {  	v1 =	vld.idx.msk [tilespmem:v2+s22+$0x0], $0xffff;
	_ =	sdelay $0x1  }
0x95: {  	v2 =	vadd.s32 $0x2800, v0;
	_ =	sdelay $0x3  }
0x96: {  	[tilespmem:s26+$0xA800] =	vst v1  }
0x97: {  	v1 =	vld.idx.msk [tilespmem:v2+s22+$0x0], $0xffff;
	_ =	sdelay $0x1  }
0x98: {  	v2 =	vadd.s32 $0x2C00, v0;
	_ =	sdelay $0x3  }
0x99: {  	[tilespmem:s26+$0xAC00] =	vst v1  }
0x9a: {  	v1 =	vld.idx.msk [tilespmem:v2+s22+$0x0], $0xffff;
	_ =	sdelay $0x1  }
0x9b: {  	v2 =	vadd.s32 $0x3000, v0;
	_ =	sdelay $0x3  }
0x9c: {  	[tilespmem:s26+$0xB000] =	vst v1  }
0x9d: {  	v1 =	vld.idx.msk [tilespmem:v2+s22+$0x0], $0xffff;
	_ =	sdelay $0x1  }
0x9e: {  	v2 =	vadd.s32 $0x3400, v0;
	_ =	sdelay $0x3  }
0x9f: {  	[tilespmem:s26+$0xB400] =	vst v1  }
0xa0: {  	v1 =	vld.idx.msk [tilespmem:v2+s22+$0x0], $0xffff;
	_ =	sdelay $0x1  }
0xa1: {  	v2 =	vadd.s32 $0x3800, v0;
	_ =	sdelay $0x3  }
0xa2: {  	[tilespmem:s26+$0xB800] =	vst v1  }
0xa3: {  	v1 =	vld.idx.msk [tilespmem:v2+s22+$0x0], $0xffff;
	_ =	sdelay $0x1  }
0xa4: {  	v2 =	vadd.s32 $0x3C00, v0;
	_ =	sdelay $0x3  }
0xa5: {  	[tilespmem:s26+$0xBC00] =	vst v1  }
0xa6: {  	v1 =	vld.idx.msk [tilespmem:v2+s22+$0x0], $0xffff;
	_ =	sdelay $0x1  }
0xa7: {  	v2 =	vadd.s32 $0x4000, v0;
	_ =	sdelay $0x3  }
0xa8: {  	[tilespmem:s26+$0xC000] =	vst v1  }
0xa9: {  	v1 =	vld.idx.msk [tilespmem:v2+s22+$0x0], $0xffff;
	_ =	sdelay $0x1  }
0xaa: {  	v2 =	vadd.s32 $0x4400, v0;
	_ =	sdelay $0x3  }
0xab: {  	[tilespmem:s26+$0xC400] =	vst v1  }
0xac: {  	v1 =	vld.idx.msk [tilespmem:v2+s22+$0x0], $0xffff;
	_ =	sdelay $0x1  }
0xad: {  	v2 =	vadd.s32 $0x4800, v0;
	_ =	sdelay $0x3  }
0xae: {  	[tilespmem:s26+$0xC800] =	vst v1  }
0xaf: {  	v1 =	vld.idx.msk [tilespmem:v2+s22+$0x0], $0xffff;
	_ =	sdelay $0x1  }
0xb0: {  	v2 =	vadd.s32 $0x4C00, v0;
	_ =	sdelay $0x3  }
0xb1: {  	[tilespmem:s26+$0xCC00] =	vst v1  }
0xb2: {  	v1 =	vld.idx.msk [tilespmem:v2+s22+$0x0], $0xffff;
	_ =	sdelay $0x1  }
0xb3: {  	v2 =	vadd.s32 $0x5000, v0;
	_ =	sdelay $0x3  }
0xb4: {  	[tilespmem:s26+$0xD000] =	vst v1  }
0xb5: {  	v1 =	vld.idx.msk [tilespmem:v2+s22+$0x0], $0xffff;
	_ =	sdelay $0x1  }
0xb6: {  	v2 =	vadd.s32 $0x5400, v0;
	_ =	sdelay $0x3  }
0xb7: {  	[tilespmem:s26+$0xD400] =	vst v1  }
0xb8: {  	v1 =	vld.idx.msk [tilespmem:v2+s22+$0x0], $0xffff;
	_ =	sdelay $0x1  }
0xb9: {  	v2 =	vadd.s32 $0x5800, v0;
	_ =	sdelay $0x3  }
0xba: {  	[tilespmem:s26+$0xD800] =	vst v1  }
0xbb: {  	v1 =	vld.idx.msk [tilespmem:v2+s22+$0x0], $0xffff;
	_ =	sdelay $0x1  }
0xbc: {  	v2 =	vadd.s32 $0x5C00, v0;
	_ =	sdelay $0x3  }
0xbd: {  	[tilespmem:s26+$0xDC00] =	vst v1  }
0xbe: {  	v1 =	vld.idx.msk [tilespmem:v2+s22+$0x0], $0xffff;
	_ =	sdelay $0x1  }
0xbf: {  	v2 =	vadd.s32 $0x6000, v0;
	_ =	sdelay $0x3  }
0xc0: {  	[tilespmem:s26+$0xE000] =	vst v1  }
0xc1: {  	v1 =	vld.idx.msk [tilespmem:v2+s22+$0x0], $0xffff;
	_ =	sdelay $0x1  }
0xc2: {  	v2 =	vadd.s32 $0x6400, v0;
	_ =	sdelay $0x3  }
0xc3: {  	[tilespmem:s26+$0xE400] =	vst v1  }
0xc4: {  	v1 =	vld.idx.msk [tilespmem:v2+s22+$0x0], $0xffff;
	_ =	sdelay $0x1  }
0xc5: {  	v2 =	vadd.s32 $0x6800, v0;
	_ =	sdelay $0x3  }
0xc6: {  	[tilespmem:s26+$0xE800] =	vst v1  }
0xc7: {  	v1 =	vld.idx.msk [tilespmem:v2+s22+$0x0], $0xffff;
	_ =	sdelay $0x1  }
0xc8: {  	v2 =	vadd.s32 $0x6C00, v0;
	_ =	sdelay $0x3  }
0xc9: {  	[tilespmem:s26+$0xEC00] =	vst v1  }
0xca: {  	v1 =	vld.idx.msk [tilespmem:v2+s22+$0x0], $0xffff;
	_ =	sdelay $0x1  }
0xcb: {  	v2 =	vadd.s32 $0x7000, v0;
	_ =	sdelay $0x3  }
0xcc: {  	[tilespmem:s26+$0xF000] =	vst v1  }
0xcd: {  	v1 =	vld.idx.msk [tilespmem:v2+s22+$0x0], $0xffff;
	_ =	sdelay $0x1  }
0xce: {  	v2 =	vadd.s32 $0x7400, v0;
	_ =	sdelay $0x3  }
0xcf: {  	[tilespmem:s26+$0xF400] =	vst v1  }
0xd0: {  	v1 =	vld.idx.msk [tilespmem:v2+s22+$0x0], $0xffff;
	_ =	sdelay $0x1  }
0xd1: {  	v2 =	vadd.s32 $0x7800, v0;
	_ =	sdelay $0x3  }
0xd2: {  	[tilespmem:s26+$0xF800] =	vst v1  }
0xd3: {  	v1 =	vld.idx.msk [tilespmem:v2+s22+$0x0], $0xffff  }
.Ltmp0:
0xd4: {  	(pc) =	sbr.rel @p0 .LBB2_2-.Ltmp0, $2  }
0xd5: {  	v2 =	vadd.s32 $0x7C00, v0;
	_ =	sdelay $0x2  }
0xd6: {  	s29 =	sshra.s32 s28, $0x2;
	s28 =	sadd.s32 $0x40, s28  }
0xd7: {  	_ =	sdelay $0x1  }
0xd8: {  	v0 =	vld [tilespmem:s29+$0x0]  }
0xd9: {  	[tilespmem:s26+$0xFC00] =	vst v1  }
0xda: {  	v1 =	vld.idx.msk [tilespmem:v2+s22+$0x0], $0xffff;
	_ =	sdelay $0x4  }
0xdb: {  	[tilespmem:s26+$0x10000] =	vst v1  }
0xdc: {  	v1 =	vld.idx.msk [tilespmem:v0+s22+$0x0], $0xffff  }
0xdd: {  	v2 =	vadd.s32 $0x400, v0;
	_ =	sdelay $0x3  }
0xde: {  	[tilespmem:s29+$0x8400] =	vst v1  }
0xdf: {  	v1 =	vld.idx.msk [tilespmem:v2+s22+$0x0], $0xffff  }
0xe0: {  	v2 =	vadd.s32 $0x800, v0;
	_ =	sdelay $0x3  }
0xe1: {  	[tilespmem:s29+$0x8800] =	vst v1  }
0xe2: {  	v1 =	vld.idx.msk [tilespmem:v2+s22+$0x0], $0xffff  }
0xe3: {  	v2 =	vadd.s32 $0xC00, v0;
	_ =	sdelay $0x3  }
0xe4: {  	[tilespmem:s29+$0x8C00] =	vst v1  }
0xe5: {  	v1 =	vld.idx.msk [tilespmem:v2+s22+$0x0], $0xffff  }
0xe6: {  	v2 =	vadd.s32 $0x1000, v0;
	_ =	sdelay $0x3  }
0xe7: {  	[tilespmem:s29+$0x9000] =	vst v1  }
0xe8: {  	v1 =	vld.idx.msk [tilespmem:v2+s22+$0x0], $0xffff  }
0xe9: {  	v2 =	vadd.s32 $0x1400, v0;
	_ =	sdelay $0x3  }
0xea: {  	[tilespmem:s29+$0x9400] =	vst v1  }
0xeb: {  	v1 =	vld.idx.msk [tilespmem:v2+s22+$0x0], $0xffff  }
0xec: {  	v2 =	vadd.s32 $0x1800, v0;
	_ =	sdelay $0x3  }
0xed: {  	[tilespmem:s29+$0x9800] =	vst v1  }
0xee: {  	v1 =	vld.idx.msk [tilespmem:v2+s22+$0x0], $0xffff  }
0xef: {  	v2 =	vadd.s32 $0x1C00, v0;
	_ =	sdelay $0x3  }
0xf0: {  	[tilespmem:s29+$0x9C00] =	vst v1  }
0xf1: {  	v1 =	vld.idx.msk [tilespmem:v2+s22+$0x0], $0xffff  }
0xf2: {  	v2 =	vadd.s32 $0x2000, v0;
	_ =	sdelay $0x3  }
0xf3: {  	[tilespmem:s29+$0xA000] =	vst v1  }
0xf4: {  	v1 =	vld.idx.msk [tilespmem:v2+s22+$0x0], $0xffff  }
0xf5: {  	v2 =	vadd.s32 $0x2400, v0;
	_ =	sdelay $0x3  }
0xf6: {  	[tilespmem:s29+$0xA400] =	vst v1  }
0xf7: {  	v1 =	vld.idx.msk [tilespmem:v2+s22+$0x0], $0xffff  }
0xf8: {  	v2 =	vadd.s32 $0x2800, v0;
	_ =	sdelay $0x3  }
0xf9: {  	[tilespmem:s29+$0xA800] =	vst v1  }
0xfa: {  	v1 =	vld.idx.msk [tilespmem:v2+s22+$0x0], $0xffff  }
0xfb: {  	v2 =	vadd.s32 $0x2C00, v0;
	_ =	sdelay $0x3  }
0xfc: {  	[tilespmem:s29+$0xAC00] =	vst v1  }
0xfd: {  	v1 =	vld.idx.msk [tilespmem:v2+s22+$0x0], $0xffff  }
0xfe: {  	v2 =	vadd.s32 $0x3000, v0;
	_ =	sdelay $0x3  }
0xff: {  	[tilespmem:s29+$0xB000] =	vst v1  }
0x100: {  	v1 =	vld.idx.msk [tilespmem:v2+s22+$0x0], $0xffff  }
0x101: {  	v2 =	vadd.s32 $0x3400, v0;
	_ =	sdelay $0x3  }
0x102: {  	[tilespmem:s29+$0xB400] =	vst v1  }
0x103: {  	v1 =	vld.idx.msk [tilespmem:v2+s22+$0x0], $0xffff  }
0x104: {  	v2 =	vadd.s32 $0x3800, v0;
	_ =	sdelay $0x3  }
0x105: {  	[tilespmem:s29+$0xB800] =	vst v1  }
0x106: {  	v1 =	vld.idx.msk [tilespmem:v2+s22+$0x0], $0xffff  }
0x107: {  	v2 =	vadd.s32 $0x3C00, v0;
	_ =	sdelay $0x3  }
0x108: {  	[tilespmem:s29+$0xBC00] =	vst v1  }
0x109: {  	v1 =	vld.idx.msk [tilespmem:v2+s22+$0x0], $0xffff  }
0x10a: {  	v2 =	vadd.s32 $0x4000, v0;
	_ =	sdelay $0x3  }
0x10b: {  	[tilespmem:s29+$0xC000] =	vst v1  }
0x10c: {  	v1 =	vld.idx.msk [tilespmem:v2+s22+$0x0], $0xffff  }
0x10d: {  	v2 =	vadd.s32 $0x4400, v0;
	_ =	sdelay $0x3  }
0x10e: {  	[tilespmem:s29+$0xC400] =	vst v1  }
0x10f: {  	v1 =	vld.idx.msk [tilespmem:v2+s22+$0x0], $0xffff  }
0x110: {  	v2 =	vadd.s32 $0x4800, v0;
	_ =	sdelay $0x3  }
0x111: {  	[tilespmem:s29+$0xC800] =	vst v1  }
0x112: {  	v1 =	vld.idx.msk [tilespmem:v2+s22+$0x0], $0xffff  }
0x113: {  	v2 =	vadd.s32 $0x4C00, v0;
	_ =	sdelay $0x3  }
0x114: {  	[tilespmem:s29+$0xCC00] =	vst v1  }
0x115: {  	v1 =	vld.idx.msk [tilespmem:v2+s22+$0x0], $0xffff  }
0x116: {  	v2 =	vadd.s32 $0x5000, v0;
	_ =	sdelay $0x3  }
0x117: {  	[tilespmem:s29+$0xD000] =	vst v1  }
0x118: {  	v1 =	vld.idx.msk [tilespmem:v2+s22+$0x0], $0xffff  }
0x119: {  	v2 =	vadd.s32 $0x5400, v0;
	_ =	sdelay $0x3  }
0x11a: {  	[tilespmem:s29+$0xD400] =	vst v1  }
0x11b: {  	v1 =	vld.idx.msk [tilespmem:v2+s22+$0x0], $0xffff  }
0x11c: {  	v2 =	vadd.s32 $0x5800, v0;
	_ =	sdelay $0x3  }
0x11d: {  	[tilespmem:s29+$0xD800] =	vst v1  }
0x11e: {  	v1 =	vld.idx.msk [tilespmem:v2+s22+$0x0], $0xffff  }
0x11f: {  	v2 =	vadd.s32 $0x5C00, v0;
	_ =	sdelay $0x3  }
0x120: {  	[tilespmem:s29+$0xDC00] =	vst v1  }
0x121: {  	v1 =	vld.idx.msk [tilespmem:v2+s22+$0x0], $0xffff  }
0x122: {  	v2 =	vadd.s32 $0x6000, v0;
	_ =	sdelay $0x3  }
0x123: {  	[tilespmem:s29+$0xE000] =	vst v1  }
0x124: {  	v1 =	vld.idx.msk [tilespmem:v2+s22+$0x0], $0xffff  }
0x125: {  	v2 =	vadd.s32 $0x6400, v0;
	_ =	sdelay $0x3  }
0x126: {  	[tilespmem:s29+$0xE400] =	vst v1  }
0x127: {  	v1 =	vld.idx.msk [tilespmem:v2+s22+$0x0], $0xffff  }
0x128: {  	v2 =	vadd.s32 $0x6800, v0;
	_ =	sdelay $0x3  }
0x129: {  	[tilespmem:s29+$0xE800] =	vst v1  }
0x12a: {  	v1 =	vld.idx.msk [tilespmem:v2+s22+$0x0], $0xffff  }
0x12b: {  	v2 =	vadd.s32 $0x6C00, v0;
	_ =	sdelay $0x3  }
0x12c: {  	[tilespmem:s29+$0xEC00] =	vst v1  }
0x12d: {  	v1 =	vld.idx.msk [tilespmem:v2+s22+$0x0], $0xffff  }
0x12e: {  	v2 =	vadd.s32 $0x7000, v0;
	_ =	sdelay $0x3  }
0x12f: {  	[tilespmem:s29+$0xF000] =	vst v1  }
0x130: {  	v1 =	vld.idx.msk [tilespmem:v2+s22+$0x0], $0xffff  }
0x131: {  	v2 =	vadd.s32 $0x7400, v0;
	_ =	sdelay $0x3  }
0x132: {  	[tilespmem:s29+$0xF400] =	vst v1  }
0x133: {  	v1 =	vld.idx.msk [tilespmem:v2+s22+$0x0], $0xffff  }
0x134: {  	v2 =	vadd.s32 $0x7800, v0;
	_ =	sdelay $0x3  }
0x135: {  	[tilespmem:s29+$0xF800] =	vst v1  }
0x136: {  	v1 =	vld.idx.msk [tilespmem:v2+s22+$0x0], $0xffff  }
0x137: {  	v0 =	vadd.s32 $0x7C00, v0;
	_ =	sdelay $0x3  }
0x138: {  	[tilespmem:s29+$0xFC00] =	vst v1  }
0x139: {  	v0 =	vld.idx.msk [tilespmem:v0+s22+$0x0], $0xffff;
	_ =	sdelay $0x4  }
0x13a: {  	[tilespmem:s29+$0x10000] =	vst v0  }
0x13b: {  	[hbm4b:s5+s22] =	stream.strided.scatter [tilespmem:s24], [sflag:$0x1], $0x8000, s23, s22, $0x38;
	[tilespmem:$0x10400] =	vst v63  }
0x13c: {  	_ =	swait.ge [sflag:s21], $0x8000  }
0x13d: {  	[sflag:s21] =	ssyncset.done $0x0  }
0x13e: {  	s31 =	simm.s32 $0x0;
	[sflag:s21] =	ssyncadd.s32 $0xFFFF8000  }
0x13f: {  	[tilespmem:s22], [sflag:$0x1] =	stream.linear.gather [hbm4b:s6+s31], $0x8000, $0x38;
	[tilespmem:$0x10400] =	vst v63  }
0x140: {  	_ =	swait.ge [sflag:s21], $0x8000  }
0x141: {  	[sflag:s21] =	ssyncset.done $0x0  }
0x142: {  	s26 =	simm.s32 $0x0;
	[sflag:s21] =	ssyncadd.s32 $0xFFFF8000  }
0x143: {  	v0 =	vld [tilespmem:s26+$0x0];
	_ =	sdelay $0x7  }
0x144: {  	v1 =	vld.idx.msk [tilespmem:v0+s22+$0x0], $0xffff  }
0x145: {  	v2 =	vadd.s32 $0x400, v0;
	_ =	sdelay $0x3  }
0x146: {  	[tilespmem:s26+$0x8400] =	vst v1  }
0x147: {  	v1 =	vld.idx.msk [tilespmem:v2+s22+$0x0], $0xffff  }
0x148: {  	v2 =	vadd.s32 $0x800, v0;
	_ =	sdelay $0x3  }
0x149: {  	[tilespmem:s26+$0x8800] =	vst v1  }
0x14a: {  	v1 =	vld.idx.msk [tilespmem:v2+s22+$0x0], $0xffff  }
0x14b: {  	v2 =	vadd.s32 $0xC00, v0;
	_ =	sdelay $0x3  }
0x14c: {  	[tilespmem:s26+$0x8C00] =	vst v1  }
0x14d: {  	v1 =	vld.idx.msk [tilespmem:v2+s22+$0x0], $0xffff  }
0x14e: {  	v2 =	vadd.s32 $0x1000, v0;
	_ =	sdelay $0x3  }
0x14f: {  	[tilespmem:s26+$0x9000] =	vst v1  }
0x150: {  	v1 =	vld.idx.msk [tilespmem:v2+s22+$0x0], $0xffff  }
0x151: {  	v2 =	vadd.s32 $0x1400, v0;
	_ =	sdelay $0x3  }
0x152: {  	[tilespmem:s26+$0x9400] =	vst v1  }
0x153: {  	v1 =	vld.idx.msk [tilespmem:v2+s22+$0x0], $0xffff  }
0x154: {  	v2 =	vadd.s32 $0x1800, v0;
	_ =	sdelay $0x3  }
0x155: {  	[tilespmem:s26+$0x9800] =	vst v1  }
0x156: {  	v1 =	vld.idx.msk [tilespmem:v2+s22+$0x0], $0xffff  }
0x157: {  	v2 =	vadd.s32 $0x1C00, v0;
	_ =	sdelay $0x3  }
0x158: {  	[tilespmem:s26+$0x9C00] =	vst v1  }
0x159: {  	v1 =	vld.idx.msk [tilespmem:v2+s22+$0x0], $0xffff  }
0x15a: {  	v2 =	vadd.s32 $0x2000, v0;
	_ =	sdelay $0x3  }
0x15b: {  	[tilespmem:s26+$0xA000] =	vst v1  }
0x15c: {  	v1 =	vld.idx.msk [tilespmem:v2+s22+$0x0], $0xffff  }
0x15d: {  	v2 =	vadd.s32 $0x2400, v0;
	_ =	sdelay $0x3  }
0x15e: {  	[tilespmem:s26+$0xA400] =	vst v1  }
0x15f: {  	v1 =	vld.idx.msk [tilespmem:v2+s22+$0x0], $0xffff  }
0x160: {  	v2 =	vadd.s32 $0x2800, v0;
	_ =	sdelay $0x3  }
0x161: {  	[tilespmem:s26+$0xA800] =	vst v1  }
0x162: {  	v1 =	vld.idx.msk [tilespmem:v2+s22+$0x0], $0xffff  }
0x163: {  	v2 =	vadd.s32 $0x2C00, v0;
	_ =	sdelay $0x3  }
0x164: {  	[tilespmem:s26+$0xAC00] =	vst v1  }
0x165: {  	v1 =	vld.idx.msk [tilespmem:v2+s22+$0x0], $0xffff  }
0x166: {  	v2 =	vadd.s32 $0x3000, v0;
	_ =	sdelay $0x3  }
0x167: {  	[tilespmem:s26+$0xB000] =	vst v1  }
0x168: {  	v1 =	vld.idx.msk [tilespmem:v2+s22+$0x0], $0xffff  }
0x169: {  	v2 =	vadd.s32 $0x3400, v0;
	_ =	sdelay $0x3  }
0x16a: {  	[tilespmem:s26+$0xB400] =	vst v1  }
0x16b: {  	v1 =	vld.idx.msk [tilespmem:v2+s22+$0x0], $0xffff  }
0x16c: {  	v2 =	vadd.s32 $0x3800, v0;
	_ =	sdelay $0x3  }
0x16d: {  	[tilespmem:s26+$0xB800] =	vst v1  }
0x16e: {  	v1 =	vld.idx.msk [tilespmem:v2+s22+$0x0], $0xffff  }
0x16f: {  	v2 =	vadd.s32 $0x3C00, v0;
	_ =	sdelay $0x3  }
0x170: {  	[tilespmem:s26+$0xBC00] =	vst v1  }
0x171: {  	v1 =	vld.idx.msk [tilespmem:v2+s22+$0x0], $0xffff  }
0x172: {  	v2 =	vadd.s32 $0x4000, v0;
	_ =	sdelay $0x3  }
0x173: {  	[tilespmem:s26+$0xC000] =	vst v1  }
0x174: {  	v1 =	vld.idx.msk [tilespmem:v2+s22+$0x0], $0xffff  }
0x175: {  	v2 =	vadd.s32 $0x4400, v0;
	_ =	sdelay $0x3  }
0x176: {  	[tilespmem:s26+$0xC400] =	vst v1  }
0x177: {  	v1 =	vld.idx.msk [tilespmem:v2+s22+$0x0], $0xffff  }
0x178: {  	v2 =	vadd.s32 $0x4800, v0;
	_ =	sdelay $0x3  }
0x179: {  	[tilespmem:s26+$0xC800] =	vst v1  }
0x17a: {  	v1 =	vld.idx.msk [tilespmem:v2+s22+$0x0], $0xffff  }
0x17b: {  	v2 =	vadd.s32 $0x4C00, v0;
	_ =	sdelay $0x3  }
0x17c: {  	[tilespmem:s26+$0xCC00] =	vst v1  }
0x17d: {  	v1 =	vld.idx.msk [tilespmem:v2+s22+$0x0], $0xffff  }
0x17e: {  	v2 =	vadd.s32 $0x5000, v0;
	_ =	sdelay $0x3  }
0x17f: {  	[tilespmem:s26+$0xD000] =	vst v1  }
0x180: {  	v1 =	vld.idx.msk [tilespmem:v2+s22+$0x0], $0xffff  }
0x181: {  	v2 =	vadd.s32 $0x5400, v0;
	_ =	sdelay $0x3  }
0x182: {  	[tilespmem:s26+$0xD400] =	vst v1  }
0x183: {  	v1 =	vld.idx.msk [tilespmem:v2+s22+$0x0], $0xffff  }
0x184: {  	v2 =	vadd.s32 $0x5800, v0;
	_ =	sdelay $0x3  }
0x185: {  	[tilespmem:s26+$0xD800] =	vst v1  }
0x186: {  	v1 =	vld.idx.msk [tilespmem:v2+s22+$0x0], $0xffff  }
0x187: {  	v2 =	vadd.s32 $0x5C00, v0;
	_ =	sdelay $0x3  }
0x188: {  	[tilespmem:s26+$0xDC00] =	vst v1  }
0x189: {  	v1 =	vld.idx.msk [tilespmem:v2+s22+$0x0], $0xffff  }
0x18a: {  	v2 =	vadd.s32 $0x6000, v0;
	_ =	sdelay $0x3  }
0x18b: {  	[tilespmem:s26+$0xE000] =	vst v1  }
0x18c: {  	v1 =	vld.idx.msk [tilespmem:v2+s22+$0x0], $0xffff  }
0x18d: {  	v2 =	vadd.s32 $0x6400, v0;
	_ =	sdelay $0x3  }
0x18e: {  	[tilespmem:s26+$0xE400] =	vst v1  }
0x18f: {  	v1 =	vld.idx.msk [tilespmem:v2+s22+$0x0], $0xffff  }
0x190: {  	v2 =	vadd.s32 $0x6800, v0;
	_ =	sdelay $0x3  }
0x191: {  	[tilespmem:s26+$0xE800] =	vst v1  }
0x192: {  	v1 =	vld.idx.msk [tilespmem:v2+s22+$0x0], $0xffff  }
0x193: {  	v2 =	vadd.s32 $0x6C00, v0;
	_ =	sdelay $0x3  }
0x194: {  	[tilespmem:s26+$0xEC00] =	vst v1  }
0x195: {  	v1 =	vld.idx.msk [tilespmem:v2+s22+$0x0], $0xffff  }
0x196: {  	v2 =	vadd.s32 $0x7000, v0;
	_ =	sdelay $0x3  }
0x197: {  	[tilespmem:s26+$0xF000] =	vst v1  }
0x198: {  	v1 =	vld.idx.msk [tilespmem:v2+s22+$0x0], $0xffff  }
0x199: {  	v2 =	vadd.s32 $0x7400, v0;
	_ =	sdelay $0x3  }
0x19a: {  	[tilespmem:s26+$0xF400] =	vst v1  }
0x19b: {  	v1 =	vld.idx.msk [tilespmem:v2+s22+$0x0], $0xffff  }
0x19c: {  	v2 =	vadd.s32 $0x7800, v0;
	_ =	sdelay $0x3  }
0x19d: {  	[tilespmem:s26+$0xF800] =	vst v1  }
0x19e: {  	v1 =	vld.idx.msk [tilespmem:v2+s22+$0x0], $0xffff  }
0x19f: {  	v2 =	vadd.s32 $0x7C00, v0;
	_ =	sdelay $0x2  }
0x1a0: {  	s28 =	simm.s32 $0x80;
	s29 =	simm.s32 $0x10  }
.LBB2_4:
0x1a1: {  	p0 =	sne.s32 s28, $0xFC0;
	v0 =	vld [tilespmem:s29+$0x0];
	[tilespmem:s26+$0xFC00] =	vst v1  }
0x1a2: {  	v1 =	vld.idx.msk [tilespmem:v2+s22+$0x0], $0xffff;
	_ =	sdelay $0x5  }
0x1a3: {  	[tilespmem:s26+$0x10000] =	vst v1;
	s26 =	smov.u32 s29  }
0x1a4: {  	v1 =	vld.idx.msk [tilespmem:v0+s22+$0x0], $0xffff;
	_ =	sdelay $0x1  }
0x1a5: {  	v2 =	vadd.s32 $0x400, v0;
	_ =	sdelay $0x3  }
0x1a6: {  	[tilespmem:s26+$0x8400] =	vst v1  }
0x1a7: {  	v1 =	vld.idx.msk [tilespmem:v2+s22+$0x0], $0xffff;
	_ =	sdelay $0x1  }
0x1a8: {  	v2 =	vadd.s32 $0x800, v0;
	_ =	sdelay $0x3  }
0x1a9: {  	[tilespmem:s26+$0x8800] =	vst v1  }
0x1aa: {  	v1 =	vld.idx.msk [tilespmem:v2+s22+$0x0], $0xffff;
	_ =	sdelay $0x1  }
0x1ab: {  	v2 =	vadd.s32 $0xC00, v0;
	_ =	sdelay $0x3  }
0x1ac: {  	[tilespmem:s26+$0x8C00] =	vst v1  }
0x1ad: {  	v1 =	vld.idx.msk [tilespmem:v2+s22+$0x0], $0xffff;
	_ =	sdelay $0x1  }
0x1ae: {  	v2 =	vadd.s32 $0x1000, v0;
	_ =	sdelay $0x3  }
0x1af: {  	[tilespmem:s26+$0x9000] =	vst v1  }
0x1b0: {  	v1 =	vld.idx.msk [tilespmem:v2+s22+$0x0], $0xffff;
	_ =	sdelay $0x1  }
0x1b1: {  	v2 =	vadd.s32 $0x1400, v0;
	_ =	sdelay $0x3  }
0x1b2: {  	[tilespmem:s26+$0x9400] =	vst v1  }
0x1b3: {  	v1 =	vld.idx.msk [tilespmem:v2+s22+$0x0], $0xffff;
	_ =	sdelay $0x1  }
0x1b4: {  	v2 =	vadd.s32 $0x1800, v0;
	_ =	sdelay $0x3  }
0x1b5: {  	[tilespmem:s26+$0x9800] =	vst v1  }
0x1b6: {  	v1 =	vld.idx.msk [tilespmem:v2+s22+$0x0], $0xffff;
	_ =	sdelay $0x1  }
0x1b7: {  	v2 =	vadd.s32 $0x1C00, v0;
	_ =	sdelay $0x3  }
0x1b8: {  	[tilespmem:s26+$0x9C00] =	vst v1  }
0x1b9: {  	v1 =	vld.idx.msk [tilespmem:v2+s22+$0x0], $0xffff;
	_ =	sdelay $0x1  }
0x1ba: {  	v2 =	vadd.s32 $0x2000, v0;
	_ =	sdelay $0x3  }
0x1bb: {  	[tilespmem:s26+$0xA000] =	vst v1  }
0x1bc: {  	v1 =	vld.idx.msk [tilespmem:v2+s22+$0x0], $0xffff;
	_ =	sdelay $0x1  }
0x1bd: {  	v2 =	vadd.s32 $0x2400, v0;
	_ =	sdelay $0x3  }
0x1be: {  	[tilespmem:s26+$0xA400] =	vst v1  }
0x1bf: {  	v1 =	vld.idx.msk [tilespmem:v2+s22+$0x0], $0xffff;
	_ =	sdelay $0x1  }
0x1c0: {  	v2 =	vadd.s32 $0x2800, v0;
	_ =	sdelay $0x3  }
0x1c1: {  	[tilespmem:s26+$0xA800] =	vst v1  }
0x1c2: {  	v1 =	vld.idx.msk [tilespmem:v2+s22+$0x0], $0xffff;
	_ =	sdelay $0x1  }
0x1c3: {  	v2 =	vadd.s32 $0x2C00, v0;
	_ =	sdelay $0x3  }
0x1c4: {  	[tilespmem:s26+$0xAC00] =	vst v1  }
0x1c5: {  	v1 =	vld.idx.msk [tilespmem:v2+s22+$0x0], $0xffff;
	_ =	sdelay $0x1  }
0x1c6: {  	v2 =	vadd.s32 $0x3000, v0;
	_ =	sdelay $0x3  }
0x1c7: {  	[tilespmem:s26+$0xB000] =	vst v1  }
0x1c8: {  	v1 =	vld.idx.msk [tilespmem:v2+s22+$0x0], $0xffff;
	_ =	sdelay $0x1  }
0x1c9: {  	v2 =	vadd.s32 $0x3400, v0;
	_ =	sdelay $0x3  }
0x1ca: {  	[tilespmem:s26+$0xB400] =	vst v1  }
0x1cb: {  	v1 =	vld.idx.msk [tilespmem:v2+s22+$0x0], $0xffff;
	_ =	sdelay $0x1  }
0x1cc: {  	v2 =	vadd.s32 $0x3800, v0;
	_ =	sdelay $0x3  }
0x1cd: {  	[tilespmem:s26+$0xB800] =	vst v1  }
0x1ce: {  	v1 =	vld.idx.msk [tilespmem:v2+s22+$0x0], $0xffff;
	_ =	sdelay $0x1  }
0x1cf: {  	v2 =	vadd.s32 $0x3C00, v0;
	_ =	sdelay $0x3  }
0x1d0: {  	[tilespmem:s26+$0xBC00] =	vst v1  }
0x1d1: {  	v1 =	vld.idx.msk [tilespmem:v2+s22+$0x0], $0xffff;
	_ =	sdelay $0x1  }
0x1d2: {  	v2 =	vadd.s32 $0x4000, v0;
	_ =	sdelay $0x3  }
0x1d3: {  	[tilespmem:s26+$0xC000] =	vst v1  }
0x1d4: {  	v1 =	vld.idx.msk [tilespmem:v2+s22+$0x0], $0xffff;
	_ =	sdelay $0x1  }
0x1d5: {  	v2 =	vadd.s32 $0x4400, v0;
	_ =	sdelay $0x3  }
0x1d6: {  	[tilespmem:s26+$0xC400] =	vst v1  }
0x1d7: {  	v1 =	vld.idx.msk [tilespmem:v2+s22+$0x0], $0xffff;
	_ =	sdelay $0x1  }
0x1d8: {  	v2 =	vadd.s32 $0x4800, v0;
	_ =	sdelay $0x3  }
0x1d9: {  	[tilespmem:s26+$0xC800] =	vst v1  }
0x1da: {  	v1 =	vld.idx.msk [tilespmem:v2+s22+$0x0], $0xffff;
	_ =	sdelay $0x1  }
0x1db: {  	v2 =	vadd.s32 $0x4C00, v0;
	_ =	sdelay $0x3  }
0x1dc: {  	[tilespmem:s26+$0xCC00] =	vst v1  }
0x1dd: {  	v1 =	vld.idx.msk [tilespmem:v2+s22+$0x0], $0xffff;
	_ =	sdelay $0x1  }
0x1de: {  	v2 =	vadd.s32 $0x5000, v0;
	_ =	sdelay $0x3  }
0x1df: {  	[tilespmem:s26+$0xD000] =	vst v1  }
0x1e0: {  	v1 =	vld.idx.msk [tilespmem:v2+s22+$0x0], $0xffff;
	_ =	sdelay $0x1  }
0x1e1: {  	v2 =	vadd.s32 $0x5400, v0;
	_ =	sdelay $0x3  }
0x1e2: {  	[tilespmem:s26+$0xD400] =	vst v1  }
0x1e3: {  	v1 =	vld.idx.msk [tilespmem:v2+s22+$0x0], $0xffff;
	_ =	sdelay $0x1  }
0x1e4: {  	v2 =	vadd.s32 $0x5800, v0;
	_ =	sdelay $0x3  }
0x1e5: {  	[tilespmem:s26+$0xD800] =	vst v1  }
0x1e6: {  	v1 =	vld.idx.msk [tilespmem:v2+s22+$0x0], $0xffff;
	_ =	sdelay $0x1  }
0x1e7: {  	v2 =	vadd.s32 $0x5C00, v0;
	_ =	sdelay $0x3  }
0x1e8: {  	[tilespmem:s26+$0xDC00] =	vst v1  }
0x1e9: {  	v1 =	vld.idx.msk [tilespmem:v2+s22+$0x0], $0xffff;
	_ =	sdelay $0x1  }
0x1ea: {  	v2 =	vadd.s32 $0x6000, v0;
	_ =	sdelay $0x3  }
0x1eb: {  	[tilespmem:s26+$0xE000] =	vst v1  }
0x1ec: {  	v1 =	vld.idx.msk [tilespmem:v2+s22+$0x0], $0xffff;
	_ =	sdelay $0x1  }
0x1ed: {  	v2 =	vadd.s32 $0x6400, v0;
	_ =	sdelay $0x3  }
0x1ee: {  	[tilespmem:s26+$0xE400] =	vst v1  }
0x1ef: {  	v1 =	vld.idx.msk [tilespmem:v2+s22+$0x0], $0xffff;
	_ =	sdelay $0x1  }
0x1f0: {  	v2 =	vadd.s32 $0x6800, v0;
	_ =	sdelay $0x3  }
0x1f1: {  	[tilespmem:s26+$0xE800] =	vst v1  }
0x1f2: {  	v1 =	vld.idx.msk [tilespmem:v2+s22+$0x0], $0xffff;
	_ =	sdelay $0x1  }
0x1f3: {  	v2 =	vadd.s32 $0x6C00, v0;
	_ =	sdelay $0x3  }
0x1f4: {  	[tilespmem:s26+$0xEC00] =	vst v1  }
0x1f5: {  	v1 =	vld.idx.msk [tilespmem:v2+s22+$0x0], $0xffff;
	_ =	sdelay $0x1  }
0x1f6: {  	v2 =	vadd.s32 $0x7000, v0;
	_ =	sdelay $0x3  }
0x1f7: {  	[tilespmem:s26+$0xF000] =	vst v1  }
0x1f8: {  	v1 =	vld.idx.msk [tilespmem:v2+s22+$0x0], $0xffff;
	_ =	sdelay $0x1  }
0x1f9: {  	v2 =	vadd.s32 $0x7400, v0;
	_ =	sdelay $0x3  }
0x1fa: {  	[tilespmem:s26+$0xF400] =	vst v1  }
0x1fb: {  	v1 =	vld.idx.msk [tilespmem:v2+s22+$0x0], $0xffff;
	_ =	sdelay $0x1  }
0x1fc: {  	v2 =	vadd.s32 $0x7800, v0;
	_ =	sdelay $0x3  }
0x1fd: {  	[tilespmem:s26+$0xF800] =	vst v1  }
0x1fe: {  	v1 =	vld.idx.msk [tilespmem:v2+s22+$0x0], $0xffff  }
.Ltmp1:
0x1ff: {  	(pc) =	sbr.rel @p0 .LBB2_4-.Ltmp1, $2  }
0x200: {  	v2 =	vadd.s32 $0x7C00, v0;
	_ =	sdelay $0x2  }
0x201: {  	s29 =	sshra.s32 s28, $0x2;
	s28 =	sadd.s32 $0x40, s28  }
0x202: {  	_ =	sdelay $0x1  }
0x203: {  	v0 =	vld [tilespmem:s29+$0x0]  }
0x204: {  	[tilespmem:s26+$0xFC00] =	vst v1  }
0x205: {  	v1 =	vld.idx.msk [tilespmem:v2+s22+$0x0], $0xffff;
	_ =	sdelay $0x4  }
0x206: {  	[tilespmem:s26+$0x10000] =	vst v1  }
0x207: {  	v1 =	vld.idx.msk [tilespmem:v0+s22+$0x0], $0xffff  }
0x208: {  	v2 =	vadd.s32 $0x400, v0;
	_ =	sdelay $0x3  }
0x209: {  	[tilespmem:s29+$0x8400] =	vst v1  }
0x20a: {  	v1 =	vld.idx.msk [tilespmem:v2+s22+$0x0], $0xffff  }
0x20b: {  	v2 =	vadd.s32 $0x800, v0;
	_ =	sdelay $0x3  }
0x20c: {  	[tilespmem:s29+$0x8800] =	vst v1  }
0x20d: {  	v1 =	vld.idx.msk [tilespmem:v2+s22+$0x0], $0xffff  }
0x20e: {  	v2 =	vadd.s32 $0xC00, v0;
	_ =	sdelay $0x3  }
0x20f: {  	[tilespmem:s29+$0x8C00] =	vst v1  }
0x210: {  	v1 =	vld.idx.msk [tilespmem:v2+s22+$0x0], $0xffff  }
0x211: {  	v2 =	vadd.s32 $0x1000, v0;
	_ =	sdelay $0x3  }
0x212: {  	[tilespmem:s29+$0x9000] =	vst v1  }
0x213: {  	v1 =	vld.idx.msk [tilespmem:v2+s22+$0x0], $0xffff  }
0x214: {  	v2 =	vadd.s32 $0x1400, v0;
	_ =	sdelay $0x3  }
0x215: {  	[tilespmem:s29+$0x9400] =	vst v1  }
0x216: {  	v1 =	vld.idx.msk [tilespmem:v2+s22+$0x0], $0xffff  }
0x217: {  	v2 =	vadd.s32 $0x1800, v0;
	_ =	sdelay $0x3  }
0x218: {  	[tilespmem:s29+$0x9800] =	vst v1  }
0x219: {  	v1 =	vld.idx.msk [tilespmem:v2+s22+$0x0], $0xffff  }
0x21a: {  	v2 =	vadd.s32 $0x1C00, v0;
	_ =	sdelay $0x3  }
0x21b: {  	[tilespmem:s29+$0x9C00] =	vst v1  }
0x21c: {  	v1 =	vld.idx.msk [tilespmem:v2+s22+$0x0], $0xffff  }
0x21d: {  	v2 =	vadd.s32 $0x2000, v0;
	_ =	sdelay $0x3  }
0x21e: {  	[tilespmem:s29+$0xA000] =	vst v1  }
0x21f: {  	v1 =	vld.idx.msk [tilespmem:v2+s22+$0x0], $0xffff  }
0x220: {  	v2 =	vadd.s32 $0x2400, v0;
	_ =	sdelay $0x3  }
0x221: {  	[tilespmem:s29+$0xA400] =	vst v1  }
0x222: {  	v1 =	vld.idx.msk [tilespmem:v2+s22+$0x0], $0xffff  }
0x223: {  	v2 =	vadd.s32 $0x2800, v0;
	_ =	sdelay $0x3  }
0x224: {  	[tilespmem:s29+$0xA800] =	vst v1  }
0x225: {  	v1 =	vld.idx.msk [tilespmem:v2+s22+$0x0], $0xffff  }
0x226: {  	v2 =	vadd.s32 $0x2C00, v0;
	_ =	sdelay $0x3  }
0x227: {  	[tilespmem:s29+$0xAC00] =	vst v1  }
0x228: {  	v1 =	vld.idx.msk [tilespmem:v2+s22+$0x0], $0xffff  }
0x229: {  	v2 =	vadd.s32 $0x3000, v0;
	_ =	sdelay $0x3  }
0x22a: {  	[tilespmem:s29+$0xB000] =	vst v1  }
0x22b: {  	v1 =	vld.idx.msk [tilespmem:v2+s22+$0x0], $0xffff  }
0x22c: {  	v2 =	vadd.s32 $0x3400, v0;
	_ =	sdelay $0x3  }
0x22d: {  	[tilespmem:s29+$0xB400] =	vst v1  }
0x22e: {  	v1 =	vld.idx.msk [tilespmem:v2+s22+$0x0], $0xffff  }
0x22f: {  	v2 =	vadd.s32 $0x3800, v0;
	_ =	sdelay $0x3  }
0x230: {  	[tilespmem:s29+$0xB800] =	vst v1  }
0x231: {  	v1 =	vld.idx.msk [tilespmem:v2+s22+$0x0], $0xffff  }
0x232: {  	v2 =	vadd.s32 $0x3C00, v0;
	_ =	sdelay $0x3  }
0x233: {  	[tilespmem:s29+$0xBC00] =	vst v1  }
0x234: {  	v1 =	vld.idx.msk [tilespmem:v2+s22+$0x0], $0xffff  }
0x235: {  	v2 =	vadd.s32 $0x4000, v0;
	_ =	sdelay $0x3  }
0x236: {  	[tilespmem:s29+$0xC000] =	vst v1  }
0x237: {  	v1 =	vld.idx.msk [tilespmem:v2+s22+$0x0], $0xffff  }
0x238: {  	v2 =	vadd.s32 $0x4400, v0;
	_ =	sdelay $0x3  }
0x239: {  	[tilespmem:s29+$0xC400] =	vst v1  }
0x23a: {  	v1 =	vld.idx.msk [tilespmem:v2+s22+$0x0], $0xffff  }
0x23b: {  	v2 =	vadd.s32 $0x4800, v0;
	_ =	sdelay $0x3  }
0x23c: {  	[tilespmem:s29+$0xC800] =	vst v1  }
0x23d: {  	v1 =	vld.idx.msk [tilespmem:v2+s22+$0x0], $0xffff  }
0x23e: {  	v2 =	vadd.s32 $0x4C00, v0;
	_ =	sdelay $0x3  }
0x23f: {  	[tilespmem:s29+$0xCC00] =	vst v1  }
0x240: {  	v1 =	vld.idx.msk [tilespmem:v2+s22+$0x0], $0xffff  }
0x241: {  	v2 =	vadd.s32 $0x5000, v0;
	_ =	sdelay $0x3  }
0x242: {  	[tilespmem:s29+$0xD000] =	vst v1  }
0x243: {  	v1 =	vld.idx.msk [tilespmem:v2+s22+$0x0], $0xffff  }
0x244: {  	v2 =	vadd.s32 $0x5400, v0;
	_ =	sdelay $0x3  }
0x245: {  	[tilespmem:s29+$0xD400] =	vst v1  }
0x246: {  	v1 =	vld.idx.msk [tilespmem:v2+s22+$0x0], $0xffff  }
0x247: {  	v2 =	vadd.s32 $0x5800, v0;
	_ =	sdelay $0x3  }
0x248: {  	[tilespmem:s29+$0xD800] =	vst v1  }
0x249: {  	v1 =	vld.idx.msk [tilespmem:v2+s22+$0x0], $0xffff  }
0x24a: {  	v2 =	vadd.s32 $0x5C00, v0;
	_ =	sdelay $0x3  }
0x24b: {  	[tilespmem:s29+$0xDC00] =	vst v1  }
0x24c: {  	v1 =	vld.idx.msk [tilespmem:v2+s22+$0x0], $0xffff  }
0x24d: {  	v2 =	vadd.s32 $0x6000, v0;
	_ =	sdelay $0x3  }
0x24e: {  	[tilespmem:s29+$0xE000] =	vst v1  }
0x24f: {  	v1 =	vld.idx.msk [tilespmem:v2+s22+$0x0], $0xffff  }
0x250: {  	v2 =	vadd.s32 $0x6400, v0;
	_ =	sdelay $0x3  }
0x251: {  	[tilespmem:s29+$0xE400] =	vst v1  }
0x252: {  	v1 =	vld.idx.msk [tilespmem:v2+s22+$0x0], $0xffff  }
0x253: {  	v2 =	vadd.s32 $0x6800, v0;
	_ =	sdelay $0x3  }
0x254: {  	[tilespmem:s29+$0xE800] =	vst v1  }
0x255: {  	v1 =	vld.idx.msk [tilespmem:v2+s22+$0x0], $0xffff  }
0x256: {  	v2 =	vadd.s32 $0x6C00, v0;
	_ =	sdelay $0x3  }
0x257: {  	[tilespmem:s29+$0xEC00] =	vst v1  }
0x258: {  	v1 =	vld.idx.msk [tilespmem:v2+s22+$0x0], $0xffff  }
0x259: {  	v2 =	vadd.s32 $0x7000, v0;
	_ =	sdelay $0x3  }
0x25a: {  	[tilespmem:s29+$0xF000] =	vst v1  }
0x25b: {  	v1 =	vld.idx.msk [tilespmem:v2+s22+$0x0], $0xffff  }
0x25c: {  	v2 =	vadd.s32 $0x7400, v0;
	_ =	sdelay $0x3  }
0x25d: {  	[tilespmem:s29+$0xF400] =	vst v1  }
0x25e: {  	v1 =	vld.idx.msk [tilespmem:v2+s22+$0x0], $0xffff  }
0x25f: {  	v2 =	vadd.s32 $0x7800, v0;
	_ =	sdelay $0x3  }
0x260: {  	[tilespmem:s29+$0xF800] =	vst v1  }
0x261: {  	v1 =	vld.idx.msk [tilespmem:v2+s22+$0x0], $0xffff  }
0x262: {  	v0 =	vadd.s32 $0x7C00, v0;
	_ =	sdelay $0x3  }
0x263: {  	[tilespmem:s29+$0xFC00] =	vst v1  }
0x264: {  	v0 =	vld.idx.msk [tilespmem:v0+s22+$0x0], $0xffff;
	_ =	sdelay $0x4  }
0x265: {  	[tilespmem:s29+$0x10000] =	vst v0  }
0x266: {  	[hbm4b:s7+s22] =	stream.strided.scatter [tilespmem:s24], [sflag:$0x1], $0x8000, s23, s22, $0x38;
	[tilespmem:$0x10400] =	vst v63  }
0x267: {  	_ =	swait.ge [sflag:s21], $0x8000  }
0x268: {  	[sflag:s21] =	ssyncset.done $0x0  }
0x269: {  	s31 =	simm.s32 $0x0;
	[sflag:s21] =	ssyncadd.s32 $0xFFFF8000  }
0x26a: {  	[tilespmem:s22], [sflag:$0x1] =	stream.linear.gather [hbm4b:s8+s31], $0x8000, $0x38;
	[tilespmem:$0x10400] =	vst v63  }
0x26b: {  	_ =	swait.ge [sflag:s21], $0x8000  }
0x26c: {  	[sflag:s21] =	ssyncset.done $0x0  }
0x26d: {  	s26 =	simm.s32 $0x0;
	[sflag:s21] =	ssyncadd.s32 $0xFFFF8000  }
0x26e: {  	v0 =	vld [tilespmem:s26+$0x0];
	_ =	sdelay $0x7  }
0x26f: {  	v1 =	vld.idx.msk [tilespmem:v0+s22+$0x0], $0xffff  }
0x270: {  	v2 =	vadd.s32 $0x400, v0;
	_ =	sdelay $0x3  }
0x271: {  	[tilespmem:s26+$0x8400] =	vst v1  }
0x272: {  	v1 =	vld.idx.msk [tilespmem:v2+s22+$0x0], $0xffff  }
0x273: {  	v2 =	vadd.s32 $0x800, v0;
	_ =	sdelay $0x3  }
0x274: {  	[tilespmem:s26+$0x8800] =	vst v1  }
0x275: {  	v1 =	vld.idx.msk [tilespmem:v2+s22+$0x0], $0xffff  }
0x276: {  	v2 =	vadd.s32 $0xC00, v0;
	_ =	sdelay $0x3  }
0x277: {  	[tilespmem:s26+$0x8C00] =	vst v1  }
0x278: {  	v1 =	vld.idx.msk [tilespmem:v2+s22+$0x0], $0xffff  }
0x279: {  	v2 =	vadd.s32 $0x1000, v0;
	_ =	sdelay $0x3  }
0x27a: {  	[tilespmem:s26+$0x9000] =	vst v1  }
0x27b: {  	v1 =	vld.idx.msk [tilespmem:v2+s22+$0x0], $0xffff  }
0x27c: {  	v2 =	vadd.s32 $0x1400, v0;
	_ =	sdelay $0x3  }
0x27d: {  	[tilespmem:s26+$0x9400] =	vst v1  }
0x27e: {  	v1 =	vld.idx.msk [tilespmem:v2+s22+$0x0], $0xffff  }
0x27f: {  	v2 =	vadd.s32 $0x1800, v0;
	_ =	sdelay $0x3  }
0x280: {  	[tilespmem:s26+$0x9800] =	vst v1  }
0x281: {  	v1 =	vld.idx.msk [tilespmem:v2+s22+$0x0], $0xffff  }
0x282: {  	v2 =	vadd.s32 $0x1C00, v0;
	_ =	sdelay $0x3  }
0x283: {  	[tilespmem:s26+$0x9C00] =	vst v1  }
0x284: {  	v1 =	vld.idx.msk [tilespmem:v2+s22+$0x0], $0xffff  }
0x285: {  	v2 =	vadd.s32 $0x2000, v0;
	_ =	sdelay $0x3  }
0x286: {  	[tilespmem:s26+$0xA000] =	vst v1  }
0x287: {  	v1 =	vld.idx.msk [tilespmem:v2+s22+$0x0], $0xffff  }
0x288: {  	v2 =	vadd.s32 $0x2400, v0;
	_ =	sdelay $0x3  }
0x289: {  	[tilespmem:s26+$0xA400] =	vst v1  }
0x28a: {  	v1 =	vld.idx.msk [tilespmem:v2+s22+$0x0], $0xffff  }
0x28b: {  	v2 =	vadd.s32 $0x2800, v0;
	_ =	sdelay $0x3  }
0x28c: {  	[tilespmem:s26+$0xA800] =	vst v1  }
0x28d: {  	v1 =	vld.idx.msk [tilespmem:v2+s22+$0x0], $0xffff  }
0x28e: {  	v2 =	vadd.s32 $0x2C00, v0;
	_ =	sdelay $0x3  }
0x28f: {  	[tilespmem:s26+$0xAC00] =	vst v1  }
0x290: {  	v1 =	vld.idx.msk [tilespmem:v2+s22+$0x0], $0xffff  }
0x291: {  	v2 =	vadd.s32 $0x3000, v0;
	_ =	sdelay $0x3  }
0x292: {  	[tilespmem:s26+$0xB000] =	vst v1  }
0x293: {  	v1 =	vld.idx.msk [tilespmem:v2+s22+$0x0], $0xffff  }
0x294: {  	v2 =	vadd.s32 $0x3400, v0;
	_ =	sdelay $0x3  }
0x295: {  	[tilespmem:s26+$0xB400] =	vst v1  }
0x296: {  	v1 =	vld.idx.msk [tilespmem:v2+s22+$0x0], $0xffff  }
0x297: {  	v2 =	vadd.s32 $0x3800, v0;
	_ =	sdelay $0x3  }
0x298: {  	[tilespmem:s26+$0xB800] =	vst v1  }
0x299: {  	v1 =	vld.idx.msk [tilespmem:v2+s22+$0x0], $0xffff  }
0x29a: {  	v2 =	vadd.s32 $0x3C00, v0;
	_ =	sdelay $0x3  }
0x29b: {  	[tilespmem:s26+$0xBC00] =	vst v1  }
0x29c: {  	v1 =	vld.idx.msk [tilespmem:v2+s22+$0x0], $0xffff  }
0x29d: {  	v2 =	vadd.s32 $0x4000, v0;
	_ =	sdelay $0x3  }
0x29e: {  	[tilespmem:s26+$0xC000] =	vst v1  }
0x29f: {  	v1 =	vld.idx.msk [tilespmem:v2+s22+$0x0], $0xffff  }
0x2a0: {  	v2 =	vadd.s32 $0x4400, v0;
	_ =	sdelay $0x3  }
0x2a1: {  	[tilespmem:s26+$0xC400] =	vst v1  }
0x2a2: {  	v1 =	vld.idx.msk [tilespmem:v2+s22+$0x0], $0xffff  }
0x2a3: {  	v2 =	vadd.s32 $0x4800, v0;
	_ =	sdelay $0x3  }
0x2a4: {  	[tilespmem:s26+$0xC800] =	vst v1  }
0x2a5: {  	v1 =	vld.idx.msk [tilespmem:v2+s22+$0x0], $0xffff  }
0x2a6: {  	v2 =	vadd.s32 $0x4C00, v0;
	_ =	sdelay $0x3  }
0x2a7: {  	[tilespmem:s26+$0xCC00] =	vst v1  }
0x2a8: {  	v1 =	vld.idx.msk [tilespmem:v2+s22+$0x0], $0xffff  }
0x2a9: {  	v2 =	vadd.s32 $0x5000, v0;
	_ =	sdelay $0x3  }
0x2aa: {  	[tilespmem:s26+$0xD000] =	vst v1  }
0x2ab: {  	v1 =	vld.idx.msk [tilespmem:v2+s22+$0x0], $0xffff  }
0x2ac: {  	v2 =	vadd.s32 $0x5400, v0;
	_ =	sdelay $0x3  }
0x2ad: {  	[tilespmem:s26+$0xD400] =	vst v1  }
0x2ae: {  	v1 =	vld.idx.msk [tilespmem:v2+s22+$0x0], $0xffff  }
0x2af: {  	v2 =	vadd.s32 $0x5800, v0;
	_ =	sdelay $0x3  }
0x2b0: {  	[tilespmem:s26+$0xD800] =	vst v1  }
0x2b1: {  	v1 =	vld.idx.msk [tilespmem:v2+s22+$0x0], $0xffff  }
0x2b2: {  	v2 =	vadd.s32 $0x5C00, v0;
	_ =	sdelay $0x3  }
0x2b3: {  	[tilespmem:s26+$0xDC00] =	vst v1  }
0x2b4: {  	v1 =	vld.idx.msk [tilespmem:v2+s22+$0x0], $0xffff  }
0x2b5: {  	v2 =	vadd.s32 $0x6000, v0;
	_ =	sdelay $0x3  }
0x2b6: {  	[tilespmem:s26+$0xE000] =	vst v1  }
0x2b7: {  	v1 =	vld.idx.msk [tilespmem:v2+s22+$0x0], $0xffff  }
0x2b8: {  	v2 =	vadd.s32 $0x6400, v0;
	_ =	sdelay $0x3  }
0x2b9: {  	[tilespmem:s26+$0xE400] =	vst v1  }
0x2ba: {  	v1 =	vld.idx.msk [tilespmem:v2+s22+$0x0], $0xffff  }
0x2bb: {  	v2 =	vadd.s32 $0x6800, v0;
	_ =	sdelay $0x3  }
0x2bc: {  	[tilespmem:s26+$0xE800] =	vst v1  }
0x2bd: {  	v1 =	vld.idx.msk [tilespmem:v2+s22+$0x0], $0xffff  }
0x2be: {  	v2 =	vadd.s32 $0x6C00, v0;
	_ =	sdelay $0x3  }
0x2bf: {  	[tilespmem:s26+$0xEC00] =	vst v1  }
0x2c0: {  	v1 =	vld.idx.msk [tilespmem:v2+s22+$0x0], $0xffff  }
0x2c1: {  	v2 =	vadd.s32 $0x7000, v0;
	_ =	sdelay $0x3  }
0x2c2: {  	[tilespmem:s26+$0xF000] =	vst v1  }
0x2c3: {  	v1 =	vld.idx.msk [tilespmem:v2+s22+$0x0], $0xffff  }
0x2c4: {  	v2 =	vadd.s32 $0x7400, v0;
	_ =	sdelay $0x3  }
0x2c5: {  	[tilespmem:s26+$0xF400] =	vst v1  }
0x2c6: {  	v1 =	vld.idx.msk [tilespmem:v2+s22+$0x0], $0xffff  }
0x2c7: {  	v2 =	vadd.s32 $0x7800, v0;
	_ =	sdelay $0x3  }
0x2c8: {  	[tilespmem:s26+$0xF800] =	vst v1  }
0x2c9: {  	v1 =	vld.idx.msk [tilespmem:v2+s22+$0x0], $0xffff  }
0x2ca: {  	v2 =	vadd.s32 $0x7C00, v0;
	_ =	sdelay $0x2  }
0x2cb: {  	s28 =	simm.s32 $0x80;
	s29 =	simm.s32 $0x10  }
.LBB2_6:
0x2cc: {  	p0 =	sne.s32 s28, $0xFC0;
	v0 =	vld [tilespmem:s29+$0x0];
	[tilespmem:s26+$0xFC00] =	vst v1  }
0x2cd: {  	v1 =	vld.idx.msk [tilespmem:v2+s22+$0x0], $0xffff;
	_ =	sdelay $0x5  }
0x2ce: {  	[tilespmem:s26+$0x10000] =	vst v1;
	s26 =	smov.u32 s29  }
0x2cf: {  	v1 =	vld.idx.msk [tilespmem:v0+s22+$0x0], $0xffff;
	_ =	sdelay $0x1  }
0x2d0: {  	v2 =	vadd.s32 $0x400, v0;
	_ =	sdelay $0x3  }
0x2d1: {  	[tilespmem:s26+$0x8400] =	vst v1  }
0x2d2: {  	v1 =	vld.idx.msk [tilespmem:v2+s22+$0x0], $0xffff;
	_ =	sdelay $0x1  }
0x2d3: {  	v2 =	vadd.s32 $0x800, v0;
	_ =	sdelay $0x3  }
0x2d4: {  	[tilespmem:s26+$0x8800] =	vst v1  }
0x2d5: {  	v1 =	vld.idx.msk [tilespmem:v2+s22+$0x0], $0xffff;
	_ =	sdelay $0x1  }
0x2d6: {  	v2 =	vadd.s32 $0xC00, v0;
	_ =	sdelay $0x3  }
0x2d7: {  	[tilespmem:s26+$0x8C00] =	vst v1  }
0x2d8: {  	v1 =	vld.idx.msk [tilespmem:v2+s22+$0x0], $0xffff;
	_ =	sdelay $0x1  }
0x2d9: {  	v2 =	vadd.s32 $0x1000, v0;
	_ =	sdelay $0x3  }
0x2da: {  	[tilespmem:s26+$0x9000] =	vst v1  }
0x2db: {  	v1 =	vld.idx.msk [tilespmem:v2+s22+$0x0], $0xffff;
	_ =	sdelay $0x1  }
0x2dc: {  	v2 =	vadd.s32 $0x1400, v0;
	_ =	sdelay $0x3  }
0x2dd: {  	[tilespmem:s26+$0x9400] =	vst v1  }
0x2de: {  	v1 =	vld.idx.msk [tilespmem:v2+s22+$0x0], $0xffff;
	_ =	sdelay $0x1  }
0x2df: {  	v2 =	vadd.s32 $0x1800, v0;
	_ =	sdelay $0x3  }
0x2e0: {  	[tilespmem:s26+$0x9800] =	vst v1  }
0x2e1: {  	v1 =	vld.idx.msk [tilespmem:v2+s22+$0x0], $0xffff;
	_ =	sdelay $0x1  }
0x2e2: {  	v2 =	vadd.s32 $0x1C00, v0;
	_ =	sdelay $0x3  }
0x2e3: {  	[tilespmem:s26+$0x9C00] =	vst v1  }
0x2e4: {  	v1 =	vld.idx.msk [tilespmem:v2+s22+$0x0], $0xffff;
	_ =	sdelay $0x1  }
0x2e5: {  	v2 =	vadd.s32 $0x2000, v0;
	_ =	sdelay $0x3  }
0x2e6: {  	[tilespmem:s26+$0xA000] =	vst v1  }
0x2e7: {  	v1 =	vld.idx.msk [tilespmem:v2+s22+$0x0], $0xffff;
	_ =	sdelay $0x1  }
0x2e8: {  	v2 =	vadd.s32 $0x2400, v0;
	_ =	sdelay $0x3  }
0x2e9: {  	[tilespmem:s26+$0xA400] =	vst v1  }
0x2ea: {  	v1 =	vld.idx.msk [tilespmem:v2+s22+$0x0], $0xffff;
	_ =	sdelay $0x1  }
0x2eb: {  	v2 =	vadd.s32 $0x2800, v0;
	_ =	sdelay $0x3  }
0x2ec: {  	[tilespmem:s26+$0xA800] =	vst v1  }
0x2ed: {  	v1 =	vld.idx.msk [tilespmem:v2+s22+$0x0], $0xffff;
	_ =	sdelay $0x1  }
0x2ee: {  	v2 =	vadd.s32 $0x2C00, v0;
	_ =	sdelay $0x3  }
0x2ef: {  	[tilespmem:s26+$0xAC00] =	vst v1  }
0x2f0: {  	v1 =	vld.idx.msk [tilespmem:v2+s22+$0x0], $0xffff;
	_ =	sdelay $0x1  }
0x2f1: {  	v2 =	vadd.s32 $0x3000, v0;
	_ =	sdelay $0x3  }
0x2f2: {  	[tilespmem:s26+$0xB000] =	vst v1  }
0x2f3: {  	v1 =	vld.idx.msk [tilespmem:v2+s22+$0x0], $0xffff;
	_ =	sdelay $0x1  }
0x2f4: {  	v2 =	vadd.s32 $0x3400, v0;
	_ =	sdelay $0x3  }
0x2f5: {  	[tilespmem:s26+$0xB400] =	vst v1  }
0x2f6: {  	v1 =	vld.idx.msk [tilespmem:v2+s22+$0x0], $0xffff;
	_ =	sdelay $0x1  }
0x2f7: {  	v2 =	vadd.s32 $0x3800, v0;
	_ =	sdelay $0x3  }
0x2f8: {  	[tilespmem:s26+$0xB800] =	vst v1  }
0x2f9: {  	v1 =	vld.idx.msk [tilespmem:v2+s22+$0x0], $0xffff;
	_ =	sdelay $0x1  }
0x2fa: {  	v2 =	vadd.s32 $0x3C00, v0;
	_ =	sdelay $0x3  }
0x2fb: {  	[tilespmem:s26+$0xBC00] =	vst v1  }
0x2fc: {  	v1 =	vld.idx.msk [tilespmem:v2+s22+$0x0], $0xffff;
	_ =	sdelay $0x1  }
0x2fd: {  	v2 =	vadd.s32 $0x4000, v0;
	_ =	sdelay $0x3  }
0x2fe: {  	[tilespmem:s26+$0xC000] =	vst v1  }
0x2ff: {  	v1 =	vld.idx.msk [tilespmem:v2+s22+$0x0], $0xffff;
	_ =	sdelay $0x1  }
0x300: {  	v2 =	vadd.s32 $0x4400, v0;
	_ =	sdelay $0x3  }
0x301: {  	[tilespmem:s26+$0xC400] =	vst v1  }
0x302: {  	v1 =	vld.idx.msk [tilespmem:v2+s22+$0x0], $0xffff;
	_ =	sdelay $0x1  }
0x303: {  	v2 =	vadd.s32 $0x4800, v0;
	_ =	sdelay $0x3  }
0x304: {  	[tilespmem:s26+$0xC800] =	vst v1  }
0x305: {  	v1 =	vld.idx.msk [tilespmem:v2+s22+$0x0], $0xffff;
	_ =	sdelay $0x1  }
0x306: {  	v2 =	vadd.s32 $0x4C00, v0;
	_ =	sdelay $0x3  }
0x307: {  	[tilespmem:s26+$0xCC00] =	vst v1  }
0x308: {  	v1 =	vld.idx.msk [tilespmem:v2+s22+$0x0], $0xffff;
	_ =	sdelay $0x1  }
0x309: {  	v2 =	vadd.s32 $0x5000, v0;
	_ =	sdelay $0x3  }
0x30a: {  	[tilespmem:s26+$0xD000] =	vst v1  }
0x30b: {  	v1 =	vld.idx.msk [tilespmem:v2+s22+$0x0], $0xffff;
	_ =	sdelay $0x1  }
0x30c: {  	v2 =	vadd.s32 $0x5400, v0;
	_ =	sdelay $0x3  }
0x30d: {  	[tilespmem:s26+$0xD400] =	vst v1  }
0x30e: {  	v1 =	vld.idx.msk [tilespmem:v2+s22+$0x0], $0xffff;
	_ =	sdelay $0x1  }
0x30f: {  	v2 =	vadd.s32 $0x5800, v0;
	_ =	sdelay $0x3  }
0x310: {  	[tilespmem:s26+$0xD800] =	vst v1  }
0x311: {  	v1 =	vld.idx.msk [tilespmem:v2+s22+$0x0], $0xffff;
	_ =	sdelay $0x1  }
0x312: {  	v2 =	vadd.s32 $0x5C00, v0;
	_ =	sdelay $0x3  }
0x313: {  	[tilespmem:s26+$0xDC00] =	vst v1  }
0x314: {  	v1 =	vld.idx.msk [tilespmem:v2+s22+$0x0], $0xffff;
	_ =	sdelay $0x1  }
0x315: {  	v2 =	vadd.s32 $0x6000, v0;
	_ =	sdelay $0x3  }
0x316: {  	[tilespmem:s26+$0xE000] =	vst v1  }
0x317: {  	v1 =	vld.idx.msk [tilespmem:v2+s22+$0x0], $0xffff;
	_ =	sdelay $0x1  }
0x318: {  	v2 =	vadd.s32 $0x6400, v0;
	_ =	sdelay $0x3  }
0x319: {  	[tilespmem:s26+$0xE400] =	vst v1  }
0x31a: {  	v1 =	vld.idx.msk [tilespmem:v2+s22+$0x0], $0xffff;
	_ =	sdelay $0x1  }
0x31b: {  	v2 =	vadd.s32 $0x6800, v0;
	_ =	sdelay $0x3  }
0x31c: {  	[tilespmem:s26+$0xE800] =	vst v1  }
0x31d: {  	v1 =	vld.idx.msk [tilespmem:v2+s22+$0x0], $0xffff;
	_ =	sdelay $0x1  }
0x31e: {  	v2 =	vadd.s32 $0x6C00, v0;
	_ =	sdelay $0x3  }
0x31f: {  	[tilespmem:s26+$0xEC00] =	vst v1  }
0x320: {  	v1 =	vld.idx.msk [tilespmem:v2+s22+$0x0], $0xffff;
	_ =	sdelay $0x1  }
0x321: {  	v2 =	vadd.s32 $0x7000, v0;
	_ =	sdelay $0x3  }
0x322: {  	[tilespmem:s26+$0xF000] =	vst v1  }
0x323: {  	v1 =	vld.idx.msk [tilespmem:v2+s22+$0x0], $0xffff;
	_ =	sdelay $0x1  }
0x324: {  	v2 =	vadd.s32 $0x7400, v0;
	_ =	sdelay $0x3  }
0x325: {  	[tilespmem:s26+$0xF400] =	vst v1  }
0x326: {  	v1 =	vld.idx.msk [tilespmem:v2+s22+$0x0], $0xffff;
	_ =	sdelay $0x1  }
0x327: {  	v2 =	vadd.s32 $0x7800, v0;
	_ =	sdelay $0x3  }
0x328: {  	[tilespmem:s26+$0xF800] =	vst v1  }
0x329: {  	v1 =	vld.idx.msk [tilespmem:v2+s22+$0x0], $0xffff  }
.Ltmp2:
0x32a: {  	(pc) =	sbr.rel @p0 .LBB2_6-.Ltmp2, $2  }
0x32b: {  	v2 =	vadd.s32 $0x7C00, v0;
	_ =	sdelay $0x2  }
0x32c: {  	s29 =	sshra.s32 s28, $0x2;
	s28 =	sadd.s32 $0x40, s28  }
0x32d: {  	_ =	sdelay $0x1  }
0x32e: {  	v0 =	vld [tilespmem:s29+$0x0]  }
0x32f: {  	[tilespmem:s26+$0xFC00] =	vst v1  }
0x330: {  	v1 =	vld.idx.msk [tilespmem:v2+s22+$0x0], $0xffff;
	_ =	sdelay $0x4  }
0x331: {  	[tilespmem:s26+$0x10000] =	vst v1  }
0x332: {  	v1 =	vld.idx.msk [tilespmem:v0+s22+$0x0], $0xffff  }
0x333: {  	v2 =	vadd.s32 $0x400, v0;
	_ =	sdelay $0x3  }
0x334: {  	[tilespmem:s29+$0x8400] =	vst v1  }
0x335: {  	v1 =	vld.idx.msk [tilespmem:v2+s22+$0x0], $0xffff  }
0x336: {  	v2 =	vadd.s32 $0x800, v0;
	_ =	sdelay $0x3  }
0x337: {  	[tilespmem:s29+$0x8800] =	vst v1  }
0x338: {  	v1 =	vld.idx.msk [tilespmem:v2+s22+$0x0], $0xffff  }
0x339: {  	v2 =	vadd.s32 $0xC00, v0;
	_ =	sdelay $0x3  }
0x33a: {  	[tilespmem:s29+$0x8C00] =	vst v1  }
0x33b: {  	v1 =	vld.idx.msk [tilespmem:v2+s22+$0x0], $0xffff  }
0x33c: {  	v2 =	vadd.s32 $0x1000, v0;
	_ =	sdelay $0x3  }
0x33d: {  	[tilespmem:s29+$0x9000] =	vst v1  }
0x33e: {  	v1 =	vld.idx.msk [tilespmem:v2+s22+$0x0], $0xffff  }
0x33f: {  	v2 =	vadd.s32 $0x1400, v0;
	_ =	sdelay $0x3  }
0x340: {  	[tilespmem:s29+$0x9400] =	vst v1  }
0x341: {  	v1 =	vld.idx.msk [tilespmem:v2+s22+$0x0], $0xffff  }
0x342: {  	v2 =	vadd.s32 $0x1800, v0;
	_ =	sdelay $0x3  }
0x343: {  	[tilespmem:s29+$0x9800] =	vst v1  }
0x344: {  	v1 =	vld.idx.msk [tilespmem:v2+s22+$0x0], $0xffff  }
0x345: {  	v2 =	vadd.s32 $0x1C00, v0;
	_ =	sdelay $0x3  }
0x346: {  	[tilespmem:s29+$0x9C00] =	vst v1  }
0x347: {  	v1 =	vld.idx.msk [tilespmem:v2+s22+$0x0], $0xffff  }
0x348: {  	v2 =	vadd.s32 $0x2000, v0;
	_ =	sdelay $0x3  }
0x349: {  	[tilespmem:s29+$0xA000] =	vst v1  }
0x34a: {  	v1 =	vld.idx.msk [tilespmem:v2+s22+$0x0], $0xffff  }
0x34b: {  	v2 =	vadd.s32 $0x2400, v0;
	_ =	sdelay $0x3  }
0x34c: {  	[tilespmem:s29+$0xA400] =	vst v1  }
0x34d: {  	v1 =	vld.idx.msk [tilespmem:v2+s22+$0x0], $0xffff  }
0x34e: {  	v2 =	vadd.s32 $0x2800, v0;
	_ =	sdelay $0x3  }
0x34f: {  	[tilespmem:s29+$0xA800] =	vst v1  }
0x350: {  	v1 =	vld.idx.msk [tilespmem:v2+s22+$0x0], $0xffff  }
0x351: {  	v2 =	vadd.s32 $0x2C00, v0;
	_ =	sdelay $0x3  }
0x352: {  	[tilespmem:s29+$0xAC00] =	vst v1  }
0x353: {  	v1 =	vld.idx.msk [tilespmem:v2+s22+$0x0], $0xffff  }
0x354: {  	v2 =	vadd.s32 $0x3000, v0;
	_ =	sdelay $0x3  }
0x355: {  	[tilespmem:s29+$0xB000] =	vst v1  }
0x356: {  	v1 =	vld.idx.msk [tilespmem:v2+s22+$0x0], $0xffff  }
0x357: {  	v2 =	vadd.s32 $0x3400, v0;
	_ =	sdelay $0x3  }
0x358: {  	[tilespmem:s29+$0xB400] =	vst v1  }
0x359: {  	v1 =	vld.idx.msk [tilespmem:v2+s22+$0x0], $0xffff  }
0x35a: {  	v2 =	vadd.s32 $0x3800, v0;
	_ =	sdelay $0x3  }
0x35b: {  	[tilespmem:s29+$0xB800] =	vst v1  }
0x35c: {  	v1 =	vld.idx.msk [tilespmem:v2+s22+$0x0], $0xffff  }
0x35d: {  	v2 =	vadd.s32 $0x3C00, v0;
	_ =	sdelay $0x3  }
0x35e: {  	[tilespmem:s29+$0xBC00] =	vst v1  }
0x35f: {  	v1 =	vld.idx.msk [tilespmem:v2+s22+$0x0], $0xffff  }
0x360: {  	v2 =	vadd.s32 $0x4000, v0;
	_ =	sdelay $0x3  }
0x361: {  	[tilespmem:s29+$0xC000] =	vst v1  }
0x362: {  	v1 =	vld.idx.msk [tilespmem:v2+s22+$0x0], $0xffff  }
0x363: {  	v2 =	vadd.s32 $0x4400, v0;
	_ =	sdelay $0x3  }
0x364: {  	[tilespmem:s29+$0xC400] =	vst v1  }
0x365: {  	v1 =	vld.idx.msk [tilespmem:v2+s22+$0x0], $0xffff  }
0x366: {  	v2 =	vadd.s32 $0x4800, v0;
	_ =	sdelay $0x3  }
0x367: {  	[tilespmem:s29+$0xC800] =	vst v1  }
0x368: {  	v1 =	vld.idx.msk [tilespmem:v2+s22+$0x0], $0xffff  }
0x369: {  	v2 =	vadd.s32 $0x4C00, v0;
	_ =	sdelay $0x3  }
0x36a: {  	[tilespmem:s29+$0xCC00] =	vst v1  }
0x36b: {  	v1 =	vld.idx.msk [tilespmem:v2+s22+$0x0], $0xffff  }
0x36c: {  	v2 =	vadd.s32 $0x5000, v0;
	_ =	sdelay $0x3  }
0x36d: {  	[tilespmem:s29+$0xD000] =	vst v1  }
0x36e: {  	v1 =	vld.idx.msk [tilespmem:v2+s22+$0x0], $0xffff  }
0x36f: {  	v2 =	vadd.s32 $0x5400, v0;
	_ =	sdelay $0x3  }
0x370: {  	[tilespmem:s29+$0xD400] =	vst v1  }
0x371: {  	v1 =	vld.idx.msk [tilespmem:v2+s22+$0x0], $0xffff  }
0x372: {  	v2 =	vadd.s32 $0x5800, v0;
	_ =	sdelay $0x3  }
0x373: {  	[tilespmem:s29+$0xD800] =	vst v1  }
0x374: {  	v1 =	vld.idx.msk [tilespmem:v2+s22+$0x0], $0xffff  }
0x375: {  	v2 =	vadd.s32 $0x5C00, v0;
	_ =	sdelay $0x3  }
0x376: {  	[tilespmem:s29+$0xDC00] =	vst v1  }
0x377: {  	v1 =	vld.idx.msk [tilespmem:v2+s22+$0x0], $0xffff  }
0x378: {  	v2 =	vadd.s32 $0x6000, v0;
	_ =	sdelay $0x3  }
0x379: {  	[tilespmem:s29+$0xE000] =	vst v1  }
0x37a: {  	v1 =	vld.idx.msk [tilespmem:v2+s22+$0x0], $0xffff  }
0x37b: {  	v2 =	vadd.s32 $0x6400, v0;
	_ =	sdelay $0x3  }
0x37c: {  	[tilespmem:s29+$0xE400] =	vst v1  }
0x37d: {  	v1 =	vld.idx.msk [tilespmem:v2+s22+$0x0], $0xffff  }
0x37e: {  	v2 =	vadd.s32 $0x6800, v0;
	_ =	sdelay $0x3  }
0x37f: {  	[tilespmem:s29+$0xE800] =	vst v1  }
0x380: {  	v1 =	vld.idx.msk [tilespmem:v2+s22+$0x0], $0xffff  }
0x381: {  	v2 =	vadd.s32 $0x6C00, v0;
	_ =	sdelay $0x3  }
0x382: {  	[tilespmem:s29+$0xEC00] =	vst v1  }
0x383: {  	v1 =	vld.idx.msk [tilespmem:v2+s22+$0x0], $0xffff  }
0x384: {  	v2 =	vadd.s32 $0x7000, v0;
	_ =	sdelay $0x3  }
0x385: {  	[tilespmem:s29+$0xF000] =	vst v1  }
0x386: {  	v1 =	vld.idx.msk [tilespmem:v2+s22+$0x0], $0xffff  }
0x387: {  	v2 =	vadd.s32 $0x7400, v0;
	_ =	sdelay $0x3  }
0x388: {  	[tilespmem:s29+$0xF400] =	vst v1  }
0x389: {  	v1 =	vld.idx.msk [tilespmem:v2+s22+$0x0], $0xffff  }
0x38a: {  	v2 =	vadd.s32 $0x7800, v0;
	_ =	sdelay $0x3  }
0x38b: {  	[tilespmem:s29+$0xF800] =	vst v1  }
0x38c: {  	v1 =	vld.idx.msk [tilespmem:v2+s22+$0x0], $0xffff  }
0x38d: {  	v0 =	vadd.s32 $0x7C00, v0;
	_ =	sdelay $0x3  }
0x38e: {  	[tilespmem:s29+$0xFC00] =	vst v1  }
0x38f: {  	v0 =	vld.idx.msk [tilespmem:v0+s22+$0x0], $0xffff;
	_ =	sdelay $0x4  }
0x390: {  	[tilespmem:s29+$0x10000] =	vst v0  }
0x391: {  	[hbm4b:s9+s22] =	stream.strided.scatter [tilespmem:s24], [sflag:$0x1], $0x8000, s23, s22, $0x38;
	[tilespmem:$0x10400] =	vst v63  }
0x392: {  	_ =	swait.ge [sflag:s21], $0x8000  }
0x393: {  	[sflag:s21] =	ssyncset.done $0x0  }
0x394: {  	s31 =	simm.s32 $0x0;
	[sflag:s21] =	ssyncadd.s32 $0xFFFF8000  }
0x395: {  	[tilespmem:s22], [sflag:$0x1] =	stream.linear.gather [hbm4b:s10+s31], $0x8000, $0x38;
	[tilespmem:$0x10400] =	vst v63  }
0x396: {  	_ =	swait.ge [sflag:s21], $0x8000  }
0x397: {  	[sflag:s21] =	ssyncset.done $0x0  }
0x398: {  	s26 =	simm.s32 $0x0;
	[sflag:s21] =	ssyncadd.s32 $0xFFFF8000  }
0x399: {  	v0 =	vld [tilespmem:s26+$0x0];
	_ =	sdelay $0x7  }
0x39a: {  	v1 =	vld.idx.msk [tilespmem:v0+s22+$0x0], $0xffff  }
0x39b: {  	v2 =	vadd.s32 $0x400, v0;
	_ =	sdelay $0x3  }
0x39c: {  	[tilespmem:s26+$0x8400] =	vst v1  }
0x39d: {  	v1 =	vld.idx.msk [tilespmem:v2+s22+$0x0], $0xffff  }
0x39e: {  	v2 =	vadd.s32 $0x800, v0;
	_ =	sdelay $0x3  }
0x39f: {  	[tilespmem:s26+$0x8800] =	vst v1  }
0x3a0: {  	v1 =	vld.idx.msk [tilespmem:v2+s22+$0x0], $0xffff  }
0x3a1: {  	v2 =	vadd.s32 $0xC00, v0;
	_ =	sdelay $0x3  }
0x3a2: {  	[tilespmem:s26+$0x8C00] =	vst v1  }
0x3a3: {  	v1 =	vld.idx.msk [tilespmem:v2+s22+$0x0], $0xffff  }
0x3a4: {  	v2 =	vadd.s32 $0x1000, v0;
	_ =	sdelay $0x3  }
0x3a5: {  	[tilespmem:s26+$0x9000] =	vst v1  }
0x3a6: {  	v1 =	vld.idx.msk [tilespmem:v2+s22+$0x0], $0xffff  }
0x3a7: {  	v2 =	vadd.s32 $0x1400, v0;
	_ =	sdelay $0x3  }
0x3a8: {  	[tilespmem:s26+$0x9400] =	vst v1  }
0x3a9: {  	v1 =	vld.idx.msk [tilespmem:v2+s22+$0x0], $0xffff  }
0x3aa: {  	v2 =	vadd.s32 $0x1800, v0;
	_ =	sdelay $0x3  }
0x3ab: {  	[tilespmem:s26+$0x9800] =	vst v1  }
0x3ac: {  	v1 =	vld.idx.msk [tilespmem:v2+s22+$0x0], $0xffff  }
0x3ad: {  	v2 =	vadd.s32 $0x1C00, v0;
	_ =	sdelay $0x3  }
0x3ae: {  	[tilespmem:s26+$0x9C00] =	vst v1  }
0x3af: {  	v1 =	vld.idx.msk [tilespmem:v2+s22+$0x0], $0xffff  }
0x3b0: {  	v2 =	vadd.s32 $0x2000, v0;
	_ =	sdelay $0x3  }
0x3b1: {  	[tilespmem:s26+$0xA000] =	vst v1  }
0x3b2: {  	v1 =	vld.idx.msk [tilespmem:v2+s22+$0x0], $0xffff  }
0x3b3: {  	v2 =	vadd.s32 $0x2400, v0;
	_ =	sdelay $0x3  }
0x3b4: {  	[tilespmem:s26+$0xA400] =	vst v1  }
0x3b5: {  	v1 =	vld.idx.msk [tilespmem:v2+s22+$0x0], $0xffff  }
0x3b6: {  	v2 =	vadd.s32 $0x2800, v0;
	_ =	sdelay $0x3  }
0x3b7: {  	[tilespmem:s26+$0xA800] =	vst v1  }
0x3b8: {  	v1 =	vld.idx.msk [tilespmem:v2+s22+$0x0], $0xffff  }
0x3b9: {  	v2 =	vadd.s32 $0x2C00, v0;
	_ =	sdelay $0x3  }
0x3ba: {  	[tilespmem:s26+$0xAC00] =	vst v1  }
0x3bb: {  	v1 =	vld.idx.msk [tilespmem:v2+s22+$0x0], $0xffff  }
0x3bc: {  	v2 =	vadd.s32 $0x3000, v0;
	_ =	sdelay $0x3  }
0x3bd: {  	[tilespmem:s26+$0xB000] =	vst v1  }
0x3be: {  	v1 =	vld.idx.msk [tilespmem:v2+s22+$0x0], $0xffff  }
0x3bf: {  	v2 =	vadd.s32 $0x3400, v0;
	_ =	sdelay $0x3  }
0x3c0: {  	[tilespmem:s26+$0xB400] =	vst v1  }
0x3c1: {  	v1 =	vld.idx.msk [tilespmem:v2+s22+$0x0], $0xffff  }
0x3c2: {  	v2 =	vadd.s32 $0x3800, v0;
	_ =	sdelay $0x3  }
0x3c3: {  	[tilespmem:s26+$0xB800] =	vst v1  }
0x3c4: {  	v1 =	vld.idx.msk [tilespmem:v2+s22+$0x0], $0xffff  }
0x3c5: {  	v2 =	vadd.s32 $0x3C00, v0;
	_ =	sdelay $0x3  }
0x3c6: {  	[tilespmem:s26+$0xBC00] =	vst v1  }
0x3c7: {  	v1 =	vld.idx.msk [tilespmem:v2+s22+$0x0], $0xffff  }
0x3c8: {  	v2 =	vadd.s32 $0x4000, v0;
	_ =	sdelay $0x3  }
0x3c9: {  	[tilespmem:s26+$0xC000] =	vst v1  }
0x3ca: {  	v1 =	vld.idx.msk [tilespmem:v2+s22+$0x0], $0xffff  }
0x3cb: {  	v2 =	vadd.s32 $0x4400, v0;
	_ =	sdelay $0x3  }
0x3cc: {  	[tilespmem:s26+$0xC400] =	vst v1  }
0x3cd: {  	v1 =	vld.idx.msk [tilespmem:v2+s22+$0x0], $0xffff  }
0x3ce: {  	v2 =	vadd.s32 $0x4800, v0;
	_ =	sdelay $0x3  }
0x3cf: {  	[tilespmem:s26+$0xC800] =	vst v1  }
0x3d0: {  	v1 =	vld.idx.msk [tilespmem:v2+s22+$0x0], $0xffff  }
0x3d1: {  	v2 =	vadd.s32 $0x4C00, v0;
	_ =	sdelay $0x3  }
0x3d2: {  	[tilespmem:s26+$0xCC00] =	vst v1  }
0x3d3: {  	v1 =	vld.idx.msk [tilespmem:v2+s22+$0x0], $0xffff  }
0x3d4: {  	v2 =	vadd.s32 $0x5000, v0;
	_ =	sdelay $0x3  }
0x3d5: {  	[tilespmem:s26+$0xD000] =	vst v1  }
0x3d6: {  	v1 =	vld.idx.msk [tilespmem:v2+s22+$0x0], $0xffff  }
0x3d7: {  	v2 =	vadd.s32 $0x5400, v0;
	_ =	sdelay $0x3  }
0x3d8: {  	[tilespmem:s26+$0xD400] =	vst v1  }
0x3d9: {  	v1 =	vld.idx.msk [tilespmem:v2+s22+$0x0], $0xffff  }
0x3da: {  	v2 =	vadd.s32 $0x5800, v0;
	_ =	sdelay $0x3  }
0x3db: {  	[tilespmem:s26+$0xD800] =	vst v1  }
0x3dc: {  	v1 =	vld.idx.msk [tilespmem:v2+s22+$0x0], $0xffff  }
0x3dd: {  	v2 =	vadd.s32 $0x5C00, v0;
	_ =	sdelay $0x3  }
0x3de: {  	[tilespmem:s26+$0xDC00] =	vst v1  }
0x3df: {  	v1 =	vld.idx.msk [tilespmem:v2+s22+$0x0], $0xffff  }
0x3e0: {  	v2 =	vadd.s32 $0x6000, v0;
	_ =	sdelay $0x3  }
0x3e1: {  	[tilespmem:s26+$0xE000] =	vst v1  }
0x3e2: {  	v1 =	vld.idx.msk [tilespmem:v2+s22+$0x0], $0xffff  }
0x3e3: {  	v2 =	vadd.s32 $0x6400, v0;
	_ =	sdelay $0x3  }
0x3e4: {  	[tilespmem:s26+$0xE400] =	vst v1  }
0x3e5: {  	v1 =	vld.idx.msk [tilespmem:v2+s22+$0x0], $0xffff  }
0x3e6: {  	v2 =	vadd.s32 $0x6800, v0;
	_ =	sdelay $0x3  }
0x3e7: {  	[tilespmem:s26+$0xE800] =	vst v1  }
0x3e8: {  	v1 =	vld.idx.msk [tilespmem:v2+s22+$0x0], $0xffff  }
0x3e9: {  	v2 =	vadd.s32 $0x6C00, v0;
	_ =	sdelay $0x3  }
0x3ea: {  	[tilespmem:s26+$0xEC00] =	vst v1  }
0x3eb: {  	v1 =	vld.idx.msk [tilespmem:v2+s22+$0x0], $0xffff  }
0x3ec: {  	v2 =	vadd.s32 $0x7000, v0;
	_ =	sdelay $0x3  }
0x3ed: {  	[tilespmem:s26+$0xF000] =	vst v1  }
0x3ee: {  	v1 =	vld.idx.msk [tilespmem:v2+s22+$0x0], $0xffff  }
0x3ef: {  	v2 =	vadd.s32 $0x7400, v0;
	_ =	sdelay $0x3  }
0x3f0: {  	[tilespmem:s26+$0xF400] =	vst v1  }
0x3f1: {  	v1 =	vld.idx.msk [tilespmem:v2+s22+$0x0], $0xffff  }
0x3f2: {  	v2 =	vadd.s32 $0x7800, v0;
	_ =	sdelay $0x3  }
0x3f3: {  	[tilespmem:s26+$0xF800] =	vst v1  }
0x3f4: {  	v1 =	vld.idx.msk [tilespmem:v2+s22+$0x0], $0xffff  }
0x3f5: {  	v2 =	vadd.s32 $0x7C00, v0;
	_ =	sdelay $0x2  }
0x3f6: {  	s28 =	simm.s32 $0x80;
	s29 =	simm.s32 $0x10  }
.LBB2_8:
0x3f7: {  	p0 =	sne.s32 s28, $0xFC0;
	v0 =	vld [tilespmem:s29+$0x0];
	[tilespmem:s26+$0xFC00] =	vst v1  }
0x3f8: {  	v1 =	vld.idx.msk [tilespmem:v2+s22+$0x0], $0xffff;
	_ =	sdelay $0x5  }
0x3f9: {  	[tilespmem:s26+$0x10000] =	vst v1;
	s26 =	smov.u32 s29  }
0x3fa: {  	v1 =	vld.idx.msk [tilespmem:v0+s22+$0x0], $0xffff;
	_ =	sdelay $0x1  }
0x3fb: {  	v2 =	vadd.s32 $0x400, v0;
	_ =	sdelay $0x3  }
0x3fc: {  	[tilespmem:s26+$0x8400] =	vst v1  }
0x3fd: {  	v1 =	vld.idx.msk [tilespmem:v2+s22+$0x0], $0xffff;
	_ =	sdelay $0x1  }
0x3fe: {  	v2 =	vadd.s32 $0x800, v0;
	_ =	sdelay $0x3  }
0x3ff: {  	[tilespmem:s26+$0x8800] =	vst v1  }
0x400: {  	v1 =	vld.idx.msk [tilespmem:v2+s22+$0x0], $0xffff;
	_ =	sdelay $0x1  }
0x401: {  	v2 =	vadd.s32 $0xC00, v0;
	_ =	sdelay $0x3  }
0x402: {  	[tilespmem:s26+$0x8C00] =	vst v1  }
0x403: {  	v1 =	vld.idx.msk [tilespmem:v2+s22+$0x0], $0xffff;
	_ =	sdelay $0x1  }
0x404: {  	v2 =	vadd.s32 $0x1000, v0;
	_ =	sdelay $0x3  }
0x405: {  	[tilespmem:s26+$0x9000] =	vst v1  }
0x406: {  	v1 =	vld.idx.msk [tilespmem:v2+s22+$0x0], $0xffff;
	_ =	sdelay $0x1  }
0x407: {  	v2 =	vadd.s32 $0x1400, v0;
	_ =	sdelay $0x3  }
0x408: {  	[tilespmem:s26+$0x9400] =	vst v1  }
0x409: {  	v1 =	vld.idx.msk [tilespmem:v2+s22+$0x0], $0xffff;
	_ =	sdelay $0x1  }
0x40a: {  	v2 =	vadd.s32 $0x1800, v0;
	_ =	sdelay $0x3  }
0x40b: {  	[tilespmem:s26+$0x9800] =	vst v1  }
0x40c: {  	v1 =	vld.idx.msk [tilespmem:v2+s22+$0x0], $0xffff;
	_ =	sdelay $0x1  }
0x40d: {  	v2 =	vadd.s32 $0x1C00, v0;
	_ =	sdelay $0x3  }
0x40e: {  	[tilespmem:s26+$0x9C00] =	vst v1  }
0x40f: {  	v1 =	vld.idx.msk [tilespmem:v2+s22+$0x0], $0xffff;
	_ =	sdelay $0x1  }
0x410: {  	v2 =	vadd.s32 $0x2000, v0;
	_ =	sdelay $0x3  }
0x411: {  	[tilespmem:s26+$0xA000] =	vst v1  }
0x412: {  	v1 =	vld.idx.msk [tilespmem:v2+s22+$0x0], $0xffff;
	_ =	sdelay $0x1  }
0x413: {  	v2 =	vadd.s32 $0x2400, v0;
	_ =	sdelay $0x3  }
0x414: {  	[tilespmem:s26+$0xA400] =	vst v1  }
0x415: {  	v1 =	vld.idx.msk [tilespmem:v2+s22+$0x0], $0xffff;
	_ =	sdelay $0x1  }
0x416: {  	v2 =	vadd.s32 $0x2800, v0;
	_ =	sdelay $0x3  }
0x417: {  	[tilespmem:s26+$0xA800] =	vst v1  }
0x418: {  	v1 =	vld.idx.msk [tilespmem:v2+s22+$0x0], $0xffff;
	_ =	sdelay $0x1  }
0x419: {  	v2 =	vadd.s32 $0x2C00, v0;
	_ =	sdelay $0x3  }
0x41a: {  	[tilespmem:s26+$0xAC00] =	vst v1  }
0x41b: {  	v1 =	vld.idx.msk [tilespmem:v2+s22+$0x0], $0xffff;
	_ =	sdelay $0x1  }
0x41c: {  	v2 =	vadd.s32 $0x3000, v0;
	_ =	sdelay $0x3  }
0x41d: {  	[tilespmem:s26+$0xB000] =	vst v1  }
0x41e: {  	v1 =	vld.idx.msk [tilespmem:v2+s22+$0x0], $0xffff;
	_ =	sdelay $0x1  }
0x41f: {  	v2 =	vadd.s32 $0x3400, v0;
	_ =	sdelay $0x3  }
0x420: {  	[tilespmem:s26+$0xB400] =	vst v1  }
0x421: {  	v1 =	vld.idx.msk [tilespmem:v2+s22+$0x0], $0xffff;
	_ =	sdelay $0x1  }
0x422: {  	v2 =	vadd.s32 $0x3800, v0;
	_ =	sdelay $0x3  }
0x423: {  	[tilespmem:s26+$0xB800] =	vst v1  }
0x424: {  	v1 =	vld.idx.msk [tilespmem:v2+s22+$0x0], $0xffff;
	_ =	sdelay $0x1  }
0x425: {  	v2 =	vadd.s32 $0x3C00, v0;
	_ =	sdelay $0x3  }
0x426: {  	[tilespmem:s26+$0xBC00] =	vst v1  }
0x427: {  	v1 =	vld.idx.msk [tilespmem:v2+s22+$0x0], $0xffff;
	_ =	sdelay $0x1  }
0x428: {  	v2 =	vadd.s32 $0x4000, v0;
	_ =	sdelay $0x3  }
0x429: {  	[tilespmem:s26+$0xC000] =	vst v1  }
0x42a: {  	v1 =	vld.idx.msk [tilespmem:v2+s22+$0x0], $0xffff;
	_ =	sdelay $0x1  }
0x42b: {  	v2 =	vadd.s32 $0x4400, v0;
	_ =	sdelay $0x3  }
0x42c: {  	[tilespmem:s26+$0xC400] =	vst v1  }
0x42d: {  	v1 =	vld.idx.msk [tilespmem:v2+s22+$0x0], $0xffff;
	_ =	sdelay $0x1  }
0x42e: {  	v2 =	vadd.s32 $0x4800, v0;
	_ =	sdelay $0x3  }
0x42f: {  	[tilespmem:s26+$0xC800] =	vst v1  }
0x430: {  	v1 =	vld.idx.msk [tilespmem:v2+s22+$0x0], $0xffff;
	_ =	sdelay $0x1  }
0x431: {  	v2 =	vadd.s32 $0x4C00, v0;
	_ =	sdelay $0x3  }
0x432: {  	[tilespmem:s26+$0xCC00] =	vst v1  }
0x433: {  	v1 =	vld.idx.msk [tilespmem:v2+s22+$0x0], $0xffff;
	_ =	sdelay $0x1  }
0x434: {  	v2 =	vadd.s32 $0x5000, v0;
	_ =	sdelay $0x3  }
0x435: {  	[tilespmem:s26+$0xD000] =	vst v1  }
0x436: {  	v1 =	vld.idx.msk [tilespmem:v2+s22+$0x0], $0xffff;
	_ =	sdelay $0x1  }
0x437: {  	v2 =	vadd.s32 $0x5400, v0;
	_ =	sdelay $0x3  }
0x438: {  	[tilespmem:s26+$0xD400] =	vst v1  }
0x439: {  	v1 =	vld.idx.msk [tilespmem:v2+s22+$0x0], $0xffff;
	_ =	sdelay $0x1  }
0x43a: {  	v2 =	vadd.s32 $0x5800, v0;
	_ =	sdelay $0x3  }
0x43b: {  	[tilespmem:s26+$0xD800] =	vst v1  }
0x43c: {  	v1 =	vld.idx.msk [tilespmem:v2+s22+$0x0], $0xffff;
	_ =	sdelay $0x1  }
0x43d: {  	v2 =	vadd.s32 $0x5C00, v0;
	_ =	sdelay $0x3  }
0x43e: {  	[tilespmem:s26+$0xDC00] =	vst v1  }
0x43f: {  	v1 =	vld.idx.msk [tilespmem:v2+s22+$0x0], $0xffff;
	_ =	sdelay $0x1  }
0x440: {  	v2 =	vadd.s32 $0x6000, v0;
	_ =	sdelay $0x3  }
0x441: {  	[tilespmem:s26+$0xE000] =	vst v1  }
0x442: {  	v1 =	vld.idx.msk [tilespmem:v2+s22+$0x0], $0xffff;
	_ =	sdelay $0x1  }
0x443: {  	v2 =	vadd.s32 $0x6400, v0;
	_ =	sdelay $0x3  }
0x444: {  	[tilespmem:s26+$0xE400] =	vst v1  }
0x445: {  	v1 =	vld.idx.msk [tilespmem:v2+s22+$0x0], $0xffff;
	_ =	sdelay $0x1  }
0x446: {  	v2 =	vadd.s32 $0x6800, v0;
	_ =	sdelay $0x3  }
0x447: {  	[tilespmem:s26+$0xE800] =	vst v1  }
0x448: {  	v1 =	vld.idx.msk [tilespmem:v2+s22+$0x0], $0xffff;
	_ =	sdelay $0x1  }
0x449: {  	v2 =	vadd.s32 $0x6C00, v0;
	_ =	sdelay $0x3  }
0x44a: {  	[tilespmem:s26+$0xEC00] =	vst v1  }
0x44b: {  	v1 =	vld.idx.msk [tilespmem:v2+s22+$0x0], $0xffff;
	_ =	sdelay $0x1  }
0x44c: {  	v2 =	vadd.s32 $0x7000, v0;
	_ =	sdelay $0x3  }
0x44d: {  	[tilespmem:s26+$0xF000] =	vst v1  }
0x44e: {  	v1 =	vld.idx.msk [tilespmem:v2+s22+$0x0], $0xffff;
	_ =	sdelay $0x1  }
0x44f: {  	v2 =	vadd.s32 $0x7400, v0;
	_ =	sdelay $0x3  }
0x450: {  	[tilespmem:s26+$0xF400] =	vst v1  }
0x451: {  	v1 =	vld.idx.msk [tilespmem:v2+s22+$0x0], $0xffff;
	_ =	sdelay $0x1  }
0x452: {  	v2 =	vadd.s32 $0x7800, v0;
	_ =	sdelay $0x3  }
0x453: {  	[tilespmem:s26+$0xF800] =	vst v1  }
0x454: {  	v1 =	vld.idx.msk [tilespmem:v2+s22+$0x0], $0xffff  }
.Ltmp3:
0x455: {  	(pc) =	sbr.rel @p0 .LBB2_8-.Ltmp3, $2  }
0x456: {  	v2 =	vadd.s32 $0x7C00, v0;
	_ =	sdelay $0x2  }
0x457: {  	s29 =	sshra.s32 s28, $0x2;
	s28 =	sadd.s32 $0x40, s28  }
0x458: {  	_ =	sdelay $0x1  }
0x459: {  	v0 =	vld [tilespmem:s29+$0x0]  }
0x45a: {  	[tilespmem:s26+$0xFC00] =	vst v1  }
0x45b: {  	v1 =	vld.idx.msk [tilespmem:v2+s22+$0x0], $0xffff;
	_ =	sdelay $0x4  }
0x45c: {  	[tilespmem:s26+$0x10000] =	vst v1  }
0x45d: {  	v1 =	vld.idx.msk [tilespmem:v0+s22+$0x0], $0xffff  }
0x45e: {  	v2 =	vadd.s32 $0x400, v0;
	_ =	sdelay $0x3  }
0x45f: {  	[tilespmem:s29+$0x8400] =	vst v1  }
0x460: {  	v1 =	vld.idx.msk [tilespmem:v2+s22+$0x0], $0xffff  }
0x461: {  	v2 =	vadd.s32 $0x800, v0;
	_ =	sdelay $0x3  }
0x462: {  	[tilespmem:s29+$0x8800] =	vst v1  }
0x463: {  	v1 =	vld.idx.msk [tilespmem:v2+s22+$0x0], $0xffff  }
0x464: {  	v2 =	vadd.s32 $0xC00, v0;
	_ =	sdelay $0x3  }
0x465: {  	[tilespmem:s29+$0x8C00] =	vst v1  }
0x466: {  	v1 =	vld.idx.msk [tilespmem:v2+s22+$0x0], $0xffff  }
0x467: {  	v2 =	vadd.s32 $0x1000, v0;
	_ =	sdelay $0x3  }
0x468: {  	[tilespmem:s29+$0x9000] =	vst v1  }
0x469: {  	v1 =	vld.idx.msk [tilespmem:v2+s22+$0x0], $0xffff  }
0x46a: {  	v2 =	vadd.s32 $0x1400, v0;
	_ =	sdelay $0x3  }
0x46b: {  	[tilespmem:s29+$0x9400] =	vst v1  }
0x46c: {  	v1 =	vld.idx.msk [tilespmem:v2+s22+$0x0], $0xffff  }
0x46d: {  	v2 =	vadd.s32 $0x1800, v0;
	_ =	sdelay $0x3  }
0x46e: {  	[tilespmem:s29+$0x9800] =	vst v1  }
0x46f: {  	v1 =	vld.idx.msk [tilespmem:v2+s22+$0x0], $0xffff  }
0x470: {  	v2 =	vadd.s32 $0x1C00, v0;
	_ =	sdelay $0x3  }
0x471: {  	[tilespmem:s29+$0x9C00] =	vst v1  }
0x472: {  	v1 =	vld.idx.msk [tilespmem:v2+s22+$0x0], $0xffff  }
0x473: {  	v2 =	vadd.s32 $0x2000, v0;
	_ =	sdelay $0x3  }
0x474: {  	[tilespmem:s29+$0xA000] =	vst v1  }
0x475: {  	v1 =	vld.idx.msk [tilespmem:v2+s22+$0x0], $0xffff  }
0x476: {  	v2 =	vadd.s32 $0x2400, v0;
	_ =	sdelay $0x3  }
0x477: {  	[tilespmem:s29+$0xA400] =	vst v1  }
0x478: {  	v1 =	vld.idx.msk [tilespmem:v2+s22+$0x0], $0xffff  }
0x479: {  	v2 =	vadd.s32 $0x2800, v0;
	_ =	sdelay $0x3  }
0x47a: {  	[tilespmem:s29+$0xA800] =	vst v1  }
0x47b: {  	v1 =	vld.idx.msk [tilespmem:v2+s22+$0x0], $0xffff  }
0x47c: {  	v2 =	vadd.s32 $0x2C00, v0;
	_ =	sdelay $0x3  }
0x47d: {  	[tilespmem:s29+$0xAC00] =	vst v1  }
0x47e: {  	v1 =	vld.idx.msk [tilespmem:v2+s22+$0x0], $0xffff  }
0x47f: {  	v2 =	vadd.s32 $0x3000, v0;
	_ =	sdelay $0x3  }
0x480: {  	[tilespmem:s29+$0xB000] =	vst v1  }
0x481: {  	v1 =	vld.idx.msk [tilespmem:v2+s22+$0x0], $0xffff  }
0x482: {  	v2 =	vadd.s32 $0x3400, v0;
	_ =	sdelay $0x3  }
0x483: {  	[tilespmem:s29+$0xB400] =	vst v1  }
0x484: {  	v1 =	vld.idx.msk [tilespmem:v2+s22+$0x0], $0xffff  }
0x485: {  	v2 =	vadd.s32 $0x3800, v0;
	_ =	sdelay $0x3  }
0x486: {  	[tilespmem:s29+$0xB800] =	vst v1  }
0x487: {  	v1 =	vld.idx.msk [tilespmem:v2+s22+$0x0], $0xffff  }
0x488: {  	v2 =	vadd.s32 $0x3C00, v0;
	_ =	sdelay $0x3  }
0x489: {  	[tilespmem:s29+$0xBC00] =	vst v1  }
0x48a: {  	v1 =	vld.idx.msk [tilespmem:v2+s22+$0x0], $0xffff  }
0x48b: {  	v2 =	vadd.s32 $0x4000, v0;
	_ =	sdelay $0x3  }
0x48c: {  	[tilespmem:s29+$0xC000] =	vst v1  }
0x48d: {  	v1 =	vld.idx.msk [tilespmem:v2+s22+$0x0], $0xffff  }
0x48e: {  	v2 =	vadd.s32 $0x4400, v0;
	_ =	sdelay $0x3  }
0x48f: {  	[tilespmem:s29+$0xC400] =	vst v1  }
0x490: {  	v1 =	vld.idx.msk [tilespmem:v2+s22+$0x0], $0xffff  }
0x491: {  	v2 =	vadd.s32 $0x4800, v0;
	_ =	sdelay $0x3  }
0x492: {  	[tilespmem:s29+$0xC800] =	vst v1  }
0x493: {  	v1 =	vld.idx.msk [tilespmem:v2+s22+$0x0], $0xffff  }
0x494: {  	v2 =	vadd.s32 $0x4C00, v0;
	_ =	sdelay $0x3  }
0x495: {  	[tilespmem:s29+$0xCC00] =	vst v1  }
0x496: {  	v1 =	vld.idx.msk [tilespmem:v2+s22+$0x0], $0xffff  }
0x497: {  	v2 =	vadd.s32 $0x5000, v0;
	_ =	sdelay $0x3  }
0x498: {  	[tilespmem:s29+$0xD000] =	vst v1  }
0x499: {  	v1 =	vld.idx.msk [tilespmem:v2+s22+$0x0], $0xffff  }
0x49a: {  	v2 =	vadd.s32 $0x5400, v0;
	_ =	sdelay $0x3  }
0x49b: {  	[tilespmem:s29+$0xD400] =	vst v1  }
0x49c: {  	v1 =	vld.idx.msk [tilespmem:v2+s22+$0x0], $0xffff  }
0x49d: {  	v2 =	vadd.s32 $0x5800, v0;
	_ =	sdelay $0x3  }
0x49e: {  	[tilespmem:s29+$0xD800] =	vst v1  }
0x49f: {  	v1 =	vld.idx.msk [tilespmem:v2+s22+$0x0], $0xffff  }
0x4a0: {  	v2 =	vadd.s32 $0x5C00, v0;
	_ =	sdelay $0x3  }
0x4a1: {  	[tilespmem:s29+$0xDC00] =	vst v1  }
0x4a2: {  	v1 =	vld.idx.msk [tilespmem:v2+s22+$0x0], $0xffff  }
0x4a3: {  	v2 =	vadd.s32 $0x6000, v0;
	_ =	sdelay $0x3  }
0x4a4: {  	[tilespmem:s29+$0xE000] =	vst v1  }
0x4a5: {  	v1 =	vld.idx.msk [tilespmem:v2+s22+$0x0], $0xffff  }
0x4a6: {  	v2 =	vadd.s32 $0x6400, v0;
	_ =	sdelay $0x3  }
0x4a7: {  	[tilespmem:s29+$0xE400] =	vst v1  }
0x4a8: {  	v1 =	vld.idx.msk [tilespmem:v2+s22+$0x0], $0xffff  }
0x4a9: {  	v2 =	vadd.s32 $0x6800, v0;
	_ =	sdelay $0x3  }
0x4aa: {  	[tilespmem:s29+$0xE800] =	vst v1  }
0x4ab: {  	v1 =	vld.idx.msk [tilespmem:v2+s22+$0x0], $0xffff  }
0x4ac: {  	v2 =	vadd.s32 $0x6C00, v0;
	_ =	sdelay $0x3  }
0x4ad: {  	[tilespmem:s29+$0xEC00] =	vst v1  }
0x4ae: {  	v1 =	vld.idx.msk [tilespmem:v2+s22+$0x0], $0xffff  }
0x4af: {  	v2 =	vadd.s32 $0x7000, v0;
	_ =	sdelay $0x3  }
0x4b0: {  	[tilespmem:s29+$0xF000] =	vst v1  }
0x4b1: {  	v1 =	vld.idx.msk [tilespmem:v2+s22+$0x0], $0xffff  }
0x4b2: {  	v2 =	vadd.s32 $0x7400, v0;
	_ =	sdelay $0x3  }
0x4b3: {  	[tilespmem:s29+$0xF400] =	vst v1  }
0x4b4: {  	v1 =	vld.idx.msk [tilespmem:v2+s22+$0x0], $0xffff  }
0x4b5: {  	v2 =	vadd.s32 $0x7800, v0;
	_ =	sdelay $0x3  }
0x4b6: {  	[tilespmem:s29+$0xF800] =	vst v1  }
0x4b7: {  	v1 =	vld.idx.msk [tilespmem:v2+s22+$0x0], $0xffff  }
0x4b8: {  	v0 =	vadd.s32 $0x7C00, v0;
	_ =	sdelay $0x3  }
0x4b9: {  	[tilespmem:s29+$0xFC00] =	vst v1  }
0x4ba: {  	v0 =	vld.idx.msk [tilespmem:v0+s22+$0x0], $0xffff;
	_ =	sdelay $0x4  }
0x4bb: {  	[tilespmem:s29+$0x10000] =	vst v0  }
0x4bc: {  	[hbm4b:s11+s22] =	stream.strided.scatter [tilespmem:s24], [sflag:$0x1], $0x8000, s23, s22, $0x38;
	[tilespmem:$0x10400] =	vst v63  }
0x4bd: {  	_ =	swait.ge [sflag:s21], $0x8000  }
0x4be: {  	[sflag:s21] =	ssyncset.done $0x0  }
0x4bf: {  	s31 =	simm.s32 $0x0;
	[sflag:s21] =	ssyncadd.s32 $0xFFFF8000  }
0x4c0: {  	[tilespmem:s22], [sflag:$0x1] =	stream.linear.gather [hbm4b:s12+s31], $0x8000, $0x38;
	[tilespmem:$0x10400] =	vst v63  }
0x4c1: {  	_ =	swait.ge [sflag:s21], $0x8000  }
0x4c2: {  	[sflag:s21] =	ssyncset.done $0x0  }
0x4c3: {  	s26 =	simm.s32 $0x0;
	[sflag:s21] =	ssyncadd.s32 $0xFFFF8000  }
0x4c4: {  	v0 =	vld [tilespmem:s26+$0x0];
	_ =	sdelay $0x7  }
0x4c5: {  	v1 =	vld.idx.msk [tilespmem:v0+s22+$0x0], $0xffff  }
0x4c6: {  	v2 =	vadd.s32 $0x400, v0;
	_ =	sdelay $0x3  }
0x4c7: {  	[tilespmem:s26+$0x8400] =	vst v1  }
0x4c8: {  	v1 =	vld.idx.msk [tilespmem:v2+s22+$0x0], $0xffff  }
0x4c9: {  	v2 =	vadd.s32 $0x800, v0;
	_ =	sdelay $0x3  }
0x4ca: {  	[tilespmem:s26+$0x8800] =	vst v1  }
0x4cb: {  	v1 =	vld.idx.msk [tilespmem:v2+s22+$0x0], $0xffff  }
0x4cc: {  	v2 =	vadd.s32 $0xC00, v0;
	_ =	sdelay $0x3  }
0x4cd: {  	[tilespmem:s26+$0x8C00] =	vst v1  }
0x4ce: {  	v1 =	vld.idx.msk [tilespmem:v2+s22+$0x0], $0xffff  }
0x4cf: {  	v2 =	vadd.s32 $0x1000, v0;
	_ =	sdelay $0x3  }
0x4d0: {  	[tilespmem:s26+$0x9000] =	vst v1  }
0x4d1: {  	v1 =	vld.idx.msk [tilespmem:v2+s22+$0x0], $0xffff  }
0x4d2: {  	v2 =	vadd.s32 $0x1400, v0;
	_ =	sdelay $0x3  }
0x4d3: {  	[tilespmem:s26+$0x9400] =	vst v1  }
0x4d4: {  	v1 =	vld.idx.msk [tilespmem:v2+s22+$0x0], $0xffff  }
0x4d5: {  	v2 =	vadd.s32 $0x1800, v0;
	_ =	sdelay $0x3  }
0x4d6: {  	[tilespmem:s26+$0x9800] =	vst v1  }
0x4d7: {  	v1 =	vld.idx.msk [tilespmem:v2+s22+$0x0], $0xffff  }
0x4d8: {  	v2 =	vadd.s32 $0x1C00, v0;
	_ =	sdelay $0x3  }
0x4d9: {  	[tilespmem:s26+$0x9C00] =	vst v1  }
0x4da: {  	v1 =	vld.idx.msk [tilespmem:v2+s22+$0x0], $0xffff  }
0x4db: {  	v2 =	vadd.s32 $0x2000, v0;
	_ =	sdelay $0x3  }
0x4dc: {  	[tilespmem:s26+$0xA000] =	vst v1  }
0x4dd: {  	v1 =	vld.idx.msk [tilespmem:v2+s22+$0x0], $0xffff  }
0x4de: {  	v2 =	vadd.s32 $0x2400, v0;
	_ =	sdelay $0x3  }
0x4df: {  	[tilespmem:s26+$0xA400] =	vst v1  }
0x4e0: {  	v1 =	vld.idx.msk [tilespmem:v2+s22+$0x0], $0xffff  }
0x4e1: {  	v2 =	vadd.s32 $0x2800, v0;
	_ =	sdelay $0x3  }
0x4e2: {  	[tilespmem:s26+$0xA800] =	vst v1  }
0x4e3: {  	v1 =	vld.idx.msk [tilespmem:v2+s22+$0x0], $0xffff  }
0x4e4: {  	v2 =	vadd.s32 $0x2C00, v0;
	_ =	sdelay $0x3  }
0x4e5: {  	[tilespmem:s26+$0xAC00] =	vst v1  }
0x4e6: {  	v1 =	vld.idx.msk [tilespmem:v2+s22+$0x0], $0xffff  }
0x4e7: {  	v2 =	vadd.s32 $0x3000, v0;
	_ =	sdelay $0x3  }
0x4e8: {  	[tilespmem:s26+$0xB000] =	vst v1  }
0x4e9: {  	v1 =	vld.idx.msk [tilespmem:v2+s22+$0x0], $0xffff  }
0x4ea: {  	v2 =	vadd.s32 $0x3400, v0;
	_ =	sdelay $0x3  }
0x4eb: {  	[tilespmem:s26+$0xB400] =	vst v1  }
0x4ec: {  	v1 =	vld.idx.msk [tilespmem:v2+s22+$0x0], $0xffff  }
0x4ed: {  	v2 =	vadd.s32 $0x3800, v0;
	_ =	sdelay $0x3  }
0x4ee: {  	[tilespmem:s26+$0xB800] =	vst v1  }
0x4ef: {  	v1 =	vld.idx.msk [tilespmem:v2+s22+$0x0], $0xffff  }
0x4f0: {  	v2 =	vadd.s32 $0x3C00, v0;
	_ =	sdelay $0x3  }
0x4f1: {  	[tilespmem:s26+$0xBC00] =	vst v1  }
0x4f2: {  	v1 =	vld.idx.msk [tilespmem:v2+s22+$0x0], $0xffff  }
0x4f3: {  	v2 =	vadd.s32 $0x4000, v0;
	_ =	sdelay $0x3  }
0x4f4: {  	[tilespmem:s26+$0xC000] =	vst v1  }
0x4f5: {  	v1 =	vld.idx.msk [tilespmem:v2+s22+$0x0], $0xffff  }
0x4f6: {  	v2 =	vadd.s32 $0x4400, v0;
	_ =	sdelay $0x3  }
0x4f7: {  	[tilespmem:s26+$0xC400] =	vst v1  }
0x4f8: {  	v1 =	vld.idx.msk [tilespmem:v2+s22+$0x0], $0xffff  }
0x4f9: {  	v2 =	vadd.s32 $0x4800, v0;
	_ =	sdelay $0x3  }
0x4fa: {  	[tilespmem:s26+$0xC800] =	vst v1  }
0x4fb: {  	v1 =	vld.idx.msk [tilespmem:v2+s22+$0x0], $0xffff  }
0x4fc: {  	v2 =	vadd.s32 $0x4C00, v0;
	_ =	sdelay $0x3  }
0x4fd: {  	[tilespmem:s26+$0xCC00] =	vst v1  }
0x4fe: {  	v1 =	vld.idx.msk [tilespmem:v2+s22+$0x0], $0xffff  }
0x4ff: {  	v2 =	vadd.s32 $0x5000, v0;
	_ =	sdelay $0x3  }
0x500: {  	[tilespmem:s26+$0xD000] =	vst v1  }
0x501: {  	v1 =	vld.idx.msk [tilespmem:v2+s22+$0x0], $0xffff  }
0x502: {  	v2 =	vadd.s32 $0x5400, v0;
	_ =	sdelay $0x3  }
0x503: {  	[tilespmem:s26+$0xD400] =	vst v1  }
0x504: {  	v1 =	vld.idx.msk [tilespmem:v2+s22+$0x0], $0xffff  }
0x505: {  	v2 =	vadd.s32 $0x5800, v0;
	_ =	sdelay $0x3  }
0x506: {  	[tilespmem:s26+$0xD800] =	vst v1  }
0x507: {  	v1 =	vld.idx.msk [tilespmem:v2+s22+$0x0], $0xffff  }
0x508: {  	v2 =	vadd.s32 $0x5C00, v0;
	_ =	sdelay $0x3  }
0x509: {  	[tilespmem:s26+$0xDC00] =	vst v1  }
0x50a: {  	v1 =	vld.idx.msk [tilespmem:v2+s22+$0x0], $0xffff  }
0x50b: {  	v2 =	vadd.s32 $0x6000, v0;
	_ =	sdelay $0x3  }
0x50c: {  	[tilespmem:s26+$0xE000] =	vst v1  }
0x50d: {  	v1 =	vld.idx.msk [tilespmem:v2+s22+$0x0], $0xffff  }
0x50e: {  	v2 =	vadd.s32 $0x6400, v0;
	_ =	sdelay $0x3  }
0x50f: {  	[tilespmem:s26+$0xE400] =	vst v1  }
0x510: {  	v1 =	vld.idx.msk [tilespmem:v2+s22+$0x0], $0xffff  }
0x511: {  	v2 =	vadd.s32 $0x6800, v0;
	_ =	sdelay $0x3  }
0x512: {  	[tilespmem:s26+$0xE800] =	vst v1  }
0x513: {  	v1 =	vld.idx.msk [tilespmem:v2+s22+$0x0], $0xffff  }
0x514: {  	v2 =	vadd.s32 $0x6C00, v0;
	_ =	sdelay $0x3  }
0x515: {  	[tilespmem:s26+$0xEC00] =	vst v1  }
0x516: {  	v1 =	vld.idx.msk [tilespmem:v2+s22+$0x0], $0xffff  }
0x517: {  	v2 =	vadd.s32 $0x7000, v0;
	_ =	sdelay $0x3  }
0x518: {  	[tilespmem:s26+$0xF000] =	vst v1  }
0x519: {  	v1 =	vld.idx.msk [tilespmem:v2+s22+$0x0], $0xffff  }
0x51a: {  	v2 =	vadd.s32 $0x7400, v0;
	_ =	sdelay $0x3  }
0x51b: {  	[tilespmem:s26+$0xF400] =	vst v1  }
0x51c: {  	v1 =	vld.idx.msk [tilespmem:v2+s22+$0x0], $0xffff  }
0x51d: {  	v2 =	vadd.s32 $0x7800, v0;
	_ =	sdelay $0x3  }
0x51e: {  	[tilespmem:s26+$0xF800] =	vst v1  }
0x51f: {  	v1 =	vld.idx.msk [tilespmem:v2+s22+$0x0], $0xffff  }
0x520: {  	v2 =	vadd.s32 $0x7C00, v0;
	_ =	sdelay $0x2  }
0x521: {  	s28 =	simm.s32 $0x80;
	s29 =	simm.s32 $0x10  }
.LBB2_10:
0x522: {  	p0 =	sne.s32 s28, $0xFC0;
	v0 =	vld [tilespmem:s29+$0x0];
	[tilespmem:s26+$0xFC00] =	vst v1  }
0x523: {  	v1 =	vld.idx.msk [tilespmem:v2+s22+$0x0], $0xffff;
	_ =	sdelay $0x5  }
0x524: {  	[tilespmem:s26+$0x10000] =	vst v1;
	s26 =	smov.u32 s29  }
0x525: {  	v1 =	vld.idx.msk [tilespmem:v0+s22+$0x0], $0xffff;
	_ =	sdelay $0x1  }
0x526: {  	v2 =	vadd.s32 $0x400, v0;
	_ =	sdelay $0x3  }
0x527: {  	[tilespmem:s26+$0x8400] =	vst v1  }
0x528: {  	v1 =	vld.idx.msk [tilespmem:v2+s22+$0x0], $0xffff;
	_ =	sdelay $0x1  }
0x529: {  	v2 =	vadd.s32 $0x800, v0;
	_ =	sdelay $0x3  }
0x52a: {  	[tilespmem:s26+$0x8800] =	vst v1  }
0x52b: {  	v1 =	vld.idx.msk [tilespmem:v2+s22+$0x0], $0xffff;
	_ =	sdelay $0x1  }
0x52c: {  	v2 =	vadd.s32 $0xC00, v0;
	_ =	sdelay $0x3  }
0x52d: {  	[tilespmem:s26+$0x8C00] =	vst v1  }
0x52e: {  	v1 =	vld.idx.msk [tilespmem:v2+s22+$0x0], $0xffff;
	_ =	sdelay $0x1  }
0x52f: {  	v2 =	vadd.s32 $0x1000, v0;
	_ =	sdelay $0x3  }
0x530: {  	[tilespmem:s26+$0x9000] =	vst v1  }
0x531: {  	v1 =	vld.idx.msk [tilespmem:v2+s22+$0x0], $0xffff;
	_ =	sdelay $0x1  }
0x532: {  	v2 =	vadd.s32 $0x1400, v0;
	_ =	sdelay $0x3  }
0x533: {  	[tilespmem:s26+$0x9400] =	vst v1  }
0x534: {  	v1 =	vld.idx.msk [tilespmem:v2+s22+$0x0], $0xffff;
	_ =	sdelay $0x1  }
0x535: {  	v2 =	vadd.s32 $0x1800, v0;
	_ =	sdelay $0x3  }
0x536: {  	[tilespmem:s26+$0x9800] =	vst v1  }
0x537: {  	v1 =	vld.idx.msk [tilespmem:v2+s22+$0x0], $0xffff;
	_ =	sdelay $0x1  }
0x538: {  	v2 =	vadd.s32 $0x1C00, v0;
	_ =	sdelay $0x3  }
0x539: {  	[tilespmem:s26+$0x9C00] =	vst v1  }
0x53a: {  	v1 =	vld.idx.msk [tilespmem:v2+s22+$0x0], $0xffff;
	_ =	sdelay $0x1  }
0x53b: {  	v2 =	vadd.s32 $0x2000, v0;
	_ =	sdelay $0x3  }
0x53c: {  	[tilespmem:s26+$0xA000] =	vst v1  }
0x53d: {  	v1 =	vld.idx.msk [tilespmem:v2+s22+$0x0], $0xffff;
	_ =	sdelay $0x1  }
0x53e: {  	v2 =	vadd.s32 $0x2400, v0;
	_ =	sdelay $0x3  }
0x53f: {  	[tilespmem:s26+$0xA400] =	vst v1  }
0x540: {  	v1 =	vld.idx.msk [tilespmem:v2+s22+$0x0], $0xffff;
	_ =	sdelay $0x1  }
0x541: {  	v2 =	vadd.s32 $0x2800, v0;
	_ =	sdelay $0x3  }
0x542: {  	[tilespmem:s26+$0xA800] =	vst v1  }
0x543: {  	v1 =	vld.idx.msk [tilespmem:v2+s22+$0x0], $0xffff;
	_ =	sdelay $0x1  }
0x544: {  	v2 =	vadd.s32 $0x2C00, v0;
	_ =	sdelay $0x3  }
0x545: {  	[tilespmem:s26+$0xAC00] =	vst v1  }
0x546: {  	v1 =	vld.idx.msk [tilespmem:v2+s22+$0x0], $0xffff;
	_ =	sdelay $0x1  }
0x547: {  	v2 =	vadd.s32 $0x3000, v0;
	_ =	sdelay $0x3  }
0x548: {  	[tilespmem:s26+$0xB000] =	vst v1  }
0x549: {  	v1 =	vld.idx.msk [tilespmem:v2+s22+$0x0], $0xffff;
	_ =	sdelay $0x1  }
0x54a: {  	v2 =	vadd.s32 $0x3400, v0;
	_ =	sdelay $0x3  }
0x54b: {  	[tilespmem:s26+$0xB400] =	vst v1  }
0x54c: {  	v1 =	vld.idx.msk [tilespmem:v2+s22+$0x0], $0xffff;
	_ =	sdelay $0x1  }
0x54d: {  	v2 =	vadd.s32 $0x3800, v0;
	_ =	sdelay $0x3  }
0x54e: {  	[tilespmem:s26+$0xB800] =	vst v1  }
0x54f: {  	v1 =	vld.idx.msk [tilespmem:v2+s22+$0x0], $0xffff;
	_ =	sdelay $0x1  }
0x550: {  	v2 =	vadd.s32 $0x3C00, v0;
	_ =	sdelay $0x3  }
0x551: {  	[tilespmem:s26+$0xBC00] =	vst v1  }
0x552: {  	v1 =	vld.idx.msk [tilespmem:v2+s22+$0x0], $0xffff;
	_ =	sdelay $0x1  }
0x553: {  	v2 =	vadd.s32 $0x4000, v0;
	_ =	sdelay $0x3  }
0x554: {  	[tilespmem:s26+$0xC000] =	vst v1  }
0x555: {  	v1 =	vld.idx.msk [tilespmem:v2+s22+$0x0], $0xffff;
	_ =	sdelay $0x1  }
0x556: {  	v2 =	vadd.s32 $0x4400, v0;
	_ =	sdelay $0x3  }
0x557: {  	[tilespmem:s26+$0xC400] =	vst v1  }
0x558: {  	v1 =	vld.idx.msk [tilespmem:v2+s22+$0x0], $0xffff;
	_ =	sdelay $0x1  }
0x559: {  	v2 =	vadd.s32 $0x4800, v0;
	_ =	sdelay $0x3  }
0x55a: {  	[tilespmem:s26+$0xC800] =	vst v1  }
0x55b: {  	v1 =	vld.idx.msk [tilespmem:v2+s22+$0x0], $0xffff;
	_ =	sdelay $0x1  }
0x55c: {  	v2 =	vadd.s32 $0x4C00, v0;
	_ =	sdelay $0x3  }
0x55d: {  	[tilespmem:s26+$0xCC00] =	vst v1  }
0x55e: {  	v1 =	vld.idx.msk [tilespmem:v2+s22+$0x0], $0xffff;
	_ =	sdelay $0x1  }
0x55f: {  	v2 =	vadd.s32 $0x5000, v0;
	_ =	sdelay $0x3  }
0x560: {  	[tilespmem:s26+$0xD000] =	vst v1  }
0x561: {  	v1 =	vld.idx.msk [tilespmem:v2+s22+$0x0], $0xffff;
	_ =	sdelay $0x1  }
0x562: {  	v2 =	vadd.s32 $0x5400, v0;
	_ =	sdelay $0x3  }
0x563: {  	[tilespmem:s26+$0xD400] =	vst v1  }
0x564: {  	v1 =	vld.idx.msk [tilespmem:v2+s22+$0x0], $0xffff;
	_ =	sdelay $0x1  }
0x565: {  	v2 =	vadd.s32 $0x5800, v0;
	_ =	sdelay $0x3  }
0x566: {  	[tilespmem:s26+$0xD800] =	vst v1  }
0x567: {  	v1 =	vld.idx.msk [tilespmem:v2+s22+$0x0], $0xffff;
	_ =	sdelay $0x1  }
0x568: {  	v2 =	vadd.s32 $0x5C00, v0;
	_ =	sdelay $0x3  }
0x569: {  	[tilespmem:s26+$0xDC00] =	vst v1  }
0x56a: {  	v1 =	vld.idx.msk [tilespmem:v2+s22+$0x0], $0xffff;
	_ =	sdelay $0x1  }
0x56b: {  	v2 =	vadd.s32 $0x6000, v0;
	_ =	sdelay $0x3  }
0x56c: {  	[tilespmem:s26+$0xE000] =	vst v1  }
0x56d: {  	v1 =	vld.idx.msk [tilespmem:v2+s22+$0x0], $0xffff;
	_ =	sdelay $0x1  }
0x56e: {  	v2 =	vadd.s32 $0x6400, v0;
	_ =	sdelay $0x3  }
0x56f: {  	[tilespmem:s26+$0xE400] =	vst v1  }
0x570: {  	v1 =	vld.idx.msk [tilespmem:v2+s22+$0x0], $0xffff;
	_ =	sdelay $0x1  }
0x571: {  	v2 =	vadd.s32 $0x6800, v0;
	_ =	sdelay $0x3  }
0x572: {  	[tilespmem:s26+$0xE800] =	vst v1  }
0x573: {  	v1 =	vld.idx.msk [tilespmem:v2+s22+$0x0], $0xffff;
	_ =	sdelay $0x1  }
0x574: {  	v2 =	vadd.s32 $0x6C00, v0;
	_ =	sdelay $0x3  }
0x575: {  	[tilespmem:s26+$0xEC00] =	vst v1  }
0x576: {  	v1 =	vld.idx.msk [tilespmem:v2+s22+$0x0], $0xffff;
	_ =	sdelay $0x1  }
0x577: {  	v2 =	vadd.s32 $0x7000, v0;
	_ =	sdelay $0x3  }
0x578: {  	[tilespmem:s26+$0xF000] =	vst v1  }
0x579: {  	v1 =	vld.idx.msk [tilespmem:v2+s22+$0x0], $0xffff;
	_ =	sdelay $0x1  }
0x57a: {  	v2 =	vadd.s32 $0x7400, v0;
	_ =	sdelay $0x3  }
0x57b: {  	[tilespmem:s26+$0xF400] =	vst v1  }
0x57c: {  	v1 =	vld.idx.msk [tilespmem:v2+s22+$0x0], $0xffff;
	_ =	sdelay $0x1  }
0x57d: {  	v2 =	vadd.s32 $0x7800, v0;
	_ =	sdelay $0x3  }
0x57e: {  	[tilespmem:s26+$0xF800] =	vst v1  }
0x57f: {  	v1 =	vld.idx.msk [tilespmem:v2+s22+$0x0], $0xffff  }
.Ltmp4:
0x580: {  	(pc) =	sbr.rel @p0 .LBB2_10-.Ltmp4, $2  }
0x581: {  	v2 =	vadd.s32 $0x7C00, v0;
	_ =	sdelay $0x2  }
0x582: {  	s29 =	sshra.s32 s28, $0x2;
	s28 =	sadd.s32 $0x40, s28  }
0x583: {  	_ =	sdelay $0x1  }
0x584: {  	v0 =	vld [tilespmem:s29+$0x0]  }
0x585: {  	[tilespmem:s26+$0xFC00] =	vst v1  }
0x586: {  	v1 =	vld.idx.msk [tilespmem:v2+s22+$0x0], $0xffff;
	_ =	sdelay $0x4  }
0x587: {  	[tilespmem:s26+$0x10000] =	vst v1  }
0x588: {  	v1 =	vld.idx.msk [tilespmem:v0+s22+$0x0], $0xffff  }
0x589: {  	v2 =	vadd.s32 $0x400, v0;
	_ =	sdelay $0x3  }
0x58a: {  	[tilespmem:s29+$0x8400] =	vst v1  }
0x58b: {  	v1 =	vld.idx.msk [tilespmem:v2+s22+$0x0], $0xffff  }
0x58c: {  	v2 =	vadd.s32 $0x800, v0;
	_ =	sdelay $0x3  }
0x58d: {  	[tilespmem:s29+$0x8800] =	vst v1  }
0x58e: {  	v1 =	vld.idx.msk [tilespmem:v2+s22+$0x0], $0xffff  }
0x58f: {  	v2 =	vadd.s32 $0xC00, v0;
	_ =	sdelay $0x3  }
0x590: {  	[tilespmem:s29+$0x8C00] =	vst v1  }
0x591: {  	v1 =	vld.idx.msk [tilespmem:v2+s22+$0x0], $0xffff  }
0x592: {  	v2 =	vadd.s32 $0x1000, v0;
	_ =	sdelay $0x3  }
0x593: {  	[tilespmem:s29+$0x9000] =	vst v1  }
0x594: {  	v1 =	vld.idx.msk [tilespmem:v2+s22+$0x0], $0xffff  }
0x595: {  	v2 =	vadd.s32 $0x1400, v0;
	_ =	sdelay $0x3  }
0x596: {  	[tilespmem:s29+$0x9400] =	vst v1  }
0x597: {  	v1 =	vld.idx.msk [tilespmem:v2+s22+$0x0], $0xffff  }
0x598: {  	v2 =	vadd.s32 $0x1800, v0;
	_ =	sdelay $0x3  }
0x599: {  	[tilespmem:s29+$0x9800] =	vst v1  }
0x59a: {  	v1 =	vld.idx.msk [tilespmem:v2+s22+$0x0], $0xffff  }
0x59b: {  	v2 =	vadd.s32 $0x1C00, v0;
	_ =	sdelay $0x3  }
0x59c: {  	[tilespmem:s29+$0x9C00] =	vst v1  }
0x59d: {  	v1 =	vld.idx.msk [tilespmem:v2+s22+$0x0], $0xffff  }
0x59e: {  	v2 =	vadd.s32 $0x2000, v0;
	_ =	sdelay $0x3  }
0x59f: {  	[tilespmem:s29+$0xA000] =	vst v1  }
0x5a0: {  	v1 =	vld.idx.msk [tilespmem:v2+s22+$0x0], $0xffff  }
0x5a1: {  	v2 =	vadd.s32 $0x2400, v0;
	_ =	sdelay $0x3  }
0x5a2: {  	[tilespmem:s29+$0xA400] =	vst v1  }
0x5a3: {  	v1 =	vld.idx.msk [tilespmem:v2+s22+$0x0], $0xffff  }
0x5a4: {  	v2 =	vadd.s32 $0x2800, v0;
	_ =	sdelay $0x3  }
0x5a5: {  	[tilespmem:s29+$0xA800] =	vst v1  }
0x5a6: {  	v1 =	vld.idx.msk [tilespmem:v2+s22+$0x0], $0xffff  }
0x5a7: {  	v2 =	vadd.s32 $0x2C00, v0;
	_ =	sdelay $0x3  }
0x5a8: {  	[tilespmem:s29+$0xAC00] =	vst v1  }
0x5a9: {  	v1 =	vld.idx.msk [tilespmem:v2+s22+$0x0], $0xffff  }
0x5aa: {  	v2 =	vadd.s32 $0x3000, v0;
	_ =	sdelay $0x3  }
0x5ab: {  	[tilespmem:s29+$0xB000] =	vst v1  }
0x5ac: {  	v1 =	vld.idx.msk [tilespmem:v2+s22+$0x0], $0xffff  }
0x5ad: {  	v2 =	vadd.s32 $0x3400, v0;
	_ =	sdelay $0x3  }
0x5ae: {  	[tilespmem:s29+$0xB400] =	vst v1  }
0x5af: {  	v1 =	vld.idx.msk [tilespmem:v2+s22+$0x0], $0xffff  }
0x5b0: {  	v2 =	vadd.s32 $0x3800, v0;
	_ =	sdelay $0x3  }
0x5b1: {  	[tilespmem:s29+$0xB800] =	vst v1  }
0x5b2: {  	v1 =	vld.idx.msk [tilespmem:v2+s22+$0x0], $0xffff  }
0x5b3: {  	v2 =	vadd.s32 $0x3C00, v0;
	_ =	sdelay $0x3  }
0x5b4: {  	[tilespmem:s29+$0xBC00] =	vst v1  }
0x5b5: {  	v1 =	vld.idx.msk [tilespmem:v2+s22+$0x0], $0xffff  }
0x5b6: {  	v2 =	vadd.s32 $0x4000, v0;
	_ =	sdelay $0x3  }
0x5b7: {  	[tilespmem:s29+$0xC000] =	vst v1  }
0x5b8: {  	v1 =	vld.idx.msk [tilespmem:v2+s22+$0x0], $0xffff  }
0x5b9: {  	v2 =	vadd.s32 $0x4400, v0;
	_ =	sdelay $0x3  }
0x5ba: {  	[tilespmem:s29+$0xC400] =	vst v1  }
0x5bb: {  	v1 =	vld.idx.msk [tilespmem:v2+s22+$0x0], $0xffff  }
0x5bc: {  	v2 =	vadd.s32 $0x4800, v0;
	_ =	sdelay $0x3  }
0x5bd: {  	[tilespmem:s29+$0xC800] =	vst v1  }
0x5be: {  	v1 =	vld.idx.msk [tilespmem:v2+s22+$0x0], $0xffff  }
0x5bf: {  	v2 =	vadd.s32 $0x4C00, v0;
	_ =	sdelay $0x3  }
0x5c0: {  	[tilespmem:s29+$0xCC00] =	vst v1  }
0x5c1: {  	v1 =	vld.idx.msk [tilespmem:v2+s22+$0x0], $0xffff  }
0x5c2: {  	v2 =	vadd.s32 $0x5000, v0;
	_ =	sdelay $0x3  }
0x5c3: {  	[tilespmem:s29+$0xD000] =	vst v1  }
0x5c4: {  	v1 =	vld.idx.msk [tilespmem:v2+s22+$0x0], $0xffff  }
0x5c5: {  	v2 =	vadd.s32 $0x5400, v0;
	_ =	sdelay $0x3  }
0x5c6: {  	[tilespmem:s29+$0xD400] =	vst v1  }
0x5c7: {  	v1 =	vld.idx.msk [tilespmem:v2+s22+$0x0], $0xffff  }
0x5c8: {  	v2 =	vadd.s32 $0x5800, v0;
	_ =	sdelay $0x3  }
0x5c9: {  	[tilespmem:s29+$0xD800] =	vst v1  }
0x5ca: {  	v1 =	vld.idx.msk [tilespmem:v2+s22+$0x0], $0xffff  }
0x5cb: {  	v2 =	vadd.s32 $0x5C00, v0;
	_ =	sdelay $0x3  }
0x5cc: {  	[tilespmem:s29+$0xDC00] =	vst v1  }
0x5cd: {  	v1 =	vld.idx.msk [tilespmem:v2+s22+$0x0], $0xffff  }
0x5ce: {  	v2 =	vadd.s32 $0x6000, v0;
	_ =	sdelay $0x3  }
0x5cf: {  	[tilespmem:s29+$0xE000] =	vst v1  }
0x5d0: {  	v1 =	vld.idx.msk [tilespmem:v2+s22+$0x0], $0xffff  }
0x5d1: {  	v2 =	vadd.s32 $0x6400, v0;
	_ =	sdelay $0x3  }
0x5d2: {  	[tilespmem:s29+$0xE400] =	vst v1  }
0x5d3: {  	v1 =	vld.idx.msk [tilespmem:v2+s22+$0x0], $0xffff  }
0x5d4: {  	v2 =	vadd.s32 $0x6800, v0;
	_ =	sdelay $0x3  }
0x5d5: {  	[tilespmem:s29+$0xE800] =	vst v1  }
0x5d6: {  	v1 =	vld.idx.msk [tilespmem:v2+s22+$0x0], $0xffff  }
0x5d7: {  	v2 =	vadd.s32 $0x6C00, v0;
	_ =	sdelay $0x3  }
0x5d8: {  	[tilespmem:s29+$0xEC00] =	vst v1  }
0x5d9: {  	v1 =	vld.idx.msk [tilespmem:v2+s22+$0x0], $0xffff  }
0x5da: {  	v2 =	vadd.s32 $0x7000, v0;
	_ =	sdelay $0x3  }
0x5db: {  	[tilespmem:s29+$0xF000] =	vst v1  }
0x5dc: {  	v1 =	vld.idx.msk [tilespmem:v2+s22+$0x0], $0xffff  }
0x5dd: {  	v2 =	vadd.s32 $0x7400, v0;
	_ =	sdelay $0x3  }
0x5de: {  	[tilespmem:s29+$0xF400] =	vst v1  }
0x5df: {  	v1 =	vld.idx.msk [tilespmem:v2+s22+$0x0], $0xffff  }
0x5e0: {  	v2 =	vadd.s32 $0x7800, v0;
	_ =	sdelay $0x3  }
0x5e1: {  	[tilespmem:s29+$0xF800] =	vst v1  }
0x5e2: {  	v1 =	vld.idx.msk [tilespmem:v2+s22+$0x0], $0xffff  }
0x5e3: {  	v0 =	vadd.s32 $0x7C00, v0;
	_ =	sdelay $0x3  }
0x5e4: {  	[tilespmem:s29+$0xFC00] =	vst v1  }
0x5e5: {  	v0 =	vld.idx.msk [tilespmem:v0+s22+$0x0], $0xffff;
	_ =	sdelay $0x4  }
0x5e6: {  	[tilespmem:s29+$0x10000] =	vst v0  }
0x5e7: {  	[hbm4b:s13+s22] =	stream.strided.scatter [tilespmem:s24], [sflag:$0x1], $0x8000, s23, s22, $0x38;
	[tilespmem:$0x10400] =	vst v63  }
0x5e8: {  	_ =	swait.ge [sflag:s21], $0x8000  }
0x5e9: {  	[sflag:s21] =	ssyncset.done $0x0  }
0x5ea: {  	s31 =	simm.s32 $0x0;
	[sflag:s21] =	ssyncadd.s32 $0xFFFF8000  }
0x5eb: {  	[tilespmem:s22], [sflag:$0x1] =	stream.linear.gather [hbm4b:s14+s31], $0x8000, $0x38;
	[tilespmem:$0x10400] =	vst v63  }
0x5ec: {  	_ =	swait.ge [sflag:s21], $0x8000  }
0x5ed: {  	[sflag:s21] =	ssyncset.done $0x0  }
0x5ee: {  	s26 =	simm.s32 $0x0;
	[sflag:s21] =	ssyncadd.s32 $0xFFFF8000  }
0x5ef: {  	v0 =	vld [tilespmem:s26+$0x0];
	_ =	sdelay $0x7  }
0x5f0: {  	v1 =	vld.idx.msk [tilespmem:v0+s22+$0x0], $0xffff  }
0x5f1: {  	v2 =	vadd.s32 $0x400, v0;
	_ =	sdelay $0x3  }
0x5f2: {  	[tilespmem:s26+$0x8400] =	vst v1  }
0x5f3: {  	v1 =	vld.idx.msk [tilespmem:v2+s22+$0x0], $0xffff  }
0x5f4: {  	v2 =	vadd.s32 $0x800, v0;
	_ =	sdelay $0x3  }
0x5f5: {  	[tilespmem:s26+$0x8800] =	vst v1  }
0x5f6: {  	v1 =	vld.idx.msk [tilespmem:v2+s22+$0x0], $0xffff  }
0x5f7: {  	v2 =	vadd.s32 $0xC00, v0;
	_ =	sdelay $0x3  }
0x5f8: {  	[tilespmem:s26+$0x8C00] =	vst v1  }
0x5f9: {  	v1 =	vld.idx.msk [tilespmem:v2+s22+$0x0], $0xffff  }
0x5fa: {  	v2 =	vadd.s32 $0x1000, v0;
	_ =	sdelay $0x3  }
0x5fb: {  	[tilespmem:s26+$0x9000] =	vst v1  }
0x5fc: {  	v1 =	vld.idx.msk [tilespmem:v2+s22+$0x0], $0xffff  }
0x5fd: {  	v2 =	vadd.s32 $0x1400, v0;
	_ =	sdelay $0x3  }
0x5fe: {  	[tilespmem:s26+$0x9400] =	vst v1  }
0x5ff: {  	v1 =	vld.idx.msk [tilespmem:v2+s22+$0x0], $0xffff  }
0x600: {  	v2 =	vadd.s32 $0x1800, v0;
	_ =	sdelay $0x3  }
0x601: {  	[tilespmem:s26+$0x9800] =	vst v1  }
0x602: {  	v1 =	vld.idx.msk [tilespmem:v2+s22+$0x0], $0xffff  }
0x603: {  	v2 =	vadd.s32 $0x1C00, v0;
	_ =	sdelay $0x3  }
0x604: {  	[tilespmem:s26+$0x9C00] =	vst v1  }
0x605: {  	v1 =	vld.idx.msk [tilespmem:v2+s22+$0x0], $0xffff  }
0x606: {  	v2 =	vadd.s32 $0x2000, v0;
	_ =	sdelay $0x3  }
0x607: {  	[tilespmem:s26+$0xA000] =	vst v1  }
0x608: {  	v1 =	vld.idx.msk [tilespmem:v2+s22+$0x0], $0xffff  }
0x609: {  	v2 =	vadd.s32 $0x2400, v0;
	_ =	sdelay $0x3  }
0x60a: {  	[tilespmem:s26+$0xA400] =	vst v1  }
0x60b: {  	v1 =	vld.idx.msk [tilespmem:v2+s22+$0x0], $0xffff  }
0x60c: {  	v2 =	vadd.s32 $0x2800, v0;
	_ =	sdelay $0x3  }
0x60d: {  	[tilespmem:s26+$0xA800] =	vst v1  }
0x60e: {  	v1 =	vld.idx.msk [tilespmem:v2+s22+$0x0], $0xffff  }
0x60f: {  	v2 =	vadd.s32 $0x2C00, v0;
	_ =	sdelay $0x3  }
0x610: {  	[tilespmem:s26+$0xAC00] =	vst v1  }
0x611: {  	v1 =	vld.idx.msk [tilespmem:v2+s22+$0x0], $0xffff  }
0x612: {  	v2 =	vadd.s32 $0x3000, v0;
	_ =	sdelay $0x3  }
0x613: {  	[tilespmem:s26+$0xB000] =	vst v1  }
0x614: {  	v1 =	vld.idx.msk [tilespmem:v2+s22+$0x0], $0xffff  }
0x615: {  	v2 =	vadd.s32 $0x3400, v0;
	_ =	sdelay $0x3  }
0x616: {  	[tilespmem:s26+$0xB400] =	vst v1  }
0x617: {  	v1 =	vld.idx.msk [tilespmem:v2+s22+$0x0], $0xffff  }
0x618: {  	v2 =	vadd.s32 $0x3800, v0;
	_ =	sdelay $0x3  }
0x619: {  	[tilespmem:s26+$0xB800] =	vst v1  }
0x61a: {  	v1 =	vld.idx.msk [tilespmem:v2+s22+$0x0], $0xffff  }
0x61b: {  	v2 =	vadd.s32 $0x3C00, v0;
	_ =	sdelay $0x3  }
0x61c: {  	[tilespmem:s26+$0xBC00] =	vst v1  }
0x61d: {  	v1 =	vld.idx.msk [tilespmem:v2+s22+$0x0], $0xffff  }
0x61e: {  	v2 =	vadd.s32 $0x4000, v0;
	_ =	sdelay $0x3  }
0x61f: {  	[tilespmem:s26+$0xC000] =	vst v1  }
0x620: {  	v1 =	vld.idx.msk [tilespmem:v2+s22+$0x0], $0xffff  }
0x621: {  	v2 =	vadd.s32 $0x4400, v0;
	_ =	sdelay $0x3  }
0x622: {  	[tilespmem:s26+$0xC400] =	vst v1  }
0x623: {  	v1 =	vld.idx.msk [tilespmem:v2+s22+$0x0], $0xffff  }
0x624: {  	v2 =	vadd.s32 $0x4800, v0;
	_ =	sdelay $0x3  }
0x625: {  	[tilespmem:s26+$0xC800] =	vst v1  }
0x626: {  	v1 =	vld.idx.msk [tilespmem:v2+s22+$0x0], $0xffff  }
0x627: {  	v2 =	vadd.s32 $0x4C00, v0;
	_ =	sdelay $0x3  }
0x628: {  	[tilespmem:s26+$0xCC00] =	vst v1  }
0x629: {  	v1 =	vld.idx.msk [tilespmem:v2+s22+$0x0], $0xffff  }
0x62a: {  	v2 =	vadd.s32 $0x5000, v0;
	_ =	sdelay $0x3  }
0x62b: {  	[tilespmem:s26+$0xD000] =	vst v1  }
0x62c: {  	v1 =	vld.idx.msk [tilespmem:v2+s22+$0x0], $0xffff  }
0x62d: {  	v2 =	vadd.s32 $0x5400, v0;
	_ =	sdelay $0x3  }
0x62e: {  	[tilespmem:s26+$0xD400] =	vst v1  }
0x62f: {  	v1 =	vld.idx.msk [tilespmem:v2+s22+$0x0], $0xffff  }
0x630: {  	v2 =	vadd.s32 $0x5800, v0;
	_ =	sdelay $0x3  }
0x631: {  	[tilespmem:s26+$0xD800] =	vst v1  }
0x632: {  	v1 =	vld.idx.msk [tilespmem:v2+s22+$0x0], $0xffff  }
0x633: {  	v2 =	vadd.s32 $0x5C00, v0;
	_ =	sdelay $0x3  }
0x634: {  	[tilespmem:s26+$0xDC00] =	vst v1  }
0x635: {  	v1 =	vld.idx.msk [tilespmem:v2+s22+$0x0], $0xffff  }
0x636: {  	v2 =	vadd.s32 $0x6000, v0;
	_ =	sdelay $0x3  }
0x637: {  	[tilespmem:s26+$0xE000] =	vst v1  }
0x638: {  	v1 =	vld.idx.msk [tilespmem:v2+s22+$0x0], $0xffff  }
0x639: {  	v2 =	vadd.s32 $0x6400, v0;
	_ =	sdelay $0x3  }
0x63a: {  	[tilespmem:s26+$0xE400] =	vst v1  }
0x63b: {  	v1 =	vld.idx.msk [tilespmem:v2+s22+$0x0], $0xffff  }
0x63c: {  	v2 =	vadd.s32 $0x6800, v0;
	_ =	sdelay $0x3  }
0x63d: {  	[tilespmem:s26+$0xE800] =	vst v1  }
0x63e: {  	v1 =	vld.idx.msk [tilespmem:v2+s22+$0x0], $0xffff  }
0x63f: {  	v2 =	vadd.s32 $0x6C00, v0;
	_ =	sdelay $0x3  }
0x640: {  	[tilespmem:s26+$0xEC00] =	vst v1  }
0x641: {  	v1 =	vld.idx.msk [tilespmem:v2+s22+$0x0], $0xffff  }
0x642: {  	v2 =	vadd.s32 $0x7000, v0;
	_ =	sdelay $0x3  }
0x643: {  	[tilespmem:s26+$0xF000] =	vst v1  }
0x644: {  	v1 =	vld.idx.msk [tilespmem:v2+s22+$0x0], $0xffff  }
0x645: {  	v2 =	vadd.s32 $0x7400, v0;
	_ =	sdelay $0x3  }
0x646: {  	[tilespmem:s26+$0xF400] =	vst v1  }
0x647: {  	v1 =	vld.idx.msk [tilespmem:v2+s22+$0x0], $0xffff  }
0x648: {  	v2 =	vadd.s32 $0x7800, v0;
	_ =	sdelay $0x3  }
0x649: {  	[tilespmem:s26+$0xF800] =	vst v1  }
0x64a: {  	v1 =	vld.idx.msk [tilespmem:v2+s22+$0x0], $0xffff  }
0x64b: {  	v2 =	vadd.s32 $0x7C00, v0;
	_ =	sdelay $0x2  }
0x64c: {  	s28 =	simm.s32 $0x80;
	s29 =	simm.s32 $0x10  }
.LBB2_12:
0x64d: {  	p0 =	sne.s32 s28, $0xFC0;
	v0 =	vld [tilespmem:s29+$0x0];
	[tilespmem:s26+$0xFC00] =	vst v1  }
0x64e: {  	v1 =	vld.idx.msk [tilespmem:v2+s22+$0x0], $0xffff;
	_ =	sdelay $0x5  }
0x64f: {  	[tilespmem:s26+$0x10000] =	vst v1;
	s26 =	smov.u32 s29  }
0x650: {  	v1 =	vld.idx.msk [tilespmem:v0+s22+$0x0], $0xffff;
	_ =	sdelay $0x1  }
0x651: {  	v2 =	vadd.s32 $0x400, v0;
	_ =	sdelay $0x3  }
0x652: {  	[tilespmem:s26+$0x8400] =	vst v1  }
0x653: {  	v1 =	vld.idx.msk [tilespmem:v2+s22+$0x0], $0xffff;
	_ =	sdelay $0x1  }
0x654: {  	v2 =	vadd.s32 $0x800, v0;
	_ =	sdelay $0x3  }
0x655: {  	[tilespmem:s26+$0x8800] =	vst v1  }
0x656: {  	v1 =	vld.idx.msk [tilespmem:v2+s22+$0x0], $0xffff;
	_ =	sdelay $0x1  }
0x657: {  	v2 =	vadd.s32 $0xC00, v0;
	_ =	sdelay $0x3  }
0x658: {  	[tilespmem:s26+$0x8C00] =	vst v1  }
0x659: {  	v1 =	vld.idx.msk [tilespmem:v2+s22+$0x0], $0xffff;
	_ =	sdelay $0x1  }
0x65a: {  	v2 =	vadd.s32 $0x1000, v0;
	_ =	sdelay $0x3  }
0x65b: {  	[tilespmem:s26+$0x9000] =	vst v1  }
0x65c: {  	v1 =	vld.idx.msk [tilespmem:v2+s22+$0x0], $0xffff;
	_ =	sdelay $0x1  }
0x65d: {  	v2 =	vadd.s32 $0x1400, v0;
	_ =	sdelay $0x3  }
0x65e: {  	[tilespmem:s26+$0x9400] =	vst v1  }
0x65f: {  	v1 =	vld.idx.msk [tilespmem:v2+s22+$0x0], $0xffff;
	_ =	sdelay $0x1  }
0x660: {  	v2 =	vadd.s32 $0x1800, v0;
	_ =	sdelay $0x3  }
0x661: {  	[tilespmem:s26+$0x9800] =	vst v1  }
0x662: {  	v1 =	vld.idx.msk [tilespmem:v2+s22+$0x0], $0xffff;
	_ =	sdelay $0x1  }
0x663: {  	v2 =	vadd.s32 $0x1C00, v0;
	_ =	sdelay $0x3  }
0x664: {  	[tilespmem:s26+$0x9C00] =	vst v1  }
0x665: {  	v1 =	vld.idx.msk [tilespmem:v2+s22+$0x0], $0xffff;
	_ =	sdelay $0x1  }
0x666: {  	v2 =	vadd.s32 $0x2000, v0;
	_ =	sdelay $0x3  }
0x667: {  	[tilespmem:s26+$0xA000] =	vst v1  }
0x668: {  	v1 =	vld.idx.msk [tilespmem:v2+s22+$0x0], $0xffff;
	_ =	sdelay $0x1  }
0x669: {  	v2 =	vadd.s32 $0x2400, v0;
	_ =	sdelay $0x3  }
0x66a: {  	[tilespmem:s26+$0xA400] =	vst v1  }
0x66b: {  	v1 =	vld.idx.msk [tilespmem:v2+s22+$0x0], $0xffff;
	_ =	sdelay $0x1  }
0x66c: {  	v2 =	vadd.s32 $0x2800, v0;
	_ =	sdelay $0x3  }
0x66d: {  	[tilespmem:s26+$0xA800] =	vst v1  }
0x66e: {  	v1 =	vld.idx.msk [tilespmem:v2+s22+$0x0], $0xffff;
	_ =	sdelay $0x1  }
0x66f: {  	v2 =	vadd.s32 $0x2C00, v0;
	_ =	sdelay $0x3  }
0x670: {  	[tilespmem:s26+$0xAC00] =	vst v1  }
0x671: {  	v1 =	vld.idx.msk [tilespmem:v2+s22+$0x0], $0xffff;
	_ =	sdelay $0x1  }
0x672: {  	v2 =	vadd.s32 $0x3000, v0;
	_ =	sdelay $0x3  }
0x673: {  	[tilespmem:s26+$0xB000] =	vst v1  }
0x674: {  	v1 =	vld.idx.msk [tilespmem:v2+s22+$0x0], $0xffff;
	_ =	sdelay $0x1  }
0x675: {  	v2 =	vadd.s32 $0x3400, v0;
	_ =	sdelay $0x3  }
0x676: {  	[tilespmem:s26+$0xB400] =	vst v1  }
0x677: {  	v1 =	vld.idx.msk [tilespmem:v2+s22+$0x0], $0xffff;
	_ =	sdelay $0x1  }
0x678: {  	v2 =	vadd.s32 $0x3800, v0;
	_ =	sdelay $0x3  }
0x679: {  	[tilespmem:s26+$0xB800] =	vst v1  }
0x67a: {  	v1 =	vld.idx.msk [tilespmem:v2+s22+$0x0], $0xffff;
	_ =	sdelay $0x1  }
0x67b: {  	v2 =	vadd.s32 $0x3C00, v0;
	_ =	sdelay $0x3  }
0x67c: {  	[tilespmem:s26+$0xBC00] =	vst v1  }
0x67d: {  	v1 =	vld.idx.msk [tilespmem:v2+s22+$0x0], $0xffff;
	_ =	sdelay $0x1  }
0x67e: {  	v2 =	vadd.s32 $0x4000, v0;
	_ =	sdelay $0x3  }
0x67f: {  	[tilespmem:s26+$0xC000] =	vst v1  }
0x680: {  	v1 =	vld.idx.msk [tilespmem:v2+s22+$0x0], $0xffff;
	_ =	sdelay $0x1  }
0x681: {  	v2 =	vadd.s32 $0x4400, v0;
	_ =	sdelay $0x3  }
0x682: {  	[tilespmem:s26+$0xC400] =	vst v1  }
0x683: {  	v1 =	vld.idx.msk [tilespmem:v2+s22+$0x0], $0xffff;
	_ =	sdelay $0x1  }
0x684: {  	v2 =	vadd.s32 $0x4800, v0;
	_ =	sdelay $0x3  }
0x685: {  	[tilespmem:s26+$0xC800] =	vst v1  }
0x686: {  	v1 =	vld.idx.msk [tilespmem:v2+s22+$0x0], $0xffff;
	_ =	sdelay $0x1  }
0x687: {  	v2 =	vadd.s32 $0x4C00, v0;
	_ =	sdelay $0x3  }
0x688: {  	[tilespmem:s26+$0xCC00] =	vst v1  }
0x689: {  	v1 =	vld.idx.msk [tilespmem:v2+s22+$0x0], $0xffff;
	_ =	sdelay $0x1  }
0x68a: {  	v2 =	vadd.s32 $0x5000, v0;
	_ =	sdelay $0x3  }
0x68b: {  	[tilespmem:s26+$0xD000] =	vst v1  }
0x68c: {  	v1 =	vld.idx.msk [tilespmem:v2+s22+$0x0], $0xffff;
	_ =	sdelay $0x1  }
0x68d: {  	v2 =	vadd.s32 $0x5400, v0;
	_ =	sdelay $0x3  }
0x68e: {  	[tilespmem:s26+$0xD400] =	vst v1  }
0x68f: {  	v1 =	vld.idx.msk [tilespmem:v2+s22+$0x0], $0xffff;
	_ =	sdelay $0x1  }
0x690: {  	v2 =	vadd.s32 $0x5800, v0;
	_ =	sdelay $0x3  }
0x691: {  	[tilespmem:s26+$0xD800] =	vst v1  }
0x692: {  	v1 =	vld.idx.msk [tilespmem:v2+s22+$0x0], $0xffff;
	_ =	sdelay $0x1  }
0x693: {  	v2 =	vadd.s32 $0x5C00, v0;
	_ =	sdelay $0x3  }
0x694: {  	[tilespmem:s26+$0xDC00] =	vst v1  }
0x695: {  	v1 =	vld.idx.msk [tilespmem:v2+s22+$0x0], $0xffff;
	_ =	sdelay $0x1  }
0x696: {  	v2 =	vadd.s32 $0x6000, v0;
	_ =	sdelay $0x3  }
0x697: {  	[tilespmem:s26+$0xE000] =	vst v1  }
0x698: {  	v1 =	vld.idx.msk [tilespmem:v2+s22+$0x0], $0xffff;
	_ =	sdelay $0x1  }
0x699: {  	v2 =	vadd.s32 $0x6400, v0;
	_ =	sdelay $0x3  }
0x69a: {  	[tilespmem:s26+$0xE400] =	vst v1  }
0x69b: {  	v1 =	vld.idx.msk [tilespmem:v2+s22+$0x0], $0xffff;
	_ =	sdelay $0x1  }
0x69c: {  	v2 =	vadd.s32 $0x6800, v0;
	_ =	sdelay $0x3  }
0x69d: {  	[tilespmem:s26+$0xE800] =	vst v1  }
0x69e: {  	v1 =	vld.idx.msk [tilespmem:v2+s22+$0x0], $0xffff;
	_ =	sdelay $0x1  }
0x69f: {  	v2 =	vadd.s32 $0x6C00, v0;
	_ =	sdelay $0x3  }
0x6a0: {  	[tilespmem:s26+$0xEC00] =	vst v1  }
0x6a1: {  	v1 =	vld.idx.msk [tilespmem:v2+s22+$0x0], $0xffff;
	_ =	sdelay $0x1  }
0x6a2: {  	v2 =	vadd.s32 $0x7000, v0;
	_ =	sdelay $0x3  }
0x6a3: {  	[tilespmem:s26+$0xF000] =	vst v1  }
0x6a4: {  	v1 =	vld.idx.msk [tilespmem:v2+s22+$0x0], $0xffff;
	_ =	sdelay $0x1  }
0x6a5: {  	v2 =	vadd.s32 $0x7400, v0;
	_ =	sdelay $0x3  }
0x6a6: {  	[tilespmem:s26+$0xF400] =	vst v1  }
0x6a7: {  	v1 =	vld.idx.msk [tilespmem:v2+s22+$0x0], $0xffff;
	_ =	sdelay $0x1  }
0x6a8: {  	v2 =	vadd.s32 $0x7800, v0;
	_ =	sdelay $0x3  }
0x6a9: {  	[tilespmem:s26+$0xF800] =	vst v1  }
0x6aa: {  	v1 =	vld.idx.msk [tilespmem:v2+s22+$0x0], $0xffff  }
.Ltmp5:
0x6ab: {  	(pc) =	sbr.rel @p0 .LBB2_12-.Ltmp5, $2  }
0x6ac: {  	v2 =	vadd.s32 $0x7C00, v0;
	_ =	sdelay $0x2  }
0x6ad: {  	s29 =	sshra.s32 s28, $0x2;
	s28 =	sadd.s32 $0x40, s28  }
0x6ae: {  	_ =	sdelay $0x1  }
0x6af: {  	v0 =	vld [tilespmem:s29+$0x0]  }
0x6b0: {  	[tilespmem:s26+$0xFC00] =	vst v1  }
0x6b1: {  	v1 =	vld.idx.msk [tilespmem:v2+s22+$0x0], $0xffff;
	_ =	sdelay $0x4  }
0x6b2: {  	[tilespmem:s26+$0x10000] =	vst v1  }
0x6b3: {  	v1 =	vld.idx.msk [tilespmem:v0+s22+$0x0], $0xffff  }
0x6b4: {  	v2 =	vadd.s32 $0x400, v0;
	_ =	sdelay $0x3  }
0x6b5: {  	[tilespmem:s29+$0x8400] =	vst v1  }
0x6b6: {  	v1 =	vld.idx.msk [tilespmem:v2+s22+$0x0], $0xffff  }
0x6b7: {  	v2 =	vadd.s32 $0x800, v0;
	_ =	sdelay $0x3  }
0x6b8: {  	[tilespmem:s29+$0x8800] =	vst v1  }
0x6b9: {  	v1 =	vld.idx.msk [tilespmem:v2+s22+$0x0], $0xffff  }
0x6ba: {  	v2 =	vadd.s32 $0xC00, v0;
	_ =	sdelay $0x3  }
0x6bb: {  	[tilespmem:s29+$0x8C00] =	vst v1  }
0x6bc: {  	v1 =	vld.idx.msk [tilespmem:v2+s22+$0x0], $0xffff  }
0x6bd: {  	v2 =	vadd.s32 $0x1000, v0;
	_ =	sdelay $0x3  }
0x6be: {  	[tilespmem:s29+$0x9000] =	vst v1  }
0x6bf: {  	v1 =	vld.idx.msk [tilespmem:v2+s22+$0x0], $0xffff  }
0x6c0: {  	v2 =	vadd.s32 $0x1400, v0;
	_ =	sdelay $0x3  }
0x6c1: {  	[tilespmem:s29+$0x9400] =	vst v1  }
0x6c2: {  	v1 =	vld.idx.msk [tilespmem:v2+s22+$0x0], $0xffff  }
0x6c3: {  	v2 =	vadd.s32 $0x1800, v0;
	_ =	sdelay $0x3  }
0x6c4: {  	[tilespmem:s29+$0x9800] =	vst v1  }
0x6c5: {  	v1 =	vld.idx.msk [tilespmem:v2+s22+$0x0], $0xffff  }
0x6c6: {  	v2 =	vadd.s32 $0x1C00, v0;
	_ =	sdelay $0x3  }
0x6c7: {  	[tilespmem:s29+$0x9C00] =	vst v1  }
0x6c8: {  	v1 =	vld.idx.msk [tilespmem:v2+s22+$0x0], $0xffff  }
0x6c9: {  	v2 =	vadd.s32 $0x2000, v0;
	_ =	sdelay $0x3  }
0x6ca: {  	[tilespmem:s29+$0xA000] =	vst v1  }
0x6cb: {  	v1 =	vld.idx.msk [tilespmem:v2+s22+$0x0], $0xffff  }
0x6cc: {  	v2 =	vadd.s32 $0x2400, v0;
	_ =	sdelay $0x3  }
0x6cd: {  	[tilespmem:s29+$0xA400] =	vst v1  }
0x6ce: {  	v1 =	vld.idx.msk [tilespmem:v2+s22+$0x0], $0xffff  }
0x6cf: {  	v2 =	vadd.s32 $0x2800, v0;
	_ =	sdelay $0x3  }
0x6d0: {  	[tilespmem:s29+$0xA800] =	vst v1  }
0x6d1: {  	v1 =	vld.idx.msk [tilespmem:v2+s22+$0x0], $0xffff  }
0x6d2: {  	v2 =	vadd.s32 $0x2C00, v0;
	_ =	sdelay $0x3  }
0x6d3: {  	[tilespmem:s29+$0xAC00] =	vst v1  }
0x6d4: {  	v1 =	vld.idx.msk [tilespmem:v2+s22+$0x0], $0xffff  }
0x6d5: {  	v2 =	vadd.s32 $0x3000, v0;
	_ =	sdelay $0x3  }
0x6d6: {  	[tilespmem:s29+$0xB000] =	vst v1  }
0x6d7: {  	v1 =	vld.idx.msk [tilespmem:v2+s22+$0x0], $0xffff  }
0x6d8: {  	v2 =	vadd.s32 $0x3400, v0;
	_ =	sdelay $0x3  }
0x6d9: {  	[tilespmem:s29+$0xB400] =	vst v1  }
0x6da: {  	v1 =	vld.idx.msk [tilespmem:v2+s22+$0x0], $0xffff  }
0x6db: {  	v2 =	vadd.s32 $0x3800, v0;
	_ =	sdelay $0x3  }
0x6dc: {  	[tilespmem:s29+$0xB800] =	vst v1  }
0x6dd: {  	v1 =	vld.idx.msk [tilespmem:v2+s22+$0x0], $0xffff  }
0x6de: {  	v2 =	vadd.s32 $0x3C00, v0;
	_ =	sdelay $0x3  }
0x6df: {  	[tilespmem:s29+$0xBC00] =	vst v1  }
0x6e0: {  	v1 =	vld.idx.msk [tilespmem:v2+s22+$0x0], $0xffff  }
0x6e1: {  	v2 =	vadd.s32 $0x4000, v0;
	_ =	sdelay $0x3  }
0x6e2: {  	[tilespmem:s29+$0xC000] =	vst v1  }
0x6e3: {  	v1 =	vld.idx.msk [tilespmem:v2+s22+$0x0], $0xffff  }
0x6e4: {  	v2 =	vadd.s32 $0x4400, v0;
	_ =	sdelay $0x3  }
0x6e5: {  	[tilespmem:s29+$0xC400] =	vst v1  }
0x6e6: {  	v1 =	vld.idx.msk [tilespmem:v2+s22+$0x0], $0xffff  }
0x6e7: {  	v2 =	vadd.s32 $0x4800, v0;
	_ =	sdelay $0x3  }
0x6e8: {  	[tilespmem:s29+$0xC800] =	vst v1  }
0x6e9: {  	v1 =	vld.idx.msk [tilespmem:v2+s22+$0x0], $0xffff  }
0x6ea: {  	v2 =	vadd.s32 $0x4C00, v0;
	_ =	sdelay $0x3  }
0x6eb: {  	[tilespmem:s29+$0xCC00] =	vst v1  }
0x6ec: {  	v1 =	vld.idx.msk [tilespmem:v2+s22+$0x0], $0xffff  }
0x6ed: {  	v2 =	vadd.s32 $0x5000, v0;
	_ =	sdelay $0x3  }
0x6ee: {  	[tilespmem:s29+$0xD000] =	vst v1  }
0x6ef: {  	v1 =	vld.idx.msk [tilespmem:v2+s22+$0x0], $0xffff  }
0x6f0: {  	v2 =	vadd.s32 $0x5400, v0;
	_ =	sdelay $0x3  }
0x6f1: {  	[tilespmem:s29+$0xD400] =	vst v1  }
0x6f2: {  	v1 =	vld.idx.msk [tilespmem:v2+s22+$0x0], $0xffff  }
0x6f3: {  	v2 =	vadd.s32 $0x5800, v0;
	_ =	sdelay $0x3  }
0x6f4: {  	[tilespmem:s29+$0xD800] =	vst v1  }
0x6f5: {  	v1 =	vld.idx.msk [tilespmem:v2+s22+$0x0], $0xffff  }
0x6f6: {  	v2 =	vadd.s32 $0x5C00, v0;
	_ =	sdelay $0x3  }
0x6f7: {  	[tilespmem:s29+$0xDC00] =	vst v1  }
0x6f8: {  	v1 =	vld.idx.msk [tilespmem:v2+s22+$0x0], $0xffff  }
0x6f9: {  	v2 =	vadd.s32 $0x6000, v0;
	_ =	sdelay $0x3  }
0x6fa: {  	[tilespmem:s29+$0xE000] =	vst v1  }
0x6fb: {  	v1 =	vld.idx.msk [tilespmem:v2+s22+$0x0], $0xffff  }
0x6fc: {  	v2 =	vadd.s32 $0x6400, v0;
	_ =	sdelay $0x3  }
0x6fd: {  	[tilespmem:s29+$0xE400] =	vst v1  }
0x6fe: {  	v1 =	vld.idx.msk [tilespmem:v2+s22+$0x0], $0xffff  }
0x6ff: {  	v2 =	vadd.s32 $0x6800, v0;
	_ =	sdelay $0x3  }
0x700: {  	[tilespmem:s29+$0xE800] =	vst v1  }
0x701: {  	v1 =	vld.idx.msk [tilespmem:v2+s22+$0x0], $0xffff  }
0x702: {  	v2 =	vadd.s32 $0x6C00, v0;
	_ =	sdelay $0x3  }
0x703: {  	[tilespmem:s29+$0xEC00] =	vst v1  }
0x704: {  	v1 =	vld.idx.msk [tilespmem:v2+s22+$0x0], $0xffff  }
0x705: {  	v2 =	vadd.s32 $0x7000, v0;
	_ =	sdelay $0x3  }
0x706: {  	[tilespmem:s29+$0xF000] =	vst v1  }
0x707: {  	v1 =	vld.idx.msk [tilespmem:v2+s22+$0x0], $0xffff  }
0x708: {  	v2 =	vadd.s32 $0x7400, v0;
	_ =	sdelay $0x3  }
0x709: {  	[tilespmem:s29+$0xF400] =	vst v1  }
0x70a: {  	v1 =	vld.idx.msk [tilespmem:v2+s22+$0x0], $0xffff  }
0x70b: {  	v2 =	vadd.s32 $0x7800, v0;
	_ =	sdelay $0x3  }
0x70c: {  	[tilespmem:s29+$0xF800] =	vst v1  }
0x70d: {  	v1 =	vld.idx.msk [tilespmem:v2+s22+$0x0], $0xffff  }
0x70e: {  	v0 =	vadd.s32 $0x7C00, v0;
	_ =	sdelay $0x3  }
0x70f: {  	[tilespmem:s29+$0xFC00] =	vst v1  }
0x710: {  	v0 =	vld.idx.msk [tilespmem:v0+s22+$0x0], $0xffff;
	_ =	sdelay $0x4  }
0x711: {  	[tilespmem:s29+$0x10000] =	vst v0  }
0x712: {  	[hbm4b:s15+s22] =	stream.strided.scatter [tilespmem:s24], [sflag:$0x1], $0x8000, s23, s22, $0x38;
	[tilespmem:$0x10400] =	vst v63  }
0x713: {  	_ =	swait.ge [sflag:s21], $0x8000  }
0x714: {  	[sflag:s21] =	ssyncset.done $0x0  }
0x715: {  	s31 =	simm.s32 $0x0;
	[sflag:s21] =	ssyncadd.s32 $0xFFFF8000  }
0x716: {  	[tilespmem:s22], [sflag:$0x1] =	stream.linear.gather [hbm4b:s16+s31], $0x8000, $0x38;
	[tilespmem:$0x10400] =	vst v63  }
0x717: {  	_ =	swait.ge [sflag:s21], $0x8000  }
0x718: {  	[sflag:s21] =	ssyncset.done $0x0  }
0x719: {  	s26 =	simm.s32 $0x0;
	[sflag:s21] =	ssyncadd.s32 $0xFFFF8000  }
0x71a: {  	v0 =	vld [tilespmem:s26+$0x0];
	_ =	sdelay $0x7  }
0x71b: {  	v1 =	vld.idx.msk [tilespmem:v0+s22+$0x0], $0xffff  }
0x71c: {  	v2 =	vadd.s32 $0x400, v0;
	_ =	sdelay $0x3  }
0x71d: {  	[tilespmem:s26+$0x8400] =	vst v1  }
0x71e: {  	v1 =	vld.idx.msk [tilespmem:v2+s22+$0x0], $0xffff  }
0x71f: {  	v2 =	vadd.s32 $0x800, v0;
	_ =	sdelay $0x3  }
0x720: {  	[tilespmem:s26+$0x8800] =	vst v1  }
0x721: {  	v1 =	vld.idx.msk [tilespmem:v2+s22+$0x0], $0xffff  }
0x722: {  	v2 =	vadd.s32 $0xC00, v0;
	_ =	sdelay $0x3  }
0x723: {  	[tilespmem:s26+$0x8C00] =	vst v1  }
0x724: {  	v1 =	vld.idx.msk [tilespmem:v2+s22+$0x0], $0xffff  }
0x725: {  	v2 =	vadd.s32 $0x1000, v0;
	_ =	sdelay $0x3  }
0x726: {  	[tilespmem:s26+$0x9000] =	vst v1  }
0x727: {  	v1 =	vld.idx.msk [tilespmem:v2+s22+$0x0], $0xffff  }
0x728: {  	v2 =	vadd.s32 $0x1400, v0;
	_ =	sdelay $0x3  }
0x729: {  	[tilespmem:s26+$0x9400] =	vst v1  }
0x72a: {  	v1 =	vld.idx.msk [tilespmem:v2+s22+$0x0], $0xffff  }
0x72b: {  	v2 =	vadd.s32 $0x1800, v0;
	_ =	sdelay $0x3  }
0x72c: {  	[tilespmem:s26+$0x9800] =	vst v1  }
0x72d: {  	v1 =	vld.idx.msk [tilespmem:v2+s22+$0x0], $0xffff  }
0x72e: {  	v2 =	vadd.s32 $0x1C00, v0;
	_ =	sdelay $0x3  }
0x72f: {  	[tilespmem:s26+$0x9C00] =	vst v1  }
0x730: {  	v1 =	vld.idx.msk [tilespmem:v2+s22+$0x0], $0xffff  }
0x731: {  	v2 =	vadd.s32 $0x2000, v0;
	_ =	sdelay $0x3  }
0x732: {  	[tilespmem:s26+$0xA000] =	vst v1  }
0x733: {  	v1 =	vld.idx.msk [tilespmem:v2+s22+$0x0], $0xffff  }
0x734: {  	v2 =	vadd.s32 $0x2400, v0;
	_ =	sdelay $0x3  }
0x735: {  	[tilespmem:s26+$0xA400] =	vst v1  }
0x736: {  	v1 =	vld.idx.msk [tilespmem:v2+s22+$0x0], $0xffff  }
0x737: {  	v2 =	vadd.s32 $0x2800, v0;
	_ =	sdelay $0x3  }
0x738: {  	[tilespmem:s26+$0xA800] =	vst v1  }
0x739: {  	v1 =	vld.idx.msk [tilespmem:v2+s22+$0x0], $0xffff  }
0x73a: {  	v2 =	vadd.s32 $0x2C00, v0;
	_ =	sdelay $0x3  }
0x73b: {  	[tilespmem:s26+$0xAC00] =	vst v1  }
0x73c: {  	v1 =	vld.idx.msk [tilespmem:v2+s22+$0x0], $0xffff  }
0x73d: {  	v2 =	vadd.s32 $0x3000, v0;
	_ =	sdelay $0x3  }
0x73e: {  	[tilespmem:s26+$0xB000] =	vst v1  }
0x73f: {  	v1 =	vld.idx.msk [tilespmem:v2+s22+$0x0], $0xffff  }
0x740: {  	v2 =	vadd.s32 $0x3400, v0;
	_ =	sdelay $0x3  }
0x741: {  	[tilespmem:s26+$0xB400] =	vst v1  }
0x742: {  	v1 =	vld.idx.msk [tilespmem:v2+s22+$0x0], $0xffff  }
0x743: {  	v2 =	vadd.s32 $0x3800, v0;
	_ =	sdelay $0x3  }
0x744: {  	[tilespmem:s26+$0xB800] =	vst v1  }
0x745: {  	v1 =	vld.idx.msk [tilespmem:v2+s22+$0x0], $0xffff  }
0x746: {  	v2 =	vadd.s32 $0x3C00, v0;
	_ =	sdelay $0x3  }
0x747: {  	[tilespmem:s26+$0xBC00] =	vst v1  }
0x748: {  	v1 =	vld.idx.msk [tilespmem:v2+s22+$0x0], $0xffff  }
0x749: {  	v2 =	vadd.s32 $0x4000, v0;
	_ =	sdelay $0x3  }
0x74a: {  	[tilespmem:s26+$0xC000] =	vst v1  }
0x74b: {  	v1 =	vld.idx.msk [tilespmem:v2+s22+$0x0], $0xffff  }
0x74c: {  	v2 =	vadd.s32 $0x4400, v0;
	_ =	sdelay $0x3  }
0x74d: {  	[tilespmem:s26+$0xC400] =	vst v1  }
0x74e: {  	v1 =	vld.idx.msk [tilespmem:v2+s22+$0x0], $0xffff  }
0x74f: {  	v2 =	vadd.s32 $0x4800, v0;
	_ =	sdelay $0x3  }
0x750: {  	[tilespmem:s26+$0xC800] =	vst v1  }
0x751: {  	v1 =	vld.idx.msk [tilespmem:v2+s22+$0x0], $0xffff  }
0x752: {  	v2 =	vadd.s32 $0x4C00, v0;
	_ =	sdelay $0x3  }
0x753: {  	[tilespmem:s26+$0xCC00] =	vst v1  }
0x754: {  	v1 =	vld.idx.msk [tilespmem:v2+s22+$0x0], $0xffff  }
0x755: {  	v2 =	vadd.s32 $0x5000, v0;
	_ =	sdelay $0x3  }
0x756: {  	[tilespmem:s26+$0xD000] =	vst v1  }
0x757: {  	v1 =	vld.idx.msk [tilespmem:v2+s22+$0x0], $0xffff  }
0x758: {  	v2 =	vadd.s32 $0x5400, v0;
	_ =	sdelay $0x3  }
0x759: {  	[tilespmem:s26+$0xD400] =	vst v1  }
0x75a: {  	v1 =	vld.idx.msk [tilespmem:v2+s22+$0x0], $0xffff  }
0x75b: {  	v2 =	vadd.s32 $0x5800, v0;
	_ =	sdelay $0x3  }
0x75c: {  	[tilespmem:s26+$0xD800] =	vst v1  }
0x75d: {  	v1 =	vld.idx.msk [tilespmem:v2+s22+$0x0], $0xffff  }
0x75e: {  	v2 =	vadd.s32 $0x5C00, v0;
	_ =	sdelay $0x3  }
0x75f: {  	[tilespmem:s26+$0xDC00] =	vst v1  }
0x760: {  	v1 =	vld.idx.msk [tilespmem:v2+s22+$0x0], $0xffff  }
0x761: {  	v2 =	vadd.s32 $0x6000, v0;
	_ =	sdelay $0x3  }
0x762: {  	[tilespmem:s26+$0xE000] =	vst v1  }
0x763: {  	v1 =	vld.idx.msk [tilespmem:v2+s22+$0x0], $0xffff  }
0x764: {  	v2 =	vadd.s32 $0x6400, v0;
	_ =	sdelay $0x3  }
0x765: {  	[tilespmem:s26+$0xE400] =	vst v1  }
0x766: {  	v1 =	vld.idx.msk [tilespmem:v2+s22+$0x0], $0xffff  }
0x767: {  	v2 =	vadd.s32 $0x6800, v0;
	_ =	sdelay $0x3  }
0x768: {  	[tilespmem:s26+$0xE800] =	vst v1  }
0x769: {  	v1 =	vld.idx.msk [tilespmem:v2+s22+$0x0], $0xffff  }
0x76a: {  	v2 =	vadd.s32 $0x6C00, v0;
	_ =	sdelay $0x3  }
0x76b: {  	[tilespmem:s26+$0xEC00] =	vst v1  }
0x76c: {  	v1 =	vld.idx.msk [tilespmem:v2+s22+$0x0], $0xffff  }
0x76d: {  	v2 =	vadd.s32 $0x7000, v0;
	_ =	sdelay $0x3  }
0x76e: {  	[tilespmem:s26+$0xF000] =	vst v1  }
0x76f: {  	v1 =	vld.idx.msk [tilespmem:v2+s22+$0x0], $0xffff  }
0x770: {  	v2 =	vadd.s32 $0x7400, v0;
	_ =	sdelay $0x3  }
0x771: {  	[tilespmem:s26+$0xF400] =	vst v1  }
0x772: {  	v1 =	vld.idx.msk [tilespmem:v2+s22+$0x0], $0xffff  }
0x773: {  	v2 =	vadd.s32 $0x7800, v0;
	_ =	sdelay $0x3  }
0x774: {  	[tilespmem:s26+$0xF800] =	vst v1  }
0x775: {  	v1 =	vld.idx.msk [tilespmem:v2+s22+$0x0], $0xffff  }
0x776: {  	v2 =	vadd.s32 $0x7C00, v0;
	_ =	sdelay $0x2  }
0x777: {  	s28 =	simm.s32 $0x80;
	s29 =	simm.s32 $0x10  }
.LBB2_14:
0x778: {  	p0 =	sne.s32 s28, $0xFC0;
	v0 =	vld [tilespmem:s29+$0x0];
	[tilespmem:s26+$0xFC00] =	vst v1  }
0x779: {  	v1 =	vld.idx.msk [tilespmem:v2+s22+$0x0], $0xffff;
	_ =	sdelay $0x5  }
0x77a: {  	[tilespmem:s26+$0x10000] =	vst v1;
	s26 =	smov.u32 s29  }
0x77b: {  	v1 =	vld.idx.msk [tilespmem:v0+s22+$0x0], $0xffff;
	_ =	sdelay $0x1  }
0x77c: {  	v2 =	vadd.s32 $0x400, v0;
	_ =	sdelay $0x3  }
0x77d: {  	[tilespmem:s26+$0x8400] =	vst v1  }
0x77e: {  	v1 =	vld.idx.msk [tilespmem:v2+s22+$0x0], $0xffff;
	_ =	sdelay $0x1  }
0x77f: {  	v2 =	vadd.s32 $0x800, v0;
	_ =	sdelay $0x3  }
0x780: {  	[tilespmem:s26+$0x8800] =	vst v1  }
0x781: {  	v1 =	vld.idx.msk [tilespmem:v2+s22+$0x0], $0xffff;
	_ =	sdelay $0x1  }
0x782: {  	v2 =	vadd.s32 $0xC00, v0;
	_ =	sdelay $0x3  }
0x783: {  	[tilespmem:s26+$0x8C00] =	vst v1  }
0x784: {  	v1 =	vld.idx.msk [tilespmem:v2+s22+$0x0], $0xffff;
	_ =	sdelay $0x1  }
0x785: {  	v2 =	vadd.s32 $0x1000, v0;
	_ =	sdelay $0x3  }
0x786: {  	[tilespmem:s26+$0x9000] =	vst v1  }
0x787: {  	v1 =	vld.idx.msk [tilespmem:v2+s22+$0x0], $0xffff;
	_ =	sdelay $0x1  }
0x788: {  	v2 =	vadd.s32 $0x1400, v0;
	_ =	sdelay $0x3  }
0x789: {  	[tilespmem:s26+$0x9400] =	vst v1  }
0x78a: {  	v1 =	vld.idx.msk [tilespmem:v2+s22+$0x0], $0xffff;
	_ =	sdelay $0x1  }
0x78b: {  	v2 =	vadd.s32 $0x1800, v0;
	_ =	sdelay $0x3  }
0x78c: {  	[tilespmem:s26+$0x9800] =	vst v1  }
0x78d: {  	v1 =	vld.idx.msk [tilespmem:v2+s22+$0x0], $0xffff;
	_ =	sdelay $0x1  }
0x78e: {  	v2 =	vadd.s32 $0x1C00, v0;
	_ =	sdelay $0x3  }
0x78f: {  	[tilespmem:s26+$0x9C00] =	vst v1  }
0x790: {  	v1 =	vld.idx.msk [tilespmem:v2+s22+$0x0], $0xffff;
	_ =	sdelay $0x1  }
0x791: {  	v2 =	vadd.s32 $0x2000, v0;
	_ =	sdelay $0x3  }
0x792: {  	[tilespmem:s26+$0xA000] =	vst v1  }
0x793: {  	v1 =	vld.idx.msk [tilespmem:v2+s22+$0x0], $0xffff;
	_ =	sdelay $0x1  }
0x794: {  	v2 =	vadd.s32 $0x2400, v0;
	_ =	sdelay $0x3  }
0x795: {  	[tilespmem:s26+$0xA400] =	vst v1  }
0x796: {  	v1 =	vld.idx.msk [tilespmem:v2+s22+$0x0], $0xffff;
	_ =	sdelay $0x1  }
0x797: {  	v2 =	vadd.s32 $0x2800, v0;
	_ =	sdelay $0x3  }
0x798: {  	[tilespmem:s26+$0xA800] =	vst v1  }
0x799: {  	v1 =	vld.idx.msk [tilespmem:v2+s22+$0x0], $0xffff;
	_ =	sdelay $0x1  }
0x79a: {  	v2 =	vadd.s32 $0x2C00, v0;
	_ =	sdelay $0x3  }
0x79b: {  	[tilespmem:s26+$0xAC00] =	vst v1  }
0x79c: {  	v1 =	vld.idx.msk [tilespmem:v2+s22+$0x0], $0xffff;
	_ =	sdelay $0x1  }
0x79d: {  	v2 =	vadd.s32 $0x3000, v0;
	_ =	sdelay $0x3  }
0x79e: {  	[tilespmem:s26+$0xB000] =	vst v1  }
0x79f: {  	v1 =	vld.idx.msk [tilespmem:v2+s22+$0x0], $0xffff;
	_ =	sdelay $0x1  }
0x7a0: {  	v2 =	vadd.s32 $0x3400, v0;
	_ =	sdelay $0x3  }
0x7a1: {  	[tilespmem:s26+$0xB400] =	vst v1  }
0x7a2: {  	v1 =	vld.idx.msk [tilespmem:v2+s22+$0x0], $0xffff;
	_ =	sdelay $0x1  }
0x7a3: {  	v2 =	vadd.s32 $0x3800, v0;
	_ =	sdelay $0x3  }
0x7a4: {  	[tilespmem:s26+$0xB800] =	vst v1  }
0x7a5: {  	v1 =	vld.idx.msk [tilespmem:v2+s22+$0x0], $0xffff;
	_ =	sdelay $0x1  }
0x7a6: {  	v2 =	vadd.s32 $0x3C00, v0;
	_ =	sdelay $0x3  }
0x7a7: {  	[tilespmem:s26+$0xBC00] =	vst v1  }
0x7a8: {  	v1 =	vld.idx.msk [tilespmem:v2+s22+$0x0], $0xffff;
	_ =	sdelay $0x1  }
0x7a9: {  	v2 =	vadd.s32 $0x4000, v0;
	_ =	sdelay $0x3  }
0x7aa: {  	[tilespmem:s26+$0xC000] =	vst v1  }
0x7ab: {  	v1 =	vld.idx.msk [tilespmem:v2+s22+$0x0], $0xffff;
	_ =	sdelay $0x1  }
0x7ac: {  	v2 =	vadd.s32 $0x4400, v0;
	_ =	sdelay $0x3  }
0x7ad: {  	[tilespmem:s26+$0xC400] =	vst v1  }
0x7ae: {  	v1 =	vld.idx.msk [tilespmem:v2+s22+$0x0], $0xffff;
	_ =	sdelay $0x1  }
0x7af: {  	v2 =	vadd.s32 $0x4800, v0;
	_ =	sdelay $0x3  }
0x7b0: {  	[tilespmem:s26+$0xC800] =	vst v1  }
0x7b1: {  	v1 =	vld.idx.msk [tilespmem:v2+s22+$0x0], $0xffff;
	_ =	sdelay $0x1  }
0x7b2: {  	v2 =	vadd.s32 $0x4C00, v0;
	_ =	sdelay $0x3  }
0x7b3: {  	[tilespmem:s26+$0xCC00] =	vst v1  }
0x7b4: {  	v1 =	vld.idx.msk [tilespmem:v2+s22+$0x0], $0xffff;
	_ =	sdelay $0x1  }
0x7b5: {  	v2 =	vadd.s32 $0x5000, v0;
	_ =	sdelay $0x3  }
0x7b6: {  	[tilespmem:s26+$0xD000] =	vst v1  }
0x7b7: {  	v1 =	vld.idx.msk [tilespmem:v2+s22+$0x0], $0xffff;
	_ =	sdelay $0x1  }
0x7b8: {  	v2 =	vadd.s32 $0x5400, v0;
	_ =	sdelay $0x3  }
0x7b9: {  	[tilespmem:s26+$0xD400] =	vst v1  }
0x7ba: {  	v1 =	vld.idx.msk [tilespmem:v2+s22+$0x0], $0xffff;
	_ =	sdelay $0x1  }
0x7bb: {  	v2 =	vadd.s32 $0x5800, v0;
	_ =	sdelay $0x3  }
0x7bc: {  	[tilespmem:s26+$0xD800] =	vst v1  }
0x7bd: {  	v1 =	vld.idx.msk [tilespmem:v2+s22+$0x0], $0xffff;
	_ =	sdelay $0x1  }
0x7be: {  	v2 =	vadd.s32 $0x5C00, v0;
	_ =	sdelay $0x3  }
0x7bf: {  	[tilespmem:s26+$0xDC00] =	vst v1  }
0x7c0: {  	v1 =	vld.idx.msk [tilespmem:v2+s22+$0x0], $0xffff;
	_ =	sdelay $0x1  }
0x7c1: {  	v2 =	vadd.s32 $0x6000, v0;
	_ =	sdelay $0x3  }
0x7c2: {  	[tilespmem:s26+$0xE000] =	vst v1  }
0x7c3: {  	v1 =	vld.idx.msk [tilespmem:v2+s22+$0x0], $0xffff;
	_ =	sdelay $0x1  }
0x7c4: {  	v2 =	vadd.s32 $0x6400, v0;
	_ =	sdelay $0x3  }
0x7c5: {  	[tilespmem:s26+$0xE400] =	vst v1  }
0x7c6: {  	v1 =	vld.idx.msk [tilespmem:v2+s22+$0x0], $0xffff;
	_ =	sdelay $0x1  }
0x7c7: {  	v2 =	vadd.s32 $0x6800, v0;
	_ =	sdelay $0x3  }
0x7c8: {  	[tilespmem:s26+$0xE800] =	vst v1  }
0x7c9: {  	v1 =	vld.idx.msk [tilespmem:v2+s22+$0x0], $0xffff;
	_ =	sdelay $0x1  }
0x7ca: {  	v2 =	vadd.s32 $0x6C00, v0;
	_ =	sdelay $0x3  }
0x7cb: {  	[tilespmem:s26+$0xEC00] =	vst v1  }
0x7cc: {  	v1 =	vld.idx.msk [tilespmem:v2+s22+$0x0], $0xffff;
	_ =	sdelay $0x1  }
0x7cd: {  	v2 =	vadd.s32 $0x7000, v0;
	_ =	sdelay $0x3  }
0x7ce: {  	[tilespmem:s26+$0xF000] =	vst v1  }
0x7cf: {  	v1 =	vld.idx.msk [tilespmem:v2+s22+$0x0], $0xffff;
	_ =	sdelay $0x1  }
0x7d0: {  	v2 =	vadd.s32 $0x7400, v0;
	_ =	sdelay $0x3  }
0x7d1: {  	[tilespmem:s26+$0xF400] =	vst v1  }
0x7d2: {  	v1 =	vld.idx.msk [tilespmem:v2+s22+$0x0], $0xffff;
	_ =	sdelay $0x1  }
0x7d3: {  	v2 =	vadd.s32 $0x7800, v0;
	_ =	sdelay $0x3  }
0x7d4: {  	[tilespmem:s26+$0xF800] =	vst v1  }
0x7d5: {  	v1 =	vld.idx.msk [tilespmem:v2+s22+$0x0], $0xffff  }
.Ltmp6:
0x7d6: {  	(pc) =	sbr.rel @p0 .LBB2_14-.Ltmp6, $2  }
0x7d7: {  	v2 =	vadd.s32 $0x7C00, v0;
	_ =	sdelay $0x2  }
0x7d8: {  	s29 =	sshra.s32 s28, $0x2;
	s28 =	sadd.s32 $0x40, s28  }
0x7d9: {  	_ =	sdelay $0x1  }
0x7da: {  	v0 =	vld [tilespmem:s29+$0x0]  }
0x7db: {  	[tilespmem:s26+$0xFC00] =	vst v1  }
0x7dc: {  	v1 =	vld.idx.msk [tilespmem:v2+s22+$0x0], $0xffff;
	_ =	sdelay $0x4  }
0x7dd: {  	[tilespmem:s26+$0x10000] =	vst v1  }
0x7de: {  	v1 =	vld.idx.msk [tilespmem:v0+s22+$0x0], $0xffff  }
0x7df: {  	v2 =	vadd.s32 $0x400, v0;
	_ =	sdelay $0x3  }
0x7e0: {  	[tilespmem:s29+$0x8400] =	vst v1  }
0x7e1: {  	v1 =	vld.idx.msk [tilespmem:v2+s22+$0x0], $0xffff  }
0x7e2: {  	v2 =	vadd.s32 $0x800, v0;
	_ =	sdelay $0x3  }
0x7e3: {  	[tilespmem:s29+$0x8800] =	vst v1  }
0x7e4: {  	v1 =	vld.idx.msk [tilespmem:v2+s22+$0x0], $0xffff  }
0x7e5: {  	v2 =	vadd.s32 $0xC00, v0;
	_ =	sdelay $0x3  }
0x7e6: {  	[tilespmem:s29+$0x8C00] =	vst v1  }
0x7e7: {  	v1 =	vld.idx.msk [tilespmem:v2+s22+$0x0], $0xffff  }
0x7e8: {  	v2 =	vadd.s32 $0x1000, v0;
	_ =	sdelay $0x3  }
0x7e9: {  	[tilespmem:s29+$0x9000] =	vst v1  }
0x7ea: {  	v1 =	vld.idx.msk [tilespmem:v2+s22+$0x0], $0xffff  }
0x7eb: {  	v2 =	vadd.s32 $0x1400, v0;
	_ =	sdelay $0x3  }
0x7ec: {  	[tilespmem:s29+$0x9400] =	vst v1  }
0x7ed: {  	v1 =	vld.idx.msk [tilespmem:v2+s22+$0x0], $0xffff  }
0x7ee: {  	v2 =	vadd.s32 $0x1800, v0;
	_ =	sdelay $0x3  }
0x7ef: {  	[tilespmem:s29+$0x9800] =	vst v1  }
0x7f0: {  	v1 =	vld.idx.msk [tilespmem:v2+s22+$0x0], $0xffff  }
0x7f1: {  	v2 =	vadd.s32 $0x1C00, v0;
	_ =	sdelay $0x3  }
0x7f2: {  	[tilespmem:s29+$0x9C00] =	vst v1  }
0x7f3: {  	v1 =	vld.idx.msk [tilespmem:v2+s22+$0x0], $0xffff  }
0x7f4: {  	v2 =	vadd.s32 $0x2000, v0;
	_ =	sdelay $0x3  }
0x7f5: {  	[tilespmem:s29+$0xA000] =	vst v1  }
0x7f6: {  	v1 =	vld.idx.msk [tilespmem:v2+s22+$0x0], $0xffff  }
0x7f7: {  	v2 =	vadd.s32 $0x2400, v0;
	_ =	sdelay $0x3  }
0x7f8: {  	[tilespmem:s29+$0xA400] =	vst v1  }
0x7f9: {  	v1 =	vld.idx.msk [tilespmem:v2+s22+$0x0], $0xffff  }
0x7fa: {  	v2 =	vadd.s32 $0x2800, v0;
	_ =	sdelay $0x3  }
0x7fb: {  	[tilespmem:s29+$0xA800] =	vst v1  }
0x7fc: {  	v1 =	vld.idx.msk [tilespmem:v2+s22+$0x0], $0xffff  }
0x7fd: {  	v2 =	vadd.s32 $0x2C00, v0;
	_ =	sdelay $0x3  }
0x7fe: {  	[tilespmem:s29+$0xAC00] =	vst v1  }
0x7ff: {  	v1 =	vld.idx.msk [tilespmem:v2+s22+$0x0], $0xffff  }
0x800: {  	v2 =	vadd.s32 $0x3000, v0;
	_ =	sdelay $0x3  }
0x801: {  	[tilespmem:s29+$0xB000] =	vst v1  }
0x802: {  	v1 =	vld.idx.msk [tilespmem:v2+s22+$0x0], $0xffff  }
0x803: {  	v2 =	vadd.s32 $0x3400, v0;
	_ =	sdelay $0x3  }
0x804: {  	[tilespmem:s29+$0xB400] =	vst v1  }
0x805: {  	v1 =	vld.idx.msk [tilespmem:v2+s22+$0x0], $0xffff  }
0x806: {  	v2 =	vadd.s32 $0x3800, v0;
	_ =	sdelay $0x3  }
0x807: {  	[tilespmem:s29+$0xB800] =	vst v1  }
0x808: {  	v1 =	vld.idx.msk [tilespmem:v2+s22+$0x0], $0xffff  }
0x809: {  	v2 =	vadd.s32 $0x3C00, v0;
	_ =	sdelay $0x3  }
0x80a: {  	[tilespmem:s29+$0xBC00] =	vst v1  }
0x80b: {  	v1 =	vld.idx.msk [tilespmem:v2+s22+$0x0], $0xffff  }
0x80c: {  	v2 =	vadd.s32 $0x4000, v0;
	_ =	sdelay $0x3  }
0x80d: {  	[tilespmem:s29+$0xC000] =	vst v1  }
0x80e: {  	v1 =	vld.idx.msk [tilespmem:v2+s22+$0x0], $0xffff  }
0x80f: {  	v2 =	vadd.s32 $0x4400, v0;
	_ =	sdelay $0x3  }
0x810: {  	[tilespmem:s29+$0xC400] =	vst v1  }
0x811: {  	v1 =	vld.idx.msk [tilespmem:v2+s22+$0x0], $0xffff  }
0x812: {  	v2 =	vadd.s32 $0x4800, v0;
	_ =	sdelay $0x3  }
0x813: {  	[tilespmem:s29+$0xC800] =	vst v1  }
0x814: {  	v1 =	vld.idx.msk [tilespmem:v2+s22+$0x0], $0xffff  }
0x815: {  	v2 =	vadd.s32 $0x4C00, v0;
	_ =	sdelay $0x3  }
0x816: {  	[tilespmem:s29+$0xCC00] =	vst v1  }
0x817: {  	v1 =	vld.idx.msk [tilespmem:v2+s22+$0x0], $0xffff  }
0x818: {  	v2 =	vadd.s32 $0x5000, v0;
	_ =	sdelay $0x3  }
0x819: {  	[tilespmem:s29+$0xD000] =	vst v1  }
0x81a: {  	v1 =	vld.idx.msk [tilespmem:v2+s22+$0x0], $0xffff  }
0x81b: {  	v2 =	vadd.s32 $0x5400, v0;
	_ =	sdelay $0x3  }
0x81c: {  	[tilespmem:s29+$0xD400] =	vst v1  }
0x81d: {  	v1 =	vld.idx.msk [tilespmem:v2+s22+$0x0], $0xffff  }
0x81e: {  	v2 =	vadd.s32 $0x5800, v0;
	_ =	sdelay $0x3  }
0x81f: {  	[tilespmem:s29+$0xD800] =	vst v1  }
0x820: {  	v1 =	vld.idx.msk [tilespmem:v2+s22+$0x0], $0xffff  }
0x821: {  	v2 =	vadd.s32 $0x5C00, v0;
	_ =	sdelay $0x3  }
0x822: {  	[tilespmem:s29+$0xDC00] =	vst v1  }
0x823: {  	v1 =	vld.idx.msk [tilespmem:v2+s22+$0x0], $0xffff  }
0x824: {  	v2 =	vadd.s32 $0x6000, v0;
	_ =	sdelay $0x3  }
0x825: {  	[tilespmem:s29+$0xE000] =	vst v1  }
0x826: {  	v1 =	vld.idx.msk [tilespmem:v2+s22+$0x0], $0xffff  }
0x827: {  	v2 =	vadd.s32 $0x6400, v0;
	_ =	sdelay $0x3  }
0x828: {  	[tilespmem:s29+$0xE400] =	vst v1  }
0x829: {  	v1 =	vld.idx.msk [tilespmem:v2+s22+$0x0], $0xffff  }
0x82a: {  	v2 =	vadd.s32 $0x6800, v0;
	_ =	sdelay $0x3  }
0x82b: {  	[tilespmem:s29+$0xE800] =	vst v1  }
0x82c: {  	v1 =	vld.idx.msk [tilespmem:v2+s22+$0x0], $0xffff  }
0x82d: {  	v2 =	vadd.s32 $0x6C00, v0;
	_ =	sdelay $0x3  }
0x82e: {  	[tilespmem:s29+$0xEC00] =	vst v1  }
0x82f: {  	v1 =	vld.idx.msk [tilespmem:v2+s22+$0x0], $0xffff  }
0x830: {  	v2 =	vadd.s32 $0x7000, v0;
	_ =	sdelay $0x3  }
0x831: {  	[tilespmem:s29+$0xF000] =	vst v1  }
0x832: {  	v1 =	vld.idx.msk [tilespmem:v2+s22+$0x0], $0xffff  }
0x833: {  	v2 =	vadd.s32 $0x7400, v0;
	_ =	sdelay $0x3  }
0x834: {  	[tilespmem:s29+$0xF400] =	vst v1  }
0x835: {  	v1 =	vld.idx.msk [tilespmem:v2+s22+$0x0], $0xffff  }
0x836: {  	v2 =	vadd.s32 $0x7800, v0;
	_ =	sdelay $0x3  }
0x837: {  	[tilespmem:s29+$0xF800] =	vst v1  }
0x838: {  	v1 =	vld.idx.msk [tilespmem:v2+s22+$0x0], $0xffff  }
0x839: {  	v0 =	vadd.s32 $0x7C00, v0;
	_ =	sdelay $0x3  }
0x83a: {  	[tilespmem:s29+$0xFC00] =	vst v1  }
0x83b: {  	v0 =	vld.idx.msk [tilespmem:v0+s22+$0x0], $0xffff;
	_ =	sdelay $0x4  }
0x83c: {  	[tilespmem:s29+$0x10000] =	vst v0  }
0x83d: {  	[hbm4b:s17+s22] =	stream.strided.scatter [tilespmem:s24], [sflag:$0x1], $0x8000, s23, s22, $0x38;
	[tilespmem:$0x10400] =	vst v63  }
0x83e: {  	_ =	swait.ge [sflag:s21], $0x8000  }
0x83f: {  	[sflag:s21] =	ssyncset.done $0x0  }
0x840: {  	s31 =	simm.s32 $0x0;
	[sflag:s21] =	ssyncadd.s32 $0xFFFF8000  }
0x841: {  	[tilespmem:s22], [sflag:$0x1] =	stream.linear.gather [hbm4b:s18+s31], $0x8000, $0x38;
	[tilespmem:$0x10400] =	vst v63  }
0x842: {  	_ =	swait.ge [sflag:s21], $0x8000  }
0x843: {  	[sflag:s21] =	ssyncset.done $0x0  }
0x844: {  	s26 =	simm.s32 $0x0;
	[sflag:s21] =	ssyncadd.s32 $0xFFFF8000  }
0x845: {  	v0 =	vld [tilespmem:s26+$0x0];
	_ =	sdelay $0x7  }
0x846: {  	v1 =	vld.idx.msk [tilespmem:v0+s22+$0x0], $0xffff  }
0x847: {  	v2 =	vadd.s32 $0x400, v0;
	_ =	sdelay $0x3  }
0x848: {  	[tilespmem:s26+$0x8400] =	vst v1  }
0x849: {  	v1 =	vld.idx.msk [tilespmem:v2+s22+$0x0], $0xffff  }
0x84a: {  	v2 =	vadd.s32 $0x800, v0;
	_ =	sdelay $0x3  }
0x84b: {  	[tilespmem:s26+$0x8800] =	vst v1  }
0x84c: {  	v1 =	vld.idx.msk [tilespmem:v2+s22+$0x0], $0xffff  }
0x84d: {  	v2 =	vadd.s32 $0xC00, v0;
	_ =	sdelay $0x3  }
0x84e: {  	[tilespmem:s26+$0x8C00] =	vst v1  }
0x84f: {  	v1 =	vld.idx.msk [tilespmem:v2+s22+$0x0], $0xffff  }
0x850: {  	v2 =	vadd.s32 $0x1000, v0;
	_ =	sdelay $0x3  }
0x851: {  	[tilespmem:s26+$0x9000] =	vst v1  }
0x852: {  	v1 =	vld.idx.msk [tilespmem:v2+s22+$0x0], $0xffff  }
0x853: {  	v2 =	vadd.s32 $0x1400, v0;
	_ =	sdelay $0x3  }
0x854: {  	[tilespmem:s26+$0x9400] =	vst v1  }
0x855: {  	v1 =	vld.idx.msk [tilespmem:v2+s22+$0x0], $0xffff  }
0x856: {  	v2 =	vadd.s32 $0x1800, v0;
	_ =	sdelay $0x3  }
0x857: {  	[tilespmem:s26+$0x9800] =	vst v1  }
0x858: {  	v1 =	vld.idx.msk [tilespmem:v2+s22+$0x0], $0xffff  }
0x859: {  	v2 =	vadd.s32 $0x1C00, v0;
	_ =	sdelay $0x3  }
0x85a: {  	[tilespmem:s26+$0x9C00] =	vst v1  }
0x85b: {  	v1 =	vld.idx.msk [tilespmem:v2+s22+$0x0], $0xffff  }
0x85c: {  	v2 =	vadd.s32 $0x2000, v0;
	_ =	sdelay $0x3  }
0x85d: {  	[tilespmem:s26+$0xA000] =	vst v1  }
0x85e: {  	v1 =	vld.idx.msk [tilespmem:v2+s22+$0x0], $0xffff  }
0x85f: {  	v2 =	vadd.s32 $0x2400, v0;
	_ =	sdelay $0x3  }
0x860: {  	[tilespmem:s26+$0xA400] =	vst v1  }
0x861: {  	v1 =	vld.idx.msk [tilespmem:v2+s22+$0x0], $0xffff  }
0x862: {  	v2 =	vadd.s32 $0x2800, v0;
	_ =	sdelay $0x3  }
0x863: {  	[tilespmem:s26+$0xA800] =	vst v1  }
0x864: {  	v1 =	vld.idx.msk [tilespmem:v2+s22+$0x0], $0xffff  }
0x865: {  	v2 =	vadd.s32 $0x2C00, v0;
	_ =	sdelay $0x3  }
0x866: {  	[tilespmem:s26+$0xAC00] =	vst v1  }
0x867: {  	v1 =	vld.idx.msk [tilespmem:v2+s22+$0x0], $0xffff  }
0x868: {  	v2 =	vadd.s32 $0x3000, v0;
	_ =	sdelay $0x3  }
0x869: {  	[tilespmem:s26+$0xB000] =	vst v1  }
0x86a: {  	v1 =	vld.idx.msk [tilespmem:v2+s22+$0x0], $0xffff  }
0x86b: {  	v2 =	vadd.s32 $0x3400, v0;
	_ =	sdelay $0x3  }
0x86c: {  	[tilespmem:s26+$0xB400] =	vst v1  }
0x86d: {  	v1 =	vld.idx.msk [tilespmem:v2+s22+$0x0], $0xffff  }
0x86e: {  	v2 =	vadd.s32 $0x3800, v0;
	_ =	sdelay $0x3  }
0x86f: {  	[tilespmem:s26+$0xB800] =	vst v1  }
0x870: {  	v1 =	vld.idx.msk [tilespmem:v2+s22+$0x0], $0xffff  }
0x871: {  	v2 =	vadd.s32 $0x3C00, v0;
	_ =	sdelay $0x3  }
0x872: {  	[tilespmem:s26+$0xBC00] =	vst v1  }
0x873: {  	v1 =	vld.idx.msk [tilespmem:v2+s22+$0x0], $0xffff  }
0x874: {  	v2 =	vadd.s32 $0x4000, v0;
	_ =	sdelay $0x3  }
0x875: {  	[tilespmem:s26+$0xC000] =	vst v1  }
0x876: {  	v1 =	vld.idx.msk [tilespmem:v2+s22+$0x0], $0xffff  }
0x877: {  	v2 =	vadd.s32 $0x4400, v0;
	_ =	sdelay $0x3  }
0x878: {  	[tilespmem:s26+$0xC400] =	vst v1  }
0x879: {  	v1 =	vld.idx.msk [tilespmem:v2+s22+$0x0], $0xffff  }
0x87a: {  	v2 =	vadd.s32 $0x4800, v0;
	_ =	sdelay $0x3  }
0x87b: {  	[tilespmem:s26+$0xC800] =	vst v1  }
0x87c: {  	v1 =	vld.idx.msk [tilespmem:v2+s22+$0x0], $0xffff  }
0x87d: {  	v2 =	vadd.s32 $0x4C00, v0;
	_ =	sdelay $0x3  }
0x87e: {  	[tilespmem:s26+$0xCC00] =	vst v1  }
0x87f: {  	v1 =	vld.idx.msk [tilespmem:v2+s22+$0x0], $0xffff  }
0x880: {  	v2 =	vadd.s32 $0x5000, v0;
	_ =	sdelay $0x3  }
0x881: {  	[tilespmem:s26+$0xD000] =	vst v1  }
0x882: {  	v1 =	vld.idx.msk [tilespmem:v2+s22+$0x0], $0xffff  }
0x883: {  	v2 =	vadd.s32 $0x5400, v0;
	_ =	sdelay $0x3  }
0x884: {  	[tilespmem:s26+$0xD400] =	vst v1  }
0x885: {  	v1 =	vld.idx.msk [tilespmem:v2+s22+$0x0], $0xffff  }
0x886: {  	v2 =	vadd.s32 $0x5800, v0;
	_ =	sdelay $0x3  }
0x887: {  	[tilespmem:s26+$0xD800] =	vst v1  }
0x888: {  	v1 =	vld.idx.msk [tilespmem:v2+s22+$0x0], $0xffff  }
0x889: {  	v2 =	vadd.s32 $0x5C00, v0;
	_ =	sdelay $0x3  }
0x88a: {  	[tilespmem:s26+$0xDC00] =	vst v1  }
0x88b: {  	v1 =	vld.idx.msk [tilespmem:v2+s22+$0x0], $0xffff  }
0x88c: {  	v2 =	vadd.s32 $0x6000, v0;
	_ =	sdelay $0x3  }
0x88d: {  	[tilespmem:s26+$0xE000] =	vst v1  }
0x88e: {  	v1 =	vld.idx.msk [tilespmem:v2+s22+$0x0], $0xffff  }
0x88f: {  	v2 =	vadd.s32 $0x6400, v0;
	_ =	sdelay $0x3  }
0x890: {  	[tilespmem:s26+$0xE400] =	vst v1  }
0x891: {  	v1 =	vld.idx.msk [tilespmem:v2+s22+$0x0], $0xffff  }
0x892: {  	v2 =	vadd.s32 $0x6800, v0;
	_ =	sdelay $0x3  }
0x893: {  	[tilespmem:s26+$0xE800] =	vst v1  }
0x894: {  	v1 =	vld.idx.msk [tilespmem:v2+s22+$0x0], $0xffff  }
0x895: {  	v2 =	vadd.s32 $0x6C00, v0;
	_ =	sdelay $0x3  }
0x896: {  	[tilespmem:s26+$0xEC00] =	vst v1  }
0x897: {  	v1 =	vld.idx.msk [tilespmem:v2+s22+$0x0], $0xffff  }
0x898: {  	v2 =	vadd.s32 $0x7000, v0;
	_ =	sdelay $0x3  }
0x899: {  	[tilespmem:s26+$0xF000] =	vst v1  }
0x89a: {  	v1 =	vld.idx.msk [tilespmem:v2+s22+$0x0], $0xffff  }
0x89b: {  	v2 =	vadd.s32 $0x7400, v0;
	_ =	sdelay $0x3  }
0x89c: {  	[tilespmem:s26+$0xF400] =	vst v1  }
0x89d: {  	v1 =	vld.idx.msk [tilespmem:v2+s22+$0x0], $0xffff  }
0x89e: {  	v2 =	vadd.s32 $0x7800, v0;
	_ =	sdelay $0x3  }
0x89f: {  	[tilespmem:s26+$0xF800] =	vst v1  }
0x8a0: {  	v1 =	vld.idx.msk [tilespmem:v2+s22+$0x0], $0xffff  }
0x8a1: {  	v2 =	vadd.s32 $0x7C00, v0;
	_ =	sdelay $0x2  }
0x8a2: {  	s28 =	simm.s32 $0x80;
	s29 =	simm.s32 $0x10  }
.LBB2_16:
0x8a3: {  	p0 =	sne.s32 s28, $0xFC0;
	v0 =	vld [tilespmem:s29+$0x0];
	[tilespmem:s26+$0xFC00] =	vst v1  }
0x8a4: {  	v1 =	vld.idx.msk [tilespmem:v2+s22+$0x0], $0xffff;
	_ =	sdelay $0x5  }
0x8a5: {  	[tilespmem:s26+$0x10000] =	vst v1;
	s26 =	smov.u32 s29  }
0x8a6: {  	v1 =	vld.idx.msk [tilespmem:v0+s22+$0x0], $0xffff;
	_ =	sdelay $0x1  }
0x8a7: {  	v2 =	vadd.s32 $0x400, v0;
	_ =	sdelay $0x3  }
0x8a8: {  	[tilespmem:s26+$0x8400] =	vst v1  }
0x8a9: {  	v1 =	vld.idx.msk [tilespmem:v2+s22+$0x0], $0xffff;
	_ =	sdelay $0x1  }
0x8aa: {  	v2 =	vadd.s32 $0x800, v0;
	_ =	sdelay $0x3  }
0x8ab: {  	[tilespmem:s26+$0x8800] =	vst v1  }
0x8ac: {  	v1 =	vld.idx.msk [tilespmem:v2+s22+$0x0], $0xffff;
	_ =	sdelay $0x1  }
0x8ad: {  	v2 =	vadd.s32 $0xC00, v0;
	_ =	sdelay $0x3  }
0x8ae: {  	[tilespmem:s26+$0x8C00] =	vst v1  }
0x8af: {  	v1 =	vld.idx.msk [tilespmem:v2+s22+$0x0], $0xffff;
	_ =	sdelay $0x1  }
0x8b0: {  	v2 =	vadd.s32 $0x1000, v0;
	_ =	sdelay $0x3  }
0x8b1: {  	[tilespmem:s26+$0x9000] =	vst v1  }
0x8b2: {  	v1 =	vld.idx.msk [tilespmem:v2+s22+$0x0], $0xffff;
	_ =	sdelay $0x1  }
0x8b3: {  	v2 =	vadd.s32 $0x1400, v0;
	_ =	sdelay $0x3  }
0x8b4: {  	[tilespmem:s26+$0x9400] =	vst v1  }
0x8b5: {  	v1 =	vld.idx.msk [tilespmem:v2+s22+$0x0], $0xffff;
	_ =	sdelay $0x1  }
0x8b6: {  	v2 =	vadd.s32 $0x1800, v0;
	_ =	sdelay $0x3  }
0x8b7: {  	[tilespmem:s26+$0x9800] =	vst v1  }
0x8b8: {  	v1 =	vld.idx.msk [tilespmem:v2+s22+$0x0], $0xffff;
	_ =	sdelay $0x1  }
0x8b9: {  	v2 =	vadd.s32 $0x1C00, v0;
	_ =	sdelay $0x3  }
0x8ba: {  	[tilespmem:s26+$0x9C00] =	vst v1  }
0x8bb: {  	v1 =	vld.idx.msk [tilespmem:v2+s22+$0x0], $0xffff;
	_ =	sdelay $0x1  }
0x8bc: {  	v2 =	vadd.s32 $0x2000, v0;
	_ =	sdelay $0x3  }
0x8bd: {  	[tilespmem:s26+$0xA000] =	vst v1  }
0x8be: {  	v1 =	vld.idx.msk [tilespmem:v2+s22+$0x0], $0xffff;
	_ =	sdelay $0x1  }
0x8bf: {  	v2 =	vadd.s32 $0x2400, v0;
	_ =	sdelay $0x3  }
0x8c0: {  	[tilespmem:s26+$0xA400] =	vst v1  }
0x8c1: {  	v1 =	vld.idx.msk [tilespmem:v2+s22+$0x0], $0xffff;
	_ =	sdelay $0x1  }
0x8c2: {  	v2 =	vadd.s32 $0x2800, v0;
	_ =	sdelay $0x3  }
0x8c3: {  	[tilespmem:s26+$0xA800] =	vst v1  }
0x8c4: {  	v1 =	vld.idx.msk [tilespmem:v2+s22+$0x0], $0xffff;
	_ =	sdelay $0x1  }
0x8c5: {  	v2 =	vadd.s32 $0x2C00, v0;
	_ =	sdelay $0x3  }
0x8c6: {  	[tilespmem:s26+$0xAC00] =	vst v1  }
0x8c7: {  	v1 =	vld.idx.msk [tilespmem:v2+s22+$0x0], $0xffff;
	_ =	sdelay $0x1  }
0x8c8: {  	v2 =	vadd.s32 $0x3000, v0;
	_ =	sdelay $0x3  }
0x8c9: {  	[tilespmem:s26+$0xB000] =	vst v1  }
0x8ca: {  	v1 =	vld.idx.msk [tilespmem:v2+s22+$0x0], $0xffff;
	_ =	sdelay $0x1  }
0x8cb: {  	v2 =	vadd.s32 $0x3400, v0;
	_ =	sdelay $0x3  }
0x8cc: {  	[tilespmem:s26+$0xB400] =	vst v1  }
0x8cd: {  	v1 =	vld.idx.msk [tilespmem:v2+s22+$0x0], $0xffff;
	_ =	sdelay $0x1  }
0x8ce: {  	v2 =	vadd.s32 $0x3800, v0;
	_ =	sdelay $0x3  }
0x8cf: {  	[tilespmem:s26+$0xB800] =	vst v1  }
0x8d0: {  	v1 =	vld.idx.msk [tilespmem:v2+s22+$0x0], $0xffff;
	_ =	sdelay $0x1  }
0x8d1: {  	v2 =	vadd.s32 $0x3C00, v0;
	_ =	sdelay $0x3  }
0x8d2: {  	[tilespmem:s26+$0xBC00] =	vst v1  }
0x8d3: {  	v1 =	vld.idx.msk [tilespmem:v2+s22+$0x0], $0xffff;
	_ =	sdelay $0x1  }
0x8d4: {  	v2 =	vadd.s32 $0x4000, v0;
	_ =	sdelay $0x3  }
0x8d5: {  	[tilespmem:s26+$0xC000] =	vst v1  }
0x8d6: {  	v1 =	vld.idx.msk [tilespmem:v2+s22+$0x0], $0xffff;
	_ =	sdelay $0x1  }
0x8d7: {  	v2 =	vadd.s32 $0x4400, v0;
	_ =	sdelay $0x3  }
0x8d8: {  	[tilespmem:s26+$0xC400] =	vst v1  }
0x8d9: {  	v1 =	vld.idx.msk [tilespmem:v2+s22+$0x0], $0xffff;
	_ =	sdelay $0x1  }
0x8da: {  	v2 =	vadd.s32 $0x4800, v0;
	_ =	sdelay $0x3  }
0x8db: {  	[tilespmem:s26+$0xC800] =	vst v1  }
0x8dc: {  	v1 =	vld.idx.msk [tilespmem:v2+s22+$0x0], $0xffff;
	_ =	sdelay $0x1  }
0x8dd: {  	v2 =	vadd.s32 $0x4C00, v0;
	_ =	sdelay $0x3  }
0x8de: {  	[tilespmem:s26+$0xCC00] =	vst v1  }
0x8df: {  	v1 =	vld.idx.msk [tilespmem:v2+s22+$0x0], $0xffff;
	_ =	sdelay $0x1  }
0x8e0: {  	v2 =	vadd.s32 $0x5000, v0;
	_ =	sdelay $0x3  }
0x8e1: {  	[tilespmem:s26+$0xD000] =	vst v1  }
0x8e2: {  	v1 =	vld.idx.msk [tilespmem:v2+s22+$0x0], $0xffff;
	_ =	sdelay $0x1  }
0x8e3: {  	v2 =	vadd.s32 $0x5400, v0;
	_ =	sdelay $0x3  }
0x8e4: {  	[tilespmem:s26+$0xD400] =	vst v1  }
0x8e5: {  	v1 =	vld.idx.msk [tilespmem:v2+s22+$0x0], $0xffff;
	_ =	sdelay $0x1  }
0x8e6: {  	v2 =	vadd.s32 $0x5800, v0;
	_ =	sdelay $0x3  }
0x8e7: {  	[tilespmem:s26+$0xD800] =	vst v1  }
0x8e8: {  	v1 =	vld.idx.msk [tilespmem:v2+s22+$0x0], $0xffff;
	_ =	sdelay $0x1  }
0x8e9: {  	v2 =	vadd.s32 $0x5C00, v0;
	_ =	sdelay $0x3  }
0x8ea: {  	[tilespmem:s26+$0xDC00] =	vst v1  }
0x8eb: {  	v1 =	vld.idx.msk [tilespmem:v2+s22+$0x0], $0xffff;
	_ =	sdelay $0x1  }
0x8ec: {  	v2 =	vadd.s32 $0x6000, v0;
	_ =	sdelay $0x3  }
0x8ed: {  	[tilespmem:s26+$0xE000] =	vst v1  }
0x8ee: {  	v1 =	vld.idx.msk [tilespmem:v2+s22+$0x0], $0xffff;
	_ =	sdelay $0x1  }
0x8ef: {  	v2 =	vadd.s32 $0x6400, v0;
	_ =	sdelay $0x3  }
0x8f0: {  	[tilespmem:s26+$0xE400] =	vst v1  }
0x8f1: {  	v1 =	vld.idx.msk [tilespmem:v2+s22+$0x0], $0xffff;
	_ =	sdelay $0x1  }
0x8f2: {  	v2 =	vadd.s32 $0x6800, v0;
	_ =	sdelay $0x3  }
0x8f3: {  	[tilespmem:s26+$0xE800] =	vst v1  }
0x8f4: {  	v1 =	vld.idx.msk [tilespmem:v2+s22+$0x0], $0xffff;
	_ =	sdelay $0x1  }
0x8f5: {  	v2 =	vadd.s32 $0x6C00, v0;
	_ =	sdelay $0x3  }
0x8f6: {  	[tilespmem:s26+$0xEC00] =	vst v1  }
0x8f7: {  	v1 =	vld.idx.msk [tilespmem:v2+s22+$0x0], $0xffff;
	_ =	sdelay $0x1  }
0x8f8: {  	v2 =	vadd.s32 $0x7000, v0;
	_ =	sdelay $0x3  }
0x8f9: {  	[tilespmem:s26+$0xF000] =	vst v1  }
0x8fa: {  	v1 =	vld.idx.msk [tilespmem:v2+s22+$0x0], $0xffff;
	_ =	sdelay $0x1  }
0x8fb: {  	v2 =	vadd.s32 $0x7400, v0;
	_ =	sdelay $0x3  }
0x8fc: {  	[tilespmem:s26+$0xF400] =	vst v1  }
0x8fd: {  	v1 =	vld.idx.msk [tilespmem:v2+s22+$0x0], $0xffff;
	_ =	sdelay $0x1  }
0x8fe: {  	v2 =	vadd.s32 $0x7800, v0;
	_ =	sdelay $0x3  }
0x8ff: {  	[tilespmem:s26+$0xF800] =	vst v1  }
0x900: {  	v1 =	vld.idx.msk [tilespmem:v2+s22+$0x0], $0xffff  }
.Ltmp7:
0x901: {  	(pc) =	sbr.rel @p0 .LBB2_16-.Ltmp7, $2  }
0x902: {  	v2 =	vadd.s32 $0x7C00, v0;
	_ =	sdelay $0x2  }
0x903: {  	s29 =	sshra.s32 s28, $0x2;
	s28 =	sadd.s32 $0x40, s28  }
0x904: {  	_ =	sdelay $0x1  }
0x905: {  	v0 =	vld [tilespmem:s29+$0x0]  }
0x906: {  	[tilespmem:s26+$0xFC00] =	vst v1  }
0x907: {  	v1 =	vld.idx.msk [tilespmem:v2+s22+$0x0], $0xffff;
	_ =	sdelay $0x4  }
0x908: {  	[tilespmem:s26+$0x10000] =	vst v1  }
0x909: {  	v1 =	vld.idx.msk [tilespmem:v0+s22+$0x0], $0xffff  }
0x90a: {  	v34 =	vadd.s32 $0x400, v0;
	_ =	sdelay $0x3  }
0x90b: {  	[tilespmem:s29+$0x8400] =	vst v1  }
0x90c: {  	v1 =	vld.idx.msk [tilespmem:v34+s22+$0x0], $0xffff  }
0x90d: {  	v35 =	vadd.s32 $0x800, v0;
	_ =	sdelay $0x3  }
0x90e: {  	[tilespmem:s29+$0x8800] =	vst v1  }
0x90f: {  	v1 =	vld.idx.msk [tilespmem:v35+s22+$0x0], $0xffff  }
0x910: {  	v36 =	vadd.s32 $0xC00, v0;
	_ =	sdelay $0x3  }
0x911: {  	[tilespmem:s29+$0x8C00] =	vst v1  }
0x912: {  	v1 =	vld.idx.msk [tilespmem:v36+s22+$0x0], $0xffff  }
0x913: {  	v37 =	vadd.s32 $0x1000, v0;
	_ =	sdelay $0x3  }
0x914: {  	[tilespmem:s29+$0x9000] =	vst v1  }
0x915: {  	v1 =	vld.idx.msk [tilespmem:v37+s22+$0x0], $0xffff  }
0x916: {  	v38 =	vadd.s32 $0x1400, v0;
	_ =	sdelay $0x3  }
0x917: {  	[tilespmem:s29+$0x9400] =	vst v1  }
0x918: {  	v1 =	vld.idx.msk [tilespmem:v38+s22+$0x0], $0xffff  }
0x919: {  	v39 =	vadd.s32 $0x1800, v0;
	_ =	sdelay $0x3  }
0x91a: {  	[tilespmem:s29+$0x9800] =	vst v1  }
0x91b: {  	v1 =	vld.idx.msk [tilespmem:v39+s22+$0x0], $0xffff  }
0x91c: {  	v40 =	vadd.s32 $0x1C00, v0;
	_ =	sdelay $0x3  }
0x91d: {  	[tilespmem:s29+$0x9C00] =	vst v1  }
0x91e: {  	v1 =	vld.idx.msk [tilespmem:v40+s22+$0x0], $0xffff  }
0x91f: {  	v41 =	vadd.s32 $0x2000, v0;
	_ =	sdelay $0x3  }
0x920: {  	[tilespmem:s29+$0xA000] =	vst v1  }
0x921: {  	v1 =	vld.idx.msk [tilespmem:v41+s22+$0x0], $0xffff  }
0x922: {  	v42 =	vadd.s32 $0x2400, v0;
	_ =	sdelay $0x3  }
0x923: {  	[tilespmem:s29+$0xA400] =	vst v1  }
0x924: {  	v1 =	vld.idx.msk [tilespmem:v42+s22+$0x0], $0xffff  }
0x925: {  	v43 =	vadd.s32 $0x2800, v0;
	_ =	sdelay $0x3  }
0x926: {  	[tilespmem:s29+$0xA800] =	vst v1  }
0x927: {  	v1 =	vld.idx.msk [tilespmem:v43+s22+$0x0], $0xffff  }
0x928: {  	v44 =	vadd.s32 $0x2C00, v0;
	_ =	sdelay $0x3  }
0x929: {  	[tilespmem:s29+$0xAC00] =	vst v1  }
0x92a: {  	v1 =	vld.idx.msk [tilespmem:v44+s22+$0x0], $0xffff  }
0x92b: {  	v45 =	vadd.s32 $0x3000, v0;
	_ =	sdelay $0x3  }
0x92c: {  	[tilespmem:s29+$0xB000] =	vst v1  }
0x92d: {  	v1 =	vld.idx.msk [tilespmem:v45+s22+$0x0], $0xffff  }
0x92e: {  	v46 =	vadd.s32 $0x3400, v0;
	_ =	sdelay $0x3  }
0x92f: {  	[tilespmem:s29+$0xB400] =	vst v1  }
0x930: {  	v1 =	vld.idx.msk [tilespmem:v46+s22+$0x0], $0xffff  }
0x931: {  	v47 =	vadd.s32 $0x3800, v0;
	_ =	sdelay $0x3  }
0x932: {  	[tilespmem:s29+$0xB800] =	vst v1  }
0x933: {  	v1 =	vld.idx.msk [tilespmem:v47+s22+$0x0], $0xffff  }
0x934: {  	v48 =	vadd.s32 $0x3C00, v0;
	_ =	sdelay $0x3  }
0x935: {  	[tilespmem:s29+$0xBC00] =	vst v1  }
0x936: {  	v1 =	vld.idx.msk [tilespmem:v48+s22+$0x0], $0xffff  }
0x937: {  	v49 =	vadd.s32 $0x4000, v0;
	_ =	sdelay $0x3  }
0x938: {  	[tilespmem:s29+$0xC000] =	vst v1  }
0x939: {  	v1 =	vld.idx.msk [tilespmem:v49+s22+$0x0], $0xffff  }
0x93a: {  	v50 =	vadd.s32 $0x4400, v0;
	_ =	sdelay $0x3  }
0x93b: {  	[tilespmem:s29+$0xC400] =	vst v1  }
0x93c: {  	v1 =	vld.idx.msk [tilespmem:v50+s22+$0x0], $0xffff  }
0x93d: {  	v51 =	vadd.s32 $0x4800, v0;
	_ =	sdelay $0x3  }
0x93e: {  	[tilespmem:s29+$0xC800] =	vst v1  }
0x93f: {  	v1 =	vld.idx.msk [tilespmem:v51+s22+$0x0], $0xffff  }
0x940: {  	v52 =	vadd.s32 $0x4C00, v0;
	_ =	sdelay $0x3  }
0x941: {  	[tilespmem:s29+$0xCC00] =	vst v1  }
0x942: {  	v1 =	vld.idx.msk [tilespmem:v52+s22+$0x0], $0xffff  }
0x943: {  	v53 =	vadd.s32 $0x5000, v0;
	_ =	sdelay $0x3  }
0x944: {  	[tilespmem:s29+$0xD000] =	vst v1  }
0x945: {  	v1 =	vld.idx.msk [tilespmem:v53+s22+$0x0], $0xffff  }
0x946: {  	v54 =	vadd.s32 $0x5400, v0;
	_ =	sdelay $0x3  }
0x947: {  	[tilespmem:s29+$0xD400] =	vst v1  }
0x948: {  	v1 =	vld.idx.msk [tilespmem:v54+s22+$0x0], $0xffff  }
0x949: {  	v55 =	vadd.s32 $0x5800, v0;
	_ =	sdelay $0x3  }
0x94a: {  	[tilespmem:s29+$0xD800] =	vst v1  }
0x94b: {  	v1 =	vld.idx.msk [tilespmem:v55+s22+$0x0], $0xffff  }
0x94c: {  	v56 =	vadd.s32 $0x5C00, v0;
	_ =	sdelay $0x3  }
0x94d: {  	[tilespmem:s29+$0xDC00] =	vst v1  }
0x94e: {  	v1 =	vld.idx.msk [tilespmem:v56+s22+$0x0], $0xffff  }
0x94f: {  	v57 =	vadd.s32 $0x6000, v0;
	_ =	sdelay $0x3  }
0x950: {  	[tilespmem:s29+$0xE000] =	vst v1  }
0x951: {  	v1 =	vld.idx.msk [tilespmem:v57+s22+$0x0], $0xffff  }
0x952: {  	v58 =	vadd.s32 $0x6400, v0;
	_ =	sdelay $0x3  }
0x953: {  	[tilespmem:s29+$0xE400] =	vst v1  }
0x954: {  	v1 =	vld.idx.msk [tilespmem:v58+s22+$0x0], $0xffff  }
0x955: {  	v59 =	vadd.s32 $0x6800, v0;
	_ =	sdelay $0x3  }
0x956: {  	[tilespmem:s29+$0xE800] =	vst v1  }
0x957: {  	v1 =	vld.idx.msk [tilespmem:v59+s22+$0x0], $0xffff  }
0x958: {  	v60 =	vadd.s32 $0x6C00, v0;
	_ =	sdelay $0x3  }
0x959: {  	[tilespmem:s29+$0xEC00] =	vst v1  }
0x95a: {  	v1 =	vld.idx.msk [tilespmem:v60+s22+$0x0], $0xffff  }
0x95b: {  	v61 =	vadd.s32 $0x7000, v0;
	_ =	sdelay $0x3  }
0x95c: {  	[tilespmem:s29+$0xF000] =	vst v1  }
0x95d: {  	v1 =	vld.idx.msk [tilespmem:v61+s22+$0x0], $0xffff  }
0x95e: {  	v62 =	vadd.s32 $0x7400, v0;
	_ =	sdelay $0x3  }
0x95f: {  	[tilespmem:s29+$0xF400] =	vst v1  }
0x960: {  	v1 =	vld.idx.msk [tilespmem:v62+s22+$0x0], $0xffff  }
0x961: {  	v63 =	vadd.s32 $0x7800, v0;
	_ =	sdelay $0x3  }
0x962: {  	[tilespmem:s29+$0xF800] =	vst v1  }
0x963: {  	v1 =	vld.idx.msk [tilespmem:v63+s22+$0x0], $0xffff  }
0x964: {  	v0 =	vadd.s32 $0x7C00, v0;
	_ =	sdelay $0x3  }
0x965: {  	[tilespmem:s29+$0xFC00] =	vst v1  }
0x966: {  	v0 =	vld.idx.msk [tilespmem:v0+s22+$0x0], $0xffff;
	_ =	sdelay $0x2  }
0x967: {  	s25 =	sadd.s32 $0x1, s25  }
0x968: {  	p0 =	sne.s32 s25, s20  }
.Ltmp8:
0x969: {  	[tilespmem:s29+$0x10000] =	vst v0;
	(pc) =	sbr.rel @p0 .LBB2_1-.Ltmp8, $4  }
0x96a: {  	[hbm4b:s19+s22] =	stream.strided.scatter [tilespmem:s24], [sflag:$0x1], $0x8000, s23, s22, $0x38;
	[tilespmem:$0x10400] =	vst v63  }
0x96b: {  	_ =	swait.ge [sflag:s21], $0x8000  }
0x96c: {  	[sflag:s21] =	ssyncset.done $0x0  }
0x96d: {  	[sflag:s21] =	ssyncadd.s32 $0xFFFF8000  }
0x96e: {  	_ =	sfence.sel $0x180000  }
0x96f: {  	[bflag:$0x0] =	sbarrier.arrive $0xFFFF  }
0x970: {  	p0 =	sne.s32 s1, $0x0;
	_ =	strace $0x90000047  }
0x971: {  	s0 =	sadd.s32 @!p0 $0x100000, s0;
	[bflag:$0x2] =	sbarrier.arrive $0xFFFF  }
0x972: {  	[sflag:s0] =	ssyncadd.tile.s32 @!p0 $0x1;
	_ =	shalt  }
.Lfunc_end2:
_tile_overlayer_lowered:
.L_overlay_start_2:
0x973: {  	(tag) =	ssettag $0x2  }
0x974: {  	s0 =	rddreg [dreg:$0x0];
	s2 =	stileid.u32  }
0x975: {  	s1 =	rddreg [dreg:$0x1];
	p0 =	sne.s32 s2, $0x0  }
0x976: {  	s3 =	rddreg [dreg:$0x2];
	[bflag:$0x3] =	sbarrier.arrive $0xFFFF;
	s2 =	simm.s32 @!p0 $0x1C01  }
0x977: {  	[timem:s3], [sflag:s2] =	dma.local @!p0 [hbm:s0], s1  }
0x978: {  	s0 =	simm.s32 @!p0 $0x1  }
0x979: {  	_ =	swait.ge @!p0 [sflag:s0], s1  }
0x97a: {  	s1 =	ssub.s32 @!p0 $0x0, s1;
	[sflag:s0] =	ssyncset.done @!p0 $0x0  }
0x97b: {  	[sflag:s0] =	ssyncadd.s32 @!p0 s1  }
0x97c: {  	[bflag:$0x3] =	sbarrier.arrive $0xFFFF  }
0x97d: {  	_ =	shalt  }

// kernel: sparse-core-data-format-call.1.cloned.1.call-start
scs
called_computation.1_lowered:
.L_overlay_start_0:
0x0: {  	s2 =	sld [smem:$0x3FD9]  }
0x1: {  	s3 =	sld [smem:$0x3FFE];
	_ =	sdelay $0x1  }
0x2: {  	s1 =	srdreg.scid  }
0x3: {  	s0 =	sand.u32 $0x1, s1  }
0x4: {  	s15 =	sshll.u32 s0, $0xA;
	s2 =	sadd.s32 s3, s2  }
0x5: {  	s2 =	sadd.s32 s2, s15  }
0x6: {  	[smem:$0x3FC6] =	sst s2  }
0x7: {  	_ = 	snop  }
0x8: {  	s2 =	sld [smem:$0x3FD0];
	_ =	sdelay $0x2  }
0x9: {  	s16 =	simm.s32 $0xA;
	s4 =	simm.s32 $0x10  }
0xa: {  	[smem:s4], [sflag:s16] =	dma.local [hbm:s2], $0x1  }
0xb: {  	_ =	swait.eq [sflag:s16], $0x1  }
0xc: {  	[sflag:s16] =	ssyncset.done $0x0  }
0xd: {  	[sflag:s16] =	ssyncadd.s32 $0xFFFFFFFF  }
0xe: {  	s17 =	sld [smem:$0x10];
	(tm) =	ssettm $0x1  }
0xf: {  	s18 =	sld [smem:$0x3FFB];
	_ =	sdelay $0x3  }
0x10: {  	_ =	strace s18  }
0x11: {  	s3 =	sld [smem:$0x3FFC];
	_ =	sdelay $0x3  }
0x12: {  	_ =	strace s3  }
0x13: {  	s3 =	sld [smem:$0x3FFD];
	_ =	sdelay $0x3  }
0x14: {  	_ =	strace s3  }
0x15: {  	_ =	strace $0x8FFFFFFF  }
0x16: {  	s19 =	sld [smem:$0x3FDB];
	_ =	sdelay $0x1  }
0x17: {  	s20 =	simm.s32 $_scs_section_size  }
0x18: {  	s5 =	simm.s32 $_size__tile_overlayer_lowered;
	s6 =	simm.s32 $_tile_overlayer_lowered  }
0x19: {  	s23 =	simm.s32 $0x1BFF;
	s22 =	sshll.u32 s6, $0x1;
	s3 =	sadd.s32 s20, s19  }
0x1a: {  	s7 =	simm.s32 $0x0;
	s21 =	sshll.u32 s5, $0x1;
	s5 =	sadd.s32 s22, s3  }
0x1b: {  	[timem:s7], [sflag:s23] =	dma.local [hbm:s5], s21  }
0x1c: {  	_ =	swait.ge [sflag:s23], s21  }
0x1d: {  	s4 =	ssub.s32 $0x0, s21;
	[sflag:s23] =	ssyncset.done $0x0  }
0x1e: {  	[sflag:s23] =	ssyncadd.s32 s4;
	_ =	sdelay $0x1  }
0x1f: {  	s24 =	simm.s32 $0x1B8B  }
0x20: {  	_ =	swait.ge [sflag:s24], $0x1  }
0x21: {  	[sflag:s24] =	ssyncset.done $0x0  }
0x22: {  	s26 =	simm.s32 $0x1B8E;
	s25 =	sld [smem:$0x3FFE];
	[sflag:s24] =	ssyncadd.s32 $0xFFFFFFFF  }
0x23: {  	s27 =	simm.s32 $execute0_lowered;
	[smem:$0x3FD2] =	sst s26  }
0x24: {  	s5 =	sshll.u32 s27, $0x1;
	_ =	strace $0x80000049;
	[dreg:$0x1] =	wrdreg $0xFFFFFFFF  }
0x25: {  	s28 =	simm.s32 $_size_execute0_lowered;
	s3 =	sadd.s32 s3, s5;
	[dreg:$0x0] =	wrdreg $0x0  }
0x26: {  	s5 =	sshll.u32 s28, $0x1;
	[dreg:$0x2] =	wrdreg s3  }
0x27: {  	[dreg:$0x3] =	wrdreg s5  }
0x28: {  	[dreg:$0x4] =	wrdreg $0xC0  }
0x29: {  	_ =	task [dreg:s7], $0x5FFFF  }
0x2a: {  	[dreg:$0x1] =	wrdreg $0xFFFFFFFF  }
0x2b: {  	[dreg:$0x0] =	wrdreg $0x60  }
0x2c: {  	[dreg:$0x2] =	wrdreg s17  }
0x2d: {  	[dreg:$0x3] =	wrdreg s25  }
0x2e: {  	[dreg:$0x4] =	wrdreg $0x9  }
0x2f: {  	_ =	task.clear_ibuf [dreg:s7], $0x5FFFF;
	_ =	strace $0x90000049  }
0x30: {  	s29 =	simm.s32 $0x9;
	_ =	strace $0x8000004B  }
0x31: {  	_ =	swait.ge [sflag:s29], $0x1  }
0x32: {  	[sflag:s29] =	ssyncadd.s32 $0xFFFFFFFF  }
0x33: {  	_ =	strace $0x9000004B  }
0x34: {  	_ =	sfence  }
0x35: {  	s30 =	sld [smem:$0x0];
	_ =	sdelay $0x2  }
0x36: {  	s31 =	sshll.u32 s1, $0xD;
	s1 =	sshrl.u32 s1, $0x2  }
0x37: {  	s3 =	sand.u32 $0x4000, s31;
	s1 =	sadd.s32 s1, s30  }
0x38: {  	s0 =	sor.u32 s3, s0;
	s1 =	sshll.u32 s1, $0x11  }
0x39: {  	s0 =	sor.u32 s1, s0  }
0x3a: {  	s0 =	sadd.s32 $0x8F2B, s0  }
0x3b: {  	[sflag:s0] =	ssyncadd.remote.s32 $0x1  }
0x3c: {  	_ =	sfence.sel $0xFFFF  }
0x3d: {  	[dreg:$0x0] =	wrdreg $0xFFFFFFFF;
	(pc) =	sbr.abs _section_cstart, $3  }
0x3e: {  	[dreg:$0x1] =	wrdreg $0xFFFFFFFF  }
0x3f: {  	_ =	task.clear_ibuf [dreg:s7], $0x2FFFF;
	_ =	strace $0x9FFFFFFF  }
0x40: {  	(tm) =	ssettm $0x7FFFFFFF  }
0x41: {  	_ =	shalt  }
tec
execute0_lowered:
.L_overlay_start_1:
0x0: {  	(tag) =	ssettag $0x1  }
0x1: {  	s2 =	rddreg [dreg:$0x0];
	s0 =	stileid.u32  }
0x2: {  	s1 =	srdreg.scid;
	s7 =	rddreg [dreg:$0x1];
	s31 =	simm.s32 $0x2  }
0x3: {  	s14 =	simm.s32 $0x0;
	s13 =	simm.s32 $0x0;
	s12 =	simm.s32 $0x0  }
0x4: {  	s3 =	sshll.u32 s0, $0x7;
	s4 =	sshll.u32 s0, $0x4;
	s1 =	sshll.u32 s1, $0x8  }
0x5: {  	s3 =	sand.u32 $0x380, s3;
	s4 =	sor.u32 s4, s1;
	s1 =	rddreg [dreg:$0x2]  }
0x6: {  	_ =	strace $0x8000004A;
	s4 =	sand.u32 $0x180, s4;
	s5 =	ssub.s32 $0x400, s3  }
0x7: {  	s6 =	sand.u32 $0x380, s5;
	s8 =	ssub.s32 $0x2000, s4;
	s10 =	sshrl.u32 s5, $0xA  }
0x8: {  	p0 =	sne.s32 s6, $0x0;
	s6 =	simm.s32 $0x1;
	s9 =	sand.u32 $0x180, s8  }
0x9: {  	s6 =	simm.s32 @!p0 $0x0;
	p0 =	sne.s32 s9, $0x0;
	s9 =	simm.s32 $0x1  }
.Ltmp0:
0xa: {  	s8 =	sshrl.u32 s8, $0x9;
	s9 =	simm.s32 @!p0 $0x0;
	(pc) =	sbr.rel .LBB1_1-.Ltmp0, $4  }
0xb: {  	s5 =	simm.s32 $0x1;
	s6 =	sadd.s32 s6, s10;
	s8 =	sadd.s32 s9, s8  }
0xc: {  	s7 =	sadd.s32 $0x1000, s7;
	[sflag:s5] =	ssyncpa.u1 $0x0;
	s6 =	smul.u32 s6, s8  }
0xd: {  	s11 =	smov.u32 s3;
	[sflag:s31] =	ssyncpa.u1 $0x0;
	p0 =	por $0x0, $0x0  }
0xe: {  	s10 =	smov.u32 s4;
	s9 =	simm.s32 $0x2000;
	s8 =	sadd.s32 $0x1, s6  }
.LBB1_4:
0xf: {  	v5 =	vld [tilespmem:s18+$0xFFFFFFD0];
	[tilespmem:s17+$0x2040 ss:$0x81] =	vst.msk $0xffff, v1  }
0x10: {  	v58 =	vld [tilespmem:s18+$0xFFFFFFE0];
	[tilespmem:s17+$0x2850 ss:$0x81] =	vst.msk $0xffff, v2  }
0x11: {  	s19 =	sshra.s32 s19, $0x2;
	v59 =	vld [tilespmem:s18+$0xFFFFFFF0];
	[tilespmem:s17+$0x3060 ss:$0x81] =	vst.msk $0xffff, v3  }
0x12: {  	v60 =	vld [tilespmem:s18+$0x0];
	[tilespmem:s17+$0x0 ss:$0x81] =	vst.msk $0xffff, v0;
	s16 =	sadd.s32 s19, s16  }
0x13: {  	v61 =	vld [tilespmem:s18+$0x10];
	[tilespmem:s16+$0x3870 ss:$0x81] =	vst.msk $0xffff, v4  }
0x14: {  	v62 =	vld [tilespmem:s18+$0x20];
	s26 =	sshll.u32 s14, $0xA;
	s27 =	sshll.u32 s13, $0x3;
	[tilespmem:s16+$0x810 ss:$0x81] =	vst.msk $0xffff, v5  }
0x15: {  	v63 =	vld [tilespmem:s18+$0xFFFFFFC0];
	s29 =	sshll.u32 s14, $0x7;
	s17 =	sand.u32 $0x7FE000, s26;
	s28 =	sand.u32 $0x7FFC00, s27;
	[tilespmem:s16+$0x1020 ss:$0x81] =	vst.msk $0xffff, v58  }
0x16: {  	s30 =	sand.u32 $0x78, s13;
	s14 =	sand.u32 $0x380, s29;
	s17 =	sadd.s32 s28, s17;
	[tilespmem:s16+$0x1830 ss:$0x81] =	vst.msk $0xffff, v59  }
0x17: {  	s14 =	sor.u32 s30, s14;
	s17 =	sand.u32 $0x7FFC00, s17;
	[tilespmem:s16+$0x2040 ss:$0x81] =	vst.msk $0xffff, v60  }
0x18: {  	s31 =	sand.u32 $0x7, s13;
	s14 =	sor.u32 s17, s14;
	[tilespmem:s16+$0x2850 ss:$0x81] =	vst.msk $0xffff, v61  }
0x19: {  	s13 =	sshll.u32 s31, $0x12;
	[tilespmem:s16+$0x3060 ss:$0x81] =	vst.msk $0xffff, v62;
	s14 =	sshrl.u32 s14, $0x3  }
0x1a: {  	s13 =	sor.u32 $0x400, s13;
	[tilespmem:s16+$0x0 ss:$0x81] =	vst.msk $0xffff, v63;
	s14 =	sadd.s32 s7, s14  }
0x1b: {  	[hbm4b:s14+s13] =	stream.strided.scatter [tilespmem:s15], [sflag:$0x2], $0x4000, s9, s13, $0x20;
	[tilespmem:$0x10100] =	vst v63  }
.LBB1_5:
0x1c: {  	s15 =	sadd.s32 $0x200, s10  }
0x1d: {  	s13 =	sadd.s32 $0x400, s11;
	s17 =	smov.u32 s11;
	p2 =	sgt.s32 s15, $0x1FFF  }
0x1e: {  	s17 =	smov.u32 @p2 s13  }
0x1f: {  	s15 =	smov.u32 @p2 s4;
	p2 =	sgt.s32 s17, $0x3FF  }
0x20: {  	s17 =	smov.u32 @p2 s3;
	p2 =	sne.s32 s12, s8  }
.Ltmp1:
0x21: {  	p1 =	slt.u32 s12, $0x2;
	(pc) =	sbr.rel @!p2 .LBB1_6-.Ltmp1, $4  }
0x22: {  	s16 =	simm.s32 @!p1 $0x2  }
0x23: {  	s14 =	smov.u32 s10;
	p0 =	por !p0, !p0;
	_ =	swait.ge @!p1 [sflag:s16], $0x4000  }
0x24: {  	s13 =	smov.u32 s11;
	[sflag:s16] =	ssyncset.done @!p1 $0x0;
	s10 =	smov.u32 s15  }
0x25: {  	s12 =	sadd.s32 $0x1, s12;
	[sflag:s16] =	ssyncadd.s32 @!p1 $0xFFFFC000;
	s11 =	smov.u32 s17  }
.LBB1_1:
0x26: {  	p1 =	sge.u32 s12, s6;
	s31 =	sadd.s32 $0xFFFFFFFF, s12  }
0x27: {  	s15 =	sand.u32 @!p1 $0x78, s10;
	s16 =	sshll.u32 @!p1 s11, $0xD;
	s17 =	sshll.u32 @!p1 s11, $0x7  }
0x28: {  	s18 =	sshll.u32 @!p1 s10, $0x3;
	s16 =	sand.u32 @!p1 $0x7F0000, s16;
	s17 =	sand.u32 @!p1 $0x380, s17  }
0x29: {  	s16 =	sadd.s32 @!p1 s16, s18;
	s18 =	sand.u32 @!p1 $0x1C00, s18;
	s15 =	sor.u32 @!p1 s17, s15  }
0x2a: {  	s17 =	sxor.u32 @!p1 $0xFFFFFFFF, s12;
	s16 =	sand.u32 @!p1 $0x7FE000, s16;
	s15 =	sor.u32 @!p1 s18, s15  }
0x2b: {  	s17 =	sshll.u32 @!p1 s17, $0xE;
	s15 =	sor.u32 @!p1 s16, s15;
	s16 =	sand.u32 @!p1 $0x7, s10  }
0x2c: {  	s18 =	simm.s32 @!p1 $0x10000;
	s15 =	sshrl.u32 @!p1 s15, $0x3;
	s16 =	sshll.u32 @!p1 s16, $0x12  }
0x2d: {  	s17 =	sand.u32 @!p1 $0x4000, s17;
	s15 =	sadd.s32 @!p1 s2, s15;
	s16 =	sor.u32 @!p1 $0x400, s16  }
0x2e: {  	[tilespmem:s17], [sflag:$0x1] =	stream.strided.gather @!p1 [hbm4b:s15+s16], $0x4000, s18, s16, $0x38;
	[tilespmem:$0x10100] =	vst v63  }
0x2f: {  	p1 =	sge.u32 s31, s6  }
.Ltmp2:
0x30: {  	_ = 	snop;
	(pc) =	sbr.rel @p1 .LBB1_5-.Ltmp2, $1  }
0x31: {  	_ =	sdelay $0x3  }
0x32: {  	s15 =	simm.s32 $0x1  }
0x33: {  	_ =	swait.ge [sflag:s5], $0x4000;
	s15 =	simm.s32 @!p0 $0x0  }
0x34: {  	[sflag:s5] =	ssyncset.done $0x0;
	s16 =	sshll.u32 s15, $0xE  }
0x35: {  	[sflag:s5] =	ssyncadd.s32 $0xFFFFC000;
	s18 =	sor.u32 $0x40, s16  }
0x36: {  	s15 =	smul.u32 $0x10200, s15;
	v0 =	vld [tilespmem:s18+$0x30]  }
0x37: {  	v3 =	vld [tilespmem:s18+$0xFFFFFFD0]  }
0x38: {  	s15 =	sshrl.u32 s15, $0x2;
	v4 =	vld [tilespmem:s18+$0xFFFFFFE0]  }
0x39: {  	v5 =	vld [tilespmem:s18+$0xFFFFFFF0];
	s16 =	sor.u32 $0x8000, s15  }
0x3a: {  	s31 =	sand.u32 $0x1, s12;
	v1 =	vld [tilespmem:s18+$0x0];
	s17 =	sadd.s32 $0x0, s16  }
0x3b: {  	v2 =	vld [tilespmem:s18+$0x10];
	s15 =	smul.u32 $0x10200, s31;
	[tilespmem:s17+$0x3870 ss:$0x81] =	vst.msk $0xffff, v0  }
0x3c: {  	[tilespmem:s17+$0x810 ss:$0x81] =	vst.msk $0xffff, v3;
	v3 =	vld [tilespmem:s18+$0x20]  }
0x3d: {  	s15 =	sshrl.u32 s15, $0x2;
	v0 =	vld [tilespmem:s18+$0xFFFFFFC0];
	[tilespmem:s17+$0x1020 ss:$0x81] =	vst.msk $0xffff, v4;
	s18 =	sadd.s32 $0x80, s18  }
0x3e: {  	s19 =	simm.s32 $0x4;
	s20 =	simm.s32 $0x8;
	s15 =	sor.u32 $0x8000, s15;
	[tilespmem:s17+$0x1830 ss:$0x81] =	vst.msk $0xffff, v5;
	v4 =	vld [tilespmem:s18+$0x30]  }
.LBB1_3:
0x3f: {  	p1 =	sne.s32 s20, $0x1FC;
	v5 =	vld [tilespmem:s18+$0xFFFFFFD0];
	[tilespmem:s17+$0x2040 ss:$0x81] =	vst.msk $0xffff, v1  }
0x40: {  	v6 =	vld [tilespmem:s18+$0xFFFFFFE0];
	[tilespmem:s17+$0x2850 ss:$0x81] =	vst.msk $0xffff, v2  }
0x41: {  	s21 =	sshra.s32 s19, $0x2;
	s19 =	smov.u32 s20;
	v7 =	vld [tilespmem:s18+$0xFFFFFFF0];
	[tilespmem:s17+$0x3060 ss:$0x81] =	vst.msk $0xffff, v3  }
.Ltmp3:
0x42: {  	v1 =	vld [tilespmem:s18+$0x0];
	[tilespmem:s17+$0x0 ss:$0x81] =	vst.msk $0xffff, v0;
	s17 =	sadd.s32 s21, s16;
	(pc) =	sbr.rel @p1 .LBB1_3-.Ltmp3, $4  }
0x43: {  	v2 =	vld [tilespmem:s18+$0x10];
	[tilespmem:s17+$0x3870 ss:$0x81] =	vst.msk $0xffff, v4  }
0x44: {  	[tilespmem:s17+$0x810 ss:$0x81] =	vst.msk $0xffff, v5;
	v3 =	vld [tilespmem:s18+$0x20]  }
0x45: {  	v0 =	vld [tilespmem:s18+$0xFFFFFFC0];
	[tilespmem:s17+$0x1020 ss:$0x81] =	vst.msk $0xffff, v6;
	s18 =	sadd.s32 $0x80, s18  }
0x46: {  	s20 =	sadd.s32 $0x4, s20;
	v4 =	vld [tilespmem:s18+$0x30];
	[tilespmem:s17+$0x1830 ss:$0x81] =	vst.msk $0xffff, v7  }
.Ltmp4:
0x47: {  	_ = 	snop;
	(pc) =	sbr.rel .LBB1_4-.Ltmp4, $1  }
0x48: {  	_ =	sdelay $0x3  }
.LBB1_6:
0x49: {  	_ =	sfence.sel $0x180000  }
0x4a: {  	s2 =	simm.s32 $0x1;
	[bflag:$0x0] =	sbarrier.arrive $0xFFFF  }
0x4b: {  	s31 =	simm.s32 $0x2;
	[sflag:s2] =	ssyncpa.u1 $0x1  }
0x4c: {  	[sflag:s31] =	ssyncpa.u1 $0x1  }
0x4d: {  	p0 =	sne.s32 s0, $0x0;
	_ =	strace $0x9000004A  }
0x4e: {  	s0 =	sadd.s32 @!p0 $0x100000, s1;
	[bflag:$0x2] =	sbarrier.arrive $0xFFFF  }
0x4f: {  	[sflag:s0] =	ssyncadd.tile.s32 @!p0 $0x1;
	_ =	shalt  }
.Lfunc_end1:
_tile_overlayer_lowered:
.L_overlay_start_2:
0x50: {  	(tag) =	ssettag $0x2  }
0x51: {  	s0 =	rddreg [dreg:$0x0];
	s2 =	stileid.u32  }
0x52: {  	s1 =	rddreg [dreg:$0x1];
	p0 =	sne.s32 s2, $0x0  }
0x53: {  	s3 =	rddreg [dreg:$0x2];
	[bflag:$0x3] =	sbarrier.arrive $0xFFFF;
	s2 =	simm.s32 @!p0 $0x1C01  }
0x54: {  	[timem:s3], [sflag:s2] =	dma.local @!p0 [hbm:s0], s1  }
0x55: {  	s0 =	simm.s32 @!p0 $0x1  }
0x56: {  	_ =	swait.ge @!p0 [sflag:s0], s1  }
0x57: {  	s1 =	ssub.s32 @!p0 $0x0, s1;
	[sflag:s0] =	ssyncset.done @!p0 $0x0  }
0x58: {  	[sflag:s0] =	ssyncadd.s32 @!p0 s1  }
0x59: {  	[bflag:$0x3] =	sbarrier.arrive $0xFFFF  }
0x5a: {  	_ =	shalt  }

// kernel: sparse-core-data-format-call.cloned.1.call-start
scs
called_computation_lowered:
.L_overlay_start_0:
0x0: {  	s2 =	sld [smem:$0x3FD9]  }
0x1: {  	s3 =	sld [smem:$0x3FFE];
	_ =	sdelay $0x1  }
0x2: {  	s1 =	srdreg.scid  }
0x3: {  	s0 =	sand.u32 $0x1, s1  }
0x4: {  	s15 =	sshll.u32 s0, $0xA;
	s2 =	sadd.s32 s3, s2  }
0x5: {  	s2 =	sadd.s32 s2, s15  }
0x6: {  	[smem:$0x3FC6] =	sst s2  }
0x7: {  	_ = 	snop  }
0x8: {  	s2 =	sld [smem:$0x3FD0];
	_ =	sdelay $0x2  }
0x9: {  	s16 =	simm.s32 $0xA;
	s4 =	simm.s32 $0x10  }
0xa: {  	[smem:s4], [sflag:s16] =	dma.local [hbm:s2], $0x1  }
0xb: {  	_ =	swait.eq [sflag:s16], $0x1  }
0xc: {  	[sflag:s16] =	ssyncset.done $0x0  }
0xd: {  	[sflag:s16] =	ssyncadd.s32 $0xFFFFFFFF  }
0xe: {  	s17 =	sld [smem:$0x10];
	(tm) =	ssettm $0x1  }
0xf: {  	s18 =	sld [smem:$0x3FFB];
	_ =	sdelay $0x3  }
0x10: {  	_ =	strace s18  }
0x11: {  	s3 =	sld [smem:$0x3FFC];
	_ =	sdelay $0x3  }
0x12: {  	_ =	strace s3  }
0x13: {  	s3 =	sld [smem:$0x3FFD];
	_ =	sdelay $0x3  }
0x14: {  	_ =	strace s3  }
0x15: {  	_ =	strace $0x8FFFFFFF  }
0x16: {  	s19 =	sld [smem:$0x3FDB];
	_ =	sdelay $0x1  }
0x17: {  	s20 =	simm.s32 $_scs_section_size  }
0x18: {  	s5 =	simm.s32 $_size__tile_overlayer_lowered;
	s6 =	simm.s32 $_tile_overlayer_lowered  }
0x19: {  	s23 =	simm.s32 $0x1BFF;
	s22 =	sshll.u32 s6, $0x1;
	s3 =	sadd.s32 s20, s19  }
0x1a: {  	s7 =	simm.s32 $0x0;
	s21 =	sshll.u32 s5, $0x1;
	s5 =	sadd.s32 s22, s3  }
0x1b: {  	[timem:s7], [sflag:s23] =	dma.local [hbm:s5], s21  }
0x1c: {  	_ =	swait.ge [sflag:s23], s21  }
0x1d: {  	s4 =	ssub.s32 $0x0, s21;
	[sflag:s23] =	ssyncset.done $0x0  }
0x1e: {  	[sflag:s23] =	ssyncadd.s32 s4;
	_ =	sdelay $0x1  }
0x1f: {  	s24 =	simm.s32 $0x1B8B  }
0x20: {  	_ =	swait.ge [sflag:s24], $0x1  }
0x21: {  	[sflag:s24] =	ssyncset.done $0x0  }
0x22: {  	s26 =	simm.s32 $0x1B8E;
	s25 =	sld [smem:$0x3FFE];
	[sflag:s24] =	ssyncadd.s32 $0xFFFFFFFF  }
0x23: {  	s27 =	simm.s32 $execute0_lowered;
	[smem:$0x3FD2] =	sst s26  }
0x24: {  	s5 =	sshll.u32 s27, $0x1;
	_ =	strace $0x8000004C;
	[dreg:$0x1] =	wrdreg $0xFFFFFFFF  }
0x25: {  	s28 =	simm.s32 $_size_execute0_lowered;
	s3 =	sadd.s32 s3, s5;
	[dreg:$0x0] =	wrdreg $0x0  }
0x26: {  	s5 =	sshll.u32 s28, $0x1;
	[dreg:$0x2] =	wrdreg s3  }
0x27: {  	[dreg:$0x3] =	wrdreg s5  }
0x28: {  	[dreg:$0x4] =	wrdreg $0xC0  }
0x29: {  	_ =	task [dreg:s7], $0x5FFFF  }
0x2a: {  	[dreg:$0x1] =	wrdreg $0xFFFFFFFF  }
0x2b: {  	[dreg:$0x0] =	wrdreg $0x60  }
0x2c: {  	[dreg:$0x2] =	wrdreg s25  }
0x2d: {  	[dreg:$0x3] =	wrdreg s17  }
0x2e: {  	[dreg:$0x4] =	wrdreg $0x9  }
0x2f: {  	_ =	task.clear_ibuf [dreg:s7], $0x5FFFF;
	_ =	strace $0x9000004C  }
0x30: {  	s29 =	simm.s32 $0x9;
	_ =	strace $0x8000004E  }
0x31: {  	_ =	swait.ge [sflag:s29], $0x1  }
0x32: {  	[sflag:s29] =	ssyncadd.s32 $0xFFFFFFFF  }
0x33: {  	_ =	strace $0x9000004E  }
0x34: {  	_ =	sfence  }
0x35: {  	s30 =	sld [smem:$0x0];
	_ =	sdelay $0x2  }
0x36: {  	s31 =	sshll.u32 s1, $0xD;
	s1 =	sshrl.u32 s1, $0x2  }
0x37: {  	s3 =	sand.u32 $0x4000, s31;
	s1 =	sadd.s32 s1, s30  }
0x38: {  	s0 =	sor.u32 s3, s0;
	s1 =	sshll.u32 s1, $0x11  }
0x39: {  	s0 =	sor.u32 s1, s0  }
0x3a: {  	s0 =	sadd.s32 $0x8F2B, s0  }
0x3b: {  	[sflag:s0] =	ssyncadd.remote.s32 $0x1  }
0x3c: {  	_ =	sfence.sel $0xFFFF  }
0x3d: {  	[dreg:$0x0] =	wrdreg $0xFFFFFFFF;
	(pc) =	sbr.abs _section_cstart, $3  }
0x3e: {  	[dreg:$0x1] =	wrdreg $0xFFFFFFFF  }
0x3f: {  	_ =	task.clear_ibuf [dreg:s7], $0x2FFFF;
	_ =	strace $0x9FFFFFFF  }
0x40: {  	(tm) =	ssettm $0x7FFFFFFF  }
0x41: {  	_ =	shalt  }
tec
execute0_lowered:
.L_overlay_start_1:
0x0: {  	(tag) =	ssettag $0x1  }
0x1: {  	s1 =	rddreg [dreg:$0x0]  }
0x2: {  	s2 =	rddreg [dreg:$0x1];
	s3 =	srdreg.scid  }
0x3: {  	_ =	strace $0x8000004D;
	s0 =	stileid.u32;
	s5 =	simm.s32 $0x1  }
0x4: {  	s7 =	simm.s32 $0x2;
	s13 =	simm.s32 $0x0;
	p0 =	por $0x0, $0x0  }
0x5: {  	s8 =	simm.s32 $0x200000;
	s14 =	simm.s32 $0x0;
	s15 =	simm.s32 $0x0  }
.Ltmp0:
0x6: {  	s10 =	simm.s32 $0x0;
	s4 =	sshll.u32 s3, $0x4;
	(pc) =	sbr.rel .LBB1_1-.Ltmp0, $4  }
0x7: {  	s9 =	simm.s32 $0x0;
	s21 =	simm.s32 $0x0;
	s4 =	sand.u32 $0x10, s4  }
0x8: {  	s3 =	sadd.s32 $0x101000, s1;
	[sflag:s5] =	ssyncpa.u1 $0x0;
	s6 =	sor.u32 s0, s4  }
0x9: {  	[sflag:s7] =	ssyncpa.u1 $0x0;
	s4 =	sand.u32 $0x7, s0;
	s6 =	sshrl.u32 s6, $0x3  }
0xa: {  	s7 =	simm.s32 $0x1000;
	s12 =	smov.u32 s4;
	s11 =	smov.u32 s6  }
.LBB1_7:
0xb: {  	s0 =	sadd.s32 $0x10, s10  }
0xc: {  	s1 =	sadd.s32 $0x4, s11;
	s16 =	smov.u32 s11;
	p2 =	sgt.s32 s0, $0x1F  }
0xd: {  	s16 =	smov.u32 @p2 s1  }
0xe: {  	s13 =	sadd.s32 $0x8, s12;
	s17 =	smov.u32 s12;
	p3 =	sgt.s32 s16, $0x1F  }
0xf: {  	p1 =	slt.u32 s9, $0x2;
	s17 =	smov.u32 @p3 s13  }
0x10: {  	s9 =	sadd.s32 $0x1, s9;
	s0 =	simm.s32 @p2 $0x0;
	p2 =	sgt.s32 s17, $0x7  }
0x11: {  	s17 =	smov.u32 @p2 s4;
	p2 =	sne.s32 s9, $0x12  }
.Ltmp1:
0x12: {  	_ = 	snop;
	(pc) =	sbr.rel @!p2 .LBB1_8-.Ltmp1, $4  }
0x13: {  	s14 =	smov.u32 s11;
	s15 =	smov.u32 s12;
	s1 =	simm.s32 @!p1 $0x2  }
0x14: {  	p0 =	por !p0, !p0;
	_ =	swait.ge @!p1 [sflag:s1], $0x4000;
	s16 =	smov.u32 @p3 s6  }
0x15: {  	[sflag:s1] =	ssyncset.done @!p1 $0x0;
	s13 =	smov.u32 s10;
	s10 =	smov.u32 s0  }
0x16: {  	[sflag:s1] =	ssyncadd.s32 @!p1 $0xFFFFC000;
	s11 =	smov.u32 s16;
	s12 =	smov.u32 s17  }
.LBB1_1:
0x17: {  	p1 =	sgt.u32 s9, $0xF  }
0x18: {  	s16 =	sshll.u32 @!p1 s12, $0x11  }
0x19: {  	s17 =	sxor.u32 @!p1 $0xFFFFFFFF, s9;
	s18 =	sshll.u32 @!p1 s11, $0xC;
	s16 =	sadd.s32 @!p1 s3, s16  }
0x1a: {  	s19 =	sshll.u32 @!p1 s10, $0x7;
	s17 =	sshll.u32 @!p1 s17, $0xE;
	s16 =	sadd.s32 @!p1 s18, s16  }
0x1b: {  	s17 =	sand.u32 @!p1 $0x4000, s17;
	s18 =	simm.s32 @!p1 $0x0;
	s16 =	sadd.s32 @!p1 s19, s16  }
0x1c: {  	[tilespmem:s17], [sflag:$0x1] =	stream.linear.gather @!p1 [hbm4b:s16+s18], $0x4000, $0x38;
	[tilespmem:$0x10000] =	vst v63  }
0x1d: {  	p1 =	seq.s32 s9, $0x0  }
0x1e: {  	p2 =	seq.s32 @!p1 s9, $0x11  }
0x1f: {  	p1 =	por p1, p2  }
.Ltmp2:
0x20: {  	_ = 	snop;
	(pc) =	sbr.rel @p1 .LBB1_7-.Ltmp2, $1  }
0x21: {  	_ =	sdelay $0x3  }
0x22: {  	s16 =	simm.s32 $0x1;
	_ =	swait.ge [sflag:s5], $0x4000  }
0x23: {  	s31 =	sshll.u32 s9, $0xE;
	p1 =	por $0x0, $0x0;
	s22 =	simm.s32 $0x0  }
0x24: {  	s23 =	simm.s32 $0x0;
	s24 =	simm.s32 $0x0;
	s16 =	simm.s32 @!p0 $0x0  }
0x25: {  	[sflag:s5] =	ssyncset.done $0x0;
	s18 =	sand.u32 $0x4000, s31;
	s16 =	sshll.u32 s16, $0x10  }
0x26: {  	[sflag:s5] =	ssyncadd.s32 $0xFFFFC000;
	s20 =	sshrl.u32 s16, $0x2;
	s16 =	sor.u32 $0x8000, s18  }
0x27: {  	s17 =	sor.u32 $0x40, s20;
	s19 =	sor.u32 $0x8000, s20;
	s20 =	sadd.s32 $0x8470, s20  }
.LBB1_3:
0x28: {  	v1 =	vld [tilespmem:s17+$0x200]  }
0x29: {  	s25 =	sand.u32 $0x7, s22;
	s26 =	sshll.u32 s23, $0x2;
	v2 =	vld [tilespmem:s17+$0x0]  }
0x2a: {  	v4 =	vld [tilespmem:s17+$0x1D0];
	s26 =	sand.u32 $0xFFFFE000, s26;
	s25 =	sshll.u32 s25, $0x9  }
0x2b: {  	s27 =	simm.s32 $0x1;
	v6 =	vld [tilespmem:s17+$0x220];
	s26 =	sor.u32 s25, s26  }
0x2c: {  	v9 =	vld [tilespmem:s17+$0x230];
	s27 =	simm.s32 @!p1 $0x0;
	s25 =	sand.u32 $0xFFFFEC00, s26;
	s26 =	sshrl.u32 s26, $0x2  }
0x2d: {  	v10 =	vld [tilespmem:s17+$0x210];
	s27 =	sshll.u32 s27, $0x9;
	s26 =	sadd.s32 s26, s20  }
0x2e: {  	v7 =	vld [tilespmem:s17+$0x1E0];
	s25 =	sor.u32 s27, s25;
	s27 =	sshll.u32 s24, $0xA;
	[tilespmem:s26+$0xFFFFFFD0] =	vst v1  }
0x2f: {  	v5 =	vld [tilespmem:s17+$0x20];
	v0 =	vmov s27;
	[tilespmem:s26+$0xFFFFFFA0] =	vst v4  }
0x30: {  	v3 =	vld [tilespmem:s17+$0x30];
	[tilespmem:s26+$0xFFFFFFF0] =	vst v6  }
0x31: {  	v8 =	vld [tilespmem:s17+$0xFFFFFFC0];
	s27 =	sand.u32 $0x100, s21;
	[tilespmem:s26+$0x0] =	vst v9  }
0x32: {  	s28 =	sand.u32 $0x80, s21;
	s25 =	sshrl.u32 s25, $0x2;
	v1 =	vld [tilespmem:s17+$0x1F0];
	[tilespmem:s26+$0xFFFFFFE0] =	vst v10;
	s27 =	sadd.s32 s27, s18  }
0x33: {  	v4 =	vld [tilespmem:s17+$0xFFFFFFF0];
	[tilespmem:s26+$0xFFFFFFB0] =	vst v7;
	s25 =	sadd.s32 s25, s19;
	s27 =	sadd.s32 s28, s27  }
0x34: {  	[tilespmem:s25+$0x60] =	vst v5;
	v5 =	vld.idx.msk [tilespmem:v0+s27+$0x200 ss:$0x1], $0xffff  }
0x35: {  	[tilespmem:s25+$0x40] =	vst v2;
	v2 =	vld [tilespmem:s17+$0xFFFFFFD0]  }
0x36: {  	s30 =	simm.s32 $0x80;
	[tilespmem:s25+$0x70] =	vst v3;
	v3 =	vld [tilespmem:s17+$0x10]  }
0x37: {  	v6 =	vld [tilespmem:s17+$0xFFFFFFE0];
	[tilespmem:s25+$0x0] =	vst v8;
	s28 =	sadd.s32 $0x1000, s26;
	s29 =	smov.u32 s25;
	s27 =	sadd.s32 $0x80, s17  }
.LBB1_4:
0x38: {  	s31 =	sand.u32 $0x100, s30  }
0x39: {  	v7 =	vld [tilespmem:s27+$0x200];
	[tilespmem:s25+$0x400] =	vst v5;
	s29 =	sadd.s32 $0x1000, s29;
	s0 =	smov.u32 s30;
	s1 =	sadd.s32 $0x80, s30  }
0x3a: {  	p2 =	sne.s32 s30, $0x180;
	v5 =	vld [tilespmem:s27+$0x0];
	s0 =	sand.u32 $0x80, s0;
	s31 =	sadd.s32 s31, s18;
	[tilespmem:s25+$0x10] =	vst v2  }
0x3b: {  	v2 =	vld [tilespmem:s27+$0x30];
	s0 =	sadd.s32 s0, s31;
	[tilespmem:s25+$0x50] =	vst v3  }
0x3c: {  	v3 =	vld [tilespmem:s27+$0x1D0];
	[tilespmem:s25+$0x30] =	vst v4  }
0x3d: {  	v4 =	vld [tilespmem:s27+$0x20];
	[tilespmem:s25+$0x20] =	vst v6;
	s25 =	smov.u32 s29  }
0x3e: {  	v8 =	vld [tilespmem:s27+$0x1E0];
	[tilespmem:s26+$0xFFFFFFC0] =	vst v1;
	s26 =	smov.u32 s28  }
0x3f: {  	[tilespmem:s29+$0x40] =	vst v5;
	v1 =	vld [tilespmem:s27+$0x220]  }
0x40: {  	v6 =	vld [tilespmem:s27+$0xFFFFFFC0];
	[tilespmem:s29+$0x70] =	vst v2  }
0x41: {  	[tilespmem:s28+$0xFFFFFFD0] =	vst v7;
	v7 =	vld [tilespmem:s27+$0x230]  }
0x42: {  	[tilespmem:s28+$0xFFFFFFA0] =	vst v3;
	v9 =	vld [tilespmem:s27+$0x210]  }
0x43: {  	[tilespmem:s29+$0x60] =	vst v4;
	v5 =	vld.idx.msk [tilespmem:v0+s0+$0x200 ss:$0x1], $0xffff  }
.Ltmp3:
0x44: {  	v2 =	vld [tilespmem:s27+$0xFFFFFFD0];
	[tilespmem:s28+$0xFFFFFFF0] =	vst v1;
	(pc) =	sbr.rel @p2 .LBB1_4-.Ltmp3, $4  }
0x45: {  	[tilespmem:s29+$0x0] =	vst v6;
	v1 =	vld [tilespmem:s27+$0x1F0]  }
0x46: {  	v3 =	vld [tilespmem:s27+$0x10];
	[tilespmem:s28+$0x0] =	vst v7  }
0x47: {  	v4 =	vld [tilespmem:s27+$0xFFFFFFF0];
	[tilespmem:s28+$0xFFFFFFE0] =	vst v9  }
0x48: {  	s30 =	smov.u32 s1;
	s28 =	sadd.s32 $0x1000, s28;
	v6 =	vld [tilespmem:s27+$0xFFFFFFE0];
	[tilespmem:s26+$0xFFFFFFB0] =	vst v8;
	s27 =	sadd.s32 $0x80, s27  }
0x49: {  	s24 =	sadd.s32 $0x1, s24  }
0x4a: {  	[tilespmem:s25+$0x400] =	vst v5;
	p2 =	sne.s32 s24, $0x10  }
.Ltmp4:
0x4b: {  	[tilespmem:s25+$0x10] =	vst v2;
	(pc) =	sbr.rel @p2 .LBB1_3-.Ltmp4, $4  }
0x4c: {  	[tilespmem:s26+$0xFFFFFFC0] =	vst v1  }
0x4d: {  	[tilespmem:s25+$0x50] =	vst v3  }
0x4e: {  	s17 =	sadd.s32 $0x400, s17;
	[tilespmem:s25+$0x30] =	vst v4  }
0x4f: {  	s23 =	sadd.s32 $0x100, s23;
	s22 =	sadd.s32 $0x1, s22;
	p1 =	por !p1, !p1;
	[tilespmem:s25+$0x20] =	vst v6  }
0x50: {  	s0 =	sshll.u32 s13, $0x8;
	s1 =	sshll.u32 s13, $0x7;
	s30 =	sshll.u32 s15, $0xF  }
.Ltmp5:
0x51: {  	s0 =	sand.u32 $0x1800, s0;
	s1 =	sand.u32 $0x380, s1;
	(pc) =	sbr.rel .LBB1_7-.Ltmp5, $4  }
0x52: {  	s14 =	sshll.u32 s14, $0xA;
	s31 =	sadd.s32 s2, s30;
	s0 =	sor.u32 s1, s0  }
0x53: {  	s1 =	sadd.s32 s14, s31;
	s0 =	sshrl.u32 s0, $0x3  }
0x54: {  	s0 =	sadd.s32 s0, s1  }
0x55: {  	[hbm4b:s0+s7] =	stream.strided.scatter [tilespmem:s16], [sflag:$0x2], $0x4000, s8, s7, $0x38;
	[tilespmem:$0x10000] =	vst v63  }
.LBB1_8:
0x56: {  	_ =	sfence.sel $0x180000  }
0x57: {  	s0 =	simm.s32 $0x1;
	[bflag:$0x0] =	sbarrier.arrive $0xFFFF  }
0x58: {  	s30 =	simm.s32 $0x2;
	[sflag:s0] =	ssyncpa.u1 $0x1  }
0x59: {  	[sflag:s30] =	ssyncpa.u1 $0x1  }
0x5a: {  	_ =	strace $0x9000004D  }
0x5b: {  	s31 =	stileid.u32;
	[bflag:$0x2] =	sbarrier.arrive $0xFFFF  }
0x5c: {  	p0 =	sne.s32 s31, $0x0;
	s0 =	rddreg [dreg:$0x2]  }
0x5d: {  	s0 =	sadd.s32 @!p0 $0x100000, s0  }
0x5e: {  	[sflag:s0] =	ssyncadd.tile.s32 @!p0 $0x1;
	_ =	shalt  }
.Lfunc_end1:
_tile_overlayer_lowered:
.L_overlay_start_2:
0x5f: {  	(tag) =	ssettag $0x2  }
0x60: {  	s0 =	rddreg [dreg:$0x0];
	s2 =	stileid.u32  }
0x61: {  	s1 =	rddreg [dreg:$0x1];
	p0 =	sne.s32 s2, $0x0  }
0x62: {  	s3 =	rddreg [dreg:$0x2];
	[bflag:$0x3] =	sbarrier.arrive $0xFFFF;
	s2 =	simm.s32 @!p0 $0x1C01  }
0x63: {  	[timem:s3], [sflag:s2] =	dma.local @!p0 [hbm:s0], s1  }
0x64: {  	s0 =	simm.s32 @!p0 $0x1  }
0x65: {  	_ =	swait.ge @!p0 [sflag:s0], s1  }
0x66: {  	s1 =	ssub.s32 @!p0 $0x0, s1;
	[sflag:s0] =	ssyncset.done @!p0 $0x0  }
0x67: {  	[sflag:s0] =	ssyncadd.s32 @!p0 s1  }
0x68: {  	[bflag:$0x3] =	sbarrier.arrive $0xFFFF  }
0x69: {  	_ =	shalt  }

</sc_bundles>
